<compile_context>
chip_gen: v7x
topology: tpu7x:2x2x1
jax: 0.10.2.dev20260603
libtpu: 0.0.44.dev20260713+nightly
codegen_flags: <defaults>
</compile_context>

<pallas_src>
import functools

import jax
import jax.numpy as jnp
from jax import lax
from jax.experimental import pallas as pl
from jax.experimental.pallas import tpu as pltpu
from jax.experimental.pallas import tpu_sc as plsc

N = 10000
E = 320000
F = 128
O = 16

NC = 2
NS = 16
NW = NC * NS
CH = 320
NCH = 32
EP = NW * NCH * CH
EPW = EP // NW
NP = 10240
RPT = NP // NS

def _sc_mesh():
    return plsc.VectorSubcoreMesh(core_axis_name="c", subcore_axis_name="s")


def _vrsqrt(x):
    magic = jnp.asarray(0x5F3759DF, jnp.int32)
    i = plsc.bitcast(x, jnp.int32)
    y = plsc.bitcast(magic - lax.shift_right_logical(i, 1), jnp.float32)
    for _ in range(3):
        y = y * (1.5 - 0.5 * x * y * y)
    return y


def _ring(table, sidx_v, didx_v, rows_v, agg, gsem, ssem):

    def gath(j, b):
        pltpu.async_copy(table.at[sidx_v.at[j]], rows_v.at[b], gsem[b])

    def wait_g(j, b):
        pltpu.make_async_copy(table.at[sidx_v.at[j]], rows_v.at[b],
                              gsem[b]).wait()

    def scat(j, b):
        pltpu.async_copy(rows_v.at[b], agg.at[didx_v.at[j]], ssem[b], add=True)

    def wait_s(j, b):
        pltpu.make_async_copy(rows_v.at[b], agg.at[didx_v.at[j]],
                              ssem[b]).wait()

    gath(0, 0)
    gath(1, 1)
    gath(2, 2)
    gath(3, 3)
    wait_g(0, 0)
    scat(0, 0)

    def body(kk, carry):
        j0 = 1 + 4 * kk
        for m in range(4):
            j = j0 + m
            wait_s(j - 1, m)
            gath(j + 3, m)
            wait_g(j, (1 + m) % 4)
            scat(j, (1 + m) % 4)
        return carry

    lax.fori_loop(0, (NCH - 4) // 4, body, 0)
    for j in range(NCH - 3, NCH):
        wait_g(j, j % 4)
        scat(j, j % 4)
    for j in range(NCH - 4, NCH):
        wait_s(j, j % 4)


def _make_deg():

    @functools.partial(
        pl.kernel,
        out_type=pltpu.HBM((NC, NP // O, O), jnp.float32),
        mesh=_sc_mesh(),
        scratch_types=[
            pltpu.VMEM((NCH, CH), jnp.int32),
            pltpu.VMEM((CH, O), jnp.float32),
            pltpu.VMEM((RPT, O), jnp.float32),
            pltpu.VMEM((RPT // O, O), jnp.float32),
            pltpu.VMEM_SHARED((NP, O), jnp.float32),
        ],
        compiler_params=pltpu.CompilerParams(use_tc_tiling_on_sc=False,
                                             needs_layout_passes=False),
    )
    def deg(didx, ones, zrows, out, didx_v, ones_v, zbuf_v, cbuf_v, agg):
        c = lax.axis_index("c")
        s = lax.axis_index("s")
        w = s * NC + c
        pltpu.sync_copy(didx.at[w], didx_v)
        pltpu.sync_copy(ones, ones_v)
        pltpu.sync_copy(zrows, zbuf_v)
        pltpu.sync_copy(zbuf_v, agg.at[pl.ds(s * RPT, RPT)])
        plsc.subcore_barrier()

        def body(j, carry):
            pltpu.sync_copy(ones_v, agg.at[didx_v.at[j]], add=True)
            return carry

        lax.fori_loop(0, NCH, body, 0)
        plsc.subcore_barrier()
        pltpu.sync_copy(agg.at[pl.ds(s * RPT, RPT)], zbuf_v)
        lanes = jnp.arange(O, dtype=jnp.int32)

        def compact(g, carry):
            vals = plsc.load_gather(zbuf_v, [g * O + lanes, lanes * 0])
            cbuf_v[g, :] = vals
            return carry

        lax.fori_loop(0, RPT // O, compact, 0)
        pltpu.sync_copy(cbuf_v, out.at[c, pl.ds(s * (RPT // O), RPT // O)])

    return deg


def _make_prop1():
    W2 = 2 * O

    @functools.partial(
        pl.kernel,
        out_type=(
            pltpu.HBM((NC, NP, W2), jnp.float32),
            pltpu.HBM((NP // O, O), jnp.float32),
        ),
        mesh=_sc_mesh(),
        scratch_types=[
            pltpu.VMEM((NCH, CH), jnp.int32),
            pltpu.VMEM((NCH, CH), jnp.int32),
            pltpu.VMEM((4, CH, W2), jnp.float32),
            pltpu.VMEM((RPT, W2), jnp.float32),
            pltpu.VMEM((2, RPT // O, O), jnp.float32),
            pltpu.VMEM((RPT // O, O), jnp.float32),
            pltpu.VMEM_SHARED((NP, W2), jnp.float32),
            pltpu.VMEM_SHARED((NP, W2), jnp.float32),
            [pltpu.SemaphoreType.DMA] * 4,
            [pltpu.SemaphoreType.DMA] * 4,
        ],
        compiler_params=pltpu.CompilerParams(use_tc_tiling_on_sc=False,
                                             needs_layout_passes=False),
    )
    def prop1(uvr, degp, sidx, didx, zrows, p1, dinvs,
              sidx_v, didx_v, rows_v, ubuf, dbuf, dinv_v, agg, tbl, gsem, ssem):
        c = lax.axis_index("c")
        s = lax.axis_index("s")
        w = s * NC + c
        r0 = s * RPT
        g0 = s * (RPT // O)
        pltpu.async_copy(sidx.at[w], sidx_v, gsem[0])
        pltpu.async_copy(didx.at[w], didx_v, gsem[1])
        pltpu.async_copy(degp.at[0, pl.ds(g0, RPT // O)], dbuf.at[0], gsem[2])
        pltpu.async_copy(degp.at[1, pl.ds(g0, RPT // O)], dbuf.at[1], gsem[3])

        @pl.when(s < NS - 1)
        def _():
            pltpu.async_copy(uvr.at[pl.ds(s * RPT, RPT)], ubuf, ssem[0])
            pltpu.make_async_copy(uvr.at[pl.ds(s * RPT, RPT)], ubuf,
                                  ssem[0]).wait()

        @pl.when(s == NS - 1)
        def _():
            pltpu.async_copy(uvr.at[pl.ds((NS - 1) * RPT, N - (NS - 1) * RPT)],
                             ubuf.at[pl.ds(0, N - (NS - 1) * RPT)], ssem[0])
            pltpu.make_async_copy(
                uvr.at[pl.ds((NS - 1) * RPT, N - (NS - 1) * RPT)],
                ubuf.at[pl.ds(0, N - (NS - 1) * RPT)], ssem[0]).wait()

        pltpu.make_async_copy(sidx.at[w], sidx_v, gsem[0]).wait()
        pltpu.make_async_copy(didx.at[w], didx_v, gsem[1]).wait()
        pltpu.make_async_copy(degp.at[0, pl.ds(g0, RPT // O)], dbuf.at[0],
                              gsem[2]).wait()
        pltpu.make_async_copy(degp.at[1, pl.ds(g0, RPT // O)], dbuf.at[1],
                              gsem[3]).wait()

        def dinv_build(g, carry):
            deg = jnp.maximum(dbuf[0, g, :] + dbuf[1, g, :], 1.0)
            dinv_v[g, :] = _vrsqrt(deg)
            return carry

        lax.fori_loop(0, RPT // O, dinv_build, 0)

        def build(g, carry):
            yv = dinv_v[g, :]
            for k in range(O):
                y = yv[k]
                i = g * O + k
                ubuf[i, pl.ds(0, O)] = ubuf[i, pl.ds(0, O)] * y
                ubuf[i, pl.ds(O, O)] = ubuf[i, pl.ds(O, O)] * y
            return carry

        lax.fori_loop(0, RPT // O, build, 0)
        pltpu.sync_copy(ubuf, tbl.at[pl.ds(r0, RPT)])

        @pl.when(c == 0)
        def _():
            pltpu.sync_copy(dinv_v, dinvs.at[pl.ds(g0, RPT // O)])
        pltpu.sync_copy(zrows, ubuf)
        pltpu.sync_copy(ubuf, agg.at[pl.ds(r0, RPT)])
        plsc.subcore_barrier()
        _ring(tbl, sidx_v, didx_v, rows_v, agg, gsem, ssem)
        plsc.subcore_barrier()
        pltpu.sync_copy(agg.at[pl.ds(r0, RPT)], ubuf)
        pltpu.sync_copy(ubuf, p1.at[c, pl.ds(r0, RPT)])

    return prop1


def _make_prop2():

    @functools.partial(
        pl.kernel,
        out_type=pltpu.HBM((NC, NP, O), jnp.float32),
        mesh=_sc_mesh(),
        scratch_types=[
            pltpu.VMEM((NCH, CH), jnp.int32),
            pltpu.VMEM((NCH, CH), jnp.int32),
            pltpu.VMEM((4, CH, O), jnp.float32),
            pltpu.VMEM((2, RPT, 2 * O), jnp.float32),
            pltpu.VMEM((RPT // O, O), jnp.float32),
            pltpu.VMEM((RPT, O), jnp.float32),
            pltpu.VMEM((RPT, O), jnp.float32),
            pltpu.VMEM_SHARED((NP, O), jnp.float32),
            pltpu.VMEM_SHARED((NP, O), jnp.float32),
            [pltpu.SemaphoreType.DMA] * 4,
            [pltpu.SemaphoreType.DMA] * 4,
        ],
        compiler_params=pltpu.CompilerParams(use_tc_tiling_on_sc=False,
                                             needs_layout_passes=False),
    )
    def prop2(p1, dinvs, sidx, didx, zrows, r,
              sidx_v, didx_v, rows_v, pbuf, dinv_v, ht_v, wt_v, agg, wtbl,
              gsem, ssem):
        c = lax.axis_index("c")
        s = lax.axis_index("s")
        w = s * NC + c
        r0 = s * RPT
        g0 = s * (RPT // O)
        pltpu.async_copy(sidx.at[w], sidx_v, gsem[0])
        pltpu.async_copy(didx.at[w], didx_v, gsem[1])
        pltpu.async_copy(p1.at[0, pl.ds(r0, RPT)], pbuf.at[0], gsem[2])
        pltpu.async_copy(p1.at[1, pl.ds(r0, RPT)], pbuf.at[1], gsem[3])
        pltpu.async_copy(dinvs.at[pl.ds(g0, RPT // O)], dinv_v, ssem[0])
        pltpu.make_async_copy(sidx.at[w], sidx_v, gsem[0]).wait()
        pltpu.make_async_copy(didx.at[w], didx_v, gsem[1]).wait()
        pltpu.make_async_copy(p1.at[0, pl.ds(r0, RPT)], pbuf.at[0],
                              gsem[2]).wait()
        pltpu.make_async_copy(p1.at[1, pl.ds(r0, RPT)], pbuf.at[1],
                              gsem[3]).wait()
        pltpu.make_async_copy(dinvs.at[pl.ds(g0, RPT // O)], dinv_v,
                              ssem[0]).wait()

        def build(g, carry):
            yv = dinv_v[g, :]
            for k in range(O):
                y = yv[k]
                i = g * O + k
                pu = pbuf[0, i, pl.ds(0, O)] + pbuf[1, i, pl.ds(0, O)]
                pv = pbuf[0, i, pl.ds(O, O)] + pbuf[1, i, pl.ds(O, O)]
                ht_v[i, :] = -(y * pu)
                wt_v[i, :] = (y * y) * pv
            return carry

        lax.fori_loop(0, RPT // O, build, 0)
        pltpu.sync_copy(wt_v, wtbl.at[pl.ds(r0, RPT)])
        pltpu.sync_copy(zrows, wt_v)
        pltpu.sync_copy(wt_v, agg.at[pl.ds(r0, RPT)])
        plsc.subcore_barrier()
        _ring(wtbl, sidx_v, didx_v, rows_v, agg, gsem, ssem)
        plsc.subcore_barrier()
        pltpu.sync_copy(agg.at[pl.ds(r0, RPT)], wt_v)

        own_half = (s // (NS // NC)) == c

        @pl.when(own_half)
        def _():
            def fin(g, carry):
                yv = dinv_v[g, :]
                for k in range(O):
                    i = g * O + k
                    wt_v[i, :] = wt_v[i, :] * yv[k] + ht_v[i, :]
                return carry
            lax.fori_loop(0, RPT // O, fin, 0)

        @pl.when(jnp.logical_not(own_half))
        def _():
            def fin(g, carry):
                yv = dinv_v[g, :]
                for k in range(O):
                    i = g * O + k
                    wt_v[i, :] = wt_v[i, :] * yv[k]
                return carry
            lax.fori_loop(0, RPT // O, fin, 0)

        pltpu.sync_copy(wt_v, r.at[c, pl.ds(r0, RPT)])

    return prop2


def _tc_mm(x, w0, b0, w1, b1):

    def body(x_ref, w0_ref, b0_ref, w1_ref, b1_ref, uv_ref, c_ref):
        xb = x_ref[...].astype(jnp.bfloat16)
        w0b = w0_ref[...].astype(jnp.bfloat16)
        w1b = w1_ref[...]
        a0 = jnp.dot(xb, w0b[:F], preferred_element_type=jnp.float32) + b0_ref[...]
        bb0 = jnp.dot(xb, w0b[F:], preferred_element_type=jnp.float32)
        w1a = w1b[:F]
        w1bb = w1b[F:]
        c_ref[...] = jnp.dot(a0, w1a, preferred_element_type=jnp.float32) + b1_ref[...]
        u = (jnp.dot(bb0, w1a, preferred_element_type=jnp.float32)
             + jnp.dot(a0, w1bb, preferred_element_type=jnp.float32))
        v = jnp.dot(bb0, w1bb, preferred_element_type=jnp.float32)
        uv_ref[...] = jnp.concatenate([u, v], axis=1)

    return pl.pallas_call(
        body,
        out_shape=[
            jax.ShapeDtypeStruct((N, 2 * O), jnp.float32),
            jax.ShapeDtypeStruct((N, O), jnp.float32),
        ],
    )(x, w0, b0, w1, b1)


def _tc_final(cc, rr):

    def body(c_ref, r_ref, o_ref):
        ra = r_ref[...]
        o_ref[...] = c_ref[...] + ra[0, :N] + ra[1, :N]

    return pl.pallas_call(
        body,
        out_shape=jax.ShapeDtypeStruct((N, O), jnp.float32),
    )(cc, rr)


_deg = _make_deg()
_prop1 = _make_prop1()
_prop2 = _make_prop2()


def kernel(features, edge_index, W0, b0, W1, b1):
    npad = EP - E
    pad_src = (jnp.arange(npad, dtype=jnp.int32) * 131) % N
    pad_dst = N + (jnp.arange(npad, dtype=jnp.int32) % (NP - N))
    src_r = jnp.concatenate([edge_index[0], pad_src]).reshape(NW, NCH, CH)
    dst_r = jnp.concatenate([edge_index[1], pad_dst]).reshape(NW, NCH, CH)
    zr16 = jnp.zeros((RPT, O), jnp.float32)
    zr32 = jnp.zeros((RPT, 2 * O), jnp.float32)
    ones = jnp.ones((CH, O), jnp.float32)
    b0r = b0.reshape(1, F)
    b1r = b1.reshape(1, O)

    degp = _deg(dst_r, ones, zr16)
    uvr, cc = _tc_mm(features, W0, b0r, W1, b1r)
    p1, dinvs = _prop1(uvr, degp, src_r, dst_r, zr32)
    rr = _prop2(p1, dinvs, src_r, dst_r, zr16)
    return _tc_final(cc, rr)

# --- scband reference (transcript-rebuilt; emitter-appended) ---
"""Pipeline reference for scband-cheb-net-12781822673288 (READ-ONLY COPY).

The authoritative reference and input builder live on the scoring server;
editing this copy changes nothing except your own understanding.
"""

import jax, jax.numpy as jnp
import numpy as np

N = 10000
E = 320000
IN_FEATS = 128
N_HIDDEN = 128
N_CLASSES = 16
K = 2
LAMBDA_MAX = 2.0


def setup_inputs(seed: int = 0) -> dict:
    key = jax.random.key(seed)
    ks = jax.random.split(key, 6)
    features = jax.random.normal(ks[0], (N, IN_FEATS), dtype=jnp.float32)
    edge_index = jax.random.randint(ks[1], (2, E), 0, N, dtype=jnp.int32)
    W0 = jax.random.normal(ks[2], (K * IN_FEATS, N_HIDDEN), dtype=jnp.float32) * (1.0 / np.sqrt(K * IN_FEATS))
    b0 = jnp.zeros((N_HIDDEN,), dtype=jnp.float32)
    W1 = jax.random.normal(ks[3], (K * N_HIDDEN, N_CLASSES), dtype=jnp.float32) * (1.0 / np.sqrt(K * N_HIDDEN))
    b1 = jnp.zeros((N_CLASSES,), dtype=jnp.float32)
    return {"features": features, "edge_index": edge_index, "W0": W0, "b0": b0, "W1": W1, "b1": b1}


def _cheb_conv(feat, src, dst, W, b, k, lambda_max=LAMBDA_MAX):
    n = feat.shape[0]
    deg = jnp.zeros((n,), dtype=feat.dtype).at[dst].add(1.0)
    d_invsqrt = jnp.power(jnp.clip(deg, 1.0, None), -0.5)[:, None]
    re_norm = 2.0 / lambda_max

    def unn_lap(f):
        # D^-1/2 A D^-1/2 f  via gather from src + scatter-add to dst
        h = f * d_invsqrt
        agg = jnp.zeros_like(h).at[dst].add(h[src])
        return agg * d_invsqrt

    X0 = feat
    Xt = X0
    Xp, Xpp = X0, X0
    if k > 1:
        h = unn_lap(X0)
        X1 = -re_norm * h + X0 * (re_norm - 1.0)
        Xt = jnp.concatenate([Xt, X1], axis=1)
        Xp, Xpp = X1, X0
    for _ in range(2, k):
        h = unn_lap(Xp)
        Xi = -2.0 * re_norm * h + Xp * (2.0 * (re_norm - 1.0)) - Xpp
        Xt = jnp.concatenate([Xt, Xi], axis=1)
        Xpp, Xp = Xp, Xi
    return Xt @ W + b


def reference(features, edge_index, W0, b0, W1, b1):
    src = edge_index[0]
    dst = edge_index[1]
    h = _cheb_conv(features, src, dst, W0, b0, K)
    h = _cheb_conv(h, src, dst, W1, b1, K)
    return h

if __name__ == "__main__":
    import jax
    _d = setup_inputs()
    print(jax.jit(kernel)(*tuple(_d.values())))

</pallas_src>

<mosaic_0001>
#map = affine_map<(d0, d1) -> (0, 0, 0)>
#map1 = affine_map<(d0, d1) -> (0, 0)>
module attributes {stable_mosaic.version = 14 : i64} {
  func.func @deg(%arg0: i32, %arg1: i32, %arg2: memref<32x32x320xi32, #tpu.memory_space<hbm>>, %arg3: memref<320x16xf32, #tpu.memory_space<hbm>>, %arg4: memref<640x16xf32, #tpu.memory_space<hbm>>, %arg5: memref<2x640x16xf32, #tpu.memory_space<hbm>>, %arg6: memref<32x320xi32, #tpu.memory_space<vmem>>, %arg7: memref<320x16xf32, #tpu.memory_space<vmem>>, %arg8: memref<640x16xf32, #tpu.memory_space<vmem>>, %arg9: memref<40x16xf32, #tpu.memory_space<vmem>>, %arg10: memref<10240x16xf32, #tpu.memory_space<vmem_shared>>) attributes {dimension_semantics = [#tpu.dimension_semantics<core_parallel>, #tpu.dimension_semantics<subcore_parallel>], iteration_bounds = array<i64: 2, 16>, scalar_prefetch = 0 : i64, scratch_operands = 5 : i64, tpu.core_type = #tpu.core_type<sc_vector_subcore>, window_params = [{transform_indices = #map}, {transform_indices = #map1}, {transform_indices = #map1}, {transform_indices = #map}]} {
    %mul3A = arith.constant 2 : i32
    %mul3A_0 = arith.muli %arg1, %mul3A : i32
    %add3A = arith.addi %mul3A_0, %arg0 : i32
    "tpu.region"() ({
      %run_scoped3A = tpu.sem_alloc : memref<!tpu.dma_semaphore, #tpu.memory_space<semaphore_mem>>
      %dma_start3A = arith.constant 0 : i32
      %dma_start3A_19 = arith.constant 0 : i32
      %dma_start3A_20 = tpu.memref_slice %arg2[%add3A, %dma_start3A, %dma_start3A_19] : memref<32x32x320xi32, #tpu.memory_space<hbm>> -> memref<1x32x320xi32, #tpu.memory_space<hbm>>
      %dma_start3A_21 = tpu.memref_squeeze %dma_start3A_20 : memref<1x32x320xi32, #tpu.memory_space<hbm>> -> memref<32x320xi32, #tpu.memory_space<hbm>>
      %dma_start3A_22 = arith.constant 0 : i32
      %dma_start3A_23 = arith.constant 0 : i32
      %dma_start3A_24 = tpu.memref_slice %arg2[%add3A, %dma_start3A_22, %dma_start3A_23] : memref<32x32x320xi32, #tpu.memory_space<hbm>> -> memref<1x32x320xi32, #tpu.memory_space<hbm>>
      %dma_start3A_25 = tpu.memref_squeeze %dma_start3A_24 : memref<1x32x320xi32, #tpu.memory_space<hbm>> -> memref<32x320xi32, #tpu.memory_space<hbm>>
      tpu.enqueue_dma source(%dma_start3A_25 : memref<32x320xi32, #tpu.memory_space<hbm>>) target(%arg6 : memref<32x320xi32, #tpu.memory_space<vmem>>) target_semaphore(%run_scoped3A : memref<!tpu.dma_semaphore, #tpu.memory_space<semaphore_mem>>)
      %dma_wait3A = arith.constant 0 : i32
      %dma_wait3A_26 = arith.constant 0 : i32
      %dma_wait3A_27 = tpu.memref_slice %arg2[%add3A, %dma_wait3A, %dma_wait3A_26] : memref<32x32x320xi32, #tpu.memory_space<hbm>> -> memref<1x32x320xi32, #tpu.memory_space<hbm>>
      %dma_wait3A_28 = tpu.memref_squeeze %dma_wait3A_27 : memref<1x32x320xi32, #tpu.memory_space<hbm>> -> memref<32x320xi32, #tpu.memory_space<hbm>>
      %dma_wait3A_29 = arith.constant 0 : i32
      %dma_wait3A_30 = arith.constant 0 : i32
      %dma_wait3A_31 = tpu.memref_slice %arg2[%add3A, %dma_wait3A_29, %dma_wait3A_30] : memref<32x32x320xi32, #tpu.memory_space<hbm>> -> memref<1x32x320xi32, #tpu.memory_space<hbm>>
      %dma_wait3A_32 = tpu.memref_squeeze %dma_wait3A_31 : memref<1x32x320xi32, #tpu.memory_space<hbm>> -> memref<32x320xi32, #tpu.memory_space<hbm>>
      tpu.wait_dma2 semaphore(%run_scoped3A : memref<!tpu.dma_semaphore, #tpu.memory_space<semaphore_mem>>) src(%dma_wait3A_32 : memref<32x320xi32, #tpu.memory_space<hbm>>) dst(%arg6 : memref<32x320xi32, #tpu.memory_space<vmem>>)
      tpu.yield
    }) : () -> ()
    "tpu.region"() ({
      %run_scoped3A = tpu.sem_alloc : memref<!tpu.dma_semaphore, #tpu.memory_space<semaphore_mem>>
      tpu.enqueue_dma source(%arg3 : memref<320x16xf32, #tpu.memory_space<hbm>>) target(%arg7 : memref<320x16xf32, #tpu.memory_space<vmem>>) target_semaphore(%run_scoped3A : memref<!tpu.dma_semaphore, #tpu.memory_space<semaphore_mem>>)
      tpu.wait_dma2 semaphore(%run_scoped3A : memref<!tpu.dma_semaphore, #tpu.memory_space<semaphore_mem>>) src(%arg3 : memref<320x16xf32, #tpu.memory_space<hbm>>) dst(%arg7 : memref<320x16xf32, #tpu.memory_space<vmem>>)
      tpu.yield
    }) : () -> ()
    "tpu.region"() ({
      %run_scoped3A = tpu.sem_alloc : memref<!tpu.dma_semaphore, #tpu.memory_space<semaphore_mem>>
      tpu.enqueue_dma source(%arg4 : memref<640x16xf32, #tpu.memory_space<hbm>>) target(%arg8 : memref<640x16xf32, #tpu.memory_space<vmem>>) target_semaphore(%run_scoped3A : memref<!tpu.dma_semaphore, #tpu.memory_space<semaphore_mem>>)
      tpu.wait_dma2 semaphore(%run_scoped3A : memref<!tpu.dma_semaphore, #tpu.memory_space<semaphore_mem>>) src(%arg4 : memref<640x16xf32, #tpu.memory_space<hbm>>) dst(%arg8 : memref<640x16xf32, #tpu.memory_space<vmem>>)
      tpu.yield
    }) : () -> ()
    %mul3A_1 = arith.constant 640 : i32
    %mul3A_2 = arith.muli %arg1, %mul3A_1 : i32
    "tpu.region"() ({
      %run_scoped3A = tpu.sem_alloc : memref<!tpu.dma_semaphore, #tpu.memory_space<semaphore_mem>>
      %dma_start3A = arith.constant 0 : i32
      %dma_start3A_19 = tpu.memref_slice %arg10[%mul3A_2, %dma_start3A] : memref<10240x16xf32, #tpu.memory_space<vmem_shared>> -> memref<640x16xf32, #tpu.memory_space<vmem_shared>>
      %dma_start3A_20 = arith.constant 0 : i32
      %dma_start3A_21 = tpu.memref_slice %arg10[%mul3A_2, %dma_start3A_20] : memref<10240x16xf32, #tpu.memory_space<vmem_shared>> -> memref<640x16xf32, #tpu.memory_space<vmem_shared>>
      tpu.enqueue_dma source(%arg8 : memref<640x16xf32, #tpu.memory_space<vmem>>) target(%dma_start3A_21 : memref<640x16xf32, #tpu.memory_space<vmem_shared>>) target_semaphore(%run_scoped3A : memref<!tpu.dma_semaphore, #tpu.memory_space<semaphore_mem>>)
      %dma_wait3A = arith.constant 0 : i32
      %dma_wait3A_22 = tpu.memref_slice %arg10[%mul3A_2, %dma_wait3A] : memref<10240x16xf32, #tpu.memory_space<vmem_shared>> -> memref<640x16xf32, #tpu.memory_space<vmem_shared>>
      %dma_wait3A_23 = arith.constant 0 : i32
      %dma_wait3A_24 = tpu.memref_slice %arg10[%mul3A_2, %dma_wait3A_23] : memref<10240x16xf32, #tpu.memory_space<vmem_shared>> -> memref<640x16xf32, #tpu.memory_space<vmem_shared>>
      tpu.wait_dma2 semaphore(%run_scoped3A : memref<!tpu.dma_semaphore, #tpu.memory_space<semaphore_mem>>) src(%arg8 : memref<640x16xf32, #tpu.memory_space<vmem>>) dst(%dma_wait3A_24 : memref<640x16xf32, #tpu.memory_space<vmem_shared>>)
      tpu.yield
    }) : () -> ()
    %barrier3A = arith.constant 0 : index
    tpu.barrier barrier_id(%barrier3A)
    %scan3A = arith.constant 0 : i32
    %scan3A_3 = arith.constant 0 : i32
    %scan3A_4 = arith.constant 32 : i32
    %scan3A_5 = arith.addi %scan3A_3, %scan3A_4 : i32
    %scan3A_6 = arith.constant 1 : i32
    scf.for %scan3A_19 = %scan3A_3 to %scan3A_5 step %scan3A_6  : i32 {
      "tpu.region"() ({
        %run_scoped3A = tpu.sem_alloc : memref<!tpu.dma_semaphore, #tpu.memory_space<semaphore_mem>>
        %dma_start3A = arith.constant 0 : i32
        %dma_start3A_20 = tpu.memref_slice %arg6[%scan3A_19, %dma_start3A] : memref<32x320xi32, #tpu.memory_space<vmem>> -> memref<1x320xi32, #tpu.memory_space<vmem>>
        %dma_start3A_21 = tpu.memref_squeeze %dma_start3A_20 : memref<1x320xi32, #tpu.memory_space<vmem>> -> memref<320xi32, #tpu.memory_space<vmem>>
        %dma_start3A_22 = arith.constant 0 : i32
        %dma_start3A_23 = arith.constant 0 : i32
        %dma_start3A_24 = tpu.memref_slice %arg10[%dma_start3A_22, %dma_start3A_23] : memref<10240x16xf32, #tpu.memory_space<vmem_shared>> -> memref<10240x16xf32, #tpu.memory_space<vmem_shared>>
        tpu.enqueue_indirect_dma source(%arg7 : memref<320x16xf32, #tpu.memory_space<vmem>>) target(%dma_start3A_24 : memref<10240x16xf32, #tpu.memory_space<vmem_shared>>) offsets(%dma_start3A_21 : memref<320xi32, #tpu.memory_space<vmem>>) semaphore(%run_scoped3A : memref<!tpu.dma_semaphore, #tpu.memory_space<semaphore_mem>>) {add = true}
        %dma_wait3A = arith.constant 0 : i32
        %dma_wait3A_25 = tpu.memref_slice %arg6[%scan3A_19, %dma_wait3A] : memref<32x320xi32, #tpu.memory_space<vmem>> -> memref<1x320xi32, #tpu.memory_space<vmem>>
        %dma_wait3A_26 = tpu.memref_squeeze %dma_wait3A_25 : memref<1x320xi32, #tpu.memory_space<vmem>> -> memref<320xi32, #tpu.memory_space<vmem>>
        %dma_wait3A_27 = arith.constant 0 : i32
        %dma_wait3A_28 = arith.constant 0 : i32
        %dma_wait3A_29 = tpu.memref_slice %arg10[%dma_wait3A_27, %dma_wait3A_28] : memref<10240x16xf32, #tpu.memory_space<vmem_shared>> -> memref<10240x16xf32, #tpu.memory_space<vmem_shared>>
        tpu.wait_indirect_dma semaphore(%run_scoped3A : memref<!tpu.dma_semaphore, #tpu.memory_space<semaphore_mem>>) src(%arg7 : memref<320x16xf32, #tpu.memory_space<vmem>>) dst(%dma_wait3A_29 : memref<10240x16xf32, #tpu.memory_space<vmem_shared>>)
        tpu.yield
      }) : () -> ()
    }
    %scan3A_7 = arith.constant 32 : i32
    %barrier3A_8 = arith.constant 0 : index
    tpu.barrier barrier_id(%barrier3A_8)
    %mul3A_9 = arith.constant 640 : i32
    %mul3A_10 = arith.muli %arg1, %mul3A_9 : i32
    "tpu.region"() ({
      %run_scoped3A = tpu.sem_alloc : memref<!tpu.dma_semaphore, #tpu.memory_space<semaphore_mem>>
      %dma_start3A = arith.constant 0 : i32
      %dma_start3A_19 = tpu.memref_slice %arg10[%mul3A_10, %dma_start3A] : memref<10240x16xf32, #tpu.memory_space<vmem_shared>> -> memref<640x16xf32, #tpu.memory_space<vmem_shared>>
      %dma_start3A_20 = arith.constant 0 : i32
      %dma_start3A_21 = tpu.memref_slice %arg10[%mul3A_10, %dma_start3A_20] : memref<10240x16xf32, #tpu.memory_space<vmem_shared>> -> memref<640x16xf32, #tpu.memory_space<vmem_shared>>
      tpu.enqueue_dma source(%dma_start3A_21 : memref<640x16xf32, #tpu.memory_space<vmem_shared>>) target(%arg8 : memref<640x16xf32, #tpu.memory_space<vmem>>) target_semaphore(%run_scoped3A : memref<!tpu.dma_semaphore, #tpu.memory_space<semaphore_mem>>)
      %dma_wait3A = arith.constant 0 : i32
      %dma_wait3A_22 = tpu.memref_slice %arg10[%mul3A_10, %dma_wait3A] : memref<10240x16xf32, #tpu.memory_space<vmem_shared>> -> memref<640x16xf32, #tpu.memory_space<vmem_shared>>
      %dma_wait3A_23 = arith.constant 0 : i32
      %dma_wait3A_24 = tpu.memref_slice %arg10[%mul3A_10, %dma_wait3A_23] : memref<10240x16xf32, #tpu.memory_space<vmem_shared>> -> memref<640x16xf32, #tpu.memory_space<vmem_shared>>
      tpu.wait_dma2 semaphore(%run_scoped3A : memref<!tpu.dma_semaphore, #tpu.memory_space<semaphore_mem>>) src(%dma_wait3A_24 : memref<640x16xf32, #tpu.memory_space<vmem_shared>>) dst(%arg8 : memref<640x16xf32, #tpu.memory_space<vmem>>)
      tpu.yield
    }) : () -> ()
    %iota3A = tpu.iota {dimensions = array<i32: 0>} : vector<16xi32>
    %scan3A_11 = arith.constant 0 : i32
    %scan3A_12 = arith.constant 0 : i32
    %scan3A_13 = arith.constant 40 : i32
    %scan3A_14 = arith.addi %scan3A_12, %scan3A_13 : i32
    %scan3A_15 = arith.constant 1 : i32
    scf.for %scan3A_19 = %scan3A_12 to %scan3A_14 step %scan3A_15  : i32 {
      %mul3A_20 = arith.constant 16 : i32
      %mul3A_21 = arith.muli %scan3A_19, %mul3A_20 : i32
      %add3A_22 = vector.broadcast %mul3A_21 : i32 to vector<16xi32>
      %add3A_23 = arith.addi %add3A_22, %iota3A : vector<16xi32>
      %mul3A_24 = arith.constant 0 : i32
      %mul3A_25 = vector.broadcast %mul3A_24 : i32 to vector<16xi32>
      %mul3A_26 = arith.muli %iota3A, %mul3A_25 : vector<16xi32>
      %gather3A = tpu.vector_load_idx %arg8[%add3A_23, %mul3A_26] : memref<640x16xf32, #tpu.memory_space<vmem>>[vector<16xi32>, vector<16xi32>], vector<16xf32>,
      %swap3A = arith.index_cast %scan3A_19 : i32 to index
      %swap3A_27 = arith.constant 0 : index
      %swap3A_28 = tpu.vector_load %arg9[%swap3A, %swap3A_27] {strides = array<i32>} : memref<40x16xf32, #tpu.memory_space<vmem>>, vector<16xf32>,
      tpu.vector_store %arg9[%swap3A, %swap3A_27], %gather3A {strides = array<i32>} : memref<40x16xf32, #tpu.memory_space<vmem>>, vector<16xf32>,
    }
    %scan3A_16 = arith.constant 40 : i32
    %mul3A_17 = arith.constant 40 : i32
    %mul3A_18 = arith.muli %arg1, %mul3A_17 : i32
    "tpu.region"() ({
      %run_scoped3A = tpu.sem_alloc : memref<!tpu.dma_semaphore, #tpu.memory_space<semaphore_mem>>
      %dma_start3A = arith.constant 0 : i32
      %dma_start3A_19 = tpu.memref_slice %arg5[%arg0, %mul3A_18, %dma_start3A] : memref<2x640x16xf32, #tpu.memory_space<hbm>> -> memref<1x40x16xf32, #tpu.memory_space<hbm>>
      %dma_start3A_20 = tpu.memref_squeeze %dma_start3A_19 : memref<1x40x16xf32, #tpu.memory_space<hbm>> -> memref<40x16xf32, #tpu.memory_space<hbm>>
      %dma_start3A_21 = arith.constant 0 : i32
      %dma_start3A_22 = tpu.memref_slice %arg5[%arg0, %mul3A_18, %dma_start3A_21] : memref<2x640x16xf32, #tpu.memory_space<hbm>> -> memref<1x40x16xf32, #tpu.memory_space<hbm>>
      %dma_start3A_23 = tpu.memref_squeeze %dma_start3A_22 : memref<1x40x16xf32, #tpu.memory_space<hbm>> -> memref<40x16xf32, #tpu.memory_space<hbm>>
      tpu.enqueue_dma source(%arg9 : memref<40x16xf32, #tpu.memory_space<vmem>>) target(%dma_start3A_23 : memref<40x16xf32, #tpu.memory_space<hbm>>) target_semaphore(%run_scoped3A : memref<!tpu.dma_semaphore, #tpu.memory_space<semaphore_mem>>)
      %dma_wait3A = arith.constant 0 : i32
      %dma_wait3A_24 = tpu.memref_slice %arg5[%arg0, %mul3A_18, %dma_wait3A] : memref<2x640x16xf32, #tpu.memory_space<hbm>> -> memref<1x40x16xf32, #tpu.memory_space<hbm>>
      %dma_wait3A_25 = tpu.memref_squeeze %dma_wait3A_24 : memref<1x40x16xf32, #tpu.memory_space<hbm>> -> memref<40x16xf32, #tpu.memory_space<hbm>>
      %dma_wait3A_26 = arith.constant 0 : i32
      %dma_wait3A_27 = tpu.memref_slice %arg5[%arg0, %mul3A_18, %dma_wait3A_26] : memref<2x640x16xf32, #tpu.memory_space<hbm>> -> memref<1x40x16xf32, #tpu.memory_space<hbm>>
      %dma_wait3A_28 = tpu.memref_squeeze %dma_wait3A_27 : memref<1x40x16xf32, #tpu.memory_space<hbm>> -> memref<40x16xf32, #tpu.memory_space<hbm>>
      tpu.wait_dma2 semaphore(%run_scoped3A : memref<!tpu.dma_semaphore, #tpu.memory_space<semaphore_mem>>) src(%arg9 : memref<40x16xf32, #tpu.memory_space<vmem>>) dst(%dma_wait3A_28 : memref<40x16xf32, #tpu.memory_space<hbm>>)
      tpu.yield
    }) : () -> ()
    return
  }
}

#map = affine_map<(d0, d1) -> (0, 0, 0)>
#map1 = affine_map<(d0, d1) -> (0, 0)>
module attributes {stable_mosaic.version = 14 : i64} {
  func.func @prop2(%arg0: i32, %arg1: i32, %arg2: memref<2x10240x32xf32, #tpu.memory_space<hbm>>, %arg3: memref<640x16xf32, #tpu.memory_space<hbm>>, %arg4: memref<32x32x320xi32, #tpu.memory_space<hbm>>, %arg5: memref<32x32x320xi32, #tpu.memory_space<hbm>>, %arg6: memref<640x16xf32, #tpu.memory_space<hbm>>, %arg7: memref<2x10240x16xf32, #tpu.memory_space<hbm>>, %arg8: memref<32x320xi32, #tpu.memory_space<vmem>>, %arg9: memref<32x320xi32, #tpu.memory_space<vmem>>, %arg10: memref<4x320x16xf32, #tpu.memory_space<vmem>>, %arg11: memref<2x640x32xf32, #tpu.memory_space<vmem>>, %arg12: memref<40x16xf32, #tpu.memory_space<vmem>>, %arg13: memref<640x16xf32, #tpu.memory_space<vmem>>, %arg14: memref<640x16xf32, #tpu.memory_space<vmem>>, %arg15: memref<10240x16xf32, #tpu.memory_space<vmem_shared>>, %arg16: memref<10240x16xf32, #tpu.memory_space<vmem_shared>>, %arg17: memref<!tpu.dma_semaphore, #tpu.memory_space<semaphore_mem>>, %arg18: memref<!tpu.dma_semaphore, #tpu.memory_space<semaphore_mem>>, %arg19: memref<!tpu.dma_semaphore, #tpu.memory_space<semaphore_mem>>, %arg20: memref<!tpu.dma_semaphore, #tpu.memory_space<semaphore_mem>>, %arg21: memref<!tpu.dma_semaphore, #tpu.memory_space<semaphore_mem>>, %arg22: memref<!tpu.dma_semaphore, #tpu.memory_space<semaphore_mem>>, %arg23: memref<!tpu.dma_semaphore, #tpu.memory_space<semaphore_mem>>, %arg24: memref<!tpu.dma_semaphore, #tpu.memory_space<semaphore_mem>>) attributes {dimension_semantics = [#tpu.dimension_semantics<core_parallel>, #tpu.dimension_semantics<subcore_parallel>], iteration_bounds = array<i64: 2, 16>, scalar_prefetch = 0 : i64, scratch_operands = 17 : i64, tpu.core_type = #tpu.core_type<sc_vector_subcore>, window_params = [{transform_indices = #map}, {transform_indices = #map1}, {transform_indices = #map}, {transform_indices = #map}, {transform_indices = #map1}, {transform_indices = #map}]} {
    %mul3A = arith.constant 2 : i32
    %mul3A_0 = arith.muli %arg1, %mul3A : i32
    %add3A = arith.addi %mul3A_0, %arg0 : i32
    %mul3A_1 = arith.constant 640 : i32
    %mul3A_2 = arith.muli %arg1, %mul3A_1 : i32
    %mul3A_3 = arith.constant 40 : i32
    %mul3A_4 = arith.muli %arg1, %mul3A_3 : i32
    %dma_start3A = arith.constant 0 : i32
    %dma_start3A_5 = arith.constant 0 : i32
    %dma_start3A_6 = tpu.memref_slice %arg4[%add3A, %dma_start3A, %dma_start3A_5] : memref<32x32x320xi32, #tpu.memory_space<hbm>> -> memref<1x32x320xi32, #tpu.memory_space<hbm>>
    %dma_start3A_7 = tpu.memref_squeeze %dma_start3A_6 : memref<1x32x320xi32, #tpu.memory_space<hbm>> -> memref<32x320xi32, #tpu.memory_space<hbm>>
    %dma_start3A_8 = arith.constant 0 : i32
    %dma_start3A_9 = arith.constant 0 : i32
    %dma_start3A_10 = tpu.memref_slice %arg4[%add3A, %dma_start3A_8, %dma_start3A_9] : memref<32x32x320xi32, #tpu.memory_space<hbm>> -> memref<1x32x320xi32, #tpu.memory_space<hbm>>
    %dma_start3A_11 = tpu.memref_squeeze %dma_start3A_10 : memref<1x32x320xi32, #tpu.memory_space<hbm>> -> memref<32x320xi32, #tpu.memory_space<hbm>>
    tpu.enqueue_dma source(%dma_start3A_11 : memref<32x320xi32, #tpu.memory_space<hbm>>) target(%arg8 : memref<32x320xi32, #tpu.memory_space<vmem>>) target_semaphore(%arg17 : memref<!tpu.dma_semaphore, #tpu.memory_space<semaphore_mem>>)
    %dma_start3A_12 = arith.constant 0 : i32
    %dma_start3A_13 = arith.constant 0 : i32
    %dma_start3A_14 = tpu.memref_slice %arg5[%add3A, %dma_start3A_12, %dma_start3A_13] : memref<32x32x320xi32, #tpu.memory_space<hbm>> -> memref<1x32x320xi32, #tpu.memory_space<hbm>>
    %dma_start3A_15 = tpu.memref_squeeze %dma_start3A_14 : memref<1x32x320xi32, #tpu.memory_space<hbm>> -> memref<32x320xi32, #tpu.memory_space<hbm>>
    %dma_start3A_16 = arith.constant 0 : i32
    %dma_start3A_17 = arith.constant 0 : i32
    %dma_start3A_18 = tpu.memref_slice %arg5[%add3A, %dma_start3A_16, %dma_start3A_17] : memref<32x32x320xi32, #tpu.memory_space<hbm>> -> memref<1x32x320xi32, #tpu.memory_space<hbm>>
    %dma_start3A_19 = tpu.memref_squeeze %dma_start3A_18 : memref<1x32x320xi32, #tpu.memory_space<hbm>> -> memref<32x320xi32, #tpu.memory_space<hbm>>
    tpu.enqueue_dma source(%dma_start3A_19 : memref<32x320xi32, #tpu.memory_space<hbm>>) target(%arg9 : memref<32x320xi32, #tpu.memory_space<vmem>>) target_semaphore(%arg18 : memref<!tpu.dma_semaphore, #tpu.memory_space<semaphore_mem>>)
    %dma_start3A_20 = arith.constant 0 : i32
    %dma_start3A_21 = arith.constant 0 : i32
    %dma_start3A_22 = arith.constant 0 : i32
    %dma_start3A_23 = arith.constant 0 : i32
    %dma_start3A_24 = tpu.memref_slice %arg11[%dma_start3A_21, %dma_start3A_22, %dma_start3A_23] : memref<2x640x32xf32, #tpu.memory_space<vmem>> -> memref<1x640x32xf32, #tpu.memory_space<vmem>>
    %dma_start3A_25 = tpu.memref_squeeze %dma_start3A_24 : memref<1x640x32xf32, #tpu.memory_space<vmem>> -> memref<640x32xf32, #tpu.memory_space<vmem>>
    %dma_start3A_26 = arith.constant 0 : i32
    %dma_start3A_27 = tpu.memref_slice %arg2[%dma_start3A_20, %mul3A_2, %dma_start3A_26] : memref<2x10240x32xf32, #tpu.memory_space<hbm>> -> memref<1x640x32xf32, #tpu.memory_space<hbm>>
    %dma_start3A_28 = tpu.memref_squeeze %dma_start3A_27 : memref<1x640x32xf32, #tpu.memory_space<hbm>> -> memref<640x32xf32, #tpu.memory_space<hbm>>
    %dma_start3A_29 = arith.constant 0 : i32
    %dma_start3A_30 = arith.constant 0 : i32
    %dma_start3A_31 = tpu.memref_slice %arg11[%dma_start3A_21, %dma_start3A_29, %dma_start3A_30] : memref<2x640x32xf32, #tpu.memory_space<vmem>> -> memref<1x640x32xf32, #tpu.memory_space<vmem>>
    %dma_start3A_32 = tpu.memref_squeeze %dma_start3A_31 : memref<1x640x32xf32, #tpu.memory_space<vmem>> -> memref<640x32xf32, #tpu.memory_space<vmem>>
    %dma_start3A_33 = arith.constant 0 : i32
    %dma_start3A_34 = tpu.memref_slice %arg2[%dma_start3A_20, %mul3A_2, %dma_start3A_33] : memref<2x10240x32xf32, #tpu.memory_space<hbm>> -> memref<1x640x32xf32, #tpu.memory_space<hbm>>
    %dma_start3A_35 = tpu.memref_squeeze %dma_start3A_34 : memref<1x640x32xf32, #tpu.memory_space<hbm>> -> memref<640x32xf32, #tpu.memory_space<hbm>>
    tpu.enqueue_dma source(%dma_start3A_35 : memref<640x32xf32, #tpu.memory_space<hbm>>) target(%dma_start3A_32 : memref<640x32xf32, #tpu.memory_space<vmem>>) target_semaphore(%arg19 : memref<!tpu.dma_semaphore, #tpu.memory_space<semaphore_mem>>)
    %dma_start3A_36 = arith.constant 1 : i32
    %dma_start3A_37 = arith.constant 1 : i32
    %dma_start3A_38 = arith.constant 0 : i32
    %dma_start3A_39 = arith.constant 0 : i32
    %dma_start3A_40 = tpu.memref_slice %arg11[%dma_start3A_37, %dma_start3A_38, %dma_start3A_39] : memref<2x640x32xf32, #tpu.memory_space<vmem>> -> memref<1x640x32xf32, #tpu.memory_space<vmem>>
    %dma_start3A_41 = tpu.memref_squeeze %dma_start3A_40 : memref<1x640x32xf32, #tpu.memory_space<vmem>> -> memref<640x32xf32, #tpu.memory_space<vmem>>
    %dma_start3A_42 = arith.constant 0 : i32
    %dma_start3A_43 = tpu.memref_slice %arg2[%dma_start3A_36, %mul3A_2, %dma_start3A_42] : memref<2x10240x32xf32, #tpu.memory_space<hbm>> -> memref<1x640x32xf32, #tpu.memory_space<hbm>>
    %dma_start3A_44 = tpu.memref_squeeze %dma_start3A_43 : memref<1x640x32xf32, #tpu.memory_space<hbm>> -> memref<640x32xf32, #tpu.memory_space<hbm>>
    %dma_start3A_45 = arith.constant 0 : i32
    %dma_start3A_46 = arith.constant 0 : i32
    %dma_start3A_47 = tpu.memref_slice %arg11[%dma_start3A_37, %dma_start3A_45, %dma_start3A_46] : memref<2x640x32xf32, #tpu.memory_space<vmem>> -> memref<1x640x32xf32, #tpu.memory_space<vmem>>
    %dma_start3A_48 = tpu.memref_squeeze %dma_start3A_47 : memref<1x640x32xf32, #tpu.memory_space<vmem>> -> memref<640x32xf32, #tpu.memory_space<vmem>>
    %dma_start3A_49 = arith.constant 0 : i32
    %dma_start3A_50 = tpu.memref_slice %arg2[%dma_start3A_36, %mul3A_2, %dma_start3A_49] : memref<2x10240x32xf32, #tpu.memory_space<hbm>> -> memref<1x640x32xf32, #tpu.memory_space<hbm>>
    %dma_start3A_51 = tpu.memref_squeeze %dma_start3A_50 : memref<1x640x32xf32, #tpu.memory_space<hbm>> -> memref<640x32xf32, #tpu.memory_space<hbm>>
    tpu.enqueue_dma source(%dma_start3A_51 : memref<640x32xf32, #tpu.memory_space<hbm>>) target(%dma_start3A_48 : memref<640x32xf32, #tpu.memory_space<vmem>>) target_semaphore(%arg20 : memref<!tpu.dma_semaphore, #tpu.memory_space<semaphore_mem>>)
    %dma_start3A_52 = arith.constant 0 : i32
    %dma_start3A_53 = tpu.memref_slice %arg3[%mul3A_4, %dma_start3A_52] : memref<640x16xf32, #tpu.memory_space<hbm>> -> memref<40x16xf32, #tpu.memory_space<hbm>>
    %dma_start3A_54 = arith.constant 0 : i32
    %dma_start3A_55 = tpu.memref_slice %arg3[%mul3A_4, %dma_start3A_54] : memref<640x16xf32, #tpu.memory_space<hbm>> -> memref<40x16xf32, #tpu.memory_space<hbm>>
    tpu.enqueue_dma source(%dma_start3A_55 : memref<40x16xf32, #tpu.memory_space<hbm>>) target(%arg12 : memref<40x16xf32, #tpu.memory_space<vmem>>) target_semaphore(%arg21 : memref<!tpu.dma_semaphore, #tpu.memory_space<semaphore_mem>>)
    %dma_wait3A = arith.constant 0 : i32
    %dma_wait3A_56 = arith.constant 0 : i32
    %dma_wait3A_57 = tpu.memref_slice %arg4[%add3A, %dma_wait3A, %dma_wait3A_56] : memref<32x32x320xi32, #tpu.memory_space<hbm>> -> memref<1x32x320xi32, #tpu.memory_space<hbm>>
    %dma_wait3A_58 = tpu.memref_squeeze %dma_wait3A_57 : memref<1x32x320xi32, #tpu.memory_space<hbm>> -> memref<32x320xi32, #tpu.memory_space<hbm>>
    %dma_wait3A_59 = arith.constant 0 : i32
    %dma_wait3A_60 = arith.constant 0 : i32
    %dma_wait3A_61 = tpu.memref_slice %arg4[%add3A, %dma_wait3A_59, %dma_wait3A_60] : memref<32x32x320xi32, #tpu.memory_space<hbm>> -> memref<1x32x320xi32, #tpu.memory_space<hbm>>
    %dma_wait3A_62 = tpu.memref_squeeze %dma_wait3A_61 : memref<1x32x320xi32, #tpu.memory_space<hbm>> -> memref<32x320xi32, #tpu.memory_space<hbm>>
    tpu.wait_dma2 semaphore(%arg17 : memref<!tpu.dma_semaphore, #tpu.memory_space<semaphore_mem>>) src(%dma_wait3A_62 : memref<32x320xi32, #tpu.memory_space<hbm>>) dst(%arg8 : memref<32x320xi32, #tpu.memory_space<vmem>>)
    %dma_wait3A_63 = arith.constant 0 : i32
    %dma_wait3A_64 = arith.constant 0 : i32
    %dma_wait3A_65 = tpu.memref_slice %arg5[%add3A, %dma_wait3A_63, %dma_wait3A_64] : memref<32x32x320xi32, #tpu.memory_space<hbm>> -> memref<1x32x320xi32, #tpu.memory_space<hbm>>
    %dma_wait3A_66 = tpu.memref_squeeze %dma_wait3A_65 : memref<1x32x320xi32, #tpu.memory_space<hbm>> -> memref<32x320xi32, #tpu.memory_space<hbm>>
    %dma_wait3A_67 = arith.constant 0 : i32
    %dma_wait3A_68 = arith.constant 0 : i32
    %dma_wait3A_69 = tpu.memref_slice %arg5[%add3A, %dma_wait3A_67, %dma_wait3A_68] : memref<32x32x320xi32, #tpu.memory_space<hbm>> -> memref<1x32x320xi32, #tpu.memory_space<hbm>>
    %dma_wait3A_70 = tpu.memref_squeeze %dma_wait3A_69 : memref<1x32x320xi32, #tpu.memory_space<hbm>> -> memref<32x320xi32, #tpu.memory_space<hbm>>
    tpu.wait_dma2 semaphore(%arg18 : memref<!tpu.dma_semaphore, #tpu.memory_space<semaphore_mem>>) src(%dma_wait3A_70 : memref<32x320xi32, #tpu.memory_space<hbm>>) dst(%arg9 : memref<32x320xi32, #tpu.memory_space<vmem>>)
    %dma_wait3A_71 = arith.constant 0 : i32
    %dma_wait3A_72 = arith.constant 0 : i32
    %dma_wait3A_73 = arith.constant 0 : i32
    %dma_wait3A_74 = arith.constant 0 : i32
    %dma_wait3A_75 = tpu.memref_slice %arg11[%dma_wait3A_72, %dma_wait3A_73, %dma_wait3A_74] : memref<2x640x32xf32, #tpu.memory_space<vmem>> -> memref<1x640x32xf32, #tpu.memory_space<vmem>>
    %dma_wait3A_76 = tpu.memref_squeeze %dma_wait3A_75 : memref<1x640x32xf32, #tpu.memory_space<vmem>> -> memref<640x32xf32, #tpu.memory_space<vmem>>
    %dma_wait3A_77 = arith.constant 0 : i32
    %dma_wait3A_78 = tpu.memref_slice %arg2[%dma_wait3A_71, %mul3A_2, %dma_wait3A_77] : memref<2x10240x32xf32, #tpu.memory_space<hbm>> -> memref<1x640x32xf32, #tpu.memory_space<hbm>>
    %dma_wait3A_79 = tpu.memref_squeeze %dma_wait3A_78 : memref<1x640x32xf32, #tpu.memory_space<hbm>> -> memref<640x32xf32, #tpu.memory_space<hbm>>
    %dma_wait3A_80 = arith.constant 0 : i32
    %dma_wait3A_81 = arith.constant 0 : i32
    %dma_wait3A_82 = tpu.memref_slice %arg11[%dma_wait3A_72, %dma_wait3A_80, %dma_wait3A_81] : memref<2x640x32xf32, #tpu.memory_space<vmem>> -> memref<1x640x32xf32, #tpu.memory_space<vmem>>
    %dma_wait3A_83 = tpu.memref_squeeze %dma_wait3A_82 : memref<1x640x32xf32, #tpu.memory_space<vmem>> -> memref<640x32xf32, #tpu.memory_space<vmem>>
    %dma_wait3A_84 = arith.constant 0 : i32
    %dma_wait3A_85 = tpu.memref_slice %arg2[%dma_wait3A_71, %mul3A_2, %dma_wait3A_84] : memref<2x10240x32xf32, #tpu.memory_space<hbm>> -> memref<1x640x32xf32, #tpu.memory_space<hbm>>
    %dma_wait3A_86 = tpu.memref_squeeze %dma_wait3A_85 : memref<1x640x32xf32, #tpu.memory_space<hbm>> -> memref<640x32xf32, #tpu.memory_space<hbm>>
    tpu.wait_dma2 semaphore(%arg19 : memref<!tpu.dma_semaphore, #tpu.memory_space<semaphore_mem>>) src(%dma_wait3A_86 : memref<640x32xf32, #tpu.memory_space<hbm>>) dst(%dma_wait3A_83 : memref<640x32xf32, #tpu.memory_space<vmem>>)
    %dma_wait3A_87 = arith.constant 1 : i32
    %dma_wait3A_88 = arith.constant 1 : i32
    %dma_wait3A_89 = arith.constant 0 : i32
    %dma_wait3A_90 = arith.constant 0 : i32
    %dma_wait3A_91 = tpu.memref_slice %arg11[%dma_wait3A_88, %dma_wait3A_89, %dma_wait3A_90] : memref<2x640x32xf32, #tpu.memory_space<vmem>> -> memref<1x640x32xf32, #tpu.memory_space<vmem>>
    %dma_wait3A_92 = tpu.memref_squeeze %dma_wait3A_91 : memref<1x640x32xf32, #tpu.memory_space<vmem>> -> memref<640x32xf32, #tpu.memory_space<vmem>>
    %dma_wait3A_93 = arith.constant 0 : i32
    %dma_wait3A_94 = tpu.memref_slice %arg2[%dma_wait3A_87, %mul3A_2, %dma_wait3A_93] : memref<2x10240x32xf32, #tpu.memory_space<hbm>> -> memref<1x640x32xf32, #tpu.memory_space<hbm>>
    %dma_wait3A_95 = tpu.memref_squeeze %dma_wait3A_94 : memref<1x640x32xf32, #tpu.memory_space<hbm>> -> memref<640x32xf32, #tpu.memory_space<hbm>>
    %dma_wait3A_96 = arith.constant 0 : i32
    %dma_wait3A_97 = arith.constant 0 : i32
    %dma_wait3A_98 = tpu.memref_slice %arg11[%dma_wait3A_88, %dma_wait3A_96, %dma_wait3A_97] : memref<2x640x32xf32, #tpu.memory_space<vmem>> -> memref<1x640x32xf32, #tpu.memory_space<vmem>>
    %dma_wait3A_99 = tpu.memref_squeeze %dma_wait3A_98 : memref<1x640x32xf32, #tpu.memory_space<vmem>> -> memref<640x32xf32, #tpu.memory_space<vmem>>
    %dma_wait3A_100 = arith.constant 0 : i32
    %dma_wait3A_101 = tpu.memref_slice %arg2[%dma_wait3A_87, %mul3A_2, %dma_wait3A_100] : memref<2x10240x32xf32, #tpu.memory_space<hbm>> -> memref<1x640x32xf32, #tpu.memory_space<hbm>>
    %dma_wait3A_102 = tpu.memref_squeeze %dma_wait3A_101 : memref<1x640x32xf32, #tpu.memory_space<hbm>> -> memref<640x32xf32, #tpu.memory_space<hbm>>
    tpu.wait_dma2 semaphore(%arg20 : memref<!tpu.dma_semaphore, #tpu.memory_space<semaphore_mem>>) src(%dma_wait3A_102 : memref<640x32xf32, #tpu.memory_space<hbm>>) dst(%dma_wait3A_99 : memref<640x32xf32, #tpu.memory_space<vmem>>)
    %dma_wait3A_103 = arith.constant 0 : i32
    %dma_wait3A_104 = tpu.memref_slice %arg3[%mul3A_4, %dma_wait3A_103] : memref<640x16xf32, #tpu.memory_space<hbm>> -> memref<40x16xf32, #tpu.memory_space<hbm>>
    %dma_wait3A_105 = arith.constant 0 : i32
    %dma_wait3A_106 = tpu.memref_slice %arg3[%mul3A_4, %dma_wait3A_105] : memref<640x16xf32, #tpu.memory_space<hbm>> -> memref<40x16xf32, #tpu.memory_space<hbm>>
    tpu.wait_dma2 semaphore(%arg21 : memref<!tpu.dma_semaphore, #tpu.memory_space<semaphore_mem>>) src(%dma_wait3A_106 : memref<40x16xf32, #tpu.memory_space<hbm>>) dst(%arg12 : memref<40x16xf32, #tpu.memory_space<vmem>>)
    %scan3A = arith.constant 0 : i32
    %scan3A_107 = arith.constant 0 : i32
    %scan3A_108 = arith.constant 40 : i32
    %scan3A_109 = arith.addi %scan3A_107, %scan3A_108 : i32
    %scan3A_110 = arith.constant 1 : i32
    scf.for %scan3A_332 = %scan3A_107 to %scan3A_109 step %scan3A_110  : i32 {
      %get3A = arith.index_cast %scan3A_332 : i32 to index
      %get3A_333 = arith.constant 0 : index
      %get3A_334 = tpu.vector_load %arg12[%get3A, %get3A_333] {strides = array<i32>} : memref<40x16xf32, #tpu.memory_space<vmem>>, vector<16xf32>,
      %slice3A = vector.extract_strided_slice %get3A_334 {offsets = [0], sizes = [1], strides = [1]} : vector<16xf32> to vector<1xf32>
      %squeeze3A = vector.extract %slice3A[0] : f32 from vector<1xf32>
      %mul3A_335 = arith.constant 16 : i32
      %mul3A_336 = arith.muli %scan3A_332, %mul3A_335 : i32
      %add3A_337 = arith.constant 0 : i32
      %add3A_338 = arith.addi %mul3A_336, %add3A_337 : i32
      %get3A_339 = arith.constant 0 : i32
      %get3A_340 = arith.index_cast %get3A_339 : i32 to index
      %get3A_341 = arith.index_cast %add3A_338 : i32 to index
      %get3A_342 = arith.constant 0 : index
      %get3A_343 = tpu.vector_load %arg11[%get3A_340, %get3A_341, %get3A_342] {strides = array<i32>} : memref<2x640x32xf32, #tpu.memory_space<vmem>>, vector<16xf32>,
      %get3A_344 = arith.constant 1 : i32
      %get3A_345 = arith.index_cast %get3A_344 : i32 to index
      %get3A_346 = arith.index_cast %add3A_338 : i32 to index
      %get3A_347 = arith.constant 0 : index
      %get3A_348 = tpu.vector_load %arg11[%get3A_345, %get3A_346, %get3A_347] {strides = array<i32>} : memref<2x640x32xf32, #tpu.memory_space<vmem>>, vector<16xf32>,
      %add3A_349 = arith.addf %get3A_343, %get3A_348 : vector<16xf32>
      %get3A_350 = arith.constant 0 : i32
      %get3A_351 = arith.index_cast %get3A_350 : i32 to index
      %get3A_352 = arith.index_cast %add3A_338 : i32 to index
      %get3A_353 = arith.constant 16 : index
      %get3A_354 = tpu.vector_load %arg11[%get3A_351, %get3A_352, %get3A_353] {strides = array<i32>} : memref<2x640x32xf32, #tpu.memory_space<vmem>>, vector<16xf32>,
      %get3A_355 = arith.constant 1 : i32
      %get3A_356 = arith.index_cast %get3A_355 : i32 to index
      %get3A_357 = arith.index_cast %add3A_338 : i32 to index
      %get3A_358 = arith.constant 16 : index
      %get3A_359 = tpu.vector_load %arg11[%get3A_356, %get3A_357, %get3A_358] {strides = array<i32>} : memref<2x640x32xf32, #tpu.memory_space<vmem>>, vector<16xf32>,
      %add3A_360 = arith.addf %get3A_354, %get3A_359 : vector<16xf32>
      %mul3A_361 = vector.broadcast %squeeze3A : f32 to vector<16xf32>
      %mul3A_362 = arith.mulf %mul3A_361, %add3A_349 : vector<16xf32>
      %neg3A = arith.constant 0.000000e+00 : f32
      %neg3A_363 = vector.broadcast %neg3A : f32 to vector<16xf32>
      %neg3A_364 = arith.subf %neg3A_363, %mul3A_362 : vector<16xf32>
      %swap3A = arith.index_cast %add3A_338 : i32 to index
      %swap3A_365 = arith.constant 0 : index
      %swap3A_366 = tpu.vector_load %arg13[%swap3A, %swap3A_365] {strides = array<i32>} : memref<640x16xf32, #tpu.memory_space<vmem>>, vector<16xf32>,
      tpu.vector_store %arg13[%swap3A, %swap3A_365], %neg3A_364 {strides = array<i32>} : memref<640x16xf32, #tpu.memory_space<vmem>>, vector<16xf32>,
      %mul3A_367 = arith.mulf %squeeze3A, %squeeze3A : f32
      %mul3A_368 = vector.broadcast %mul3A_367 : f32 to vector<16xf32>
      %mul3A_369 = arith.mulf %mul3A_368, %add3A_360 : vector<16xf32>
      %swap3A_370 = arith.index_cast %add3A_338 : i32 to index
      %swap3A_371 = arith.constant 0 : index
      %swap3A_372 = tpu.vector_load %arg14[%swap3A_370, %swap3A_371] {strides = array<i32>} : memref<640x16xf32, #tpu.memory_space<vmem>>, vector<16xf32>,
      tpu.vector_store %arg14[%swap3A_370, %swap3A_371], %mul3A_369 {strides = array<i32>} : memref<640x16xf32, #tpu.memory_space<vmem>>, vector<16xf32>,
      %slice3A_373 = vector.extract_strided_slice %get3A_334 {offsets = [1], sizes = [1], strides = [1]} : vector<16xf32> to vector<1xf32>
      %squeeze3A_374 = vector.extract %slice3A_373[0] : f32 from vector<1xf32>
      %mul3A_375 = arith.constant 16 : i32
      %mul3A_376 = arith.muli %scan3A_332, %mul3A_375 : i32
      %add3A_377 = arith.constant 1 : i32
      %add3A_378 = arith.addi %mul3A_376, %add3A_377 : i32
      %get3A_379 = arith.constant 0 : i32
      %get3A_380 = arith.index_cast %get3A_379 : i32 to index
      %get3A_381 = arith.index_cast %add3A_378 : i32 to index
      %get3A_382 = arith.constant 0 : index
      %get3A_383 = tpu.vector_load %arg11[%get3A_380, %get3A_381, %get3A_382] {strides = array<i32>} : memref<2x640x32xf32, #tpu.memory_space<vmem>>, vector<16xf32>,
      %get3A_384 = arith.constant 1 : i32
      %get3A_385 = arith.index_cast %get3A_384 : i32 to index
      %get3A_386 = arith.index_cast %add3A_378 : i32 to index
      %get3A_387 = arith.constant 0 : index
      %get3A_388 = tpu.vector_load %arg11[%get3A_385, %get3A_386, %get3A_387] {strides = array<i32>} : memref<2x640x32xf32, #tpu.memory_space<vmem>>, vector<16xf32>,
      %add3A_389 = arith.addf %get3A_383, %get3A_388 : vector<16xf32>
      %get3A_390 = arith.constant 0 : i32
      %get3A_391 = arith.index_cast %get3A_390 : i32 to index
      %get3A_392 = arith.index_cast %add3A_378 : i32 to index
      %get3A_393 = arith.constant 16 : index
      %get3A_394 = tpu.vector_load %arg11[%get3A_391, %get3A_392, %get3A_393] {strides = array<i32>} : memref<2x640x32xf32, #tpu.memory_space<vmem>>, vector<16xf32>,
      %get3A_395 = arith.constant 1 : i32
      %get3A_396 = arith.index_cast %get3A_395 : i32 to index
      %get3A_397 = arith.index_cast %add3A_378 : i32 to index
      %get3A_398 = arith.constant 16 : index
      %get3A_399 = tpu.vector_load %arg11[%get3A_396, %get3A_397, %get3A_398] {strides = array<i32>} : memref<2x640x32xf32, #tpu.memory_space<vmem>>, vector<16xf32>,
      %add3A_400 = arith.addf %get3A_394, %get3A_399 : vector<16xf32>
      %mul3A_401 = vector.broadcast %squeeze3A_374 : f32 to vector<16xf32>
      %mul3A_402 = arith.mulf %mul3A_401, %add3A_389 : vector<16xf32>
      %neg3A_403 = arith.constant 0.000000e+00 : f32
      %neg3A_404 = vector.broadcast %neg3A_403 : f32 to vector<16xf32>
      %neg3A_405 = arith.subf %neg3A_404, %mul3A_402 : vector<16xf32>
      %swap3A_406 = arith.index_cast %add3A_378 : i32 to index
      %swap3A_407 = arith.constant 0 : index
      %swap3A_408 = tpu.vector_load %arg13[%swap3A_406, %swap3A_407] {strides = array<i32>} : memref<640x16xf32, #tpu.memory_space<vmem>>, vector<16xf32>,
      tpu.vector_store %arg13[%swap3A_406, %swap3A_407], %neg3A_405 {strides = array<i32>} : memref<640x16xf32, #tpu.memory_space<vmem>>, vector<16xf32>,
      %mul3A_409 = arith.mulf %squeeze3A_374, %squeeze3A_374 : f32
      %mul3A_410 = vector.broadcast %mul3A_409 : f32 to vector<16xf32>
      %mul3A_411 = arith.mulf %mul3A_410, %add3A_400 : vector<16xf32>
      %swap3A_412 = arith.index_cast %add3A_378 : i32 to index
      %swap3A_413 = arith.constant 0 : index
      %swap3A_414 = tpu.vector_load %arg14[%swap3A_412, %swap3A_413] {strides = array<i32>} : memref<640x16xf32, #tpu.memory_space<vmem>>, vector<16xf32>,
      tpu.vector_store %arg14[%swap3A_412, %swap3A_413], %mul3A_411 {strides = array<i32>} : memref<640x16xf32, #tpu.memory_space<vmem>>, vector<16xf32>,
      %slice3A_415 = vector.extract_strided_slice %get3A_334 {offsets = [2], sizes = [1], strides = [1]} : vector<16xf32> to vector<1xf32>
      %squeeze3A_416 = vector.extract %slice3A_415[0] : f32 from vector<1xf32>
      %mul3A_417 = arith.constant 16 : i32
      %mul3A_418 = arith.muli %scan3A_332, %mul3A_417 : i32
      %add3A_419 = arith.constant 2 : i32
      %add3A_420 = arith.addi %mul3A_418, %add3A_419 : i32
      %get3A_421 = arith.constant 0 : i32
      %get3A_422 = arith.index_cast %get3A_421 : i32 to index
      %get3A_423 = arith.index_cast %add3A_420 : i32 to index
      %get3A_424 = arith.constant 0 : index
      %get3A_425 = tpu.vector_load %arg11[%get3A_422, %get3A_423, %get3A_424] {strides = array<i32>} : memref<2x640x32xf32, #tpu.memory_space<vmem>>, vector<16xf32>,
      %get3A_426 = arith.constant 1 : i32
      %get3A_427 = arith.index_cast %get3A_426 : i32 to index
      %get3A_428 = arith.index_cast %add3A_420 : i32 to index
      %get3A_429 = arith.constant 0 : index
      %get3A_430 = tpu.vector_load %arg11[%get3A_427, %get3A_428, %get3A_429] {strides = array<i32>} : memref<2x640x32xf32, #tpu.memory_space<vmem>>, vector<16xf32>,
      %add3A_431 = arith.addf %get3A_425, %get3A_430 : vector<16xf32>
      %get3A_432 = arith.constant 0 : i32
      %get3A_433 = arith.index_cast %get3A_432 : i32 to index
      %get3A_434 = arith.index_cast %add3A_420 : i32 to index
      %get3A_435 = arith.constant 16 : index
      %get3A_436 = tpu.vector_load %arg11[%get3A_433, %get3A_434, %get3A_435] {strides = array<i32>} : memref<2x640x32xf32, #tpu.memory_space<vmem>>, vector<16xf32>,
      %get3A_437 = arith.constant 1 : i32
      %get3A_438 = arith.index_cast %get3A_437 : i32 to index
      %get3A_439 = arith.index_cast %add3A_420 : i32 to index
      %get3A_440 = arith.constant 16 : index
      %get3A_441 = tpu.vector_load %arg11[%get3A_438, %get3A_439, %get3A_440] {strides = array<i32>} : memref<2x640x32xf32, #tpu.memory_space<vmem>>, vector<16xf32>,
      %add3A_442 = arith.addf %get3A_436, %get3A_441 : vector<16xf32>
      %mul3A_443 = vector.broadcast %squeeze3A_416 : f32 to vector<16xf32>
      %mul3A_444 = arith.mulf %mul3A_443, %add3A_431 : vector<16xf32>
      %neg3A_445 = arith.constant 0.000000e+00 : f32
      %neg3A_446 = vector.broadcast %neg3A_445 : f32 to vector<16xf32>
      %neg3A_447 = arith.subf %neg3A_446, %mul3A_444 : vector<16xf32>
      %swap3A_448 = arith.index_cast %add3A_420 : i32 to index
      %swap3A_449 = arith.constant 0 : index
      %swap3A_450 = tpu.vector_load %arg13[%swap3A_448, %swap3A_449] {strides = array<i32>} : memref<640x16xf32, #tpu.memory_space<vmem>>, vector<16xf32>,
      tpu.vector_store %arg13[%swap3A_448, %swap3A_449], %neg3A_447 {strides = array<i32>} : memref<640x16xf32, #tpu.memory_space<vmem>>, vector<16xf32>,
      %mul3A_451 = arith.mulf %squeeze3A_416, %squeeze3A_416 : f32
      %mul3A_452 = vector.broadcast %mul3A_451 : f32 to vector<16xf32>
      %mul3A_453 = arith.mulf %mul3A_452, %add3A_442 : vector<16xf32>
      %swap3A_454 = arith.index_cast %add3A_420 : i32 to index
      %swap3A_455 = arith.constant 0 : index
      %swap3A_456 = tpu.vector_load %arg14[%swap3A_454, %swap3A_455] {strides = array<i32>} : memref<640x16xf32, #tpu.memory_space<vmem>>, vector<16xf32>,
      tpu.vector_store %arg14[%swap3A_454, %swap3A_455], %mul3A_453 {strides = array<i32>} : memref<640x16xf32, #tpu.memory_space<vmem>>, vector<16xf32>,
      %slice3A_457 = vector.extract_strided_slice %get3A_334 {offsets = [3], sizes = [1], strides = [1]} : vector<16xf32> to vector<1xf32>
      %squeeze3A_458 = vector.extract %slice3A_457[0] : f32 from vector<1xf32>
      %mul3A_459 = arith.constant 16 : i32
      %mul3A_460 = arith.muli %scan3A_332, %mul3A_459 : i32
      %add3A_461 = arith.constant 3 : i32
      %add3A_462 = arith.addi %mul3A_460, %add3A_461 : i32
      %get3A_463 = arith.constant 0 : i32
      %get3A_464 = arith.index_cast %get3A_463 : i32 to index
      %get3A_465 = arith.index_cast %add3A_462 : i32 to index
      %get3A_466 = arith.constant 0 : index
      %get3A_467 = tpu.vector_load %arg11[%get3A_464, %get3A_465, %get3A_466] {strides = array<i32>} : memref<2x640x32xf32, #tpu.memory_space<vmem>>, vector<16xf32>,
      %get3A_468 = arith.constant 1 : i32
      %get3A_469 = arith.index_cast %get3A_468 : i32 to index
      %get3A_470 = arith.index_cast %add3A_462 : i32 to index
      %get3A_471 = arith.constant 0 : index
      %get3A_472 = tpu.vector_load %arg11[%get3A_469, %get3A_470, %get3A_471] {strides = array<i32>} : memref<2x640x32xf32, #tpu.memory_space<vmem>>, vector<16xf32>,
      %add3A_473 = arith.addf %get3A_467, %get3A_472 : vector<16xf32>
      %get3A_474 = arith.constant 0 : i32
      %get3A_475 = arith.index_cast %get3A_474 : i32 to index
      %get3A_476 = arith.index_cast %add3A_462 : i32 to index
      %get3A_477 = arith.constant 16 : index
      %get3A_478 = tpu.vector_load %arg11[%get3A_475, %get3A_476, %get3A_477] {strides = array<i32>} : memref<2x640x32xf32, #tpu.memory_space<vmem>>, vector<16xf32>,
      %get3A_479 = arith.constant 1 : i32
      %get3A_480 = arith.index_cast %get3A_479 : i32 to index
      %get3A_481 = arith.index_cast %add3A_462 : i32 to index
      %get3A_482 = arith.constant 16 : index
      %get3A_483 = tpu.vector_load %arg11[%get3A_480, %get3A_481, %get3A_482] {strides = array<i32>} : memref<2x640x32xf32, #tpu.memory_space<vmem>>, vector<16xf32>,
      %add3A_484 = arith.addf %get3A_478, %get3A_483 : vector<16xf32>
      %mul3A_485 = vector.broadcast %squeeze3A_458 : f32 to vector<16xf32>
      %mul3A_486 = arith.mulf %mul3A_485, %add3A_473 : vector<16xf32>
      %neg3A_487 = arith.constant 0.000000e+00 : f32
      %neg3A_488 = vector.broadcast %neg3A_487 : f32 to vector<16xf32>
      %neg3A_489 = arith.subf %neg3A_488, %mul3A_486 : vector<16xf32>
      %swap3A_490 = arith.index_cast %add3A_462 : i32 to index
      %swap3A_491 = arith.constant 0 : index
      %swap3A_492 = tpu.vector_load %arg13[%swap3A_490, %swap3A_491] {strides = array<i32>} : memref<640x16xf32, #tpu.memory_space<vmem>>, vector<16xf32>,
      tpu.vector_store %arg13[%swap3A_490, %swap3A_491], %neg3A_489 {strides = array<i32>} : memref<640x16xf32, #tpu.memory_space<vmem>>, vector<16xf32>,
      %mul3A_493 = arith.mulf %squeeze3A_458, %squeeze3A_458 : f32
      %mul3A_494 = vector.broadcast %mul3A_493 : f32 to vector<16xf32>
      %mul3A_495 = arith.mulf %mul3A_494, %add3A_484 : vector<16xf32>
      %swap3A_496 = arith.index_cast %add3A_462 : i32 to index
      %swap3A_497 = arith.constant 0 : index
      %swap3A_498 = tpu.vector_load %arg14[%swap3A_496, %swap3A_497] {strides = array<i32>} : memref<640x16xf32, #tpu.memory_space<vmem>>, vector<16xf32>,
      tpu.vector_store %arg14[%swap3A_496, %swap3A_497], %mul3A_495 {strides = array<i32>} : memref<640x16xf32, #tpu.memory_space<vmem>>, vector<16xf32>,
      %slice3A_499 = vector.extract_strided_slice %get3A_334 {offsets = [4], sizes = [1], strides = [1]} : vector<16xf32> to vector<1xf32>
      %squeeze3A_500 = vector.extract %slice3A_499[0] : f32 from vector<1xf32>
      %mul3A_501 = arith.constant 16 : i32
      %mul3A_502 = arith.muli %scan3A_332, %mul3A_501 : i32
      %add3A_503 = arith.constant 4 : i32
      %add3A_504 = arith.addi %mul3A_502, %add3A_503 : i32
      %get3A_505 = arith.constant 0 : i32
      %get3A_506 = arith.index_cast %get3A_505 : i32 to index
      %get3A_507 = arith.index_cast %add3A_504 : i32 to index
      %get3A_508 = arith.constant 0 : index
      %get3A_509 = tpu.vector_load %arg11[%get3A_506, %get3A_507, %get3A_508] {strides = array<i32>} : memref<2x640x32xf32, #tpu.memory_space<vmem>>, vector<16xf32>,
      %get3A_510 = arith.constant 1 : i32
      %get3A_511 = arith.index_cast %get3A_510 : i32 to index
      %get3A_512 = arith.index_cast %add3A_504 : i32 to index
      %get3A_513 = arith.constant 0 : index
      %get3A_514 = tpu.vector_load %arg11[%get3A_511, %get3A_512, %get3A_513] {strides = array<i32>} : memref<2x640x32xf32, #tpu.memory_space<vmem>>, vector<16xf32>,
      %add3A_515 = arith.addf %get3A_509, %get3A_514 : vector<16xf32>
      %get3A_516 = arith.constant 0 : i32
      %get3A_517 = arith.index_cast %get3A_516 : i32 to index
      %get3A_518 = arith.index_cast %add3A_504 : i32 to index
      %get3A_519 = arith.constant 16 : index
      %get3A_520 = tpu.vector_load %arg11[%get3A_517, %get3A_518, %get3A_519] {strides = array<i32>} : memref<2x640x32xf32, #tpu.memory_space<vmem>>, vector<16xf32>,
      %get3A_521 = arith.constant 1 : i32
      %get3A_522 = arith.index_cast %get3A_521 : i32 to index
      %get3A_523 = arith.index_cast %add3A_504 : i32 to index
      %get3A_524 = arith.constant 16 : index
      %get3A_525 = tpu.vector_load %arg11[%get3A_522, %get3A_523, %get3A_524] {strides = array<i32>} : memref<2x640x32xf32, #tpu.memory_space<vmem>>, vector<16xf32>,
      %add3A_526 = arith.addf %get3A_520, %get3A_525 : vector<16xf32>
      %mul3A_527 = vector.broadcast %squeeze3A_500 : f32 to vector<16xf32>
      %mul3A_528 = arith.mulf %mul3A_527, %add3A_515 : vector<16xf32>
      %neg3A_529 = arith.constant 0.000000e+00 : f32
      %neg3A_530 = vector.broadcast %neg3A_529 : f32 to vector<16xf32>
      %neg3A_531 = arith.subf %neg3A_530, %mul3A_528 : vector<16xf32>
      %swap3A_532 = arith.index_cast %add3A_504 : i32 to index
      %swap3A_533 = arith.constant 0 : index
      %swap3A_534 = tpu.vector_load %arg13[%swap3A_532, %swap3A_533] {strides = array<i32>} : memref<640x16xf32, #tpu.memory_space<vmem>>, vector<16xf32>,
      tpu.vector_store %arg13[%swap3A_532, %swap3A_533], %neg3A_531 {strides = array<i32>} : memref<640x16xf32, #tpu.memory_space<vmem>>, vector<16xf32>,
      %mul3A_535 = arith.mulf %squeeze3A_500, %squeeze3A_500 : f32
      %mul3A_536 = vector.broadcast %mul3A_535 : f32 to vector<16xf32>
      %mul3A_537 = arith.mulf %mul3A_536, %add3A_526 : vector<16xf32>
      %swap3A_538 = arith.index_cast %add3A_504 : i32 to index
      %swap3A_539 = arith.constant 0 : index
      %swap3A_540 = tpu.vector_load %arg14[%swap3A_538, %swap3A_539] {strides = array<i32>} : memref<640x16xf32, #tpu.memory_space<vmem>>, vector<16xf32>,
      tpu.vector_store %arg14[%swap3A_538, %swap3A_539], %mul3A_537 {strides = array<i32>} : memref<640x16xf32, #tpu.memory_space<vmem>>, vector<16xf32>,
      %slice3A_541 = vector.extract_strided_slice %get3A_334 {offsets = [5], sizes = [1], strides = [1]} : vector<16xf32> to vector<1xf32>
      %squeeze3A_542 = vector.extract %slice3A_541[0] : f32 from vector<1xf32>
      %mul3A_543 = arith.constant 16 : i32
      %mul3A_544 = arith.muli %scan3A_332, %mul3A_543 : i32
      %add3A_545 = arith.constant 5 : i32
      %add3A_546 = arith.addi %mul3A_544, %add3A_545 : i32
      %get3A_547 = arith.constant 0 : i32
      %get3A_548 = arith.index_cast %get3A_547 : i32 to index
      %get3A_549 = arith.index_cast %add3A_546 : i32 to index
      %get3A_550 = arith.constant 0 : index
      %get3A_551 = tpu.vector_load %arg11[%get3A_548, %get3A_549, %get3A_550] {strides = array<i32>} : memref<2x640x32xf32, #tpu.memory_space<vmem>>, vector<16xf32>,
      %get3A_552 = arith.constant 1 : i32
      %get3A_553 = arith.index_cast %get3A_552 : i32 to index
      %get3A_554 = arith.index_cast %add3A_546 : i32 to index
      %get3A_555 = arith.constant 0 : index
      %get3A_556 = tpu.vector_load %arg11[%get3A_553, %get3A_554, %get3A_555] {strides = array<i32>} : memref<2x640x32xf32, #tpu.memory_space<vmem>>, vector<16xf32>,
      %add3A_557 = arith.addf %get3A_551, %get3A_556 : vector<16xf32>
      %get3A_558 = arith.constant 0 : i32
      %get3A_559 = arith.index_cast %get3A_558 : i32 to index
      %get3A_560 = arith.index_cast %add3A_546 : i32 to index
      %get3A_561 = arith.constant 16 : index
      %get3A_562 = tpu.vector_load %arg11[%get3A_559, %get3A_560, %get3A_561] {strides = array<i32>} : memref<2x640x32xf32, #tpu.memory_space<vmem>>, vector<16xf32>,
      %get3A_563 = arith.constant 1 : i32
      %get3A_564 = arith.index_cast %get3A_563 : i32 to index
      %get3A_565 = arith.index_cast %add3A_546 : i32 to index
      %get3A_566 = arith.constant 16 : index
      %get3A_567 = tpu.vector_load %arg11[%get3A_564, %get3A_565, %get3A_566] {strides = array<i32>} : memref<2x640x32xf32, #tpu.memory_space<vmem>>, vector<16xf32>,
      %add3A_568 = arith.addf %get3A_562, %get3A_567 : vector<16xf32>
      %mul3A_569 = vector.broadcast %squeeze3A_542 : f32 to vector<16xf32>
      %mul3A_570 = arith.mulf %mul3A_569, %add3A_557 : vector<16xf32>
      %neg3A_571 = arith.constant 0.000000e+00 : f32
      %neg3A_572 = vector.broadcast %neg3A_571 : f32 to vector<16xf32>
      %neg3A_573 = arith.subf %neg3A_572, %mul3A_570 : vector<16xf32>
      %swap3A_574 = arith.index_cast %add3A_546 : i32 to index
      %swap3A_575 = arith.constant 0 : index
      %swap3A_576 = tpu.vector_load %arg13[%swap3A_574, %swap3A_575] {strides = array<i32>} : memref<640x16xf32, #tpu.memory_space<vmem>>, vector<16xf32>,
      tpu.vector_store %arg13[%swap3A_574, %swap3A_575], %neg3A_573 {strides = array<i32>} : memref<640x16xf32, #tpu.memory_space<vmem>>, vector<16xf32>,
      %mul3A_577 = arith.mulf %squeeze3A_542, %squeeze3A_542 : f32
      %mul3A_578 = vector.broadcast %mul3A_577 : f32 to vector<16xf32>
      %mul3A_579 = arith.mulf %mul3A_578, %add3A_568 : vector<16xf32>
      %swap3A_580 = arith.index_cast %add3A_546 : i32 to index
      %swap3A_581 = arith.constant 0 : index
      %swap3A_582 = tpu.vector_load %arg14[%swap3A_580, %swap3A_581] {strides = array<i32>} : memref<640x16xf32, #tpu.memory_space<vmem>>, vector<16xf32>,
      tpu.vector_store %arg14[%swap3A_580, %swap3A_581], %mul3A_579 {strides = array<i32>} : memref<640x16xf32, #tpu.memory_space<vmem>>, vector<16xf32>,
      %slice3A_583 = vector.extract_strided_slice %get3A_334 {offsets = [6], sizes = [1], strides = [1]} : vector<16xf32> to vector<1xf32>
      %squeeze3A_584 = vector.extract %slice3A_583[0] : f32 from vector<1xf32>
      %mul3A_585 = arith.constant 16 : i32
      %mul3A_586 = arith.muli %scan3A_332, %mul3A_585 : i32
      %add3A_587 = arith.constant 6 : i32
      %add3A_588 = arith.addi %mul3A_586, %add3A_587 : i32
      %get3A_589 = arith.constant 0 : i32
      %get3A_590 = arith.index_cast %get3A_589 : i32 to index
      %get3A_591 = arith.index_cast %add3A_588 : i32 to index
      %get3A_592 = arith.constant 0 : index
      %get3A_593 = tpu.vector_load %arg11[%get3A_590, %get3A_591, %get3A_592] {strides = array<i32>} : memref<2x640x32xf32, #tpu.memory_space<vmem>>, vector<16xf32>,
      %get3A_594 = arith.constant 1 : i32
      %get3A_595 = arith.index_cast %get3A_594 : i32 to index
      %get3A_596 = arith.index_cast %add3A_588 : i32 to index
      %get3A_597 = arith.constant 0 : index
      %get3A_598 = tpu.vector_load %arg11[%get3A_595, %get3A_596, %get3A_597] {strides = array<i32>} : memref<2x640x32xf32, #tpu.memory_space<vmem>>, vector<16xf32>,
      %add3A_599 = arith.addf %get3A_593, %get3A_598 : vector<16xf32>
      %get3A_600 = arith.constant 0 : i32
      %get3A_601 = arith.index_cast %get3A_600 : i32 to index
      %get3A_602 = arith.index_cast %add3A_588 : i32 to index
      %get3A_603 = arith.constant 16 : index
      %get3A_604 = tpu.vector_load %arg11[%get3A_601, %get3A_602, %get3A_603] {strides = array<i32>} : memref<2x640x32xf32, #tpu.memory_space<vmem>>, vector<16xf32>,
      %get3A_605 = arith.constant 1 : i32
      %get3A_606 = arith.index_cast %get3A_605 : i32 to index
      %get3A_607 = arith.index_cast %add3A_588 : i32 to index
      %get3A_608 = arith.constant 16 : index
      %get3A_609 = tpu.vector_load %arg11[%get3A_606, %get3A_607, %get3A_608] {strides = array<i32>} : memref<2x640x32xf32, #tpu.memory_space<vmem>>, vector<16xf32>,
      %add3A_610 = arith.addf %get3A_604, %get3A_609 : vector<16xf32>
      %mul3A_611 = vector.broadcast %squeeze3A_584 : f32 to vector<16xf32>
      %mul3A_612 = arith.mulf %mul3A_611, %add3A_599 : vector<16xf32>
      %neg3A_613 = arith.constant 0.000000e+00 : f32
      %neg3A_614 = vector.broadcast %neg3A_613 : f32 to vector<16xf32>
      %neg3A_615 = arith.subf %neg3A_614, %mul3A_612 : vector<16xf32>
      %swap3A_616 = arith.index_cast %add3A_588 : i32 to index
      %swap3A_617 = arith.constant 0 : index
      %swap3A_618 = tpu.vector_load %arg13[%swap3A_616, %swap3A_617] {strides = array<i32>} : memref<640x16xf32, #tpu.memory_space<vmem>>, vector<16xf32>,
      tpu.vector_store %arg13[%swap3A_616, %swap3A_617], %neg3A_615 {strides = array<i32>} : memref<640x16xf32, #tpu.memory_space<vmem>>, vector<16xf32>,
      %mul3A_619 = arith.mulf %squeeze3A_584, %squeeze3A_584 : f32
      %mul3A_620 = vector.broadcast %mul3A_619 : f32 to vector<16xf32>
      %mul3A_621 = arith.mulf %mul3A_620, %add3A_610 : vector<16xf32>
      %swap3A_622 = arith.index_cast %add3A_588 : i32 to index
      %swap3A_623 = arith.constant 0 : index
      %swap3A_624 = tpu.vector_load %arg14[%swap3A_622, %swap3A_623] {strides = array<i32>} : memref<640x16xf32, #tpu.memory_space<vmem>>, vector<16xf32>,
      tpu.vector_store %arg14[%swap3A_622, %swap3A_623], %mul3A_621 {strides = array<i32>} : memref<640x16xf32, #tpu.memory_space<vmem>>, vector<16xf32>,
      %slice3A_625 = vector.extract_strided_slice %get3A_334 {offsets = [7], sizes = [1], strides = [1]} : vector<16xf32> to vector<1xf32>
      %squeeze3A_626 = vector.extract %slice3A_625[0] : f32 from vector<1xf32>
      %mul3A_627 = arith.constant 16 : i32
      %mul3A_628 = arith.muli %scan3A_332, %mul3A_627 : i32
      %add3A_629 = arith.constant 7 : i32
      %add3A_630 = arith.addi %mul3A_628, %add3A_629 : i32
      %get3A_631 = arith.constant 0 : i32
      %get3A_632 = arith.index_cast %get3A_631 : i32 to index
      %get3A_633 = arith.index_cast %add3A_630 : i32 to index
      %get3A_634 = arith.constant 0 : index
      %get3A_635 = tpu.vector_load %arg11[%get3A_632, %get3A_633, %get3A_634] {strides = array<i32>} : memref<2x640x32xf32, #tpu.memory_space<vmem>>, vector<16xf32>,
      %get3A_636 = arith.constant 1 : i32
      %get3A_637 = arith.index_cast %get3A_636 : i32 to index
      %get3A_638 = arith.index_cast %add3A_630 : i32 to index
      %get3A_639 = arith.constant 0 : index
      %get3A_640 = tpu.vector_load %arg11[%get3A_637, %get3A_638, %get3A_639] {strides = array<i32>} : memref<2x640x32xf32, #tpu.memory_space<vmem>>, vector<16xf32>,
      %add3A_641 = arith.addf %get3A_635, %get3A_640 : vector<16xf32>
      %get3A_642 = arith.constant 0 : i32
      %get3A_643 = arith.index_cast %get3A_642 : i32 to index
      %get3A_644 = arith.index_cast %add3A_630 : i32 to index
      %get3A_645 = arith.constant 16 : index
      %get3A_646 = tpu.vector_load %arg11[%get3A_643, %get3A_644, %get3A_645] {strides = array<i32>} : memref<2x640x32xf32, #tpu.memory_space<vmem>>, vector<16xf32>,
      %get3A_647 = arith.constant 1 : i32
      %get3A_648 = arith.index_cast %get3A_647 : i32 to index
      %get3A_649 = arith.index_cast %add3A_630 : i32 to index
      %get3A_650 = arith.constant 16 : index
      %get3A_651 = tpu.vector_load %arg11[%get3A_648, %get3A_649, %get3A_650] {strides = array<i32>} : memref<2x640x32xf32, #tpu.memory_space<vmem>>, vector<16xf32>,
      %add3A_652 = arith.addf %get3A_646, %get3A_651 : vector<16xf32>
      %mul3A_653 = vector.broadcast %squeeze3A_626 : f32 to vector<16xf32>
      %mul3A_654 = arith.mulf %mul3A_653, %add3A_641 : vector<16xf32>
      %neg3A_655 = arith.constant 0.000000e+00 : f32
      %neg3A_656 = vector.broadcast %neg3A_655 : f32 to vector<16xf32>
      %neg3A_657 = arith.subf %neg3A_656, %mul3A_654 : vector<16xf32>
      %swap3A_658 = arith.index_cast %add3A_630 : i32 to index
      %swap3A_659 = arith.constant 0 : index
      %swap3A_660 = tpu.vector_load %arg13[%swap3A_658, %swap3A_659] {strides = array<i32>} : memref<640x16xf32, #tpu.memory_space<vmem>>, vector<16xf32>,
      tpu.vector_store %arg13[%swap3A_658, %swap3A_659], %neg3A_657 {strides = array<i32>} : memref<640x16xf32, #tpu.memory_space<vmem>>, vector<16xf32>,
      %mul3A_661 = arith.mulf %squeeze3A_626, %squeeze3A_626 : f32
      %mul3A_662 = vector.broadcast %mul3A_661 : f32 to vector<16xf32>
      %mul3A_663 = arith.mulf %mul3A_662, %add3A_652 : vector<16xf32>
      %swap3A_664 = arith.index_cast %add3A_630 : i32 to index
      %swap3A_665 = arith.constant 0 : index
      %swap3A_666 = tpu.vector_load %arg14[%swap3A_664, %swap3A_665] {strides = array<i32>} : memref<640x16xf32, #tpu.memory_space<vmem>>, vector<16xf32>,
      tpu.vector_store %arg14[%swap3A_664, %swap3A_665], %mul3A_663 {strides = array<i32>} : memref<640x16xf32, #tpu.memory_space<vmem>>, vector<16xf32>,
      %slice3A_667 = vector.extract_strided_slice %get3A_334 {offsets = [8], sizes = [1], strides = [1]} : vector<16xf32> to vector<1xf32>
      %squeeze3A_668 = vector.extract %slice3A_667[0] : f32 from vector<1xf32>
      %mul3A_669 = arith.constant 16 : i32
      %mul3A_670 = arith.muli %scan3A_332, %mul3A_669 : i32
      %add3A_671 = arith.constant 8 : i32
      %add3A_672 = arith.addi %mul3A_670, %add3A_671 : i32
      %get3A_673 = arith.constant 0 : i32
      %get3A_674 = arith.index_cast %get3A_673 : i32 to index
      %get3A_675 = arith.index_cast %add3A_672 : i32 to index
      %get3A_676 = arith.constant 0 : index
      %get3A_677 = tpu.vector_load %arg11[%get3A_674, %get3A_675, %get3A_676] {strides = array<i32>} : memref<2x640x32xf32, #tpu.memory_space<vmem>>, vector<16xf32>,
      %get3A_678 = arith.constant 1 : i32
      %get3A_679 = arith.index_cast %get3A_678 : i32 to index
      %get3A_680 = arith.index_cast %add3A_672 : i32 to index
      %get3A_681 = arith.constant 0 : index
      %get3A_682 = tpu.vector_load %arg11[%get3A_679, %get3A_680, %get3A_681] {strides = array<i32>} : memref<2x640x32xf32, #tpu.memory_space<vmem>>, vector<16xf32>,
      %add3A_683 = arith.addf %get3A_677, %get3A_682 : vector<16xf32>
      %get3A_684 = arith.constant 0 : i32
      %get3A_685 = arith.index_cast %get3A_684 : i32 to index
      %get3A_686 = arith.index_cast %add3A_672 : i32 to index
      %get3A_687 = arith.constant 16 : index
      %get3A_688 = tpu.vector_load %arg11[%get3A_685, %get3A_686, %get3A_687] {strides = array<i32>} : memref<2x640x32xf32, #tpu.memory_space<vmem>>, vector<16xf32>,
      %get3A_689 = arith.constant 1 : i32
      %get3A_690 = arith.index_cast %get3A_689 : i32 to index
      %get3A_691 = arith.index_cast %add3A_672 : i32 to index
      %get3A_692 = arith.constant 16 : index
      %get3A_693 = tpu.vector_load %arg11[%get3A_690, %get3A_691, %get3A_692] {strides = array<i32>} : memref<2x640x32xf32, #tpu.memory_space<vmem>>, vector<16xf32>,
      %add3A_694 = arith.addf %get3A_688, %get3A_693 : vector<16xf32>
      %mul3A_695 = vector.broadcast %squeeze3A_668 : f32 to vector<16xf32>
      %mul3A_696 = arith.mulf %mul3A_695, %add3A_683 : vector<16xf32>
      %neg3A_697 = arith.constant 0.000000e+00 : f32
      %neg3A_698 = vector.broadcast %neg3A_697 : f32 to vector<16xf32>
      %neg3A_699 = arith.subf %neg3A_698, %mul3A_696 : vector<16xf32>
      %swap3A_700 = arith.index_cast %add3A_672 : i32 to index
      %swap3A_701 = arith.constant 0 : index
      %swap3A_702 = tpu.vector_load %arg13[%swap3A_700, %swap3A_701] {strides = array<i32>} : memref<640x16xf32, #tpu.memory_space<vmem>>, vector<16xf32>,
      tpu.vector_store %arg13[%swap3A_700, %swap3A_701], %neg3A_699 {strides = array<i32>} : memref<640x16xf32, #tpu.memory_space<vmem>>, vector<16xf32>,
      %mul3A_703 = arith.mulf %squeeze3A_668, %squeeze3A_668 : f32
      %mul3A_704 = vector.broadcast %mul3A_703 : f32 to vector<16xf32>
      %mul3A_705 = arith.mulf %mul3A_704, %add3A_694 : vector<16xf32>
      %swap3A_706 = arith.index_cast %add3A_672 : i32 to index
      %swap3A_707 = arith.constant 0 : index
      %swap3A_708 = tpu.vector_load %arg14[%swap3A_706, %swap3A_707] {strides = array<i32>} : memref<640x16xf32, #tpu.memory_space<vmem>>, vector<16xf32>,
      tpu.vector_store %arg14[%swap3A_706, %swap3A_707], %mul3A_705 {strides = array<i32>} : memref<640x16xf32, #tpu.memory_space<vmem>>, vector<16xf32>,
      %slice3A_709 = vector.extract_strided_slice %get3A_334 {offsets = [9], sizes = [1], strides = [1]} : vector<16xf32> to vector<1xf32>
      %squeeze3A_710 = vector.extract %slice3A_709[0] : f32 from vector<1xf32>
      %mul3A_711 = arith.constant 16 : i32
      %mul3A_712 = arith.muli %scan3A_332, %mul3A_711 : i32
      %add3A_713 = arith.constant 9 : i32
      %add3A_714 = arith.addi %mul3A_712, %add3A_713 : i32
      %get3A_715 = arith.constant 0 : i32
      %get3A_716 = arith.index_cast %get3A_715 : i32 to index
      %get3A_717 = arith.index_cast %add3A_714 : i32 to index
      %get3A_718 = arith.constant 0 : index
      %get3A_719 = tpu.vector_load %arg11[%get3A_716, %get3A_717, %get3A_718] {strides = array<i32>} : memref<2x640x32xf32, #tpu.memory_space<vmem>>, vector<16xf32>,
      %get3A_720 = arith.constant 1 : i32
      %get3A_721 = arith.index_cast %get3A_720 : i32 to index
      %get3A_722 = arith.index_cast %add3A_714 : i32 to index
      %get3A_723 = arith.constant 0 : index
      %get3A_724 = tpu.vector_load %arg11[%get3A_721, %get3A_722, %get3A_723] {strides = array<i32>} : memref<2x640x32xf32, #tpu.memory_space<vmem>>, vector<16xf32>,
      %add3A_725 = arith.addf %get3A_719, %get3A_724 : vector<16xf32>
      %get3A_726 = arith.constant 0 : i32
      %get3A_727 = arith.index_cast %get3A_726 : i32 to index
      %get3A_728 = arith.index_cast %add3A_714 : i32 to index
      %get3A_729 = arith.constant 16 : index
      %get3A_730 = tpu.vector_load %arg11[%get3A_727, %get3A_728, %get3A_729] {strides = array<i32>} : memref<2x640x32xf32, #tpu.memory_space<vmem>>, vector<16xf32>,
      %get3A_731 = arith.constant 1 : i32
      %get3A_732 = arith.index_cast %get3A_731 : i32 to index
      %get3A_733 = arith.index_cast %add3A_714 : i32 to index
      %get3A_734 = arith.constant 16 : index
      %get3A_735 = tpu.vector_load %arg11[%get3A_732, %get3A_733, %get3A_734] {strides = array<i32>} : memref<2x640x32xf32, #tpu.memory_space<vmem>>, vector<16xf32>,
      %add3A_736 = arith.addf %get3A_730, %get3A_735 : vector<16xf32>
      %mul3A_737 = vector.broadcast %squeeze3A_710 : f32 to vector<16xf32>
      %mul3A_738 = arith.mulf %mul3A_737, %add3A_725 : vector<16xf32>
      %neg3A_739 = arith.constant 0.000000e+00 : f32
      %neg3A_740 = vector.broadcast %neg3A_739 : f32 to vector<16xf32>
      %neg3A_741 = arith.subf %neg3A_740, %mul3A_738 : vector<16xf32>
      %swap3A_742 = arith.index_cast %add3A_714 : i32 to index
      %swap3A_743 = arith.constant 0 : index
      %swap3A_744 = tpu.vector_load %arg13[%swap3A_742, %swap3A_743] {strides = array<i32>} : memref<640x16xf32, #tpu.memory_space<vmem>>, vector<16xf32>,
      tpu.vector_store %arg13[%swap3A_742, %swap3A_743], %neg3A_741 {strides = array<i32>} : memref<640x16xf32, #tpu.memory_space<vmem>>, vector<16xf32>,
      %mul3A_745 = arith.mulf %squeeze3A_710, %squeeze3A_710 : f32
      %mul3A_746 = vector.broadcast %mul3A_745 : f32 to vector<16xf32>
      %mul3A_747 = arith.mulf %mul3A_746, %add3A_736 : vector<16xf32>
      %swap3A_748 = arith.index_cast %add3A_714 : i32 to index
      %swap3A_749 = arith.constant 0 : index
      %swap3A_750 = tpu.vector_load %arg14[%swap3A_748, %swap3A_749] {strides = array<i32>} : memref<640x16xf32, #tpu.memory_space<vmem>>, vector<16xf32>,
      tpu.vector_store %arg14[%swap3A_748, %swap3A_749], %mul3A_747 {strides = array<i32>} : memref<640x16xf32, #tpu.memory_space<vmem>>, vector<16xf32>,
      %slice3A_751 = vector.extract_strided_slice %get3A_334 {offsets = [10], sizes = [1], strides = [1]} : vector<16xf32> to vector<1xf32>
      %squeeze3A_752 = vector.extract %slice3A_751[0] : f32 from vector<1xf32>
      %mul3A_753 = arith.constant 16 : i32
      %mul3A_754 = arith.muli %scan3A_332, %mul3A_753 : i32
      %add3A_755 = arith.constant 10 : i32
      %add3A_756 = arith.addi %mul3A_754, %add3A_755 : i32
      %get3A_757 = arith.constant 0 : i32
      %get3A_758 = arith.index_cast %get3A_757 : i32 to index
      %get3A_759 = arith.index_cast %add3A_756 : i32 to index
      %get3A_760 = arith.constant 0 : index
      %get3A_761 = tpu.vector_load %arg11[%get3A_758, %get3A_759, %get3A_760] {strides = array<i32>} : memref<2x640x32xf32, #tpu.memory_space<vmem>>, vector<16xf32>,
      %get3A_762 = arith.constant 1 : i32
      %get3A_763 = arith.index_cast %get3A_762 : i32 to index
      %get3A_764 = arith.index_cast %add3A_756 : i32 to index
      %get3A_765 = arith.constant 0 : index
      %get3A_766 = tpu.vector_load %arg11[%get3A_763, %get3A_764, %get3A_765] {strides = array<i32>} : memref<2x640x32xf32, #tpu.memory_space<vmem>>, vector<16xf32>,
      %add3A_767 = arith.addf %get3A_761, %get3A_766 : vector<16xf32>
      %get3A_768 = arith.constant 0 : i32
      %get3A_769 = arith.index_cast %get3A_768 : i32 to index
      %get3A_770 = arith.index_cast %add3A_756 : i32 to index
      %get3A_771 = arith.constant 16 : index
      %get3A_772 = tpu.vector_load %arg11[%get3A_769, %get3A_770, %get3A_771] {strides = array<i32>} : memref<2x640x32xf32, #tpu.memory_space<vmem>>, vector<16xf32>,
      %get3A_773 = arith.constant 1 : i32
      %get3A_774 = arith.index_cast %get3A_773 : i32 to index
      %get3A_775 = arith.index_cast %add3A_756 : i32 to index
      %get3A_776 = arith.constant 16 : index
      %get3A_777 = tpu.vector_load %arg11[%get3A_774, %get3A_775, %get3A_776] {strides = array<i32>} : memref<2x640x32xf32, #tpu.memory_space<vmem>>, vector<16xf32>,
      %add3A_778 = arith.addf %get3A_772, %get3A_777 : vector<16xf32>
      %mul3A_779 = vector.broadcast %squeeze3A_752 : f32 to vector<16xf32>
      %mul3A_780 = arith.mulf %mul3A_779, %add3A_767 : vector<16xf32>
      %neg3A_781 = arith.constant 0.000000e+00 : f32
      %neg3A_782 = vector.broadcast %neg3A_781 : f32 to vector<16xf32>
      %neg3A_783 = arith.subf %neg3A_782, %mul3A_780 : vector<16xf32>
      %swap3A_784 = arith.index_cast %add3A_756 : i32 to index
      %swap3A_785 = arith.constant 0 : index
      %swap3A_786 = tpu.vector_load %arg13[%swap3A_784, %swap3A_785] {strides = array<i32>} : memref<640x16xf32, #tpu.memory_space<vmem>>, vector<16xf32>,
      tpu.vector_store %arg13[%swap3A_784, %swap3A_785], %neg3A_783 {strides = array<i32>} : memref<640x16xf32, #tpu.memory_space<vmem>>, vector<16xf32>,
      %mul3A_787 = arith.mulf %squeeze3A_752, %squeeze3A_752 : f32
      %mul3A_788 = vector.broadcast %mul3A_787 : f32 to vector<16xf32>
      %mul3A_789 = arith.mulf %mul3A_788, %add3A_778 : vector<16xf32>
      %swap3A_790 = arith.index_cast %add3A_756 : i32 to index
      %swap3A_791 = arith.constant 0 : index
      %swap3A_792 = tpu.vector_load %arg14[%swap3A_790, %swap3A_791] {strides = array<i32>} : memref<640x16xf32, #tpu.memory_space<vmem>>, vector<16xf32>,
      tpu.vector_store %arg14[%swap3A_790, %swap3A_791], %mul3A_789 {strides = array<i32>} : memref<640x16xf32, #tpu.memory_space<vmem>>, vector<16xf32>,
      %slice3A_793 = vector.extract_strided_slice %get3A_334 {offsets = [11], sizes = [1], strides = [1]} : vector<16xf32> to vector<1xf32>
      %squeeze3A_794 = vector.extract %slice3A_793[0] : f32 from vector<1xf32>
      %mul3A_795 = arith.constant 16 : i32
      %mul3A_796 = arith.muli %scan3A_332, %mul3A_795 : i32
      %add3A_797 = arith.constant 11 : i32
      %add3A_798 = arith.addi %mul3A_796, %add3A_797 : i32
      %get3A_799 = arith.constant 0 : i32
      %get3A_800 = arith.index_cast %get3A_799 : i32 to index
      %get3A_801 = arith.index_cast %add3A_798 : i32 to index
      %get3A_802 = arith.constant 0 : index
      %get3A_803 = tpu.vector_load %arg11[%get3A_800, %get3A_801, %get3A_802] {strides = array<i32>} : memref<2x640x32xf32, #tpu.memory_space<vmem>>, vector<16xf32>,
      %get3A_804 = arith.constant 1 : i32
      %get3A_805 = arith.index_cast %get3A_804 : i32 to index
      %get3A_806 = arith.index_cast %add3A_798 : i32 to index
      %get3A_807 = arith.constant 0 : index
      %get3A_808 = tpu.vector_load %arg11[%get3A_805, %get3A_806, %get3A_807] {strides = array<i32>} : memref<2x640x32xf32, #tpu.memory_space<vmem>>, vector<16xf32>,
      %add3A_809 = arith.addf %get3A_803, %get3A_808 : vector<16xf32>
      %get3A_810 = arith.constant 0 : i32
      %get3A_811 = arith.index_cast %get3A_810 : i32 to index
      %get3A_812 = arith.index_cast %add3A_798 : i32 to index
      %get3A_813 = arith.constant 16 : index
      %get3A_814 = tpu.vector_load %arg11[%get3A_811, %get3A_812, %get3A_813] {strides = array<i32>} : memref<2x640x32xf32, #tpu.memory_space<vmem>>, vector<16xf32>,
      %get3A_815 = arith.constant 1 : i32
      %get3A_816 = arith.index_cast %get3A_815 : i32 to index
      %get3A_817 = arith.index_cast %add3A_798 : i32 to index
      %get3A_818 = arith.constant 16 : index
      %get3A_819 = tpu.vector_load %arg11[%get3A_816, %get3A_817, %get3A_818] {strides = array<i32>} : memref<2x640x32xf32, #tpu.memory_space<vmem>>, vector<16xf32>,
      %add3A_820 = arith.addf %get3A_814, %get3A_819 : vector<16xf32>
      %mul3A_821 = vector.broadcast %squeeze3A_794 : f32 to vector<16xf32>
      %mul3A_822 = arith.mulf %mul3A_821, %add3A_809 : vector<16xf32>
      %neg3A_823 = arith.constant 0.000000e+00 : f32
      %neg3A_824 = vector.broadcast %neg3A_823 : f32 to vector<16xf32>
      %neg3A_825 = arith.subf %neg3A_824, %mul3A_822 : vector<16xf32>
      %swap3A_826 = arith.index_cast %add3A_798 : i32 to index
      %swap3A_827 = arith.constant 0 : index
      %swap3A_828 = tpu.vector_load %arg13[%swap3A_826, %swap3A_827] {strides = array<i32>} : memref<640x16xf32, #tpu.memory_space<vmem>>, vector<16xf32>,
      tpu.vector_store %arg13[%swap3A_826, %swap3A_827], %neg3A_825 {strides = array<i32>} : memref<640x16xf32, #tpu.memory_space<vmem>>, vector<16xf32>,
      %mul3A_829 = arith.mulf %squeeze3A_794, %squeeze3A_794 : f32
      %mul3A_830 = vector.broadcast %mul3A_829 : f32 to vector<16xf32>
      %mul3A_831 = arith.mulf %mul3A_830, %add3A_820 : vector<16xf32>
      %swap3A_832 = arith.index_cast %add3A_798 : i32 to index
      %swap3A_833 = arith.constant 0 : index
      %swap3A_834 = tpu.vector_load %arg14[%swap3A_832, %swap3A_833] {strides = array<i32>} : memref<640x16xf32, #tpu.memory_space<vmem>>, vector<16xf32>,
      tpu.vector_store %arg14[%swap3A_832, %swap3A_833], %mul3A_831 {strides = array<i32>} : memref<640x16xf32, #tpu.memory_space<vmem>>, vector<16xf32>,
      %slice3A_835 = vector.extract_strided_slice %get3A_334 {offsets = [12], sizes = [1], strides = [1]} : vector<16xf32> to vector<1xf32>
      %squeeze3A_836 = vector.extract %slice3A_835[0] : f32 from vector<1xf32>
      %mul3A_837 = arith.constant 16 : i32
      %mul3A_838 = arith.muli %scan3A_332, %mul3A_837 : i32
      %add3A_839 = arith.constant 12 : i32
      %add3A_840 = arith.addi %mul3A_838, %add3A_839 : i32
      %get3A_841 = arith.constant 0 : i32
      %get3A_842 = arith.index_cast %get3A_841 : i32 to index
      %get3A_843 = arith.index_cast %add3A_840 : i32 to index
      %get3A_844 = arith.constant 0 : index
      %get3A_845 = tpu.vector_load %arg11[%get3A_842, %get3A_843, %get3A_844] {strides = array<i32>} : memref<2x640x32xf32, #tpu.memory_space<vmem>>, vector<16xf32>,
      %get3A_846 = arith.constant 1 : i32
      %get3A_847 = arith.index_cast %get3A_846 : i32 to index
      %get3A_848 = arith.index_cast %add3A_840 : i32 to index
      %get3A_849 = arith.constant 0 : index
      %get3A_850 = tpu.vector_load %arg11[%get3A_847, %get3A_848, %get3A_849] {strides = array<i32>} : memref<2x640x32xf32, #tpu.memory_space<vmem>>, vector<16xf32>,
      %add3A_851 = arith.addf %get3A_845, %get3A_850 : vector<16xf32>
      %get3A_852 = arith.constant 0 : i32
      %get3A_853 = arith.index_cast %get3A_852 : i32 to index
      %get3A_854 = arith.index_cast %add3A_840 : i32 to index
      %get3A_855 = arith.constant 16 : index
      %get3A_856 = tpu.vector_load %arg11[%get3A_853, %get3A_854, %get3A_855] {strides = array<i32>} : memref<2x640x32xf32, #tpu.memory_space<vmem>>, vector<16xf32>,
      %get3A_857 = arith.constant 1 : i32
      %get3A_858 = arith.index_cast %get3A_857 : i32 to index
      %get3A_859 = arith.index_cast %add3A_840 : i32 to index
      %get3A_860 = arith.constant 16 : index
      %get3A_861 = tpu.vector_load %arg11[%get3A_858, %get3A_859, %get3A_860] {strides = array<i32>} : memref<2x640x32xf32, #tpu.memory_space<vmem>>, vector<16xf32>,
      %add3A_862 = arith.addf %get3A_856, %get3A_861 : vector<16xf32>
      %mul3A_863 = vector.broadcast %squeeze3A_836 : f32 to vector<16xf32>
      %mul3A_864 = arith.mulf %mul3A_863, %add3A_851 : vector<16xf32>
      %neg3A_865 = arith.constant 0.000000e+00 : f32
      %neg3A_866 = vector.broadcast %neg3A_865 : f32 to vector<16xf32>
      %neg3A_867 = arith.subf %neg3A_866, %mul3A_864 : vector<16xf32>
      %swap3A_868 = arith.index_cast %add3A_840 : i32 to index
      %swap3A_869 = arith.constant 0 : index
      %swap3A_870 = tpu.vector_load %arg13[%swap3A_868, %swap3A_869] {strides = array<i32>} : memref<640x16xf32, #tpu.memory_space<vmem>>, vector<16xf32>,
      tpu.vector_store %arg13[%swap3A_868, %swap3A_869], %neg3A_867 {strides = array<i32>} : memref<640x16xf32, #tpu.memory_space<vmem>>, vector<16xf32>,
      %mul3A_871 = arith.mulf %squeeze3A_836, %squeeze3A_836 : f32
      %mul3A_872 = vector.broadcast %mul3A_871 : f32 to vector<16xf32>
      %mul3A_873 = arith.mulf %mul3A_872, %add3A_862 : vector<16xf32>
      %swap3A_874 = arith.index_cast %add3A_840 : i32 to index
      %swap3A_875 = arith.constant 0 : index
      %swap3A_876 = tpu.vector_load %arg14[%swap3A_874, %swap3A_875] {strides = array<i32>} : memref<640x16xf32, #tpu.memory_space<vmem>>, vector<16xf32>,
      tpu.vector_store %arg14[%swap3A_874, %swap3A_875], %mul3A_873 {strides = array<i32>} : memref<640x16xf32, #tpu.memory_space<vmem>>, vector<16xf32>,
      %slice3A_877 = vector.extract_strided_slice %get3A_334 {offsets = [13], sizes = [1], strides = [1]} : vector<16xf32> to vector<1xf32>
      %squeeze3A_878 = vector.extract %slice3A_877[0] : f32 from vector<1xf32>
      %mul3A_879 = arith.constant 16 : i32
      %mul3A_880 = arith.muli %scan3A_332, %mul3A_879 : i32
      %add3A_881 = arith.constant 13 : i32
      %add3A_882 = arith.addi %mul3A_880, %add3A_881 : i32
      %get3A_883 = arith.constant 0 : i32
      %get3A_884 = arith.index_cast %get3A_883 : i32 to index
      %get3A_885 = arith.index_cast %add3A_882 : i32 to index
      %get3A_886 = arith.constant 0 : index
      %get3A_887 = tpu.vector_load %arg11[%get3A_884, %get3A_885, %get3A_886] {strides = array<i32>} : memref<2x640x32xf32, #tpu.memory_space<vmem>>, vector<16xf32>,
      %get3A_888 = arith.constant 1 : i32
      %get3A_889 = arith.index_cast %get3A_888 : i32 to index
      %get3A_890 = arith.index_cast %add3A_882 : i32 to index
      %get3A_891 = arith.constant 0 : index
      %get3A_892 = tpu.vector_load %arg11[%get3A_889, %get3A_890, %get3A_891] {strides = array<i32>} : memref<2x640x32xf32, #tpu.memory_space<vmem>>, vector<16xf32>,
      %add3A_893 = arith.addf %get3A_887, %get3A_892 : vector<16xf32>
      %get3A_894 = arith.constant 0 : i32
      %get3A_895 = arith.index_cast %get3A_894 : i32 to index
      %get3A_896 = arith.index_cast %add3A_882 : i32 to index
      %get3A_897 = arith.constant 16 : index
      %get3A_898 = tpu.vector_load %arg11[%get3A_895, %get3A_896, %get3A_897] {strides = array<i32>} : memref<2x640x32xf32, #tpu.memory_space<vmem>>, vector<16xf32>,
      %get3A_899 = arith.constant 1 : i32
      %get3A_900 = arith.index_cast %get3A_899 : i32 to index
      %get3A_901 = arith.index_cast %add3A_882 : i32 to index
      %get3A_902 = arith.constant 16 : index
      %get3A_903 = tpu.vector_load %arg11[%get3A_900, %get3A_901, %get3A_902] {strides = array<i32>} : memref<2x640x32xf32, #tpu.memory_space<vmem>>, vector<16xf32>,
      %add3A_904 = arith.addf %get3A_898, %get3A_903 : vector<16xf32>
      %mul3A_905 = vector.broadcast %squeeze3A_878 : f32 to vector<16xf32>
      %mul3A_906 = arith.mulf %mul3A_905, %add3A_893 : vector<16xf32>
      %neg3A_907 = arith.constant 0.000000e+00 : f32
      %neg3A_908 = vector.broadcast %neg3A_907 : f32 to vector<16xf32>
      %neg3A_909 = arith.subf %neg3A_908, %mul3A_906 : vector<16xf32>
      %swap3A_910 = arith.index_cast %add3A_882 : i32 to index
      %swap3A_911 = arith.constant 0 : index
      %swap3A_912 = tpu.vector_load %arg13[%swap3A_910, %swap3A_911] {strides = array<i32>} : memref<640x16xf32, #tpu.memory_space<vmem>>, vector<16xf32>,
      tpu.vector_store %arg13[%swap3A_910, %swap3A_911], %neg3A_909 {strides = array<i32>} : memref<640x16xf32, #tpu.memory_space<vmem>>, vector<16xf32>,
      %mul3A_913 = arith.mulf %squeeze3A_878, %squeeze3A_878 : f32
      %mul3A_914 = vector.broadcast %mul3A_913 : f32 to vector<16xf32>
      %mul3A_915 = arith.mulf %mul3A_914, %add3A_904 : vector<16xf32>
      %swap3A_916 = arith.index_cast %add3A_882 : i32 to index
      %swap3A_917 = arith.constant 0 : index
      %swap3A_918 = tpu.vector_load %arg14[%swap3A_916, %swap3A_917] {strides = array<i32>} : memref<640x16xf32, #tpu.memory_space<vmem>>, vector<16xf32>,
      tpu.vector_store %arg14[%swap3A_916, %swap3A_917], %mul3A_915 {strides = array<i32>} : memref<640x16xf32, #tpu.memory_space<vmem>>, vector<16xf32>,
      %slice3A_919 = vector.extract_strided_slice %get3A_334 {offsets = [14], sizes = [1], strides = [1]} : vector<16xf32> to vector<1xf32>
      %squeeze3A_920 = vector.extract %slice3A_919[0] : f32 from vector<1xf32>
      %mul3A_921 = arith.constant 16 : i32
      %mul3A_922 = arith.muli %scan3A_332, %mul3A_921 : i32
      %add3A_923 = arith.constant 14 : i32
      %add3A_924 = arith.addi %mul3A_922, %add3A_923 : i32
      %get3A_925 = arith.constant 0 : i32
      %get3A_926 = arith.index_cast %get3A_925 : i32 to index
      %get3A_927 = arith.index_cast %add3A_924 : i32 to index
      %get3A_928 = arith.constant 0 : index
      %get3A_929 = tpu.vector_load %arg11[%get3A_926, %get3A_927, %get3A_928] {strides = array<i32>} : memref<2x640x32xf32, #tpu.memory_space<vmem>>, vector<16xf32>,
      %get3A_930 = arith.constant 1 : i32
      %get3A_931 = arith.index_cast %get3A_930 : i32 to index
      %get3A_932 = arith.index_cast %add3A_924 : i32 to index
      %get3A_933 = arith.constant 0 : index
      %get3A_934 = tpu.vector_load %arg11[%get3A_931, %get3A_932, %get3A_933] {strides = array<i32>} : memref<2x640x32xf32, #tpu.memory_space<vmem>>, vector<16xf32>,
      %add3A_935 = arith.addf %get3A_929, %get3A_934 : vector<16xf32>
      %get3A_936 = arith.constant 0 : i32
      %get3A_937 = arith.index_cast %get3A_936 : i32 to index
      %get3A_938 = arith.index_cast %add3A_924 : i32 to index
      %get3A_939 = arith.constant 16 : index
      %get3A_940 = tpu.vector_load %arg11[%get3A_937, %get3A_938, %get3A_939] {strides = array<i32>} : memref<2x640x32xf32, #tpu.memory_space<vmem>>, vector<16xf32>,
      %get3A_941 = arith.constant 1 : i32
      %get3A_942 = arith.index_cast %get3A_941 : i32 to index
      %get3A_943 = arith.index_cast %add3A_924 : i32 to index
      %get3A_944 = arith.constant 16 : index
      %get3A_945 = tpu.vector_load %arg11[%get3A_942, %get3A_943, %get3A_944] {strides = array<i32>} : memref<2x640x32xf32, #tpu.memory_space<vmem>>, vector<16xf32>,
      %add3A_946 = arith.addf %get3A_940, %get3A_945 : vector<16xf32>
      %mul3A_947 = vector.broadcast %squeeze3A_920 : f32 to vector<16xf32>
      %mul3A_948 = arith.mulf %mul3A_947, %add3A_935 : vector<16xf32>
      %neg3A_949 = arith.constant 0.000000e+00 : f32
      %neg3A_950 = vector.broadcast %neg3A_949 : f32 to vector<16xf32>
      %neg3A_951 = arith.subf %neg3A_950, %mul3A_948 : vector<16xf32>
      %swap3A_952 = arith.index_cast %add3A_924 : i32 to index
      %swap3A_953 = arith.constant 0 : index
      %swap3A_954 = tpu.vector_load %arg13[%swap3A_952, %swap3A_953] {strides = array<i32>} : memref<640x16xf32, #tpu.memory_space<vmem>>, vector<16xf32>,
      tpu.vector_store %arg13[%swap3A_952, %swap3A_953], %neg3A_951 {strides = array<i32>} : memref<640x16xf32, #tpu.memory_space<vmem>>, vector<16xf32>,
      %mul3A_955 = arith.mulf %squeeze3A_920, %squeeze3A_920 : f32
      %mul3A_956 = vector.broadcast %mul3A_955 : f32 to vector<16xf32>
      %mul3A_957 = arith.mulf %mul3A_956, %add3A_946 : vector<16xf32>
      %swap3A_958 = arith.index_cast %add3A_924 : i32 to index
      %swap3A_959 = arith.constant 0 : index
      %swap3A_960 = tpu.vector_load %arg14[%swap3A_958, %swap3A_959] {strides = array<i32>} : memref<640x16xf32, #tpu.memory_space<vmem>>, vector<16xf32>,
      tpu.vector_store %arg14[%swap3A_958, %swap3A_959], %mul3A_957 {strides = array<i32>} : memref<640x16xf32, #tpu.memory_space<vmem>>, vector<16xf32>,
      %slice3A_961 = vector.extract_strided_slice %get3A_334 {offsets = [15], sizes = [1], strides = [1]} : vector<16xf32> to vector<1xf32>
      %squeeze3A_962 = vector.extract %slice3A_961[0] : f32 from vector<1xf32>
      %mul3A_963 = arith.constant 16 : i32
      %mul3A_964 = arith.muli %scan3A_332, %mul3A_963 : i32
      %add3A_965 = arith.constant 15 : i32
      %add3A_966 = arith.addi %mul3A_964, %add3A_965 : i32
      %get3A_967 = arith.constant 0 : i32
      %get3A_968 = arith.index_cast %get3A_967 : i32 to index
      %get3A_969 = arith.index_cast %add3A_966 : i32 to index
      %get3A_970 = arith.constant 0 : index
      %get3A_971 = tpu.vector_load %arg11[%get3A_968, %get3A_969, %get3A_970] {strides = array<i32>} : memref<2x640x32xf32, #tpu.memory_space<vmem>>, vector<16xf32>,
      %get3A_972 = arith.constant 1 : i32
      %get3A_973 = arith.index_cast %get3A_972 : i32 to index
      %get3A_974 = arith.index_cast %add3A_966 : i32 to index
      %get3A_975 = arith.constant 0 : index
      %get3A_976 = tpu.vector_load %arg11[%get3A_973, %get3A_974, %get3A_975] {strides = array<i32>} : memref<2x640x32xf32, #tpu.memory_space<vmem>>, vector<16xf32>,
      %add3A_977 = arith.addf %get3A_971, %get3A_976 : vector<16xf32>
      %get3A_978 = arith.constant 0 : i32
      %get3A_979 = arith.index_cast %get3A_978 : i32 to index
      %get3A_980 = arith.index_cast %add3A_966 : i32 to index
      %get3A_981 = arith.constant 16 : index
      %get3A_982 = tpu.vector_load %arg11[%get3A_979, %get3A_980, %get3A_981] {strides = array<i32>} : memref<2x640x32xf32, #tpu.memory_space<vmem>>, vector<16xf32>,
      %get3A_983 = arith.constant 1 : i32
      %get3A_984 = arith.index_cast %get3A_983 : i32 to index
      %get3A_985 = arith.index_cast %add3A_966 : i32 to index
      %get3A_986 = arith.constant 16 : index
      %get3A_987 = tpu.vector_load %arg11[%get3A_984, %get3A_985, %get3A_986] {strides = array<i32>} : memref<2x640x32xf32, #tpu.memory_space<vmem>>, vector<16xf32>,
      %add3A_988 = arith.addf %get3A_982, %get3A_987 : vector<16xf32>
      %mul3A_989 = vector.broadcast %squeeze3A_962 : f32 to vector<16xf32>
      %mul3A_990 = arith.mulf %mul3A_989, %add3A_977 : vector<16xf32>
      %neg3A_991 = arith.constant 0.000000e+00 : f32
      %neg3A_992 = vector.broadcast %neg3A_991 : f32 to vector<16xf32>
      %neg3A_993 = arith.subf %neg3A_992, %mul3A_990 : vector<16xf32>
      %swap3A_994 = arith.index_cast %add3A_966 : i32 to index
      %swap3A_995 = arith.constant 0 : index
      %swap3A_996 = tpu.vector_load %arg13[%swap3A_994, %swap3A_995] {strides = array<i32>} : memref<640x16xf32, #tpu.memory_space<vmem>>, vector<16xf32>,
      tpu.vector_store %arg13[%swap3A_994, %swap3A_995], %neg3A_993 {strides = array<i32>} : memref<640x16xf32, #tpu.memory_space<vmem>>, vector<16xf32>,
      %mul3A_997 = arith.mulf %squeeze3A_962, %squeeze3A_962 : f32
      %mul3A_998 = vector.broadcast %mul3A_997 : f32 to vector<16xf32>
      %mul3A_999 = arith.mulf %mul3A_998, %add3A_988 : vector<16xf32>
      %swap3A_1000 = arith.index_cast %add3A_966 : i32 to index
      %swap3A_1001 = arith.constant 0 : index
      %swap3A_1002 = tpu.vector_load %arg14[%swap3A_1000, %swap3A_1001] {strides = array<i32>} : memref<640x16xf32, #tpu.memory_space<vmem>>, vector<16xf32>,
      tpu.vector_store %arg14[%swap3A_1000, %swap3A_1001], %mul3A_999 {strides = array<i32>} : memref<640x16xf32, #tpu.memory_space<vmem>>, vector<16xf32>,
    }
    %scan3A_111 = arith.constant 40 : i32
    "tpu.region"() ({
      %run_scoped3A = tpu.sem_alloc : memref<!tpu.dma_semaphore, #tpu.memory_space<semaphore_mem>>
      %dma_start3A_332 = arith.constant 0 : i32
      %dma_start3A_333 = tpu.memref_slice %arg16[%mul3A_2, %dma_start3A_332] : memref<10240x16xf32, #tpu.memory_space<vmem_shared>> -> memref<640x16xf32, #tpu.memory_space<vmem_shared>>
      %dma_start3A_334 = arith.constant 0 : i32
      %dma_start3A_335 = tpu.memref_slice %arg16[%mul3A_2, %dma_start3A_334] : memref<10240x16xf32, #tpu.memory_space<vmem_shared>> -> memref<640x16xf32, #tpu.memory_space<vmem_shared>>
      tpu.enqueue_dma source(%arg14 : memref<640x16xf32, #tpu.memory_space<vmem>>) target(%dma_start3A_335 : memref<640x16xf32, #tpu.memory_space<vmem_shared>>) target_semaphore(%run_scoped3A : memref<!tpu.dma_semaphore, #tpu.memory_space<semaphore_mem>>)
      %dma_wait3A_336 = arith.constant 0 : i32
      %dma_wait3A_337 = tpu.memref_slice %arg16[%mul3A_2, %dma_wait3A_336] : memref<10240x16xf32, #tpu.memory_space<vmem_shared>> -> memref<640x16xf32, #tpu.memory_space<vmem_shared>>
      %dma_wait3A_338 = arith.constant 0 : i32
      %dma_wait3A_339 = tpu.memref_slice %arg16[%mul3A_2, %dma_wait3A_338] : memref<10240x16xf32, #tpu.memory_space<vmem_shared>> -> memref<640x16xf32, #tpu.memory_space<vmem_shared>>
      tpu.wait_dma2 semaphore(%run_scoped3A : memref<!tpu.dma_semaphore, #tpu.memory_space<semaphore_mem>>) src(%arg14 : memref<640x16xf32, #tpu.memory_space<vmem>>) dst(%dma_wait3A_339 : memref<640x16xf32, #tpu.memory_space<vmem_shared>>)
      tpu.yield
    }) : () -> ()
    "tpu.region"() ({
      %run_scoped3A = tpu.sem_alloc : memref<!tpu.dma_semaphore, #tpu.memory_space<semaphore_mem>>
      tpu.enqueue_dma source(%arg6 : memref<640x16xf32, #tpu.memory_space<hbm>>) target(%arg14 : memref<640x16xf32, #tpu.memory_space<vmem>>) target_semaphore(%run_scoped3A : memref<!tpu.dma_semaphore, #tpu.memory_space<semaphore_mem>>)
      tpu.wait_dma2 semaphore(%run_scoped3A : memref<!tpu.dma_semaphore, #tpu.memory_space<semaphore_mem>>) src(%arg6 : memref<640x16xf32, #tpu.memory_space<hbm>>) dst(%arg14 : memref<640x16xf32, #tpu.memory_space<vmem>>)
      tpu.yield
    }) : () -> ()
    "tpu.region"() ({
      %run_scoped3A = tpu.sem_alloc : memref<!tpu.dma_semaphore, #tpu.memory_space<semaphore_mem>>
      %dma_start3A_332 = arith.constant 0 : i32
      %dma_start3A_333 = tpu.memref_slice %arg15[%mul3A_2, %dma_start3A_332] : memref<10240x16xf32, #tpu.memory_space<vmem_shared>> -> memref<640x16xf32, #tpu.memory_space<vmem_shared>>
      %dma_start3A_334 = arith.constant 0 : i32
      %dma_start3A_335 = tpu.memref_slice %arg15[%mul3A_2, %dma_start3A_334] : memref<10240x16xf32, #tpu.memory_space<vmem_shared>> -> memref<640x16xf32, #tpu.memory_space<vmem_shared>>
      tpu.enqueue_dma source(%arg14 : memref<640x16xf32, #tpu.memory_space<vmem>>) target(%dma_start3A_335 : memref<640x16xf32, #tpu.memory_space<vmem_shared>>) target_semaphore(%run_scoped3A : memref<!tpu.dma_semaphore, #tpu.memory_space<semaphore_mem>>)
      %dma_wait3A_336 = arith.constant 0 : i32
      %dma_wait3A_337 = tpu.memref_slice %arg15[%mul3A_2, %dma_wait3A_336] : memref<10240x16xf32, #tpu.memory_space<vmem_shared>> -> memref<640x16xf32, #tpu.memory_space<vmem_shared>>
      %dma_wait3A_338 = arith.constant 0 : i32
      %dma_wait3A_339 = tpu.memref_slice %arg15[%mul3A_2, %dma_wait3A_338] : memref<10240x16xf32, #tpu.memory_space<vmem_shared>> -> memref<640x16xf32, #tpu.memory_space<vmem_shared>>
      tpu.wait_dma2 semaphore(%run_scoped3A : memref<!tpu.dma_semaphore, #tpu.memory_space<semaphore_mem>>) src(%arg14 : memref<640x16xf32, #tpu.memory_space<vmem>>) dst(%dma_wait3A_339 : memref<640x16xf32, #tpu.memory_space<vmem_shared>>)
      tpu.yield
    }) : () -> ()
    %barrier3A = arith.constant 0 : index
    tpu.barrier barrier_id(%barrier3A)
    %dma_start3A_112 = arith.constant 0 : i32
    %dma_start3A_113 = arith.constant 0 : i32
    %dma_start3A_114 = arith.constant 0 : i32
    %dma_start3A_115 = arith.constant 0 : i32
    %dma_start3A_116 = tpu.memref_slice %arg10[%dma_start3A_113, %dma_start3A_114, %dma_start3A_115] : memref<4x320x16xf32, #tpu.memory_space<vmem>> -> memref<1x320x16xf32, #tpu.memory_space<vmem>>
    %dma_start3A_117 = tpu.memref_squeeze %dma_start3A_116 : memref<1x320x16xf32, #tpu.memory_space<vmem>> -> memref<320x16xf32, #tpu.memory_space<vmem>>
    %dma_start3A_118 = arith.constant 0 : i32
    %dma_start3A_119 = tpu.memref_slice %arg8[%dma_start3A_112, %dma_start3A_118] : memref<32x320xi32, #tpu.memory_space<vmem>> -> memref<1x320xi32, #tpu.memory_space<vmem>>
    %dma_start3A_120 = tpu.memref_squeeze %dma_start3A_119 : memref<1x320xi32, #tpu.memory_space<vmem>> -> memref<320xi32, #tpu.memory_space<vmem>>
    %dma_start3A_121 = arith.constant 0 : i32
    %dma_start3A_122 = arith.constant 0 : i32
    %dma_start3A_123 = tpu.memref_slice %arg16[%dma_start3A_121, %dma_start3A_122] : memref<10240x16xf32, #tpu.memory_space<vmem_shared>> -> memref<10240x16xf32, #tpu.memory_space<vmem_shared>>
    tpu.enqueue_indirect_dma source(%dma_start3A_123 : memref<10240x16xf32, #tpu.memory_space<vmem_shared>>) target(%dma_start3A_117 : memref<320x16xf32, #tpu.memory_space<vmem>>) offsets(%dma_start3A_120 : memref<320xi32, #tpu.memory_space<vmem>>) semaphore(%arg17 : memref<!tpu.dma_semaphore, #tpu.memory_space<semaphore_mem>>)
    %dma_start3A_124 = arith.constant 1 : i32
    %dma_start3A_125 = arith.constant 1 : i32
    %dma_start3A_126 = arith.constant 0 : i32
    %dma_start3A_127 = arith.constant 0 : i32
    %dma_start3A_128 = tpu.memref_slice %arg10[%dma_start3A_125, %dma_start3A_126, %dma_start3A_127] : memref<4x320x16xf32, #tpu.memory_space<vmem>> -> memref<1x320x16xf32, #tpu.memory_space<vmem>>
    %dma_start3A_129 = tpu.memref_squeeze %dma_start3A_128 : memref<1x320x16xf32, #tpu.memory_space<vmem>> -> memref<320x16xf32, #tpu.memory_space<vmem>>
    %dma_start3A_130 = arith.constant 0 : i32
    %dma_start3A_131 = tpu.memref_slice %arg8[%dma_start3A_124, %dma_start3A_130] : memref<32x320xi32, #tpu.memory_space<vmem>> -> memref<1x320xi32, #tpu.memory_space<vmem>>
    %dma_start3A_132 = tpu.memref_squeeze %dma_start3A_131 : memref<1x320xi32, #tpu.memory_space<vmem>> -> memref<320xi32, #tpu.memory_space<vmem>>
    %dma_start3A_133 = arith.constant 0 : i32
    %dma_start3A_134 = arith.constant 0 : i32
    %dma_start3A_135 = tpu.memref_slice %arg16[%dma_start3A_133, %dma_start3A_134] : memref<10240x16xf32, #tpu.memory_space<vmem_shared>> -> memref<10240x16xf32, #tpu.memory_space<vmem_shared>>
    tpu.enqueue_indirect_dma source(%dma_start3A_135 : memref<10240x16xf32, #tpu.memory_space<vmem_shared>>) target(%dma_start3A_129 : memref<320x16xf32, #tpu.memory_space<vmem>>) offsets(%dma_start3A_132 : memref<320xi32, #tpu.memory_space<vmem>>) semaphore(%arg18 : memref<!tpu.dma_semaphore, #tpu.memory_space<semaphore_mem>>)
    %dma_start3A_136 = arith.constant 2 : i32
    %dma_start3A_137 = arith.constant 2 : i32
    %dma_start3A_138 = arith.constant 0 : i32
    %dma_start3A_139 = arith.constant 0 : i32
    %dma_start3A_140 = tpu.memref_slice %arg10[%dma_start3A_137, %dma_start3A_138, %dma_start3A_139] : memref<4x320x16xf32, #tpu.memory_space<vmem>> -> memref<1x320x16xf32, #tpu.memory_space<vmem>>
    %dma_start3A_141 = tpu.memref_squeeze %dma_start3A_140 : memref<1x320x16xf32, #tpu.memory_space<vmem>> -> memref<320x16xf32, #tpu.memory_space<vmem>>
    %dma_start3A_142 = arith.constant 0 : i32
    %dma_start3A_143 = tpu.memref_slice %arg8[%dma_start3A_136, %dma_start3A_142] : memref<32x320xi32, #tpu.memory_space<vmem>> -> memref<1x320xi32, #tpu.memory_space<vmem>>
    %dma_start3A_144 = tpu.memref_squeeze %dma_start3A_143 : memref<1x320xi32, #tpu.memory_space<vmem>> -> memref<320xi32, #tpu.memory_space<vmem>>
    %dma_start3A_145 = arith.constant 0 : i32
    %dma_start3A_146 = arith.constant 0 : i32
    %dma_start3A_147 = tpu.memref_slice %arg16[%dma_start3A_145, %dma_start3A_146] : memref<10240x16xf32, #tpu.memory_space<vmem_shared>> -> memref<10240x16xf32, #tpu.memory_space<vmem_shared>>
    tpu.enqueue_indirect_dma source(%dma_start3A_147 : memref<10240x16xf32, #tpu.memory_space<vmem_shared>>) target(%dma_start3A_141 : memref<320x16xf32, #tpu.memory_space<vmem>>) offsets(%dma_start3A_144 : memref<320xi32, #tpu.memory_space<vmem>>) semaphore(%arg19 : memref<!tpu.dma_semaphore, #tpu.memory_space<semaphore_mem>>)
    %dma_start3A_148 = arith.constant 3 : i32
    %dma_start3A_149 = arith.constant 3 : i32
    %dma_start3A_150 = arith.constant 0 : i32
    %dma_start3A_151 = arith.constant 0 : i32
    %dma_start3A_152 = tpu.memref_slice %arg10[%dma_start3A_149, %dma_start3A_150, %dma_start3A_151] : memref<4x320x16xf32, #tpu.memory_space<vmem>> -> memref<1x320x16xf32, #tpu.memory_space<vmem>>
    %dma_start3A_153 = tpu.memref_squeeze %dma_start3A_152 : memref<1x320x16xf32, #tpu.memory_space<vmem>> -> memref<320x16xf32, #tpu.memory_space<vmem>>
    %dma_start3A_154 = arith.constant 0 : i32
    %dma_start3A_155 = tpu.memref_slice %arg8[%dma_start3A_148, %dma_start3A_154] : memref<32x320xi32, #tpu.memory_space<vmem>> -> memref<1x320xi32, #tpu.memory_space<vmem>>
    %dma_start3A_156 = tpu.memref_squeeze %dma_start3A_155 : memref<1x320xi32, #tpu.memory_space<vmem>> -> memref<320xi32, #tpu.memory_space<vmem>>
    %dma_start3A_157 = arith.constant 0 : i32
    %dma_start3A_158 = arith.constant 0 : i32
    %dma_start3A_159 = tpu.memref_slice %arg16[%dma_start3A_157, %dma_start3A_158] : memref<10240x16xf32, #tpu.memory_space<vmem_shared>> -> memref<10240x16xf32, #tpu.memory_space<vmem_shared>>
    tpu.enqueue_indirect_dma source(%dma_start3A_159 : memref<10240x16xf32, #tpu.memory_space<vmem_shared>>) target(%dma_start3A_153 : memref<320x16xf32, #tpu.memory_space<vmem>>) offsets(%dma_start3A_156 : memref<320xi32, #tpu.memory_space<vmem>>) semaphore(%arg20 : memref<!tpu.dma_semaphore, #tpu.memory_space<semaphore_mem>>)
    %dma_wait3A_160 = arith.constant 0 : i32
    %dma_wait3A_161 = arith.constant 0 : i32
    %dma_wait3A_162 = arith.constant 0 : i32
    %dma_wait3A_163 = arith.constant 0 : i32
    %dma_wait3A_164 = tpu.memref_slice %arg10[%dma_wait3A_161, %dma_wait3A_162, %dma_wait3A_163] : memref<4x320x16xf32, #tpu.memory_space<vmem>> -> memref<1x320x16xf32, #tpu.memory_space<vmem>>
    %dma_wait3A_165 = tpu.memref_squeeze %dma_wait3A_164 : memref<1x320x16xf32, #tpu.memory_space<vmem>> -> memref<320x16xf32, #tpu.memory_space<vmem>>
    %dma_wait3A_166 = arith.constant 0 : i32
    %dma_wait3A_167 = tpu.memref_slice %arg8[%dma_wait3A_160, %dma_wait3A_166] : memref<32x320xi32, #tpu.memory_space<vmem>> -> memref<1x320xi32, #tpu.memory_space<vmem>>
    %dma_wait3A_168 = tpu.memref_squeeze %dma_wait3A_167 : memref<1x320xi32, #tpu.memory_space<vmem>> -> memref<320xi32, #tpu.memory_space<vmem>>
    %dma_wait3A_169 = arith.constant 0 : i32
    %dma_wait3A_170 = arith.constant 0 : i32
    %dma_wait3A_171 = tpu.memref_slice %arg16[%dma_wait3A_169, %dma_wait3A_170] : memref<10240x16xf32, #tpu.memory_space<vmem_shared>> -> memref<10240x16xf32, #tpu.memory_space<vmem_shared>>
    tpu.wait_indirect_dma semaphore(%arg17 : memref<!tpu.dma_semaphore, #tpu.memory_space<semaphore_mem>>) src(%dma_wait3A_171 : memref<10240x16xf32, #tpu.memory_space<vmem_shared>>) dst(%dma_wait3A_165 : memref<320x16xf32, #tpu.memory_space<vmem>>)
    %dma_start3A_172 = arith.constant 0 : i32
    %dma_start3A_173 = arith.constant 0 : i32
    %dma_start3A_174 = arith.constant 0 : i32
    %dma_start3A_175 = arith.constant 0 : i32
    %dma_start3A_176 = tpu.memref_slice %arg10[%dma_start3A_172, %dma_start3A_174, %dma_start3A_175] : memref<4x320x16xf32, #tpu.memory_space<vmem>> -> memref<1x320x16xf32, #tpu.memory_space<vmem>>
    %dma_start3A_177 = tpu.memref_squeeze %dma_start3A_176 : memref<1x320x16xf32, #tpu.memory_space<vmem>> -> memref<320x16xf32, #tpu.memory_space<vmem>>
    %dma_start3A_178 = arith.constant 0 : i32
    %dma_start3A_179 = tpu.memref_slice %arg9[%dma_start3A_173, %dma_start3A_178] : memref<32x320xi32, #tpu.memory_space<vmem>> -> memref<1x320xi32, #tpu.memory_space<vmem>>
    %dma_start3A_180 = tpu.memref_squeeze %dma_start3A_179 : memref<1x320xi32, #tpu.memory_space<vmem>> -> memref<320xi32, #tpu.memory_space<vmem>>
    %dma_start3A_181 = arith.constant 0 : i32
    %dma_start3A_182 = arith.constant 0 : i32
    %dma_start3A_183 = tpu.memref_slice %arg15[%dma_start3A_181, %dma_start3A_182] : memref<10240x16xf32, #tpu.memory_space<vmem_shared>> -> memref<10240x16xf32, #tpu.memory_space<vmem_shared>>
    tpu.enqueue_indirect_dma source(%dma_start3A_177 : memref<320x16xf32, #tpu.memory_space<vmem>>) target(%dma_start3A_183 : memref<10240x16xf32, #tpu.memory_space<vmem_shared>>) offsets(%dma_start3A_180 : memref<320xi32, #tpu.memory_space<vmem>>) semaphore(%arg21 : memref<!tpu.dma_semaphore, #tpu.memory_space<semaphore_mem>>) {add = true}
    %scan3A_184 = arith.constant 0 : i32
    %scan3A_185 = arith.constant 0 : i32
    %scan3A_186 = arith.constant 7 : i32
    %scan3A_187 = arith.addi %scan3A_185, %scan3A_186 : i32
    %scan3A_188 = arith.constant 1 : i32
    scf.for %scan3A_332 = %scan3A_185 to %scan3A_187 step %scan3A_188  : i32 {
      %mul3A_333 = arith.constant 4 : i32
      %mul3A_334 = arith.muli %mul3A_333, %scan3A_332 : i32
      %add3A_335 = arith.constant 1 : i32
      %add3A_336 = arith.addi %add3A_335, %mul3A_334 : i32
      %add3A_337 = arith.constant 0 : i32
      %add3A_338 = arith.addi %add3A_336, %add3A_337 : i32
      %sub3A_339 = arith.constant 1 : i32
      %sub3A_340 = arith.subi %add3A_338, %sub3A_339 : i32
      %dma_wait3A_341 = arith.constant 0 : i32
      %dma_wait3A_342 = arith.constant 0 : i32
      %dma_wait3A_343 = arith.constant 0 : i32
      %dma_wait3A_344 = tpu.memref_slice %arg10[%dma_wait3A_341, %dma_wait3A_342, %dma_wait3A_343] : memref<4x320x16xf32, #tpu.memory_space<vmem>> -> memref<1x320x16xf32, #tpu.memory_space<vmem>>
      %dma_wait3A_345 = tpu.memref_squeeze %dma_wait3A_344 : memref<1x320x16xf32, #tpu.memory_space<vmem>> -> memref<320x16xf32, #tpu.memory_space<vmem>>
      %dma_wait3A_346 = arith.constant 0 : i32
      %dma_wait3A_347 = tpu.memref_slice %arg9[%sub3A_340, %dma_wait3A_346] : memref<32x320xi32, #tpu.memory_space<vmem>> -> memref<1x320xi32, #tpu.memory_space<vmem>>
      %dma_wait3A_348 = tpu.memref_squeeze %dma_wait3A_347 : memref<1x320xi32, #tpu.memory_space<vmem>> -> memref<320xi32, #tpu.memory_space<vmem>>
      %dma_wait3A_349 = arith.constant 0 : i32
      %dma_wait3A_350 = arith.constant 0 : i32
      %dma_wait3A_351 = tpu.memref_slice %arg15[%dma_wait3A_349, %dma_wait3A_350] : memref<10240x16xf32, #tpu.memory_space<vmem_shared>> -> memref<10240x16xf32, #tpu.memory_space<vmem_shared>>
      tpu.wait_indirect_dma semaphore(%arg21 : memref<!tpu.dma_semaphore, #tpu.memory_space<semaphore_mem>>) src(%dma_wait3A_345 : memref<320x16xf32, #tpu.memory_space<vmem>>) dst(%dma_wait3A_351 : memref<10240x16xf32, #tpu.memory_space<vmem_shared>>)
      %add3A_352 = arith.constant 3 : i32
      %add3A_353 = arith.addi %add3A_338, %add3A_352 : i32
      %dma_start3A_354 = arith.constant 0 : i32
      %dma_start3A_355 = arith.constant 0 : i32
      %dma_start3A_356 = arith.constant 0 : i32
      %dma_start3A_357 = tpu.memref_slice %arg10[%dma_start3A_354, %dma_start3A_355, %dma_start3A_356] : memref<4x320x16xf32, #tpu.memory_space<vmem>> -> memref<1x320x16xf32, #tpu.memory_space<vmem>>
      %dma_start3A_358 = tpu.memref_squeeze %dma_start3A_357 : memref<1x320x16xf32, #tpu.memory_space<vmem>> -> memref<320x16xf32, #tpu.memory_space<vmem>>
      %dma_start3A_359 = arith.constant 0 : i32
      %dma_start3A_360 = tpu.memref_slice %arg8[%add3A_353, %dma_start3A_359] : memref<32x320xi32, #tpu.memory_space<vmem>> -> memref<1x320xi32, #tpu.memory_space<vmem>>
      %dma_start3A_361 = tpu.memref_squeeze %dma_start3A_360 : memref<1x320xi32, #tpu.memory_space<vmem>> -> memref<320xi32, #tpu.memory_space<vmem>>
      %dma_start3A_362 = arith.constant 0 : i32
      %dma_start3A_363 = arith.constant 0 : i32
      %dma_start3A_364 = tpu.memref_slice %arg16[%dma_start3A_362, %dma_start3A_363] : memref<10240x16xf32, #tpu.memory_space<vmem_shared>> -> memref<10240x16xf32, #tpu.memory_space<vmem_shared>>
      tpu.enqueue_indirect_dma source(%dma_start3A_364 : memref<10240x16xf32, #tpu.memory_space<vmem_shared>>) target(%dma_start3A_358 : memref<320x16xf32, #tpu.memory_space<vmem>>) offsets(%dma_start3A_361 : memref<320xi32, #tpu.memory_space<vmem>>) semaphore(%arg17 : memref<!tpu.dma_semaphore, #tpu.memory_space<semaphore_mem>>)
      %dma_wait3A_365 = arith.constant 1 : i32
      %dma_wait3A_366 = arith.constant 0 : i32
      %dma_wait3A_367 = arith.constant 0 : i32
      %dma_wait3A_368 = tpu.memref_slice %arg10[%dma_wait3A_365, %dma_wait3A_366, %dma_wait3A_367] : memref<4x320x16xf32, #tpu.memory_space<vmem>> -> memref<1x320x16xf32, #tpu.memory_space<vmem>>
      %dma_wait3A_369 = tpu.memref_squeeze %dma_wait3A_368 : memref<1x320x16xf32, #tpu.memory_space<vmem>> -> memref<320x16xf32, #tpu.memory_space<vmem>>
      %dma_wait3A_370 = arith.constant 0 : i32
      %dma_wait3A_371 = tpu.memref_slice %arg8[%add3A_338, %dma_wait3A_370] : memref<32x320xi32, #tpu.memory_space<vmem>> -> memref<1x320xi32, #tpu.memory_space<vmem>>
      %dma_wait3A_372 = tpu.memref_squeeze %dma_wait3A_371 : memref<1x320xi32, #tpu.memory_space<vmem>> -> memref<320xi32, #tpu.memory_space<vmem>>
      %dma_wait3A_373 = arith.constant 0 : i32
      %dma_wait3A_374 = arith.constant 0 : i32
      %dma_wait3A_375 = tpu.memref_slice %arg16[%dma_wait3A_373, %dma_wait3A_374] : memref<10240x16xf32, #tpu.memory_space<vmem_shared>> -> memref<10240x16xf32, #tpu.memory_space<vmem_shared>>
      tpu.wait_indirect_dma semaphore(%arg18 : memref<!tpu.dma_semaphore, #tpu.memory_space<semaphore_mem>>) src(%dma_wait3A_375 : memref<10240x16xf32, #tpu.memory_space<vmem_shared>>) dst(%dma_wait3A_369 : memref<320x16xf32, #tpu.memory_space<vmem>>)
      %dma_start3A_376 = arith.constant 1 : i32
      %dma_start3A_377 = arith.constant 0 : i32
      %dma_start3A_378 = arith.constant 0 : i32
      %dma_start3A_379 = tpu.memref_slice %arg10[%dma_start3A_376, %dma_start3A_377, %dma_start3A_378] : memref<4x320x16xf32, #tpu.memory_space<vmem>> -> memref<1x320x16xf32, #tpu.memory_space<vmem>>
      %dma_start3A_380 = tpu.memref_squeeze %dma_start3A_379 : memref<1x320x16xf32, #tpu.memory_space<vmem>> -> memref<320x16xf32, #tpu.memory_space<vmem>>
      %dma_start3A_381 = arith.constant 0 : i32
      %dma_start3A_382 = tpu.memref_slice %arg9[%add3A_338, %dma_start3A_381] : memref<32x320xi32, #tpu.memory_space<vmem>> -> memref<1x320xi32, #tpu.memory_space<vmem>>
      %dma_start3A_383 = tpu.memref_squeeze %dma_start3A_382 : memref<1x320xi32, #tpu.memory_space<vmem>> -> memref<320xi32, #tpu.memory_space<vmem>>
      %dma_start3A_384 = arith.constant 0 : i32
      %dma_start3A_385 = arith.constant 0 : i32
      %dma_start3A_386 = tpu.memref_slice %arg15[%dma_start3A_384, %dma_start3A_385] : memref<10240x16xf32, #tpu.memory_space<vmem_shared>> -> memref<10240x16xf32, #tpu.memory_space<vmem_shared>>
      tpu.enqueue_indirect_dma source(%dma_start3A_380 : memref<320x16xf32, #tpu.memory_space<vmem>>) target(%dma_start3A_386 : memref<10240x16xf32, #tpu.memory_space<vmem_shared>>) offsets(%dma_start3A_383 : memref<320xi32, #tpu.memory_space<vmem>>) semaphore(%arg22 : memref<!tpu.dma_semaphore, #tpu.memory_space<semaphore_mem>>) {add = true}
      %add3A_387 = arith.constant 1 : i32
      %add3A_388 = arith.addi %add3A_336, %add3A_387 : i32
      %sub3A_389 = arith.constant 1 : i32
      %sub3A_390 = arith.subi %add3A_388, %sub3A_389 : i32
      %dma_wait3A_391 = arith.constant 1 : i32
      %dma_wait3A_392 = arith.constant 0 : i32
      %dma_wait3A_393 = arith.constant 0 : i32
      %dma_wait3A_394 = tpu.memref_slice %arg10[%dma_wait3A_391, %dma_wait3A_392, %dma_wait3A_393] : memref<4x320x16xf32, #tpu.memory_space<vmem>> -> memref<1x320x16xf32, #tpu.memory_space<vmem>>
      %dma_wait3A_395 = tpu.memref_squeeze %dma_wait3A_394 : memref<1x320x16xf32, #tpu.memory_space<vmem>> -> memref<320x16xf32, #tpu.memory_space<vmem>>
      %dma_wait3A_396 = arith.constant 0 : i32
      %dma_wait3A_397 = tpu.memref_slice %arg9[%sub3A_390, %dma_wait3A_396] : memref<32x320xi32, #tpu.memory_space<vmem>> -> memref<1x320xi32, #tpu.memory_space<vmem>>
      %dma_wait3A_398 = tpu.memref_squeeze %dma_wait3A_397 : memref<1x320xi32, #tpu.memory_space<vmem>> -> memref<320xi32, #tpu.memory_space<vmem>>
      %dma_wait3A_399 = arith.constant 0 : i32
      %dma_wait3A_400 = arith.constant 0 : i32
      %dma_wait3A_401 = tpu.memref_slice %arg15[%dma_wait3A_399, %dma_wait3A_400] : memref<10240x16xf32, #tpu.memory_space<vmem_shared>> -> memref<10240x16xf32, #tpu.memory_space<vmem_shared>>
      tpu.wait_indirect_dma semaphore(%arg22 : memref<!tpu.dma_semaphore, #tpu.memory_space<semaphore_mem>>) src(%dma_wait3A_395 : memref<320x16xf32, #tpu.memory_space<vmem>>) dst(%dma_wait3A_401 : memref<10240x16xf32, #tpu.memory_space<vmem_shared>>)
      %add3A_402 = arith.constant 3 : i32
      %add3A_403 = arith.addi %add3A_388, %add3A_402 : i32
      %dma_start3A_404 = arith.constant 1 : i32
      %dma_start3A_405 = arith.constant 0 : i32
      %dma_start3A_406 = arith.constant 0 : i32
      %dma_start3A_407 = tpu.memref_slice %arg10[%dma_start3A_404, %dma_start3A_405, %dma_start3A_406] : memref<4x320x16xf32, #tpu.memory_space<vmem>> -> memref<1x320x16xf32, #tpu.memory_space<vmem>>
      %dma_start3A_408 = tpu.memref_squeeze %dma_start3A_407 : memref<1x320x16xf32, #tpu.memory_space<vmem>> -> memref<320x16xf32, #tpu.memory_space<vmem>>
      %dma_start3A_409 = arith.constant 0 : i32
      %dma_start3A_410 = tpu.memref_slice %arg8[%add3A_403, %dma_start3A_409] : memref<32x320xi32, #tpu.memory_space<vmem>> -> memref<1x320xi32, #tpu.memory_space<vmem>>
      %dma_start3A_411 = tpu.memref_squeeze %dma_start3A_410 : memref<1x320xi32, #tpu.memory_space<vmem>> -> memref<320xi32, #tpu.memory_space<vmem>>
      %dma_start3A_412 = arith.constant 0 : i32
      %dma_start3A_413 = arith.constant 0 : i32
      %dma_start3A_414 = tpu.memref_slice %arg16[%dma_start3A_412, %dma_start3A_413] : memref<10240x16xf32, #tpu.memory_space<vmem_shared>> -> memref<10240x16xf32, #tpu.memory_space<vmem_shared>>
      tpu.enqueue_indirect_dma source(%dma_start3A_414 : memref<10240x16xf32, #tpu.memory_space<vmem_shared>>) target(%dma_start3A_408 : memref<320x16xf32, #tpu.memory_space<vmem>>) offsets(%dma_start3A_411 : memref<320xi32, #tpu.memory_space<vmem>>) semaphore(%arg18 : memref<!tpu.dma_semaphore, #tpu.memory_space<semaphore_mem>>)
      %dma_wait3A_415 = arith.constant 2 : i32
      %dma_wait3A_416 = arith.constant 0 : i32
      %dma_wait3A_417 = arith.constant 0 : i32
      %dma_wait3A_418 = tpu.memref_slice %arg10[%dma_wait3A_415, %dma_wait3A_416, %dma_wait3A_417] : memref<4x320x16xf32, #tpu.memory_space<vmem>> -> memref<1x320x16xf32, #tpu.memory_space<vmem>>
      %dma_wait3A_419 = tpu.memref_squeeze %dma_wait3A_418 : memref<1x320x16xf32, #tpu.memory_space<vmem>> -> memref<320x16xf32, #tpu.memory_space<vmem>>
      %dma_wait3A_420 = arith.constant 0 : i32
      %dma_wait3A_421 = tpu.memref_slice %arg8[%add3A_388, %dma_wait3A_420] : memref<32x320xi32, #tpu.memory_space<vmem>> -> memref<1x320xi32, #tpu.memory_space<vmem>>
      %dma_wait3A_422 = tpu.memref_squeeze %dma_wait3A_421 : memref<1x320xi32, #tpu.memory_space<vmem>> -> memref<320xi32, #tpu.memory_space<vmem>>
      %dma_wait3A_423 = arith.constant 0 : i32
      %dma_wait3A_424 = arith.constant 0 : i32
      %dma_wait3A_425 = tpu.memref_slice %arg16[%dma_wait3A_423, %dma_wait3A_424] : memref<10240x16xf32, #tpu.memory_space<vmem_shared>> -> memref<10240x16xf32, #tpu.memory_space<vmem_shared>>
      tpu.wait_indirect_dma semaphore(%arg19 : memref<!tpu.dma_semaphore, #tpu.memory_space<semaphore_mem>>) src(%dma_wait3A_425 : memref<10240x16xf32, #tpu.memory_space<vmem_shared>>) dst(%dma_wait3A_419 : memref<320x16xf32, #tpu.memory_space<vmem>>)
      %dma_start3A_426 = arith.constant 2 : i32
      %dma_start3A_427 = arith.constant 0 : i32
      %dma_start3A_428 = arith.constant 0 : i32
      %dma_start3A_429 = tpu.memref_slice %arg10[%dma_start3A_426, %dma_start3A_427, %dma_start3A_428] : memref<4x320x16xf32, #tpu.memory_space<vmem>> -> memref<1x320x16xf32, #tpu.memory_space<vmem>>
      %dma_start3A_430 = tpu.memref_squeeze %dma_start3A_429 : memref<1x320x16xf32, #tpu.memory_space<vmem>> -> memref<320x16xf32, #tpu.memory_space<vmem>>
      %dma_start3A_431 = arith.constant 0 : i32
      %dma_start3A_432 = tpu.memref_slice %arg9[%add3A_388, %dma_start3A_431] : memref<32x320xi32, #tpu.memory_space<vmem>> -> memref<1x320xi32, #tpu.memory_space<vmem>>
      %dma_start3A_433 = tpu.memref_squeeze %dma_start3A_432 : memref<1x320xi32, #tpu.memory_space<vmem>> -> memref<320xi32, #tpu.memory_space<vmem>>
      %dma_start3A_434 = arith.constant 0 : i32
      %dma_start3A_435 = arith.constant 0 : i32
      %dma_start3A_436 = tpu.memref_slice %arg15[%dma_start3A_434, %dma_start3A_435] : memref<10240x16xf32, #tpu.memory_space<vmem_shared>> -> memref<10240x16xf32, #tpu.memory_space<vmem_shared>>
      tpu.enqueue_indirect_dma source(%dma_start3A_430 : memref<320x16xf32, #tpu.memory_space<vmem>>) target(%dma_start3A_436 : memref<10240x16xf32, #tpu.memory_space<vmem_shared>>) offsets(%dma_start3A_433 : memref<320xi32, #tpu.memory_space<vmem>>) semaphore(%arg23 : memref<!tpu.dma_semaphore, #tpu.memory_space<semaphore_mem>>) {add = true}
      %add3A_437 = arith.constant 2 : i32
      %add3A_438 = arith.addi %add3A_336, %add3A_437 : i32
      %sub3A_439 = arith.constant 1 : i32
      %sub3A_440 = arith.subi %add3A_438, %sub3A_439 : i32
      %dma_wait3A_441 = arith.constant 2 : i32
      %dma_wait3A_442 = arith.constant 0 : i32
      %dma_wait3A_443 = arith.constant 0 : i32
      %dma_wait3A_444 = tpu.memref_slice %arg10[%dma_wait3A_441, %dma_wait3A_442, %dma_wait3A_443] : memref<4x320x16xf32, #tpu.memory_space<vmem>> -> memref<1x320x16xf32, #tpu.memory_space<vmem>>
      %dma_wait3A_445 = tpu.memref_squeeze %dma_wait3A_444 : memref<1x320x16xf32, #tpu.memory_space<vmem>> -> memref<320x16xf32, #tpu.memory_space<vmem>>
      %dma_wait3A_446 = arith.constant 0 : i32
      %dma_wait3A_447 = tpu.memref_slice %arg9[%sub3A_440, %dma_wait3A_446] : memref<32x320xi32, #tpu.memory_space<vmem>> -> memref<1x320xi32, #tpu.memory_space<vmem>>
      %dma_wait3A_448 = tpu.memref_squeeze %dma_wait3A_447 : memref<1x320xi32, #tpu.memory_space<vmem>> -> memref<320xi32, #tpu.memory_space<vmem>>
      %dma_wait3A_449 = arith.constant 0 : i32
      %dma_wait3A_450 = arith.constant 0 : i32
      %dma_wait3A_451 = tpu.memref_slice %arg15[%dma_wait3A_449, %dma_wait3A_450] : memref<10240x16xf32, #tpu.memory_space<vmem_shared>> -> memref<10240x16xf32, #tpu.memory_space<vmem_shared>>
      tpu.wait_indirect_dma semaphore(%arg23 : memref<!tpu.dma_semaphore, #tpu.memory_space<semaphore_mem>>) src(%dma_wait3A_445 : memref<320x16xf32, #tpu.memory_space<vmem>>) dst(%dma_wait3A_451 : memref<10240x16xf32, #tpu.memory_space<vmem_shared>>)
      %add3A_452 = arith.constant 3 : i32
      %add3A_453 = arith.addi %add3A_438, %add3A_452 : i32
      %dma_start3A_454 = arith.constant 2 : i32
      %dma_start3A_455 = arith.constant 0 : i32
      %dma_start3A_456 = arith.constant 0 : i32
      %dma_start3A_457 = tpu.memref_slice %arg10[%dma_start3A_454, %dma_start3A_455, %dma_start3A_456] : memref<4x320x16xf32, #tpu.memory_space<vmem>> -> memref<1x320x16xf32, #tpu.memory_space<vmem>>
      %dma_start3A_458 = tpu.memref_squeeze %dma_start3A_457 : memref<1x320x16xf32, #tpu.memory_space<vmem>> -> memref<320x16xf32, #tpu.memory_space<vmem>>
      %dma_start3A_459 = arith.constant 0 : i32
      %dma_start3A_460 = tpu.memref_slice %arg8[%add3A_453, %dma_start3A_459] : memref<32x320xi32, #tpu.memory_space<vmem>> -> memref<1x320xi32, #tpu.memory_space<vmem>>
      %dma_start3A_461 = tpu.memref_squeeze %dma_start3A_460 : memref<1x320xi32, #tpu.memory_space<vmem>> -> memref<320xi32, #tpu.memory_space<vmem>>
      %dma_start3A_462 = arith.constant 0 : i32
      %dma_start3A_463 = arith.constant 0 : i32
      %dma_start3A_464 = tpu.memref_slice %arg16[%dma_start3A_462, %dma_start3A_463] : memref<10240x16xf32, #tpu.memory_space<vmem_shared>> -> memref<10240x16xf32, #tpu.memory_space<vmem_shared>>
      tpu.enqueue_indirect_dma source(%dma_start3A_464 : memref<10240x16xf32, #tpu.memory_space<vmem_shared>>) target(%dma_start3A_458 : memref<320x16xf32, #tpu.memory_space<vmem>>) offsets(%dma_start3A_461 : memref<320xi32, #tpu.memory_space<vmem>>) semaphore(%arg19 : memref<!tpu.dma_semaphore, #tpu.memory_space<semaphore_mem>>)
      %dma_wait3A_465 = arith.constant 3 : i32
      %dma_wait3A_466 = arith.constant 0 : i32
      %dma_wait3A_467 = arith.constant 0 : i32
      %dma_wait3A_468 = tpu.memref_slice %arg10[%dma_wait3A_465, %dma_wait3A_466, %dma_wait3A_467] : memref<4x320x16xf32, #tpu.memory_space<vmem>> -> memref<1x320x16xf32, #tpu.memory_space<vmem>>
      %dma_wait3A_469 = tpu.memref_squeeze %dma_wait3A_468 : memref<1x320x16xf32, #tpu.memory_space<vmem>> -> memref<320x16xf32, #tpu.memory_space<vmem>>
      %dma_wait3A_470 = arith.constant 0 : i32
      %dma_wait3A_471 = tpu.memref_slice %arg8[%add3A_438, %dma_wait3A_470] : memref<32x320xi32, #tpu.memory_space<vmem>> -> memref<1x320xi32, #tpu.memory_space<vmem>>
      %dma_wait3A_472 = tpu.memref_squeeze %dma_wait3A_471 : memref<1x320xi32, #tpu.memory_space<vmem>> -> memref<320xi32, #tpu.memory_space<vmem>>
      %dma_wait3A_473 = arith.constant 0 : i32
      %dma_wait3A_474 = arith.constant 0 : i32
      %dma_wait3A_475 = tpu.memref_slice %arg16[%dma_wait3A_473, %dma_wait3A_474] : memref<10240x16xf32, #tpu.memory_space<vmem_shared>> -> memref<10240x16xf32, #tpu.memory_space<vmem_shared>>
      tpu.wait_indirect_dma semaphore(%arg20 : memref<!tpu.dma_semaphore, #tpu.memory_space<semaphore_mem>>) src(%dma_wait3A_475 : memref<10240x16xf32, #tpu.memory_space<vmem_shared>>) dst(%dma_wait3A_469 : memref<320x16xf32, #tpu.memory_space<vmem>>)
      %dma_start3A_476 = arith.constant 3 : i32
      %dma_start3A_477 = arith.constant 0 : i32
      %dma_start3A_478 = arith.constant 0 : i32
      %dma_start3A_479 = tpu.memref_slice %arg10[%dma_start3A_476, %dma_start3A_477, %dma_start3A_478] : memref<4x320x16xf32, #tpu.memory_space<vmem>> -> memref<1x320x16xf32, #tpu.memory_space<vmem>>
      %dma_start3A_480 = tpu.memref_squeeze %dma_start3A_479 : memref<1x320x16xf32, #tpu.memory_space<vmem>> -> memref<320x16xf32, #tpu.memory_space<vmem>>
      %dma_start3A_481 = arith.constant 0 : i32
      %dma_start3A_482 = tpu.memref_slice %arg9[%add3A_438, %dma_start3A_481] : memref<32x320xi32, #tpu.memory_space<vmem>> -> memref<1x320xi32, #tpu.memory_space<vmem>>
      %dma_start3A_483 = tpu.memref_squeeze %dma_start3A_482 : memref<1x320xi32, #tpu.memory_space<vmem>> -> memref<320xi32, #tpu.memory_space<vmem>>
      %dma_start3A_484 = arith.constant 0 : i32
      %dma_start3A_485 = arith.constant 0 : i32
      %dma_start3A_486 = tpu.memref_slice %arg15[%dma_start3A_484, %dma_start3A_485] : memref<10240x16xf32, #tpu.memory_space<vmem_shared>> -> memref<10240x16xf32, #tpu.memory_space<vmem_shared>>
      tpu.enqueue_indirect_dma source(%dma_start3A_480 : memref<320x16xf32, #tpu.memory_space<vmem>>) target(%dma_start3A_486 : memref<10240x16xf32, #tpu.memory_space<vmem_shared>>) offsets(%dma_start3A_483 : memref<320xi32, #tpu.memory_space<vmem>>) semaphore(%arg24 : memref<!tpu.dma_semaphore, #tpu.memory_space<semaphore_mem>>) {add = true}
      %add3A_487 = arith.constant 3 : i32
      %add3A_488 = arith.addi %add3A_336, %add3A_487 : i32
      %sub3A_489 = arith.constant 1 : i32
      %sub3A_490 = arith.subi %add3A_488, %sub3A_489 : i32
      %dma_wait3A_491 = arith.constant 3 : i32
      %dma_wait3A_492 = arith.constant 0 : i32
      %dma_wait3A_493 = arith.constant 0 : i32
      %dma_wait3A_494 = tpu.memref_slice %arg10[%dma_wait3A_491, %dma_wait3A_492, %dma_wait3A_493] : memref<4x320x16xf32, #tpu.memory_space<vmem>> -> memref<1x320x16xf32, #tpu.memory_space<vmem>>
      %dma_wait3A_495 = tpu.memref_squeeze %dma_wait3A_494 : memref<1x320x16xf32, #tpu.memory_space<vmem>> -> memref<320x16xf32, #tpu.memory_space<vmem>>
      %dma_wait3A_496 = arith.constant 0 : i32
      %dma_wait3A_497 = tpu.memref_slice %arg9[%sub3A_490, %dma_wait3A_496] : memref<32x320xi32, #tpu.memory_space<vmem>> -> memref<1x320xi32, #tpu.memory_space<vmem>>
      %dma_wait3A_498 = tpu.memref_squeeze %dma_wait3A_497 : memref<1x320xi32, #tpu.memory_space<vmem>> -> memref<320xi32, #tpu.memory_space<vmem>>
      %dma_wait3A_499 = arith.constant 0 : i32
      %dma_wait3A_500 = arith.constant 0 : i32
      %dma_wait3A_501 = tpu.memref_slice %arg15[%dma_wait3A_499, %dma_wait3A_500] : memref<10240x16xf32, #tpu.memory_space<vmem_shared>> -> memref<10240x16xf32, #tpu.memory_space<vmem_shared>>
      tpu.wait_indirect_dma semaphore(%arg24 : memref<!tpu.dma_semaphore, #tpu.memory_space<semaphore_mem>>) src(%dma_wait3A_495 : memref<320x16xf32, #tpu.memory_space<vmem>>) dst(%dma_wait3A_501 : memref<10240x16xf32, #tpu.memory_space<vmem_shared>>)
      %add3A_502 = arith.constant 3 : i32
      %add3A_503 = arith.addi %add3A_488, %add3A_502 : i32
      %dma_start3A_504 = arith.constant 3 : i32
      %dma_start3A_505 = arith.constant 0 : i32
      %dma_start3A_506 = arith.constant 0 : i32
      %dma_start3A_507 = tpu.memref_slice %arg10[%dma_start3A_504, %dma_start3A_505, %dma_start3A_506] : memref<4x320x16xf32, #tpu.memory_space<vmem>> -> memref<1x320x16xf32, #tpu.memory_space<vmem>>
      %dma_start3A_508 = tpu.memref_squeeze %dma_start3A_507 : memref<1x320x16xf32, #tpu.memory_space<vmem>> -> memref<320x16xf32, #tpu.memory_space<vmem>>
      %dma_start3A_509 = arith.constant 0 : i32
      %dma_start3A_510 = tpu.memref_slice %arg8[%add3A_503, %dma_start3A_509] : memref<32x320xi32, #tpu.memory_space<vmem>> -> memref<1x320xi32, #tpu.memory_space<vmem>>
      %dma_start3A_511 = tpu.memref_squeeze %dma_start3A_510 : memref<1x320xi32, #tpu.memory_space<vmem>> -> memref<320xi32, #tpu.memory_space<vmem>>
      %dma_start3A_512 = arith.constant 0 : i32
      %dma_start3A_513 = arith.constant 0 : i32
      %dma_start3A_514 = tpu.memref_slice %arg16[%dma_start3A_512, %dma_start3A_513] : memref<10240x16xf32, #tpu.memory_space<vmem_shared>> -> memref<10240x16xf32, #tpu.memory_space<vmem_shared>>
      tpu.enqueue_indirect_dma source(%dma_start3A_514 : memref<10240x16xf32, #tpu.memory_space<vmem_shared>>) target(%dma_start3A_508 : memref<320x16xf32, #tpu.memory_space<vmem>>) offsets(%dma_start3A_511 : memref<320xi32, #tpu.memory_space<vmem>>) semaphore(%arg20 : memref<!tpu.dma_semaphore, #tpu.memory_space<semaphore_mem>>)
      %dma_wait3A_515 = arith.constant 0 : i32
      %dma_wait3A_516 = arith.constant 0 : i32
      %dma_wait3A_517 = arith.constant 0 : i32
      %dma_wait3A_518 = tpu.memref_slice %arg10[%dma_wait3A_515, %dma_wait3A_516, %dma_wait3A_517] : memref<4x320x16xf32, #tpu.memory_space<vmem>> -> memref<1x320x16xf32, #tpu.memory_space<vmem>>
      %dma_wait3A_519 = tpu.memref_squeeze %dma_wait3A_518 : memref<1x320x16xf32, #tpu.memory_space<vmem>> -> memref<320x16xf32, #tpu.memory_space<vmem>>
      %dma_wait3A_520 = arith.constant 0 : i32
      %dma_wait3A_521 = tpu.memref_slice %arg8[%add3A_488, %dma_wait3A_520] : memref<32x320xi32, #tpu.memory_space<vmem>> -> memref<1x320xi32, #tpu.memory_space<vmem>>
      %dma_wait3A_522 = tpu.memref_squeeze %dma_wait3A_521 : memref<1x320xi32, #tpu.memory_space<vmem>> -> memref<320xi32, #tpu.memory_space<vmem>>
      %dma_wait3A_523 = arith.constant 0 : i32
      %dma_wait3A_524 = arith.constant 0 : i32
      %dma_wait3A_525 = tpu.memref_slice %arg16[%dma_wait3A_523, %dma_wait3A_524] : memref<10240x16xf32, #tpu.memory_space<vmem_shared>> -> memref<10240x16xf32, #tpu.memory_space<vmem_shared>>
      tpu.wait_indirect_dma semaphore(%arg17 : memref<!tpu.dma_semaphore, #tpu.memory_space<semaphore_mem>>) src(%dma_wait3A_525 : memref<10240x16xf32, #tpu.memory_space<vmem_shared>>) dst(%dma_wait3A_519 : memref<320x16xf32, #tpu.memory_space<vmem>>)
      %dma_start3A_526 = arith.constant 0 : i32
      %dma_start3A_527 = arith.constant 0 : i32
      %dma_start3A_528 = arith.constant 0 : i32
      %dma_start3A_529 = tpu.memref_slice %arg10[%dma_start3A_526, %dma_start3A_527, %dma_start3A_528] : memref<4x320x16xf32, #tpu.memory_space<vmem>> -> memref<1x320x16xf32, #tpu.memory_space<vmem>>
      %dma_start3A_530 = tpu.memref_squeeze %dma_start3A_529 : memref<1x320x16xf32, #tpu.memory_space<vmem>> -> memref<320x16xf32, #tpu.memory_space<vmem>>
      %dma_start3A_531 = arith.constant 0 : i32
      %dma_start3A_532 = tpu.memref_slice %arg9[%add3A_488, %dma_start3A_531] : memref<32x320xi32, #tpu.memory_space<vmem>> -> memref<1x320xi32, #tpu.memory_space<vmem>>
      %dma_start3A_533 = tpu.memref_squeeze %dma_start3A_532 : memref<1x320xi32, #tpu.memory_space<vmem>> -> memref<320xi32, #tpu.memory_space<vmem>>
      %dma_start3A_534 = arith.constant 0 : i32
      %dma_start3A_535 = arith.constant 0 : i32
      %dma_start3A_536 = tpu.memref_slice %arg15[%dma_start3A_534, %dma_start3A_535] : memref<10240x16xf32, #tpu.memory_space<vmem_shared>> -> memref<10240x16xf32, #tpu.memory_space<vmem_shared>>
      tpu.enqueue_indirect_dma source(%dma_start3A_530 : memref<320x16xf32, #tpu.memory_space<vmem>>) target(%dma_start3A_536 : memref<10240x16xf32, #tpu.memory_space<vmem_shared>>) offsets(%dma_start3A_533 : memref<320xi32, #tpu.memory_space<vmem>>) semaphore(%arg21 : memref<!tpu.dma_semaphore, #tpu.memory_space<semaphore_mem>>) {add = true}
    }
    %scan3A_189 = arith.constant 7 : i32
    %dma_wait3A_190 = arith.constant 29 : i32
    %dma_wait3A_191 = arith.constant 1 : i32
    %dma_wait3A_192 = arith.constant 0 : i32
    %dma_wait3A_193 = arith.constant 0 : i32
    %dma_wait3A_194 = tpu.memref_slice %arg10[%dma_wait3A_191, %dma_wait3A_192, %dma_wait3A_193] : memref<4x320x16xf32, #tpu.memory_space<vmem>> -> memref<1x320x16xf32, #tpu.memory_space<vmem>>
    %dma_wait3A_195 = tpu.memref_squeeze %dma_wait3A_194 : memref<1x320x16xf32, #tpu.memory_space<vmem>> -> memref<320x16xf32, #tpu.memory_space<vmem>>
    %dma_wait3A_196 = arith.constant 0 : i32
    %dma_wait3A_197 = tpu.memref_slice %arg8[%dma_wait3A_190, %dma_wait3A_196] : memref<32x320xi32, #tpu.memory_space<vmem>> -> memref<1x320xi32, #tpu.memory_space<vmem>>
    %dma_wait3A_198 = tpu.memref_squeeze %dma_wait3A_197 : memref<1x320xi32, #tpu.memory_space<vmem>> -> memref<320xi32, #tpu.memory_space<vmem>>
    %dma_wait3A_199 = arith.constant 0 : i32
    %dma_wait3A_200 = arith.constant 0 : i32
    %dma_wait3A_201 = tpu.memref_slice %arg16[%dma_wait3A_199, %dma_wait3A_200] : memref<10240x16xf32, #tpu.memory_space<vmem_shared>> -> memref<10240x16xf32, #tpu.memory_space<vmem_shared>>
    tpu.wait_indirect_dma semaphore(%arg18 : memref<!tpu.dma_semaphore, #tpu.memory_space<semaphore_mem>>) src(%dma_wait3A_201 : memref<10240x16xf32, #tpu.memory_space<vmem_shared>>) dst(%dma_wait3A_195 : memref<320x16xf32, #tpu.memory_space<vmem>>)
    %dma_start3A_202 = arith.constant 1 : i32
    %dma_start3A_203 = arith.constant 29 : i32
    %dma_start3A_204 = arith.constant 0 : i32
    %dma_start3A_205 = arith.constant 0 : i32
    %dma_start3A_206 = tpu.memref_slice %arg10[%dma_start3A_202, %dma_start3A_204, %dma_start3A_205] : memref<4x320x16xf32, #tpu.memory_space<vmem>> -> memref<1x320x16xf32, #tpu.memory_space<vmem>>
    %dma_start3A_207 = tpu.memref_squeeze %dma_start3A_206 : memref<1x320x16xf32, #tpu.memory_space<vmem>> -> memref<320x16xf32, #tpu.memory_space<vmem>>
    %dma_start3A_208 = arith.constant 0 : i32
    %dma_start3A_209 = tpu.memref_slice %arg9[%dma_start3A_203, %dma_start3A_208] : memref<32x320xi32, #tpu.memory_space<vmem>> -> memref<1x320xi32, #tpu.memory_space<vmem>>
    %dma_start3A_210 = tpu.memref_squeeze %dma_start3A_209 : memref<1x320xi32, #tpu.memory_space<vmem>> -> memref<320xi32, #tpu.memory_space<vmem>>
    %dma_start3A_211 = arith.constant 0 : i32
    %dma_start3A_212 = arith.constant 0 : i32
    %dma_start3A_213 = tpu.memref_slice %arg15[%dma_start3A_211, %dma_start3A_212] : memref<10240x16xf32, #tpu.memory_space<vmem_shared>> -> memref<10240x16xf32, #tpu.memory_space<vmem_shared>>
    tpu.enqueue_indirect_dma source(%dma_start3A_207 : memref<320x16xf32, #tpu.memory_space<vmem>>) target(%dma_start3A_213 : memref<10240x16xf32, #tpu.memory_space<vmem_shared>>) offsets(%dma_start3A_210 : memref<320xi32, #tpu.memory_space<vmem>>) semaphore(%arg22 : memref<!tpu.dma_semaphore, #tpu.memory_space<semaphore_mem>>) {add = true}
    %dma_wait3A_214 = arith.constant 30 : i32
    %dma_wait3A_215 = arith.constant 2 : i32
    %dma_wait3A_216 = arith.constant 0 : i32
    %dma_wait3A_217 = arith.constant 0 : i32
    %dma_wait3A_218 = tpu.memref_slice %arg10[%dma_wait3A_215, %dma_wait3A_216, %dma_wait3A_217] : memref<4x320x16xf32, #tpu.memory_space<vmem>> -> memref<1x320x16xf32, #tpu.memory_space<vmem>>
    %dma_wait3A_219 = tpu.memref_squeeze %dma_wait3A_218 : memref<1x320x16xf32, #tpu.memory_space<vmem>> -> memref<320x16xf32, #tpu.memory_space<vmem>>
    %dma_wait3A_220 = arith.constant 0 : i32
    %dma_wait3A_221 = tpu.memref_slice %arg8[%dma_wait3A_214, %dma_wait3A_220] : memref<32x320xi32, #tpu.memory_space<vmem>> -> memref<1x320xi32, #tpu.memory_space<vmem>>
    %dma_wait3A_222 = tpu.memref_squeeze %dma_wait3A_221 : memref<1x320xi32, #tpu.memory_space<vmem>> -> memref<320xi32, #tpu.memory_space<vmem>>
    %dma_wait3A_223 = arith.constant 0 : i32
    %dma_wait3A_224 = arith.constant 0 : i32
    %dma_wait3A_225 = tpu.memref_slice %arg16[%dma_wait3A_223, %dma_wait3A_224] : memref<10240x16xf32, #tpu.memory_space<vmem_shared>> -> memref<10240x16xf32, #tpu.memory_space<vmem_shared>>
    tpu.wait_indirect_dma semaphore(%arg19 : memref<!tpu.dma_semaphore, #tpu.memory_space<semaphore_mem>>) src(%dma_wait3A_225 : memref<10240x16xf32, #tpu.memory_space<vmem_shared>>) dst(%dma_wait3A_219 : memref<320x16xf32, #tpu.memory_space<vmem>>)
    %dma_start3A_226 = arith.constant 2 : i32
    %dma_start3A_227 = arith.constant 30 : i32
    %dma_start3A_228 = arith.constant 0 : i32
    %dma_start3A_229 = arith.constant 0 : i32
    %dma_start3A_230 = tpu.memref_slice %arg10[%dma_start3A_226, %dma_start3A_228, %dma_start3A_229] : memref<4x320x16xf32, #tpu.memory_space<vmem>> -> memref<1x320x16xf32, #tpu.memory_space<vmem>>
    %dma_start3A_231 = tpu.memref_squeeze %dma_start3A_230 : memref<1x320x16xf32, #tpu.memory_space<vmem>> -> memref<320x16xf32, #tpu.memory_space<vmem>>
    %dma_start3A_232 = arith.constant 0 : i32
    %dma_start3A_233 = tpu.memref_slice %arg9[%dma_start3A_227, %dma_start3A_232] : memref<32x320xi32, #tpu.memory_space<vmem>> -> memref<1x320xi32, #tpu.memory_space<vmem>>
    %dma_start3A_234 = tpu.memref_squeeze %dma_start3A_233 : memref<1x320xi32, #tpu.memory_space<vmem>> -> memref<320xi32, #tpu.memory_space<vmem>>
    %dma_start3A_235 = arith.constant 0 : i32
    %dma_start3A_236 = arith.constant 0 : i32
    %dma_start3A_237 = tpu.memref_slice %arg15[%dma_start3A_235, %dma_start3A_236] : memref<10240x16xf32, #tpu.memory_space<vmem_shared>> -> memref<10240x16xf32, #tpu.memory_space<vmem_shared>>
    tpu.enqueue_indirect_dma source(%dma_start3A_231 : memref<320x16xf32, #tpu.memory_space<vmem>>) target(%dma_start3A_237 : memref<10240x16xf32, #tpu.memory_space<vmem_shared>>) offsets(%dma_start3A_234 : memref<320xi32, #tpu.memory_space<vmem>>) semaphore(%arg23 : memref<!tpu.dma_semaphore, #tpu.memory_space<semaphore_mem>>) {add = true}
    %dma_wait3A_238 = arith.constant 31 : i32
    %dma_wait3A_239 = arith.constant 3 : i32
    %dma_wait3A_240 = arith.constant 0 : i32
    %dma_wait3A_241 = arith.constant 0 : i32
    %dma_wait3A_242 = tpu.memref_slice %arg10[%dma_wait3A_239, %dma_wait3A_240, %dma_wait3A_241] : memref<4x320x16xf32, #tpu.memory_space<vmem>> -> memref<1x320x16xf32, #tpu.memory_space<vmem>>
    %dma_wait3A_243 = tpu.memref_squeeze %dma_wait3A_242 : memref<1x320x16xf32, #tpu.memory_space<vmem>> -> memref<320x16xf32, #tpu.memory_space<vmem>>
    %dma_wait3A_244 = arith.constant 0 : i32
    %dma_wait3A_245 = tpu.memref_slice %arg8[%dma_wait3A_238, %dma_wait3A_244] : memref<32x320xi32, #tpu.memory_space<vmem>> -> memref<1x320xi32, #tpu.memory_space<vmem>>
    %dma_wait3A_246 = tpu.memref_squeeze %dma_wait3A_245 : memref<1x320xi32, #tpu.memory_space<vmem>> -> memref<320xi32, #tpu.memory_space<vmem>>
    %dma_wait3A_247 = arith.constant 0 : i32
    %dma_wait3A_248 = arith.constant 0 : i32
    %dma_wait3A_249 = tpu.memref_slice %arg16[%dma_wait3A_247, %dma_wait3A_248] : memref<10240x16xf32, #tpu.memory_space<vmem_shared>> -> memref<10240x16xf32, #tpu.memory_space<vmem_shared>>
    tpu.wait_indirect_dma semaphore(%arg20 : memref<!tpu.dma_semaphore, #tpu.memory_space<semaphore_mem>>) src(%dma_wait3A_249 : memref<10240x16xf32, #tpu.memory_space<vmem_shared>>) dst(%dma_wait3A_243 : memref<320x16xf32, #tpu.memory_space<vmem>>)
    %dma_start3A_250 = arith.constant 3 : i32
    %dma_start3A_251 = arith.constant 31 : i32
    %dma_start3A_252 = arith.constant 0 : i32
    %dma_start3A_253 = arith.constant 0 : i32
    %dma_start3A_254 = tpu.memref_slice %arg10[%dma_start3A_250, %dma_start3A_252, %dma_start3A_253] : memref<4x320x16xf32, #tpu.memory_space<vmem>> -> memref<1x320x16xf32, #tpu.memory_space<vmem>>
    %dma_start3A_255 = tpu.memref_squeeze %dma_start3A_254 : memref<1x320x16xf32, #tpu.memory_space<vmem>> -> memref<320x16xf32, #tpu.memory_space<vmem>>
    %dma_start3A_256 = arith.constant 0 : i32
    %dma_start3A_257 = tpu.memref_slice %arg9[%dma_start3A_251, %dma_start3A_256] : memref<32x320xi32, #tpu.memory_space<vmem>> -> memref<1x320xi32, #tpu.memory_space<vmem>>
    %dma_start3A_258 = tpu.memref_squeeze %dma_start3A_257 : memref<1x320xi32, #tpu.memory_space<vmem>> -> memref<320xi32, #tpu.memory_space<vmem>>
    %dma_start3A_259 = arith.constant 0 : i32
    %dma_start3A_260 = arith.constant 0 : i32
    %dma_start3A_261 = tpu.memref_slice %arg15[%dma_start3A_259, %dma_start3A_260] : memref<10240x16xf32, #tpu.memory_space<vmem_shared>> -> memref<10240x16xf32, #tpu.memory_space<vmem_shared>>
    tpu.enqueue_indirect_dma source(%dma_start3A_255 : memref<320x16xf32, #tpu.memory_space<vmem>>) target(%dma_start3A_261 : memref<10240x16xf32, #tpu.memory_space<vmem_shared>>) offsets(%dma_start3A_258 : memref<320xi32, #tpu.memory_space<vmem>>) semaphore(%arg24 : memref<!tpu.dma_semaphore, #tpu.memory_space<semaphore_mem>>) {add = true}
    %dma_wait3A_262 = arith.constant 0 : i32
    %dma_wait3A_263 = arith.constant 28 : i32
    %dma_wait3A_264 = arith.constant 0 : i32
    %dma_wait3A_265 = arith.constant 0 : i32
    %dma_wait3A_266 = tpu.memref_slice %arg10[%dma_wait3A_262, %dma_wait3A_264, %dma_wait3A_265] : memref<4x320x16xf32, #tpu.memory_space<vmem>> -> memref<1x320x16xf32, #tpu.memory_space<vmem>>
    %dma_wait3A_267 = tpu.memref_squeeze %dma_wait3A_266 : memref<1x320x16xf32, #tpu.memory_space<vmem>> -> memref<320x16xf32, #tpu.memory_space<vmem>>
    %dma_wait3A_268 = arith.constant 0 : i32
    %dma_wait3A_269 = tpu.memref_slice %arg9[%dma_wait3A_263, %dma_wait3A_268] : memref<32x320xi32, #tpu.memory_space<vmem>> -> memref<1x320xi32, #tpu.memory_space<vmem>>
    %dma_wait3A_270 = tpu.memref_squeeze %dma_wait3A_269 : memref<1x320xi32, #tpu.memory_space<vmem>> -> memref<320xi32, #tpu.memory_space<vmem>>
    %dma_wait3A_271 = arith.constant 0 : i32
    %dma_wait3A_272 = arith.constant 0 : i32
    %dma_wait3A_273 = tpu.memref_slice %arg15[%dma_wait3A_271, %dma_wait3A_272] : memref<10240x16xf32, #tpu.memory_space<vmem_shared>> -> memref<10240x16xf32, #tpu.memory_space<vmem_shared>>
    tpu.wait_indirect_dma semaphore(%arg21 : memref<!tpu.dma_semaphore, #tpu.memory_space<semaphore_mem>>) src(%dma_wait3A_267 : memref<320x16xf32, #tpu.memory_space<vmem>>) dst(%dma_wait3A_273 : memref<10240x16xf32, #tpu.memory_space<vmem_shared>>)
    %dma_wait3A_274 = arith.constant 1 : i32
    %dma_wait3A_275 = arith.constant 29 : i32
    %dma_wait3A_276 = arith.constant 0 : i32
    %dma_wait3A_277 = arith.constant 0 : i32
    %dma_wait3A_278 = tpu.memref_slice %arg10[%dma_wait3A_274, %dma_wait3A_276, %dma_wait3A_277] : memref<4x320x16xf32, #tpu.memory_space<vmem>> -> memref<1x320x16xf32, #tpu.memory_space<vmem>>
    %dma_wait3A_279 = tpu.memref_squeeze %dma_wait3A_278 : memref<1x320x16xf32, #tpu.memory_space<vmem>> -> memref<320x16xf32, #tpu.memory_space<vmem>>
    %dma_wait3A_280 = arith.constant 0 : i32
    %dma_wait3A_281 = tpu.memref_slice %arg9[%dma_wait3A_275, %dma_wait3A_280] : memref<32x320xi32, #tpu.memory_space<vmem>> -> memref<1x320xi32, #tpu.memory_space<vmem>>
    %dma_wait3A_282 = tpu.memref_squeeze %dma_wait3A_281 : memref<1x320xi32, #tpu.memory_space<vmem>> -> memref<320xi32, #tpu.memory_space<vmem>>
    %dma_wait3A_283 = arith.constant 0 : i32
    %dma_wait3A_284 = arith.constant 0 : i32
    %dma_wait3A_285 = tpu.memref_slice %arg15[%dma_wait3A_283, %dma_wait3A_284] : memref<10240x16xf32, #tpu.memory_space<vmem_shared>> -> memref<10240x16xf32, #tpu.memory_space<vmem_shared>>
    tpu.wait_indirect_dma semaphore(%arg22 : memref<!tpu.dma_semaphore, #tpu.memory_space<semaphore_mem>>) src(%dma_wait3A_279 : memref<320x16xf32, #tpu.memory_space<vmem>>) dst(%dma_wait3A_285 : memref<10240x16xf32, #tpu.memory_space<vmem_shared>>)
    %dma_wait3A_286 = arith.constant 2 : i32
    %dma_wait3A_287 = arith.constant 30 : i32
    %dma_wait3A_288 = arith.constant 0 : i32
    %dma_wait3A_289 = arith.constant 0 : i32
    %dma_wait3A_290 = tpu.memref_slice %arg10[%dma_wait3A_286, %dma_wait3A_288, %dma_wait3A_289] : memref<4x320x16xf32, #tpu.memory_space<vmem>> -> memref<1x320x16xf32, #tpu.memory_space<vmem>>
    %dma_wait3A_291 = tpu.memref_squeeze %dma_wait3A_290 : memref<1x320x16xf32, #tpu.memory_space<vmem>> -> memref<320x16xf32, #tpu.memory_space<vmem>>
    %dma_wait3A_292 = arith.constant 0 : i32
    %dma_wait3A_293 = tpu.memref_slice %arg9[%dma_wait3A_287, %dma_wait3A_292] : memref<32x320xi32, #tpu.memory_space<vmem>> -> memref<1x320xi32, #tpu.memory_space<vmem>>
    %dma_wait3A_294 = tpu.memref_squeeze %dma_wait3A_293 : memref<1x320xi32, #tpu.memory_space<vmem>> -> memref<320xi32, #tpu.memory_space<vmem>>
    %dma_wait3A_295 = arith.constant 0 : i32
    %dma_wait3A_296 = arith.constant 0 : i32
    %dma_wait3A_297 = tpu.memref_slice %arg15[%dma_wait3A_295, %dma_wait3A_296] : memref<10240x16xf32, #tpu.memory_space<vmem_shared>> -> memref<10240x16xf32, #tpu.memory_space<vmem_shared>>
    tpu.wait_indirect_dma semaphore(%arg23 : memref<!tpu.dma_semaphore, #tpu.memory_space<semaphore_mem>>) src(%dma_wait3A_291 : memref<320x16xf32, #tpu.memory_space<vmem>>) dst(%dma_wait3A_297 : memref<10240x16xf32, #tpu.memory_space<vmem_shared>>)
    %dma_wait3A_298 = arith.constant 3 : i32
    %dma_wait3A_299 = arith.constant 31 : i32
    %dma_wait3A_300 = arith.constant 0 : i32
    %dma_wait3A_301 = arith.constant 0 : i32
    %dma_wait3A_302 = tpu.memref_slice %arg10[%dma_wait3A_298, %dma_wait3A_300, %dma_wait3A_301] : memref<4x320x16xf32, #tpu.memory_space<vmem>> -> memref<1x320x16xf32, #tpu.memory_space<vmem>>
    %dma_wait3A_303 = tpu.memref_squeeze %dma_wait3A_302 : memref<1x320x16xf32, #tpu.memory_space<vmem>> -> memref<320x16xf32, #tpu.memory_space<vmem>>
    %dma_wait3A_304 = arith.constant 0 : i32
    %dma_wait3A_305 = tpu.memref_slice %arg9[%dma_wait3A_299, %dma_wait3A_304] : memref<32x320xi32, #tpu.memory_space<vmem>> -> memref<1x320xi32, #tpu.memory_space<vmem>>
    %dma_wait3A_306 = tpu.memref_squeeze %dma_wait3A_305 : memref<1x320xi32, #tpu.memory_space<vmem>> -> memref<320xi32, #tpu.memory_space<vmem>>
    %dma_wait3A_307 = arith.constant 0 : i32
    %dma_wait3A_308 = arith.constant 0 : i32
    %dma_wait3A_309 = tpu.memref_slice %arg15[%dma_wait3A_307, %dma_wait3A_308] : memref<10240x16xf32, #tpu.memory_space<vmem_shared>> -> memref<10240x16xf32, #tpu.memory_space<vmem_shared>>
    tpu.wait_indirect_dma semaphore(%arg24 : memref<!tpu.dma_semaphore, #tpu.memory_space<semaphore_mem>>) src(%dma_wait3A_303 : memref<320x16xf32, #tpu.memory_space<vmem>>) dst(%dma_wait3A_309 : memref<10240x16xf32, #tpu.memory_space<vmem_shared>>)
    %barrier3A_310 = arith.constant 0 : index
    tpu.barrier barrier_id(%barrier3A_310)
    "tpu.region"() ({
      %run_scoped3A = tpu.sem_alloc : memref<!tpu.dma_semaphore, #tpu.memory_space<semaphore_mem>>
      %dma_start3A_332 = arith.constant 0 : i32
      %dma_start3A_333 = tpu.memref_slice %arg15[%mul3A_2, %dma_start3A_332] : memref<10240x16xf32, #tpu.memory_space<vmem_shared>> -> memref<640x16xf32, #tpu.memory_space<vmem_shared>>
      %dma_start3A_334 = arith.constant 0 : i32
      %dma_start3A_335 = tpu.memref_slice %arg15[%mul3A_2, %dma_start3A_334] : memref<10240x16xf32, #tpu.memory_space<vmem_shared>> -> memref<640x16xf32, #tpu.memory_space<vmem_shared>>
      tpu.enqueue_dma source(%dma_start3A_335 : memref<640x16xf32, #tpu.memory_space<vmem_shared>>) target(%arg14 : memref<640x16xf32, #tpu.memory_space<vmem>>) target_semaphore(%run_scoped3A : memref<!tpu.dma_semaphore, #tpu.memory_space<semaphore_mem>>)
      %dma_wait3A_336 = arith.constant 0 : i32
      %dma_wait3A_337 = tpu.memref_slice %arg15[%mul3A_2, %dma_wait3A_336] : memref<10240x16xf32, #tpu.memory_space<vmem_shared>> -> memref<640x16xf32, #tpu.memory_space<vmem_shared>>
      %dma_wait3A_338 = arith.constant 0 : i32
      %dma_wait3A_339 = tpu.memref_slice %arg15[%mul3A_2, %dma_wait3A_338] : memref<10240x16xf32, #tpu.memory_space<vmem_shared>> -> memref<640x16xf32, #tpu.memory_space<vmem_shared>>
      tpu.wait_dma2 semaphore(%run_scoped3A : memref<!tpu.dma_semaphore, #tpu.memory_space<semaphore_mem>>) src(%dma_wait3A_339 : memref<640x16xf32, #tpu.memory_space<vmem_shared>>) dst(%arg14 : memref<640x16xf32, #tpu.memory_space<vmem>>)
      tpu.yield
    }) : () -> ()
    %jit3A = arith.constant 8 : i32
    %div3A = arith.divsi %arg1, %jit3A : i32
    %sign3A = arith.constant 0 : i32
    %sign3A_311 = arith.cmpi sgt, %arg1, %sign3A : i32
    %sign3A_312 = arith.extui %sign3A_311 : i1 to i32
    %sign3A_313 = arith.constant 0 : i32
    %sign3A_314 = arith.cmpi slt, %arg1, %sign3A_313 : i32
    %sign3A_315 = arith.extui %sign3A_314 : i1 to i32
    %sign3A_316 = arith.subi %sign3A_312, %sign3A_315 : i32
    %sign3A_317 = arith.constant 0 : i32
    %sign3A_318 = arith.cmpi sgt, %jit3A, %sign3A_317 : i32
    %sign3A_319 = arith.extui %sign3A_318 : i1 to i32
    %sign3A_320 = arith.constant 0 : i32
    %sign3A_321 = arith.cmpi slt, %jit3A, %sign3A_320 : i32
    %sign3A_322 = arith.extui %sign3A_321 : i1 to i32
    %sign3A_323 = arith.subi %sign3A_319, %sign3A_322 : i32
    %ne3A = arith.cmpi ne, %sign3A_316, %sign3A_323 : i32
    %rem3A = arith.remsi %arg1, %jit3A : i32
    %ne3A_324 = arith.constant 0 : i32
    %ne3A_325 = arith.cmpi ne, %rem3A, %ne3A_324 : i32
    %and3A = arith.andi %ne3A, %ne3A_325 : i1
    %sub3A = arith.constant 1 : i32
    %sub3A_326 = arith.subi %div3A, %sub3A : i32
    %select_n3A = arith.select %and3A, %sub3A_326, %div3A : i32
    %eq3A = arith.cmpi eq, %select_n3A, %arg0 : i32
    %convert_element_type3A = arith.extui %eq3A : i1 to i32
    %cond3A = arith.constant 0 : i32
    %cond3A_327 = arith.cmpi ne, %convert_element_type3A, %cond3A : i32
    scf.if %cond3A_327 {
      %scan3A_332 = arith.constant 0 : i32
      %scan3A_333 = arith.constant 0 : i32
      %scan3A_334 = arith.constant 40 : i32
      %scan3A_335 = arith.addi %scan3A_333, %scan3A_334 : i32
      %scan3A_336 = arith.constant 1 : i32
      scf.for %scan3A_338 = %scan3A_333 to %scan3A_335 step %scan3A_336  : i32 {
        %get3A = arith.index_cast %scan3A_338 : i32 to index
        %get3A_339 = arith.constant 0 : index
        %get3A_340 = tpu.vector_load %arg12[%get3A, %get3A_339] {strides = array<i32>} : memref<40x16xf32, #tpu.memory_space<vmem>>, vector<16xf32>,
        %mul3A_341 = arith.constant 16 : i32
        %mul3A_342 = arith.muli %scan3A_338, %mul3A_341 : i32
        %add3A_343 = arith.constant 0 : i32
        %add3A_344 = arith.addi %mul3A_342, %add3A_343 : i32
        %get3A_345 = arith.index_cast %add3A_344 : i32 to index
        %get3A_346 = arith.constant 0 : index
        %get3A_347 = tpu.vector_load %arg14[%get3A_345, %get3A_346] {strides = array<i32>} : memref<640x16xf32, #tpu.memory_space<vmem>>, vector<16xf32>,
        %slice3A = vector.extract_strided_slice %get3A_340 {offsets = [0], sizes = [1], strides = [1]} : vector<16xf32> to vector<1xf32>
        %squeeze3A = vector.extract %slice3A[0] : f32 from vector<1xf32>
        %mul3A_348 = vector.broadcast %squeeze3A : f32 to vector<16xf32>
        %mul3A_349 = arith.mulf %get3A_347, %mul3A_348 : vector<16xf32>
        %get3A_350 = arith.index_cast %add3A_344 : i32 to index
        %get3A_351 = arith.constant 0 : index
        %get3A_352 = tpu.vector_load %arg13[%get3A_350, %get3A_351] {strides = array<i32>} : memref<640x16xf32, #tpu.memory_space<vmem>>, vector<16xf32>,
        %add3A_353 = arith.addf %mul3A_349, %get3A_352 : vector<16xf32>
        %swap3A = arith.index_cast %add3A_344 : i32 to index
        %swap3A_354 = arith.constant 0 : index
        %swap3A_355 = tpu.vector_load %arg14[%swap3A, %swap3A_354] {strides = array<i32>} : memref<640x16xf32, #tpu.memory_space<vmem>>, vector<16xf32>,
        tpu.vector_store %arg14[%swap3A, %swap3A_354], %add3A_353 {strides = array<i32>} : memref<640x16xf32, #tpu.memory_space<vmem>>, vector<16xf32>,
        %mul3A_356 = arith.constant 16 : i32
        %mul3A_357 = arith.muli %scan3A_338, %mul3A_356 : i32
        %add3A_358 = arith.constant 1 : i32
        %add3A_359 = arith.addi %mul3A_357, %add3A_358 : i32
        %get3A_360 = arith.index_cast %add3A_359 : i32 to index
        %get3A_361 = arith.constant 0 : index
        %get3A_362 = tpu.vector_load %arg14[%get3A_360, %get3A_361] {strides = array<i32>} : memref<640x16xf32, #tpu.memory_space<vmem>>, vector<16xf32>,
        %slice3A_363 = vector.extract_strided_slice %get3A_340 {offsets = [1], sizes = [1], strides = [1]} : vector<16xf32> to vector<1xf32>
        %squeeze3A_364 = vector.extract %slice3A_363[0] : f32 from vector<1xf32>
        %mul3A_365 = vector.broadcast %squeeze3A_364 : f32 to vector<16xf32>
        %mul3A_366 = arith.mulf %get3A_362, %mul3A_365 : vector<16xf32>
        %get3A_367 = arith.index_cast %add3A_359 : i32 to index
        %get3A_368 = arith.constant 0 : index
        %get3A_369 = tpu.vector_load %arg13[%get3A_367, %get3A_368] {strides = array<i32>} : memref<640x16xf32, #tpu.memory_space<vmem>>, vector<16xf32>,
        %add3A_370 = arith.addf %mul3A_366, %get3A_369 : vector<16xf32>
        %swap3A_371 = arith.index_cast %add3A_359 : i32 to index
        %swap3A_372 = arith.constant 0 : index
        %swap3A_373 = tpu.vector_load %arg14[%swap3A_371, %swap3A_372] {strides = array<i32>} : memref<640x16xf32, #tpu.memory_space<vmem>>, vector<16xf32>,
        tpu.vector_store %arg14[%swap3A_371, %swap3A_372], %add3A_370 {strides = array<i32>} : memref<640x16xf32, #tpu.memory_space<vmem>>, vector<16xf32>,
        %mul3A_374 = arith.constant 16 : i32
        %mul3A_375 = arith.muli %scan3A_338, %mul3A_374 : i32
        %add3A_376 = arith.constant 2 : i32
        %add3A_377 = arith.addi %mul3A_375, %add3A_376 : i32
        %get3A_378 = arith.index_cast %add3A_377 : i32 to index
        %get3A_379 = arith.constant 0 : index
        %get3A_380 = tpu.vector_load %arg14[%get3A_378, %get3A_379] {strides = array<i32>} : memref<640x16xf32, #tpu.memory_space<vmem>>, vector<16xf32>,
        %slice3A_381 = vector.extract_strided_slice %get3A_340 {offsets = [2], sizes = [1], strides = [1]} : vector<16xf32> to vector<1xf32>
        %squeeze3A_382 = vector.extract %slice3A_381[0] : f32 from vector<1xf32>
        %mul3A_383 = vector.broadcast %squeeze3A_382 : f32 to vector<16xf32>
        %mul3A_384 = arith.mulf %get3A_380, %mul3A_383 : vector<16xf32>
        %get3A_385 = arith.index_cast %add3A_377 : i32 to index
        %get3A_386 = arith.constant 0 : index
        %get3A_387 = tpu.vector_load %arg13[%get3A_385, %get3A_386] {strides = array<i32>} : memref<640x16xf32, #tpu.memory_space<vmem>>, vector<16xf32>,
        %add3A_388 = arith.addf %mul3A_384, %get3A_387 : vector<16xf32>
        %swap3A_389 = arith.index_cast %add3A_377 : i32 to index
        %swap3A_390 = arith.constant 0 : index
        %swap3A_391 = tpu.vector_load %arg14[%swap3A_389, %swap3A_390] {strides = array<i32>} : memref<640x16xf32, #tpu.memory_space<vmem>>, vector<16xf32>,
        tpu.vector_store %arg14[%swap3A_389, %swap3A_390], %add3A_388 {strides = array<i32>} : memref<640x16xf32, #tpu.memory_space<vmem>>, vector<16xf32>,
        %mul3A_392 = arith.constant 16 : i32
        %mul3A_393 = arith.muli %scan3A_338, %mul3A_392 : i32
        %add3A_394 = arith.constant 3 : i32
        %add3A_395 = arith.addi %mul3A_393, %add3A_394 : i32
        %get3A_396 = arith.index_cast %add3A_395 : i32 to index
        %get3A_397 = arith.constant 0 : index
        %get3A_398 = tpu.vector_load %arg14[%get3A_396, %get3A_397] {strides = array<i32>} : memref<640x16xf32, #tpu.memory_space<vmem>>, vector<16xf32>,
        %slice3A_399 = vector.extract_strided_slice %get3A_340 {offsets = [3], sizes = [1], strides = [1]} : vector<16xf32> to vector<1xf32>
        %squeeze3A_400 = vector.extract %slice3A_399[0] : f32 from vector<1xf32>
        %mul3A_401 = vector.broadcast %squeeze3A_400 : f32 to vector<16xf32>
        %mul3A_402 = arith.mulf %get3A_398, %mul3A_401 : vector<16xf32>
        %get3A_403 = arith.index_cast %add3A_395 : i32 to index
        %get3A_404 = arith.constant 0 : index
        %get3A_405 = tpu.vector_load %arg13[%get3A_403, %get3A_404] {strides = array<i32>} : memref<640x16xf32, #tpu.memory_space<vmem>>, vector<16xf32>,
        %add3A_406 = arith.addf %mul3A_402, %get3A_405 : vector<16xf32>
        %swap3A_407 = arith.index_cast %add3A_395 : i32 to index
        %swap3A_408 = arith.constant 0 : index
        %swap3A_409 = tpu.vector_load %arg14[%swap3A_407, %swap3A_408] {strides = array<i32>} : memref<640x16xf32, #tpu.memory_space<vmem>>, vector<16xf32>,
        tpu.vector_store %arg14[%swap3A_407, %swap3A_408], %add3A_406 {strides = array<i32>} : memref<640x16xf32, #tpu.memory_space<vmem>>, vector<16xf32>,
        %mul3A_410 = arith.constant 16 : i32
        %mul3A_411 = arith.muli %scan3A_338, %mul3A_410 : i32
        %add3A_412 = arith.constant 4 : i32
        %add3A_413 = arith.addi %mul3A_411, %add3A_412 : i32
        %get3A_414 = arith.index_cast %add3A_413 : i32 to index
        %get3A_415 = arith.constant 0 : index
        %get3A_416 = tpu.vector_load %arg14[%get3A_414, %get3A_415] {strides = array<i32>} : memref<640x16xf32, #tpu.memory_space<vmem>>, vector<16xf32>,
        %slice3A_417 = vector.extract_strided_slice %get3A_340 {offsets = [4], sizes = [1], strides = [1]} : vector<16xf32> to vector<1xf32>
        %squeeze3A_418 = vector.extract %slice3A_417[0] : f32 from vector<1xf32>
        %mul3A_419 = vector.broadcast %squeeze3A_418 : f32 to vector<16xf32>
        %mul3A_420 = arith.mulf %get3A_416, %mul3A_419 : vector<16xf32>
        %get3A_421 = arith.index_cast %add3A_413 : i32 to index
        %get3A_422 = arith.constant 0 : index
        %get3A_423 = tpu.vector_load %arg13[%get3A_421, %get3A_422] {strides = array<i32>} : memref<640x16xf32, #tpu.memory_space<vmem>>, vector<16xf32>,
        %add3A_424 = arith.addf %mul3A_420, %get3A_423 : vector<16xf32>
        %swap3A_425 = arith.index_cast %add3A_413 : i32 to index
        %swap3A_426 = arith.constant 0 : index
        %swap3A_427 = tpu.vector_load %arg14[%swap3A_425, %swap3A_426] {strides = array<i32>} : memref<640x16xf32, #tpu.memory_space<vmem>>, vector<16xf32>,
        tpu.vector_store %arg14[%swap3A_425, %swap3A_426], %add3A_424 {strides = array<i32>} : memref<640x16xf32, #tpu.memory_space<vmem>>, vector<16xf32>,
        %mul3A_428 = arith.constant 16 : i32
        %mul3A_429 = arith.muli %scan3A_338, %mul3A_428 : i32
        %add3A_430 = arith.constant 5 : i32
        %add3A_431 = arith.addi %mul3A_429, %add3A_430 : i32
        %get3A_432 = arith.index_cast %add3A_431 : i32 to index
        %get3A_433 = arith.constant 0 : index
        %get3A_434 = tpu.vector_load %arg14[%get3A_432, %get3A_433] {strides = array<i32>} : memref<640x16xf32, #tpu.memory_space<vmem>>, vector<16xf32>,
        %slice3A_435 = vector.extract_strided_slice %get3A_340 {offsets = [5], sizes = [1], strides = [1]} : vector<16xf32> to vector<1xf32>
        %squeeze3A_436 = vector.extract %slice3A_435[0] : f32 from vector<1xf32>
        %mul3A_437 = vector.broadcast %squeeze3A_436 : f32 to vector<16xf32>
        %mul3A_438 = arith.mulf %get3A_434, %mul3A_437 : vector<16xf32>
        %get3A_439 = arith.index_cast %add3A_431 : i32 to index
        %get3A_440 = arith.constant 0 : index
        %get3A_441 = tpu.vector_load %arg13[%get3A_439, %get3A_440] {strides = array<i32>} : memref<640x16xf32, #tpu.memory_space<vmem>>, vector<16xf32>,
        %add3A_442 = arith.addf %mul3A_438, %get3A_441 : vector<16xf32>
        %swap3A_443 = arith.index_cast %add3A_431 : i32 to index
        %swap3A_444 = arith.constant 0 : index
        %swap3A_445 = tpu.vector_load %arg14[%swap3A_443, %swap3A_444] {strides = array<i32>} : memref<640x16xf32, #tpu.memory_space<vmem>>, vector<16xf32>,
        tpu.vector_store %arg14[%swap3A_443, %swap3A_444], %add3A_442 {strides = array<i32>} : memref<640x16xf32, #tpu.memory_space<vmem>>, vector<16xf32>,
        %mul3A_446 = arith.constant 16 : i32
        %mul3A_447 = arith.muli %scan3A_338, %mul3A_446 : i32
        %add3A_448 = arith.constant 6 : i32
        %add3A_449 = arith.addi %mul3A_447, %add3A_448 : i32
        %get3A_450 = arith.index_cast %add3A_449 : i32 to index
        %get3A_451 = arith.constant 0 : index
        %get3A_452 = tpu.vector_load %arg14[%get3A_450, %get3A_451] {strides = array<i32>} : memref<640x16xf32, #tpu.memory_space<vmem>>, vector<16xf32>,
        %slice3A_453 = vector.extract_strided_slice %get3A_340 {offsets = [6], sizes = [1], strides = [1]} : vector<16xf32> to vector<1xf32>
        %squeeze3A_454 = vector.extract %slice3A_453[0] : f32 from vector<1xf32>
        %mul3A_455 = vector.broadcast %squeeze3A_454 : f32 to vector<16xf32>
        %mul3A_456 = arith.mulf %get3A_452, %mul3A_455 : vector<16xf32>
        %get3A_457 = arith.index_cast %add3A_449 : i32 to index
        %get3A_458 = arith.constant 0 : index
        %get3A_459 = tpu.vector_load %arg13[%get3A_457, %get3A_458] {strides = array<i32>} : memref<640x16xf32, #tpu.memory_space<vmem>>, vector<16xf32>,
        %add3A_460 = arith.addf %mul3A_456, %get3A_459 : vector<16xf32>
        %swap3A_461 = arith.index_cast %add3A_449 : i32 to index
        %swap3A_462 = arith.constant 0 : index
        %swap3A_463 = tpu.vector_load %arg14[%swap3A_461, %swap3A_462] {strides = array<i32>} : memref<640x16xf32, #tpu.memory_space<vmem>>, vector<16xf32>,
        tpu.vector_store %arg14[%swap3A_461, %swap3A_462], %add3A_460 {strides = array<i32>} : memref<640x16xf32, #tpu.memory_space<vmem>>, vector<16xf32>,
        %mul3A_464 = arith.constant 16 : i32
        %mul3A_465 = arith.muli %scan3A_338, %mul3A_464 : i32
        %add3A_466 = arith.constant 7 : i32
        %add3A_467 = arith.addi %mul3A_465, %add3A_466 : i32
        %get3A_468 = arith.index_cast %add3A_467 : i32 to index
        %get3A_469 = arith.constant 0 : index
        %get3A_470 = tpu.vector_load %arg14[%get3A_468, %get3A_469] {strides = array<i32>} : memref<640x16xf32, #tpu.memory_space<vmem>>, vector<16xf32>,
        %slice3A_471 = vector.extract_strided_slice %get3A_340 {offsets = [7], sizes = [1], strides = [1]} : vector<16xf32> to vector<1xf32>
        %squeeze3A_472 = vector.extract %slice3A_471[0] : f32 from vector<1xf32>
        %mul3A_473 = vector.broadcast %squeeze3A_472 : f32 to vector<16xf32>
        %mul3A_474 = arith.mulf %get3A_470, %mul3A_473 : vector<16xf32>
        %get3A_475 = arith.index_cast %add3A_467 : i32 to index
        %get3A_476 = arith.constant 0 : index
        %get3A_477 = tpu.vector_load %arg13[%get3A_475, %get3A_476] {strides = array<i32>} : memref<640x16xf32, #tpu.memory_space<vmem>>, vector<16xf32>,
        %add3A_478 = arith.addf %mul3A_474, %get3A_477 : vector<16xf32>
        %swap3A_479 = arith.index_cast %add3A_467 : i32 to index
        %swap3A_480 = arith.constant 0 : index
        %swap3A_481 = tpu.vector_load %arg14[%swap3A_479, %swap3A_480] {strides = array<i32>} : memref<640x16xf32, #tpu.memory_space<vmem>>, vector<16xf32>,
        tpu.vector_store %arg14[%swap3A_479, %swap3A_480], %add3A_478 {strides = array<i32>} : memref<640x16xf32, #tpu.memory_space<vmem>>, vector<16xf32>,
        %mul3A_482 = arith.constant 16 : i32
        %mul3A_483 = arith.muli %scan3A_338, %mul3A_482 : i32
        %add3A_484 = arith.constant 8 : i32
        %add3A_485 = arith.addi %mul3A_483, %add3A_484 : i32
        %get3A_486 = arith.index_cast %add3A_485 : i32 to index
        %get3A_487 = arith.constant 0 : index
        %get3A_488 = tpu.vector_load %arg14[%get3A_486, %get3A_487] {strides = array<i32>} : memref<640x16xf32, #tpu.memory_space<vmem>>, vector<16xf32>,
        %slice3A_489 = vector.extract_strided_slice %get3A_340 {offsets = [8], sizes = [1], strides = [1]} : vector<16xf32> to vector<1xf32>
        %squeeze3A_490 = vector.extract %slice3A_489[0] : f32 from vector<1xf32>
        %mul3A_491 = vector.broadcast %squeeze3A_490 : f32 to vector<16xf32>
        %mul3A_492 = arith.mulf %get3A_488, %mul3A_491 : vector<16xf32>
        %get3A_493 = arith.index_cast %add3A_485 : i32 to index
        %get3A_494 = arith.constant 0 : index
        %get3A_495 = tpu.vector_load %arg13[%get3A_493, %get3A_494] {strides = array<i32>} : memref<640x16xf32, #tpu.memory_space<vmem>>, vector<16xf32>,
        %add3A_496 = arith.addf %mul3A_492, %get3A_495 : vector<16xf32>
        %swap3A_497 = arith.index_cast %add3A_485 : i32 to index
        %swap3A_498 = arith.constant 0 : index
        %swap3A_499 = tpu.vector_load %arg14[%swap3A_497, %swap3A_498] {strides = array<i32>} : memref<640x16xf32, #tpu.memory_space<vmem>>, vector<16xf32>,
        tpu.vector_store %arg14[%swap3A_497, %swap3A_498], %add3A_496 {strides = array<i32>} : memref<640x16xf32, #tpu.memory_space<vmem>>, vector<16xf32>,
        %mul3A_500 = arith.constant 16 : i32
        %mul3A_501 = arith.muli %scan3A_338, %mul3A_500 : i32
        %add3A_502 = arith.constant 9 : i32
        %add3A_503 = arith.addi %mul3A_501, %add3A_502 : i32
        %get3A_504 = arith.index_cast %add3A_503 : i32 to index
        %get3A_505 = arith.constant 0 : index
        %get3A_506 = tpu.vector_load %arg14[%get3A_504, %get3A_505] {strides = array<i32>} : memref<640x16xf32, #tpu.memory_space<vmem>>, vector<16xf32>,
        %slice3A_507 = vector.extract_strided_slice %get3A_340 {offsets = [9], sizes = [1], strides = [1]} : vector<16xf32> to vector<1xf32>
        %squeeze3A_508 = vector.extract %slice3A_507[0] : f32 from vector<1xf32>
        %mul3A_509 = vector.broadcast %squeeze3A_508 : f32 to vector<16xf32>
        %mul3A_510 = arith.mulf %get3A_506, %mul3A_509 : vector<16xf32>
        %get3A_511 = arith.index_cast %add3A_503 : i32 to index
        %get3A_512 = arith.constant 0 : index
        %get3A_513 = tpu.vector_load %arg13[%get3A_511, %get3A_512] {strides = array<i32>} : memref<640x16xf32, #tpu.memory_space<vmem>>, vector<16xf32>,
        %add3A_514 = arith.addf %mul3A_510, %get3A_513 : vector<16xf32>
        %swap3A_515 = arith.index_cast %add3A_503 : i32 to index
        %swap3A_516 = arith.constant 0 : index
        %swap3A_517 = tpu.vector_load %arg14[%swap3A_515, %swap3A_516] {strides = array<i32>} : memref<640x16xf32, #tpu.memory_space<vmem>>, vector<16xf32>,
        tpu.vector_store %arg14[%swap3A_515, %swap3A_516], %add3A_514 {strides = array<i32>} : memref<640x16xf32, #tpu.memory_space<vmem>>, vector<16xf32>,
        %mul3A_518 = arith.constant 16 : i32
        %mul3A_519 = arith.muli %scan3A_338, %mul3A_518 : i32
        %add3A_520 = arith.constant 10 : i32
        %add3A_521 = arith.addi %mul3A_519, %add3A_520 : i32
        %get3A_522 = arith.index_cast %add3A_521 : i32 to index
        %get3A_523 = arith.constant 0 : index
        %get3A_524 = tpu.vector_load %arg14[%get3A_522, %get3A_523] {strides = array<i32>} : memref<640x16xf32, #tpu.memory_space<vmem>>, vector<16xf32>,
        %slice3A_525 = vector.extract_strided_slice %get3A_340 {offsets = [10], sizes = [1], strides = [1]} : vector<16xf32> to vector<1xf32>
        %squeeze3A_526 = vector.extract %slice3A_525[0] : f32 from vector<1xf32>
        %mul3A_527 = vector.broadcast %squeeze3A_526 : f32 to vector<16xf32>
        %mul3A_528 = arith.mulf %get3A_524, %mul3A_527 : vector<16xf32>
        %get3A_529 = arith.index_cast %add3A_521 : i32 to index
        %get3A_530 = arith.constant 0 : index
        %get3A_531 = tpu.vector_load %arg13[%get3A_529, %get3A_530] {strides = array<i32>} : memref<640x16xf32, #tpu.memory_space<vmem>>, vector<16xf32>,
        %add3A_532 = arith.addf %mul3A_528, %get3A_531 : vector<16xf32>
        %swap3A_533 = arith.index_cast %add3A_521 : i32 to index
        %swap3A_534 = arith.constant 0 : index
        %swap3A_535 = tpu.vector_load %arg14[%swap3A_533, %swap3A_534] {strides = array<i32>} : memref<640x16xf32, #tpu.memory_space<vmem>>, vector<16xf32>,
        tpu.vector_store %arg14[%swap3A_533, %swap3A_534], %add3A_532 {strides = array<i32>} : memref<640x16xf32, #tpu.memory_space<vmem>>, vector<16xf32>,
        %mul3A_536 = arith.constant 16 : i32
        %mul3A_537 = arith.muli %scan3A_338, %mul3A_536 : i32
        %add3A_538 = arith.constant 11 : i32
        %add3A_539 = arith.addi %mul3A_537, %add3A_538 : i32
        %get3A_540 = arith.index_cast %add3A_539 : i32 to index
        %get3A_541 = arith.constant 0 : index
        %get3A_542 = tpu.vector_load %arg14[%get3A_540, %get3A_541] {strides = array<i32>} : memref<640x16xf32, #tpu.memory_space<vmem>>, vector<16xf32>,
        %slice3A_543 = vector.extract_strided_slice %get3A_340 {offsets = [11], sizes = [1], strides = [1]} : vector<16xf32> to vector<1xf32>
        %squeeze3A_544 = vector.extract %slice3A_543[0] : f32 from vector<1xf32>
        %mul3A_545 = vector.broadcast %squeeze3A_544 : f32 to vector<16xf32>
        %mul3A_546 = arith.mulf %get3A_542, %mul3A_545 : vector<16xf32>
        %get3A_547 = arith.index_cast %add3A_539 : i32 to index
        %get3A_548 = arith.constant 0 : index
        %get3A_549 = tpu.vector_load %arg13[%get3A_547, %get3A_548] {strides = array<i32>} : memref<640x16xf32, #tpu.memory_space<vmem>>, vector<16xf32>,
        %add3A_550 = arith.addf %mul3A_546, %get3A_549 : vector<16xf32>
        %swap3A_551 = arith.index_cast %add3A_539 : i32 to index
        %swap3A_552 = arith.constant 0 : index
        %swap3A_553 = tpu.vector_load %arg14[%swap3A_551, %swap3A_552] {strides = array<i32>} : memref<640x16xf32, #tpu.memory_space<vmem>>, vector<16xf32>,
        tpu.vector_store %arg14[%swap3A_551, %swap3A_552], %add3A_550 {strides = array<i32>} : memref<640x16xf32, #tpu.memory_space<vmem>>, vector<16xf32>,
        %mul3A_554 = arith.constant 16 : i32
        %mul3A_555 = arith.muli %scan3A_338, %mul3A_554 : i32
        %add3A_556 = arith.constant 12 : i32
        %add3A_557 = arith.addi %mul3A_555, %add3A_556 : i32
        %get3A_558 = arith.index_cast %add3A_557 : i32 to index
        %get3A_559 = arith.constant 0 : index
        %get3A_560 = tpu.vector_load %arg14[%get3A_558, %get3A_559] {strides = array<i32>} : memref<640x16xf32, #tpu.memory_space<vmem>>, vector<16xf32>,
        %slice3A_561 = vector.extract_strided_slice %get3A_340 {offsets = [12], sizes = [1], strides = [1]} : vector<16xf32> to vector<1xf32>
        %squeeze3A_562 = vector.extract %slice3A_561[0] : f32 from vector<1xf32>
        %mul3A_563 = vector.broadcast %squeeze3A_562 : f32 to vector<16xf32>
        %mul3A_564 = arith.mulf %get3A_560, %mul3A_563 : vector<16xf32>
        %get3A_565 = arith.index_cast %add3A_557 : i32 to index
        %get3A_566 = arith.constant 0 : index
        %get3A_567 = tpu.vector_load %arg13[%get3A_565, %get3A_566] {strides = array<i32>} : memref<640x16xf32, #tpu.memory_space<vmem>>, vector<16xf32>,
        %add3A_568 = arith.addf %mul3A_564, %get3A_567 : vector<16xf32>
        %swap3A_569 = arith.index_cast %add3A_557 : i32 to index
        %swap3A_570 = arith.constant 0 : index
        %swap3A_571 = tpu.vector_load %arg14[%swap3A_569, %swap3A_570] {strides = array<i32>} : memref<640x16xf32, #tpu.memory_space<vmem>>, vector<16xf32>,
        tpu.vector_store %arg14[%swap3A_569, %swap3A_570], %add3A_568 {strides = array<i32>} : memref<640x16xf32, #tpu.memory_space<vmem>>, vector<16xf32>,
        %mul3A_572 = arith.constant 16 : i32
        %mul3A_573 = arith.muli %scan3A_338, %mul3A_572 : i32
        %add3A_574 = arith.constant 13 : i32
        %add3A_575 = arith.addi %mul3A_573, %add3A_574 : i32
        %get3A_576 = arith.index_cast %add3A_575 : i32 to index
        %get3A_577 = arith.constant 0 : index
        %get3A_578 = tpu.vector_load %arg14[%get3A_576, %get3A_577] {strides = array<i32>} : memref<640x16xf32, #tpu.memory_space<vmem>>, vector<16xf32>,
        %slice3A_579 = vector.extract_strided_slice %get3A_340 {offsets = [13], sizes = [1], strides = [1]} : vector<16xf32> to vector<1xf32>
        %squeeze3A_580 = vector.extract %slice3A_579[0] : f32 from vector<1xf32>
        %mul3A_581 = vector.broadcast %squeeze3A_580 : f32 to vector<16xf32>
        %mul3A_582 = arith.mulf %get3A_578, %mul3A_581 : vector<16xf32>
        %get3A_583 = arith.index_cast %add3A_575 : i32 to index
        %get3A_584 = arith.constant 0 : index
        %get3A_585 = tpu.vector_load %arg13[%get3A_583, %get3A_584] {strides = array<i32>} : memref<640x16xf32, #tpu.memory_space<vmem>>, vector<16xf32>,
        %add3A_586 = arith.addf %mul3A_582, %get3A_585 : vector<16xf32>
        %swap3A_587 = arith.index_cast %add3A_575 : i32 to index
        %swap3A_588 = arith.constant 0 : index
        %swap3A_589 = tpu.vector_load %arg14[%swap3A_587, %swap3A_588] {strides = array<i32>} : memref<640x16xf32, #tpu.memory_space<vmem>>, vector<16xf32>,
        tpu.vector_store %arg14[%swap3A_587, %swap3A_588], %add3A_586 {strides = array<i32>} : memref<640x16xf32, #tpu.memory_space<vmem>>, vector<16xf32>,
        %mul3A_590 = arith.constant 16 : i32
        %mul3A_591 = arith.muli %scan3A_338, %mul3A_590 : i32
        %add3A_592 = arith.constant 14 : i32
        %add3A_593 = arith.addi %mul3A_591, %add3A_592 : i32
        %get3A_594 = arith.index_cast %add3A_593 : i32 to index
        %get3A_595 = arith.constant 0 : index
        %get3A_596 = tpu.vector_load %arg14[%get3A_594, %get3A_595] {strides = array<i32>} : memref<640x16xf32, #tpu.memory_space<vmem>>, vector<16xf32>,
        %slice3A_597 = vector.extract_strided_slice %get3A_340 {offsets = [14], sizes = [1], strides = [1]} : vector<16xf32> to vector<1xf32>
        %squeeze3A_598 = vector.extract %slice3A_597[0] : f32 from vector<1xf32>
        %mul3A_599 = vector.broadcast %squeeze3A_598 : f32 to vector<16xf32>
        %mul3A_600 = arith.mulf %get3A_596, %mul3A_599 : vector<16xf32>
        %get3A_601 = arith.index_cast %add3A_593 : i32 to index
        %get3A_602 = arith.constant 0 : index
        %get3A_603 = tpu.vector_load %arg13[%get3A_601, %get3A_602] {strides = array<i32>} : memref<640x16xf32, #tpu.memory_space<vmem>>, vector<16xf32>,
        %add3A_604 = arith.addf %mul3A_600, %get3A_603 : vector<16xf32>
        %swap3A_605 = arith.index_cast %add3A_593 : i32 to index
        %swap3A_606 = arith.constant 0 : index
        %swap3A_607 = tpu.vector_load %arg14[%swap3A_605, %swap3A_606] {strides = array<i32>} : memref<640x16xf32, #tpu.memory_space<vmem>>, vector<16xf32>,
        tpu.vector_store %arg14[%swap3A_605, %swap3A_606], %add3A_604 {strides = array<i32>} : memref<640x16xf32, #tpu.memory_space<vmem>>, vector<16xf32>,
        %mul3A_608 = arith.constant 16 : i32
        %mul3A_609 = arith.muli %scan3A_338, %mul3A_608 : i32
        %add3A_610 = arith.constant 15 : i32
        %add3A_611 = arith.addi %mul3A_609, %add3A_610 : i32
        %get3A_612 = arith.index_cast %add3A_611 : i32 to index
        %get3A_613 = arith.constant 0 : index
        %get3A_614 = tpu.vector_load %arg14[%get3A_612, %get3A_613] {strides = array<i32>} : memref<640x16xf32, #tpu.memory_space<vmem>>, vector<16xf32>,
        %slice3A_615 = vector.extract_strided_slice %get3A_340 {offsets = [15], sizes = [1], strides = [1]} : vector<16xf32> to vector<1xf32>
        %squeeze3A_616 = vector.extract %slice3A_615[0] : f32 from vector<1xf32>
        %mul3A_617 = vector.broadcast %squeeze3A_616 : f32 to vector<16xf32>
        %mul3A_618 = arith.mulf %get3A_614, %mul3A_617 : vector<16xf32>
        %get3A_619 = arith.index_cast %add3A_611 : i32 to index
        %get3A_620 = arith.constant 0 : index
        %get3A_621 = tpu.vector_load %arg13[%get3A_619, %get3A_620] {strides = array<i32>} : memref<640x16xf32, #tpu.memory_space<vmem>>, vector<16xf32>,
        %add3A_622 = arith.addf %mul3A_618, %get3A_621 : vector<16xf32>
        %swap3A_623 = arith.index_cast %add3A_611 : i32 to index
        %swap3A_624 = arith.constant 0 : index
        %swap3A_625 = tpu.vector_load %arg14[%swap3A_623, %swap3A_624] {strides = array<i32>} : memref<640x16xf32, #tpu.memory_space<vmem>>, vector<16xf32>,
        tpu.vector_store %arg14[%swap3A_623, %swap3A_624], %add3A_622 {strides = array<i32>} : memref<640x16xf32, #tpu.memory_space<vmem>>, vector<16xf32>,
      }
      %scan3A_337 = arith.constant 40 : i32
    } else {
    }
    %not3A = arith.constant true
    %not3A_328 = arith.xori %eq3A, %not3A : i1
    %convert_element_type3A_329 = arith.extui %not3A_328 : i1 to i32
    %cond3A_330 = arith.constant 0 : i32
    %cond3A_331 = arith.cmpi ne, %convert_element_type3A_329, %cond3A_330 : i32
    scf.if %cond3A_331 {
      %scan3A_332 = arith.constant 0 : i32
      %scan3A_333 = arith.constant 0 : i32
      %scan3A_334 = arith.constant 40 : i32
      %scan3A_335 = arith.addi %scan3A_333, %scan3A_334 : i32
      %scan3A_336 = arith.constant 1 : i32
      scf.for %scan3A_338 = %scan3A_333 to %scan3A_335 step %scan3A_336  : i32 {
        %get3A = arith.index_cast %scan3A_338 : i32 to index
        %get3A_339 = arith.constant 0 : index
        %get3A_340 = tpu.vector_load %arg12[%get3A, %get3A_339] {strides = array<i32>} : memref<40x16xf32, #tpu.memory_space<vmem>>, vector<16xf32>,
        %mul3A_341 = arith.constant 16 : i32
        %mul3A_342 = arith.muli %scan3A_338, %mul3A_341 : i32
        %add3A_343 = arith.constant 0 : i32
        %add3A_344 = arith.addi %mul3A_342, %add3A_343 : i32
        %get3A_345 = arith.index_cast %add3A_344 : i32 to index
        %get3A_346 = arith.constant 0 : index
        %get3A_347 = tpu.vector_load %arg14[%get3A_345, %get3A_346] {strides = array<i32>} : memref<640x16xf32, #tpu.memory_space<vmem>>, vector<16xf32>,
        %slice3A = vector.extract_strided_slice %get3A_340 {offsets = [0], sizes = [1], strides = [1]} : vector<16xf32> to vector<1xf32>
        %squeeze3A = vector.extract %slice3A[0] : f32 from vector<1xf32>
        %mul3A_348 = vector.broadcast %squeeze3A : f32 to vector<16xf32>
        %mul3A_349 = arith.mulf %get3A_347, %mul3A_348 : vector<16xf32>
        %swap3A = arith.index_cast %add3A_344 : i32 to index
        %swap3A_350 = arith.constant 0 : index
        %swap3A_351 = tpu.vector_load %arg14[%swap3A, %swap3A_350] {strides = array<i32>} : memref<640x16xf32, #tpu.memory_space<vmem>>, vector<16xf32>,
        tpu.vector_store %arg14[%swap3A, %swap3A_350], %mul3A_349 {strides = array<i32>} : memref<640x16xf32, #tpu.memory_space<vmem>>, vector<16xf32>,
        %mul3A_352 = arith.constant 16 : i32
        %mul3A_353 = arith.muli %scan3A_338, %mul3A_352 : i32
        %add3A_354 = arith.constant 1 : i32
        %add3A_355 = arith.addi %mul3A_353, %add3A_354 : i32
        %get3A_356 = arith.index_cast %add3A_355 : i32 to index
        %get3A_357 = arith.constant 0 : index
        %get3A_358 = tpu.vector_load %arg14[%get3A_356, %get3A_357] {strides = array<i32>} : memref<640x16xf32, #tpu.memory_space<vmem>>, vector<16xf32>,
        %slice3A_359 = vector.extract_strided_slice %get3A_340 {offsets = [1], sizes = [1], strides = [1]} : vector<16xf32> to vector<1xf32>
        %squeeze3A_360 = vector.extract %slice3A_359[0] : f32 from vector<1xf32>
        %mul3A_361 = vector.broadcast %squeeze3A_360 : f32 to vector<16xf32>
        %mul3A_362 = arith.mulf %get3A_358, %mul3A_361 : vector<16xf32>
        %swap3A_363 = arith.index_cast %add3A_355 : i32 to index
        %swap3A_364 = arith.constant 0 : index
        %swap3A_365 = tpu.vector_load %arg14[%swap3A_363, %swap3A_364] {strides = array<i32>} : memref<640x16xf32, #tpu.memory_space<vmem>>, vector<16xf32>,
        tpu.vector_store %arg14[%swap3A_363, %swap3A_364], %mul3A_362 {strides = array<i32>} : memref<640x16xf32, #tpu.memory_space<vmem>>, vector<16xf32>,
        %mul3A_366 = arith.constant 16 : i32
        %mul3A_367 = arith.muli %scan3A_338, %mul3A_366 : i32
        %add3A_368 = arith.constant 2 : i32
        %add3A_369 = arith.addi %mul3A_367, %add3A_368 : i32
        %get3A_370 = arith.index_cast %add3A_369 : i32 to index
        %get3A_371 = arith.constant 0 : index
        %get3A_372 = tpu.vector_load %arg14[%get3A_370, %get3A_371] {strides = array<i32>} : memref<640x16xf32, #tpu.memory_space<vmem>>, vector<16xf32>,
        %slice3A_373 = vector.extract_strided_slice %get3A_340 {offsets = [2], sizes = [1], strides = [1]} : vector<16xf32> to vector<1xf32>
        %squeeze3A_374 = vector.extract %slice3A_373[0] : f32 from vector<1xf32>
        %mul3A_375 = vector.broadcast %squeeze3A_374 : f32 to vector<16xf32>
        %mul3A_376 = arith.mulf %get3A_372, %mul3A_375 : vector<16xf32>
        %swap3A_377 = arith.index_cast %add3A_369 : i32 to index
        %swap3A_378 = arith.constant 0 : index
        %swap3A_379 = tpu.vector_load %arg14[%swap3A_377, %swap3A_378] {strides = array<i32>} : memref<640x16xf32, #tpu.memory_space<vmem>>, vector<16xf32>,
        tpu.vector_store %arg14[%swap3A_377, %swap3A_378], %mul3A_376 {strides = array<i32>} : memref<640x16xf32, #tpu.memory_space<vmem>>, vector<16xf32>,
        %mul3A_380 = arith.constant 16 : i32
        %mul3A_381 = arith.muli %scan3A_338, %mul3A_380 : i32
        %add3A_382 = arith.constant 3 : i32
        %add3A_383 = arith.addi %mul3A_381, %add3A_382 : i32
        %get3A_384 = arith.index_cast %add3A_383 : i32 to index
        %get3A_385 = arith.constant 0 : index
        %get3A_386 = tpu.vector_load %arg14[%get3A_384, %get3A_385] {strides = array<i32>} : memref<640x16xf32, #tpu.memory_space<vmem>>, vector<16xf32>,
        %slice3A_387 = vector.extract_strided_slice %get3A_340 {offsets = [3], sizes = [1], strides = [1]} : vector<16xf32> to vector<1xf32>
        %squeeze3A_388 = vector.extract %slice3A_387[0] : f32 from vector<1xf32>
        %mul3A_389 = vector.broadcast %squeeze3A_388 : f32 to vector<16xf32>
        %mul3A_390 = arith.mulf %get3A_386, %mul3A_389 : vector<16xf32>
        %swap3A_391 = arith.index_cast %add3A_383 : i32 to index
        %swap3A_392 = arith.constant 0 : index
        %swap3A_393 = tpu.vector_load %arg14[%swap3A_391, %swap3A_392] {strides = array<i32>} : memref<640x16xf32, #tpu.memory_space<vmem>>, vector<16xf32>,
        tpu.vector_store %arg14[%swap3A_391, %swap3A_392], %mul3A_390 {strides = array<i32>} : memref<640x16xf32, #tpu.memory_space<vmem>>, vector<16xf32>,
        %mul3A_394 = arith.constant 16 : i32
        %mul3A_395 = arith.muli %scan3A_338, %mul3A_394 : i32
        %add3A_396 = arith.constant 4 : i32
        %add3A_397 = arith.addi %mul3A_395, %add3A_396 : i32
        %get3A_398 = arith.index_cast %add3A_397 : i32 to index
        %get3A_399 = arith.constant 0 : index
        %get3A_400 = tpu.vector_load %arg14[%get3A_398, %get3A_399] {strides = array<i32>} : memref<640x16xf32, #tpu.memory_space<vmem>>, vector<16xf32>,
        %slice3A_401 = vector.extract_strided_slice %get3A_340 {offsets = [4], sizes = [1], strides = [1]} : vector<16xf32> to vector<1xf32>
        %squeeze3A_402 = vector.extract %slice3A_401[0] : f32 from vector<1xf32>
        %mul3A_403 = vector.broadcast %squeeze3A_402 : f32 to vector<16xf32>
        %mul3A_404 = arith.mulf %get3A_400, %mul3A_403 : vector<16xf32>
        %swap3A_405 = arith.index_cast %add3A_397 : i32 to index
        %swap3A_406 = arith.constant 0 : index
        %swap3A_407 = tpu.vector_load %arg14[%swap3A_405, %swap3A_406] {strides = array<i32>} : memref<640x16xf32, #tpu.memory_space<vmem>>, vector<16xf32>,
        tpu.vector_store %arg14[%swap3A_405, %swap3A_406], %mul3A_404 {strides = array<i32>} : memref<640x16xf32, #tpu.memory_space<vmem>>, vector<16xf32>,
        %mul3A_408 = arith.constant 16 : i32
        %mul3A_409 = arith.muli %scan3A_338, %mul3A_408 : i32
        %add3A_410 = arith.constant 5 : i32
        %add3A_411 = arith.addi %mul3A_409, %add3A_410 : i32
        %get3A_412 = arith.index_cast %add3A_411 : i32 to index
        %get3A_413 = arith.constant 0 : index
        %get3A_414 = tpu.vector_load %arg14[%get3A_412, %get3A_413] {strides = array<i32>} : memref<640x16xf32, #tpu.memory_space<vmem>>, vector<16xf32>,
        %slice3A_415 = vector.extract_strided_slice %get3A_340 {offsets = [5], sizes = [1], strides = [1]} : vector<16xf32> to vector<1xf32>
        %squeeze3A_416 = vector.extract %slice3A_415[0] : f32 from vector<1xf32>
        %mul3A_417 = vector.broadcast %squeeze3A_416 : f32 to vector<16xf32>
        %mul3A_418 = arith.mulf %get3A_414, %mul3A_417 : vector<16xf32>
        %swap3A_419 = arith.index_cast %add3A_411 : i32 to index
        %swap3A_420 = arith.constant 0 : index
        %swap3A_421 = tpu.vector_load %arg14[%swap3A_419, %swap3A_420] {strides = array<i32>} : memref<640x16xf32, #tpu.memory_space<vmem>>, vector<16xf32>,
        tpu.vector_store %arg14[%swap3A_419, %swap3A_420], %mul3A_418 {strides = array<i32>} : memref<640x16xf32, #tpu.memory_space<vmem>>, vector<16xf32>,
        %mul3A_422 = arith.constant 16 : i32
        %mul3A_423 = arith.muli %scan3A_338, %mul3A_422 : i32
        %add3A_424 = arith.constant 6 : i32
        %add3A_425 = arith.addi %mul3A_423, %add3A_424 : i32
        %get3A_426 = arith.index_cast %add3A_425 : i32 to index
        %get3A_427 = arith.constant 0 : index
        %get3A_428 = tpu.vector_load %arg14[%get3A_426, %get3A_427] {strides = array<i32>} : memref<640x16xf32, #tpu.memory_space<vmem>>, vector<16xf32>,
        %slice3A_429 = vector.extract_strided_slice %get3A_340 {offsets = [6], sizes = [1], strides = [1]} : vector<16xf32> to vector<1xf32>
        %squeeze3A_430 = vector.extract %slice3A_429[0] : f32 from vector<1xf32>
        %mul3A_431 = vector.broadcast %squeeze3A_430 : f32 to vector<16xf32>
        %mul3A_432 = arith.mulf %get3A_428, %mul3A_431 : vector<16xf32>
        %swap3A_433 = arith.index_cast %add3A_425 : i32 to index
        %swap3A_434 = arith.constant 0 : index
        %swap3A_435 = tpu.vector_load %arg14[%swap3A_433, %swap3A_434] {strides = array<i32>} : memref<640x16xf32, #tpu.memory_space<vmem>>, vector<16xf32>,
        tpu.vector_store %arg14[%swap3A_433, %swap3A_434], %mul3A_432 {strides = array<i32>} : memref<640x16xf32, #tpu.memory_space<vmem>>, vector<16xf32>,
        %mul3A_436 = arith.constant 16 : i32
        %mul3A_437 = arith.muli %scan3A_338, %mul3A_436 : i32
        %add3A_438 = arith.constant 7 : i32
        %add3A_439 = arith.addi %mul3A_437, %add3A_438 : i32
        %get3A_440 = arith.index_cast %add3A_439 : i32 to index
        %get3A_441 = arith.constant 0 : index
        %get3A_442 = tpu.vector_load %arg14[%get3A_440, %get3A_441] {strides = array<i32>} : memref<640x16xf32, #tpu.memory_space<vmem>>, vector<16xf32>,
        %slice3A_443 = vector.extract_strided_slice %get3A_340 {offsets = [7], sizes = [1], strides = [1]} : vector<16xf32> to vector<1xf32>
        %squeeze3A_444 = vector.extract %slice3A_443[0] : f32 from vector<1xf32>
        %mul3A_445 = vector.broadcast %squeeze3A_444 : f32 to vector<16xf32>
        %mul3A_446 = arith.mulf %get3A_442, %mul3A_445 : vector<16xf32>
        %swap3A_447 = arith.index_cast %add3A_439 : i32 to index
        %swap3A_448 = arith.constant 0 : index
        %swap3A_449 = tpu.vector_load %arg14[%swap3A_447, %swap3A_448] {strides = array<i32>} : memref<640x16xf32, #tpu.memory_space<vmem>>, vector<16xf32>,
        tpu.vector_store %arg14[%swap3A_447, %swap3A_448], %mul3A_446 {strides = array<i32>} : memref<640x16xf32, #tpu.memory_space<vmem>>, vector<16xf32>,
        %mul3A_450 = arith.constant 16 : i32
        %mul3A_451 = arith.muli %scan3A_338, %mul3A_450 : i32
        %add3A_452 = arith.constant 8 : i32
        %add3A_453 = arith.addi %mul3A_451, %add3A_452 : i32
        %get3A_454 = arith.index_cast %add3A_453 : i32 to index
        %get3A_455 = arith.constant 0 : index
        %get3A_456 = tpu.vector_load %arg14[%get3A_454, %get3A_455] {strides = array<i32>} : memref<640x16xf32, #tpu.memory_space<vmem>>, vector<16xf32>,
        %slice3A_457 = vector.extract_strided_slice %get3A_340 {offsets = [8], sizes = [1], strides = [1]} : vector<16xf32> to vector<1xf32>
        %squeeze3A_458 = vector.extract %slice3A_457[0] : f32 from vector<1xf32>
        %mul3A_459 = vector.broadcast %squeeze3A_458 : f32 to vector<16xf32>
        %mul3A_460 = arith.mulf %get3A_456, %mul3A_459 : vector<16xf32>
        %swap3A_461 = arith.index_cast %add3A_453 : i32 to index
        %swap3A_462 = arith.constant 0 : index
        %swap3A_463 = tpu.vector_load %arg14[%swap3A_461, %swap3A_462] {strides = array<i32>} : memref<640x16xf32, #tpu.memory_space<vmem>>, vector<16xf32>,
        tpu.vector_store %arg14[%swap3A_461, %swap3A_462], %mul3A_460 {strides = array<i32>} : memref<640x16xf32, #tpu.memory_space<vmem>>, vector<16xf32>,
        %mul3A_464 = arith.constant 16 : i32
        %mul3A_465 = arith.muli %scan3A_338, %mul3A_464 : i32
        %add3A_466 = arith.constant 9 : i32
        %add3A_467 = arith.addi %mul3A_465, %add3A_466 : i32
        %get3A_468 = arith.index_cast %add3A_467 : i32 to index
        %get3A_469 = arith.constant 0 : index
        %get3A_470 = tpu.vector_load %arg14[%get3A_468, %get3A_469] {strides = array<i32>} : memref<640x16xf32, #tpu.memory_space<vmem>>, vector<16xf32>,
        %slice3A_471 = vector.extract_strided_slice %get3A_340 {offsets = [9], sizes = [1], strides = [1]} : vector<16xf32> to vector<1xf32>
        %squeeze3A_472 = vector.extract %slice3A_471[0] : f32 from vector<1xf32>
        %mul3A_473 = vector.broadcast %squeeze3A_472 : f32 to vector<16xf32>
        %mul3A_474 = arith.mulf %get3A_470, %mul3A_473 : vector<16xf32>
        %swap3A_475 = arith.index_cast %add3A_467 : i32 to index
        %swap3A_476 = arith.constant 0 : index
        %swap3A_477 = tpu.vector_load %arg14[%swap3A_475, %swap3A_476] {strides = array<i32>} : memref<640x16xf32, #tpu.memory_space<vmem>>, vector<16xf32>,
        tpu.vector_store %arg14[%swap3A_475, %swap3A_476], %mul3A_474 {strides = array<i32>} : memref<640x16xf32, #tpu.memory_space<vmem>>, vector<16xf32>,
        %mul3A_478 = arith.constant 16 : i32
        %mul3A_479 = arith.muli %scan3A_338, %mul3A_478 : i32
        %add3A_480 = arith.constant 10 : i32
        %add3A_481 = arith.addi %mul3A_479, %add3A_480 : i32
        %get3A_482 = arith.index_cast %add3A_481 : i32 to index
        %get3A_483 = arith.constant 0 : index
        %get3A_484 = tpu.vector_load %arg14[%get3A_482, %get3A_483] {strides = array<i32>} : memref<640x16xf32, #tpu.memory_space<vmem>>, vector<16xf32>,
        %slice3A_485 = vector.extract_strided_slice %get3A_340 {offsets = [10], sizes = [1], strides = [1]} : vector<16xf32> to vector<1xf32>
        %squeeze3A_486 = vector.extract %slice3A_485[0] : f32 from vector<1xf32>
        %mul3A_487 = vector.broadcast %squeeze3A_486 : f32 to vector<16xf32>
        %mul3A_488 = arith.mulf %get3A_484, %mul3A_487 : vector<16xf32>
        %swap3A_489 = arith.index_cast %add3A_481 : i32 to index
        %swap3A_490 = arith.constant 0 : index
        %swap3A_491 = tpu.vector_load %arg14[%swap3A_489, %swap3A_490] {strides = array<i32>} : memref<640x16xf32, #tpu.memory_space<vmem>>, vector<16xf32>,
        tpu.vector_store %arg14[%swap3A_489, %swap3A_490], %mul3A_488 {strides = array<i32>} : memref<640x16xf32, #tpu.memory_space<vmem>>, vector<16xf32>,
        %mul3A_492 = arith.constant 16 : i32
        %mul3A_493 = arith.muli %scan3A_338, %mul3A_492 : i32
        %add3A_494 = arith.constant 11 : i32
        %add3A_495 = arith.addi %mul3A_493, %add3A_494 : i32
        %get3A_496 = arith.index_cast %add3A_495 : i32 to index
        %get3A_497 = arith.constant 0 : index
        %get3A_498 = tpu.vector_load %arg14[%get3A_496, %get3A_497] {strides = array<i32>} : memref<640x16xf32, #tpu.memory_space<vmem>>, vector<16xf32>,
        %slice3A_499 = vector.extract_strided_slice %get3A_340 {offsets = [11], sizes = [1], strides = [1]} : vector<16xf32> to vector<1xf32>
        %squeeze3A_500 = vector.extract %slice3A_499[0] : f32 from vector<1xf32>
        %mul3A_501 = vector.broadcast %squeeze3A_500 : f32 to vector<16xf32>
        %mul3A_502 = arith.mulf %get3A_498, %mul3A_501 : vector<16xf32>
        %swap3A_503 = arith.index_cast %add3A_495 : i32 to index
        %swap3A_504 = arith.constant 0 : index
        %swap3A_505 = tpu.vector_load %arg14[%swap3A_503, %swap3A_504] {strides = array<i32>} : memref<640x16xf32, #tpu.memory_space<vmem>>, vector<16xf32>,
        tpu.vector_store %arg14[%swap3A_503, %swap3A_504], %mul3A_502 {strides = array<i32>} : memref<640x16xf32, #tpu.memory_space<vmem>>, vector<16xf32>,
        %mul3A_506 = arith.constant 16 : i32
        %mul3A_507 = arith.muli %scan3A_338, %mul3A_506 : i32
        %add3A_508 = arith.constant 12 : i32
        %add3A_509 = arith.addi %mul3A_507, %add3A_508 : i32
        %get3A_510 = arith.index_cast %add3A_509 : i32 to index
        %get3A_511 = arith.constant 0 : index
        %get3A_512 = tpu.vector_load %arg14[%get3A_510, %get3A_511] {strides = array<i32>} : memref<640x16xf32, #tpu.memory_space<vmem>>, vector<16xf32>,
        %slice3A_513 = vector.extract_strided_slice %get3A_340 {offsets = [12], sizes = [1], strides = [1]} : vector<16xf32> to vector<1xf32>
        %squeeze3A_514 = vector.extract %slice3A_513[0] : f32 from vector<1xf32>
        %mul3A_515 = vector.broadcast %squeeze3A_514 : f32 to vector<16xf32>
        %mul3A_516 = arith.mulf %get3A_512, %mul3A_515 : vector<16xf32>
        %swap3A_517 = arith.index_cast %add3A_509 : i32 to index
        %swap3A_518 = arith.constant 0 : index
        %swap3A_519 = tpu.vector_load %arg14[%swap3A_517, %swap3A_518] {strides = array<i32>} : memref<640x16xf32, #tpu.memory_space<vmem>>, vector<16xf32>,
        tpu.vector_store %arg14[%swap3A_517, %swap3A_518], %mul3A_516 {strides = array<i32>} : memref<640x16xf32, #tpu.memory_space<vmem>>, vector<16xf32>,
        %mul3A_520 = arith.constant 16 : i32
        %mul3A_521 = arith.muli %scan3A_338, %mul3A_520 : i32
        %add3A_522 = arith.constant 13 : i32
        %add3A_523 = arith.addi %mul3A_521, %add3A_522 : i32
        %get3A_524 = arith.index_cast %add3A_523 : i32 to index
        %get3A_525 = arith.constant 0 : index
        %get3A_526 = tpu.vector_load %arg14[%get3A_524, %get3A_525] {strides = array<i32>} : memref<640x16xf32, #tpu.memory_space<vmem>>, vector<16xf32>,
        %slice3A_527 = vector.extract_strided_slice %get3A_340 {offsets = [13], sizes = [1], strides = [1]} : vector<16xf32> to vector<1xf32>
        %squeeze3A_528 = vector.extract %slice3A_527[0] : f32 from vector<1xf32>
        %mul3A_529 = vector.broadcast %squeeze3A_528 : f32 to vector<16xf32>
        %mul3A_530 = arith.mulf %get3A_526, %mul3A_529 : vector<16xf32>
        %swap3A_531 = arith.index_cast %add3A_523 : i32 to index
        %swap3A_532 = arith.constant 0 : index
        %swap3A_533 = tpu.vector_load %arg14[%swap3A_531, %swap3A_532] {strides = array<i32>} : memref<640x16xf32, #tpu.memory_space<vmem>>, vector<16xf32>,
        tpu.vector_store %arg14[%swap3A_531, %swap3A_532], %mul3A_530 {strides = array<i32>} : memref<640x16xf32, #tpu.memory_space<vmem>>, vector<16xf32>,
        %mul3A_534 = arith.constant 16 : i32
        %mul3A_535 = arith.muli %scan3A_338, %mul3A_534 : i32
        %add3A_536 = arith.constant 14 : i32
        %add3A_537 = arith.addi %mul3A_535, %add3A_536 : i32
        %get3A_538 = arith.index_cast %add3A_537 : i32 to index
        %get3A_539 = arith.constant 0 : index
        %get3A_540 = tpu.vector_load %arg14[%get3A_538, %get3A_539] {strides = array<i32>} : memref<640x16xf32, #tpu.memory_space<vmem>>, vector<16xf32>,
        %slice3A_541 = vector.extract_strided_slice %get3A_340 {offsets = [14], sizes = [1], strides = [1]} : vector<16xf32> to vector<1xf32>
        %squeeze3A_542 = vector.extract %slice3A_541[0] : f32 from vector<1xf32>
        %mul3A_543 = vector.broadcast %squeeze3A_542 : f32 to vector<16xf32>
        %mul3A_544 = arith.mulf %get3A_540, %mul3A_543 : vector<16xf32>
        %swap3A_545 = arith.index_cast %add3A_537 : i32 to index
        %swap3A_546 = arith.constant 0 : index
        %swap3A_547 = tpu.vector_load %arg14[%swap3A_545, %swap3A_546] {strides = array<i32>} : memref<640x16xf32, #tpu.memory_space<vmem>>, vector<16xf32>,
        tpu.vector_store %arg14[%swap3A_545, %swap3A_546], %mul3A_544 {strides = array<i32>} : memref<640x16xf32, #tpu.memory_space<vmem>>, vector<16xf32>,
        %mul3A_548 = arith.constant 16 : i32
        %mul3A_549 = arith.muli %scan3A_338, %mul3A_548 : i32
        %add3A_550 = arith.constant 15 : i32
        %add3A_551 = arith.addi %mul3A_549, %add3A_550 : i32
        %get3A_552 = arith.index_cast %add3A_551 : i32 to index
        %get3A_553 = arith.constant 0 : index
        %get3A_554 = tpu.vector_load %arg14[%get3A_552, %get3A_553] {strides = array<i32>} : memref<640x16xf32, #tpu.memory_space<vmem>>, vector<16xf32>,
        %slice3A_555 = vector.extract_strided_slice %get3A_340 {offsets = [15], sizes = [1], strides = [1]} : vector<16xf32> to vector<1xf32>
        %squeeze3A_556 = vector.extract %slice3A_555[0] : f32 from vector<1xf32>
        %mul3A_557 = vector.broadcast %squeeze3A_556 : f32 to vector<16xf32>
        %mul3A_558 = arith.mulf %get3A_554, %mul3A_557 : vector<16xf32>
        %swap3A_559 = arith.index_cast %add3A_551 : i32 to index
        %swap3A_560 = arith.constant 0 : index
        %swap3A_561 = tpu.vector_load %arg14[%swap3A_559, %swap3A_560] {strides = array<i32>} : memref<640x16xf32, #tpu.memory_space<vmem>>, vector<16xf32>,
        tpu.vector_store %arg14[%swap3A_559, %swap3A_560], %mul3A_558 {strides = array<i32>} : memref<640x16xf32, #tpu.memory_space<vmem>>, vector<16xf32>,
      }
      %scan3A_337 = arith.constant 40 : i32
    } else {
    }
    "tpu.region"() ({
      %run_scoped3A = tpu.sem_alloc : memref<!tpu.dma_semaphore, #tpu.memory_space<semaphore_mem>>
      %dma_start3A_332 = arith.constant 0 : i32
      %dma_start3A_333 = tpu.memref_slice %arg7[%arg0, %mul3A_2, %dma_start3A_332] : memref<2x10240x16xf32, #tpu.memory_space<hbm>> -> memref<1x640x16xf32, #tpu.memory_space<hbm>>
      %dma_start3A_334 = tpu.memref_squeeze %dma_start3A_333 : memref<1x640x16xf32, #tpu.memory_space<hbm>> -> memref<640x16xf32, #tpu.memory_space<hbm>>
      %dma_start3A_335 = arith.constant 0 : i32
      %dma_start3A_336 = tpu.memref_slice %arg7[%arg0, %mul3A_2, %dma_start3A_335] : memref<2x10240x16xf32, #tpu.memory_space<hbm>> -> memref<1x640x16xf32, #tpu.memory_space<hbm>>
      %dma_start3A_337 = tpu.memref_squeeze %dma_start3A_336 : memref<1x640x16xf32, #tpu.memory_space<hbm>> -> memref<640x16xf32, #tpu.memory_space<hbm>>
      tpu.enqueue_dma source(%arg14 : memref<640x16xf32, #tpu.memory_space<vmem>>) target(%dma_start3A_337 : memref<640x16xf32, #tpu.memory_space<hbm>>) target_semaphore(%run_scoped3A : memref<!tpu.dma_semaphore, #tpu.memory_space<semaphore_mem>>)
      %dma_wait3A_338 = arith.constant 0 : i32
      %dma_wait3A_339 = tpu.memref_slice %arg7[%arg0, %mul3A_2, %dma_wait3A_338] : memref<2x10240x16xf32, #tpu.memory_space<hbm>> -> memref<1x640x16xf32, #tpu.memory_space<hbm>>
      %dma_wait3A_340 = tpu.memref_squeeze %dma_wait3A_339 : memref<1x640x16xf32, #tpu.memory_space<hbm>> -> memref<640x16xf32, #tpu.memory_space<hbm>>
      %dma_wait3A_341 = arith.constant 0 : i32
      %dma_wait3A_342 = tpu.memref_slice %arg7[%arg0, %mul3A_2, %dma_wait3A_341] : memref<2x10240x16xf32, #tpu.memory_space<hbm>> -> memref<1x640x16xf32, #tpu.memory_space<hbm>>
      %dma_wait3A_343 = tpu.memref_squeeze %dma_wait3A_342 : memref<1x640x16xf32, #tpu.memory_space<hbm>> -> memref<640x16xf32, #tpu.memory_space<hbm>>
      tpu.wait_dma2 semaphore(%run_scoped3A : memref<!tpu.dma_semaphore, #tpu.memory_space<semaphore_mem>>) src(%arg14 : memref<640x16xf32, #tpu.memory_space<vmem>>) dst(%dma_wait3A_343 : memref<640x16xf32, #tpu.memory_space<hbm>>)
      tpu.yield
    }) : () -> ()
    return
  }
}

#map = affine_map<(d0, d1) -> (0, 0)>
#map1 = affine_map<(d0, d1) -> (0, 0, 0)>
module attributes {stable_mosaic.version = 14 : i64} {
  func.func @prop1(%arg0: i32, %arg1: i32, %arg2: memref<10000x32xf32, #tpu.memory_space<hbm>>, %arg3: memref<2x640x16xf32, #tpu.memory_space<hbm>>, %arg4: memref<32x32x320xi32, #tpu.memory_space<hbm>>, %arg5: memref<32x32x320xi32, #tpu.memory_space<hbm>>, %arg6: memref<640x32xf32, #tpu.memory_space<hbm>>, %arg7: memref<2x10240x32xf32, #tpu.memory_space<hbm>>, %arg8: memref<640x16xf32, #tpu.memory_space<hbm>>, %arg9: memref<32x320xi32, #tpu.memory_space<vmem>>, %arg10: memref<32x320xi32, #tpu.memory_space<vmem>>, %arg11: memref<4x320x32xf32, #tpu.memory_space<vmem>>, %arg12: memref<640x32xf32, #tpu.memory_space<vmem>>, %arg13: memref<2x40x16xf32, #tpu.memory_space<vmem>>, %arg14: memref<40x16xf32, #tpu.memory_space<vmem>>, %arg15: memref<10240x32xf32, #tpu.memory_space<vmem_shared>>, %arg16: memref<10240x32xf32, #tpu.memory_space<vmem_shared>>, %arg17: memref<!tpu.dma_semaphore, #tpu.memory_space<semaphore_mem>>, %arg18: memref<!tpu.dma_semaphore, #tpu.memory_space<semaphore_mem>>, %arg19: memref<!tpu.dma_semaphore, #tpu.memory_space<semaphore_mem>>, %arg20: memref<!tpu.dma_semaphore, #tpu.memory_space<semaphore_mem>>, %arg21: memref<!tpu.dma_semaphore, #tpu.memory_space<semaphore_mem>>, %arg22: memref<!tpu.dma_semaphore, #tpu.memory_space<semaphore_mem>>, %arg23: memref<!tpu.dma_semaphore, #tpu.memory_space<semaphore_mem>>, %arg24: memref<!tpu.dma_semaphore, #tpu.memory_space<semaphore_mem>>) attributes {dimension_semantics = [#tpu.dimension_semantics<core_parallel>, #tpu.dimension_semantics<subcore_parallel>], iteration_bounds = array<i64: 2, 16>, scalar_prefetch = 0 : i64, scratch_operands = 16 : i64, tpu.core_type = #tpu.core_type<sc_vector_subcore>, window_params = [{transform_indices = #map}, {transform_indices = #map1}, {transform_indices = #map1}, {transform_indices = #map1}, {transform_indices = #map}, {transform_indices = #map1}, {transform_indices = #map}]} {
    %mul3A = arith.constant 2 : i32
    %mul3A_0 = arith.muli %arg1, %mul3A : i32
    %add3A = arith.addi %mul3A_0, %arg0 : i32
    %mul3A_1 = arith.constant 640 : i32
    %mul3A_2 = arith.muli %arg1, %mul3A_1 : i32
    %mul3A_3 = arith.constant 40 : i32
    %mul3A_4 = arith.muli %arg1, %mul3A_3 : i32
    %dma_start3A = arith.constant 0 : i32
    %dma_start3A_5 = arith.constant 0 : i32
    %dma_start3A_6 = tpu.memref_slice %arg4[%add3A, %dma_start3A, %dma_start3A_5] : memref<32x32x320xi32, #tpu.memory_space<hbm>> -> memref<1x32x320xi32, #tpu.memory_space<hbm>>
    %dma_start3A_7 = tpu.memref_squeeze %dma_start3A_6 : memref<1x32x320xi32, #tpu.memory_space<hbm>> -> memref<32x320xi32, #tpu.memory_space<hbm>>
    %dma_start3A_8 = arith.constant 0 : i32
    %dma_start3A_9 = arith.constant 0 : i32
    %dma_start3A_10 = tpu.memref_slice %arg4[%add3A, %dma_start3A_8, %dma_start3A_9] : memref<32x32x320xi32, #tpu.memory_space<hbm>> -> memref<1x32x320xi32, #tpu.memory_space<hbm>>
    %dma_start3A_11 = tpu.memref_squeeze %dma_start3A_10 : memref<1x32x320xi32, #tpu.memory_space<hbm>> -> memref<32x320xi32, #tpu.memory_space<hbm>>
    tpu.enqueue_dma source(%dma_start3A_11 : memref<32x320xi32, #tpu.memory_space<hbm>>) target(%arg9 : memref<32x320xi32, #tpu.memory_space<vmem>>) target_semaphore(%arg17 : memref<!tpu.dma_semaphore, #tpu.memory_space<semaphore_mem>>)
    %dma_start3A_12 = arith.constant 0 : i32
    %dma_start3A_13 = arith.constant 0 : i32
    %dma_start3A_14 = tpu.memref_slice %arg5[%add3A, %dma_start3A_12, %dma_start3A_13] : memref<32x32x320xi32, #tpu.memory_space<hbm>> -> memref<1x32x320xi32, #tpu.memory_space<hbm>>
    %dma_start3A_15 = tpu.memref_squeeze %dma_start3A_14 : memref<1x32x320xi32, #tpu.memory_space<hbm>> -> memref<32x320xi32, #tpu.memory_space<hbm>>
    %dma_start3A_16 = arith.constant 0 : i32
    %dma_start3A_17 = arith.constant 0 : i32
    %dma_start3A_18 = tpu.memref_slice %arg5[%add3A, %dma_start3A_16, %dma_start3A_17] : memref<32x32x320xi32, #tpu.memory_space<hbm>> -> memref<1x32x320xi32, #tpu.memory_space<hbm>>
    %dma_start3A_19 = tpu.memref_squeeze %dma_start3A_18 : memref<1x32x320xi32, #tpu.memory_space<hbm>> -> memref<32x320xi32, #tpu.memory_space<hbm>>
    tpu.enqueue_dma source(%dma_start3A_19 : memref<32x320xi32, #tpu.memory_space<hbm>>) target(%arg10 : memref<32x320xi32, #tpu.memory_space<vmem>>) target_semaphore(%arg18 : memref<!tpu.dma_semaphore, #tpu.memory_space<semaphore_mem>>)
    %dma_start3A_20 = arith.constant 0 : i32
    %dma_start3A_21 = arith.constant 0 : i32
    %dma_start3A_22 = arith.constant 0 : i32
    %dma_start3A_23 = arith.constant 0 : i32
    %dma_start3A_24 = tpu.memref_slice %arg13[%dma_start3A_21, %dma_start3A_22, %dma_start3A_23] : memref<2x40x16xf32, #tpu.memory_space<vmem>> -> memref<1x40x16xf32, #tpu.memory_space<vmem>>
    %dma_start3A_25 = tpu.memref_squeeze %dma_start3A_24 : memref<1x40x16xf32, #tpu.memory_space<vmem>> -> memref<40x16xf32, #tpu.memory_space<vmem>>
    %dma_start3A_26 = arith.constant 0 : i32
    %dma_start3A_27 = tpu.memref_slice %arg3[%dma_start3A_20, %mul3A_4, %dma_start3A_26] : memref<2x640x16xf32, #tpu.memory_space<hbm>> -> memref<1x40x16xf32, #tpu.memory_space<hbm>>
    %dma_start3A_28 = tpu.memref_squeeze %dma_start3A_27 : memref<1x40x16xf32, #tpu.memory_space<hbm>> -> memref<40x16xf32, #tpu.memory_space<hbm>>
    %dma_start3A_29 = arith.constant 0 : i32
    %dma_start3A_30 = arith.constant 0 : i32
    %dma_start3A_31 = tpu.memref_slice %arg13[%dma_start3A_21, %dma_start3A_29, %dma_start3A_30] : memref<2x40x16xf32, #tpu.memory_space<vmem>> -> memref<1x40x16xf32, #tpu.memory_space<vmem>>
    %dma_start3A_32 = tpu.memref_squeeze %dma_start3A_31 : memref<1x40x16xf32, #tpu.memory_space<vmem>> -> memref<40x16xf32, #tpu.memory_space<vmem>>
    %dma_start3A_33 = arith.constant 0 : i32
    %dma_start3A_34 = tpu.memref_slice %arg3[%dma_start3A_20, %mul3A_4, %dma_start3A_33] : memref<2x640x16xf32, #tpu.memory_space<hbm>> -> memref<1x40x16xf32, #tpu.memory_space<hbm>>
    %dma_start3A_35 = tpu.memref_squeeze %dma_start3A_34 : memref<1x40x16xf32, #tpu.memory_space<hbm>> -> memref<40x16xf32, #tpu.memory_space<hbm>>
    tpu.enqueue_dma source(%dma_start3A_35 : memref<40x16xf32, #tpu.memory_space<hbm>>) target(%dma_start3A_32 : memref<40x16xf32, #tpu.memory_space<vmem>>) target_semaphore(%arg19 : memref<!tpu.dma_semaphore, #tpu.memory_space<semaphore_mem>>)
    %dma_start3A_36 = arith.constant 1 : i32
    %dma_start3A_37 = arith.constant 1 : i32
    %dma_start3A_38 = arith.constant 0 : i32
    %dma_start3A_39 = arith.constant 0 : i32
    %dma_start3A_40 = tpu.memref_slice %arg13[%dma_start3A_37, %dma_start3A_38, %dma_start3A_39] : memref<2x40x16xf32, #tpu.memory_space<vmem>> -> memref<1x40x16xf32, #tpu.memory_space<vmem>>
    %dma_start3A_41 = tpu.memref_squeeze %dma_start3A_40 : memref<1x40x16xf32, #tpu.memory_space<vmem>> -> memref<40x16xf32, #tpu.memory_space<vmem>>
    %dma_start3A_42 = arith.constant 0 : i32
    %dma_start3A_43 = tpu.memref_slice %arg3[%dma_start3A_36, %mul3A_4, %dma_start3A_42] : memref<2x640x16xf32, #tpu.memory_space<hbm>> -> memref<1x40x16xf32, #tpu.memory_space<hbm>>
    %dma_start3A_44 = tpu.memref_squeeze %dma_start3A_43 : memref<1x40x16xf32, #tpu.memory_space<hbm>> -> memref<40x16xf32, #tpu.memory_space<hbm>>
    %dma_start3A_45 = arith.constant 0 : i32
    %dma_start3A_46 = arith.constant 0 : i32
    %dma_start3A_47 = tpu.memref_slice %arg13[%dma_start3A_37, %dma_start3A_45, %dma_start3A_46] : memref<2x40x16xf32, #tpu.memory_space<vmem>> -> memref<1x40x16xf32, #tpu.memory_space<vmem>>
    %dma_start3A_48 = tpu.memref_squeeze %dma_start3A_47 : memref<1x40x16xf32, #tpu.memory_space<vmem>> -> memref<40x16xf32, #tpu.memory_space<vmem>>
    %dma_start3A_49 = arith.constant 0 : i32
    %dma_start3A_50 = tpu.memref_slice %arg3[%dma_start3A_36, %mul3A_4, %dma_start3A_49] : memref<2x640x16xf32, #tpu.memory_space<hbm>> -> memref<1x40x16xf32, #tpu.memory_space<hbm>>
    %dma_start3A_51 = tpu.memref_squeeze %dma_start3A_50 : memref<1x40x16xf32, #tpu.memory_space<hbm>> -> memref<40x16xf32, #tpu.memory_space<hbm>>
    tpu.enqueue_dma source(%dma_start3A_51 : memref<40x16xf32, #tpu.memory_space<hbm>>) target(%dma_start3A_48 : memref<40x16xf32, #tpu.memory_space<vmem>>) target_semaphore(%arg20 : memref<!tpu.dma_semaphore, #tpu.memory_space<semaphore_mem>>)
    %lt3A = arith.constant 15 : i32
    %lt3A_52 = arith.cmpi slt, %arg1, %lt3A : i32
    %convert_element_type3A = arith.extui %lt3A_52 : i1 to i32
    %cond3A = arith.constant 0 : i32
    %cond3A_53 = arith.cmpi ne, %convert_element_type3A, %cond3A : i32
    scf.if %cond3A_53 {
      %mul3A_320 = arith.constant 640 : i32
      %mul3A_321 = arith.muli %arg1, %mul3A_320 : i32
      %dma_start3A_322 = arith.constant 0 : i32
      %dma_start3A_323 = tpu.memref_slice %arg2[%mul3A_321, %dma_start3A_322] : memref<10000x32xf32, #tpu.memory_space<hbm>> -> memref<640x32xf32, #tpu.memory_space<hbm>>
      %dma_start3A_324 = arith.constant 0 : i32
      %dma_start3A_325 = tpu.memref_slice %arg2[%mul3A_321, %dma_start3A_324] : memref<10000x32xf32, #tpu.memory_space<hbm>> -> memref<640x32xf32, #tpu.memory_space<hbm>>
      tpu.enqueue_dma source(%dma_start3A_325 : memref<640x32xf32, #tpu.memory_space<hbm>>) target(%arg12 : memref<640x32xf32, #tpu.memory_space<vmem>>) target_semaphore(%arg21 : memref<!tpu.dma_semaphore, #tpu.memory_space<semaphore_mem>>)
      %mul3A_326 = arith.constant 640 : i32
      %mul3A_327 = arith.muli %arg1, %mul3A_326 : i32
      %dma_wait3A_328 = arith.constant 0 : i32
      %dma_wait3A_329 = tpu.memref_slice %arg2[%mul3A_327, %dma_wait3A_328] : memref<10000x32xf32, #tpu.memory_space<hbm>> -> memref<640x32xf32, #tpu.memory_space<hbm>>
      %dma_wait3A_330 = arith.constant 0 : i32
      %dma_wait3A_331 = tpu.memref_slice %arg2[%mul3A_327, %dma_wait3A_330] : memref<10000x32xf32, #tpu.memory_space<hbm>> -> memref<640x32xf32, #tpu.memory_space<hbm>>
      tpu.wait_dma2 semaphore(%arg21 : memref<!tpu.dma_semaphore, #tpu.memory_space<semaphore_mem>>) src(%dma_wait3A_331 : memref<640x32xf32, #tpu.memory_space<hbm>>) dst(%arg12 : memref<640x32xf32, #tpu.memory_space<vmem>>)
    } else {
    }
    %eq3A = arith.constant 15 : i32
    %eq3A_54 = arith.cmpi eq, %arg1, %eq3A : i32
    %convert_element_type3A_55 = arith.extui %eq3A_54 : i1 to i32
    %cond3A_56 = arith.constant 0 : i32
    %cond3A_57 = arith.cmpi ne, %convert_element_type3A_55, %cond3A_56 : i32
    scf.if %cond3A_57 {
      %dma_start3A_320 = arith.constant 0 : i32
      %dma_start3A_321 = arith.constant 0 : i32
      %dma_start3A_322 = tpu.memref_slice %arg12[%dma_start3A_320, %dma_start3A_321] : memref<640x32xf32, #tpu.memory_space<vmem>> -> memref<400x32xf32, #tpu.memory_space<vmem>>
      %dma_start3A_323 = arith.constant 9600 : i32
      %dma_start3A_324 = arith.constant 0 : i32
      %dma_start3A_325 = tpu.memref_slice %arg2[%dma_start3A_323, %dma_start3A_324] : memref<10000x32xf32, #tpu.memory_space<hbm>> -> memref<400x32xf32, #tpu.memory_space<hbm>>
      %dma_start3A_326 = arith.constant 0 : i32
      %dma_start3A_327 = arith.constant 0 : i32
      %dma_start3A_328 = tpu.memref_slice %arg12[%dma_start3A_326, %dma_start3A_327] : memref<640x32xf32, #tpu.memory_space<vmem>> -> memref<400x32xf32, #tpu.memory_space<vmem>>
      %dma_start3A_329 = arith.constant 9600 : i32
      %dma_start3A_330 = arith.constant 0 : i32
      %dma_start3A_331 = tpu.memref_slice %arg2[%dma_start3A_329, %dma_start3A_330] : memref<10000x32xf32, #tpu.memory_space<hbm>> -> memref<400x32xf32, #tpu.memory_space<hbm>>
      tpu.enqueue_dma source(%dma_start3A_331 : memref<400x32xf32, #tpu.memory_space<hbm>>) target(%dma_start3A_328 : memref<400x32xf32, #tpu.memory_space<vmem>>) target_semaphore(%arg21 : memref<!tpu.dma_semaphore, #tpu.memory_space<semaphore_mem>>)
      %dma_wait3A_332 = arith.constant 0 : i32
      %dma_wait3A_333 = arith.constant 0 : i32
      %dma_wait3A_334 = tpu.memref_slice %arg12[%dma_wait3A_332, %dma_wait3A_333] : memref<640x32xf32, #tpu.memory_space<vmem>> -> memref<400x32xf32, #tpu.memory_space<vmem>>
      %dma_wait3A_335 = arith.constant 9600 : i32
      %dma_wait3A_336 = arith.constant 0 : i32
      %dma_wait3A_337 = tpu.memref_slice %arg2[%dma_wait3A_335, %dma_wait3A_336] : memref<10000x32xf32, #tpu.memory_space<hbm>> -> memref<400x32xf32, #tpu.memory_space<hbm>>
      %dma_wait3A_338 = arith.constant 0 : i32
      %dma_wait3A_339 = arith.constant 0 : i32
      %dma_wait3A_340 = tpu.memref_slice %arg12[%dma_wait3A_338, %dma_wait3A_339] : memref<640x32xf32, #tpu.memory_space<vmem>> -> memref<400x32xf32, #tpu.memory_space<vmem>>
      %dma_wait3A_341 = arith.constant 9600 : i32
      %dma_wait3A_342 = arith.constant 0 : i32
      %dma_wait3A_343 = tpu.memref_slice %arg2[%dma_wait3A_341, %dma_wait3A_342] : memref<10000x32xf32, #tpu.memory_space<hbm>> -> memref<400x32xf32, #tpu.memory_space<hbm>>
      tpu.wait_dma2 semaphore(%arg21 : memref<!tpu.dma_semaphore, #tpu.memory_space<semaphore_mem>>) src(%dma_wait3A_343 : memref<400x32xf32, #tpu.memory_space<hbm>>) dst(%dma_wait3A_340 : memref<400x32xf32, #tpu.memory_space<vmem>>)
    } else {
    }
    %dma_wait3A = arith.constant 0 : i32
    %dma_wait3A_58 = arith.constant 0 : i32
    %dma_wait3A_59 = tpu.memref_slice %arg4[%add3A, %dma_wait3A, %dma_wait3A_58] : memref<32x32x320xi32, #tpu.memory_space<hbm>> -> memref<1x32x320xi32, #tpu.memory_space<hbm>>
    %dma_wait3A_60 = tpu.memref_squeeze %dma_wait3A_59 : memref<1x32x320xi32, #tpu.memory_space<hbm>> -> memref<32x320xi32, #tpu.memory_space<hbm>>
    %dma_wait3A_61 = arith.constant 0 : i32
    %dma_wait3A_62 = arith.constant 0 : i32
    %dma_wait3A_63 = tpu.memref_slice %arg4[%add3A, %dma_wait3A_61, %dma_wait3A_62] : memref<32x32x320xi32, #tpu.memory_space<hbm>> -> memref<1x32x320xi32, #tpu.memory_space<hbm>>
    %dma_wait3A_64 = tpu.memref_squeeze %dma_wait3A_63 : memref<1x32x320xi32, #tpu.memory_space<hbm>> -> memref<32x320xi32, #tpu.memory_space<hbm>>
    tpu.wait_dma2 semaphore(%arg17 : memref<!tpu.dma_semaphore, #tpu.memory_space<semaphore_mem>>) src(%dma_wait3A_64 : memref<32x320xi32, #tpu.memory_space<hbm>>) dst(%arg9 : memref<32x320xi32, #tpu.memory_space<vmem>>)
    %dma_wait3A_65 = arith.constant 0 : i32
    %dma_wait3A_66 = arith.constant 0 : i32
    %dma_wait3A_67 = tpu.memref_slice %arg5[%add3A, %dma_wait3A_65, %dma_wait3A_66] : memref<32x32x320xi32, #tpu.memory_space<hbm>> -> memref<1x32x320xi32, #tpu.memory_space<hbm>>
    %dma_wait3A_68 = tpu.memref_squeeze %dma_wait3A_67 : memref<1x32x320xi32, #tpu.memory_space<hbm>> -> memref<32x320xi32, #tpu.memory_space<hbm>>
    %dma_wait3A_69 = arith.constant 0 : i32
    %dma_wait3A_70 = arith.constant 0 : i32
    %dma_wait3A_71 = tpu.memref_slice %arg5[%add3A, %dma_wait3A_69, %dma_wait3A_70] : memref<32x32x320xi32, #tpu.memory_space<hbm>> -> memref<1x32x320xi32, #tpu.memory_space<hbm>>
    %dma_wait3A_72 = tpu.memref_squeeze %dma_wait3A_71 : memref<1x32x320xi32, #tpu.memory_space<hbm>> -> memref<32x320xi32, #tpu.memory_space<hbm>>
    tpu.wait_dma2 semaphore(%arg18 : memref<!tpu.dma_semaphore, #tpu.memory_space<semaphore_mem>>) src(%dma_wait3A_72 : memref<32x320xi32, #tpu.memory_space<hbm>>) dst(%arg10 : memref<32x320xi32, #tpu.memory_space<vmem>>)
    %dma_wait3A_73 = arith.constant 0 : i32
    %dma_wait3A_74 = arith.constant 0 : i32
    %dma_wait3A_75 = arith.constant 0 : i32
    %dma_wait3A_76 = arith.constant 0 : i32
    %dma_wait3A_77 = tpu.memref_slice %arg13[%dma_wait3A_74, %dma_wait3A_75, %dma_wait3A_76] : memref<2x40x16xf32, #tpu.memory_space<vmem>> -> memref<1x40x16xf32, #tpu.memory_space<vmem>>
    %dma_wait3A_78 = tpu.memref_squeeze %dma_wait3A_77 : memref<1x40x16xf32, #tpu.memory_space<vmem>> -> memref<40x16xf32, #tpu.memory_space<vmem>>
    %dma_wait3A_79 = arith.constant 0 : i32
    %dma_wait3A_80 = tpu.memref_slice %arg3[%dma_wait3A_73, %mul3A_4, %dma_wait3A_79] : memref<2x640x16xf32, #tpu.memory_space<hbm>> -> memref<1x40x16xf32, #tpu.memory_space<hbm>>
    %dma_wait3A_81 = tpu.memref_squeeze %dma_wait3A_80 : memref<1x40x16xf32, #tpu.memory_space<hbm>> -> memref<40x16xf32, #tpu.memory_space<hbm>>
    %dma_wait3A_82 = arith.constant 0 : i32
    %dma_wait3A_83 = arith.constant 0 : i32
    %dma_wait3A_84 = tpu.memref_slice %arg13[%dma_wait3A_74, %dma_wait3A_82, %dma_wait3A_83] : memref<2x40x16xf32, #tpu.memory_space<vmem>> -> memref<1x40x16xf32, #tpu.memory_space<vmem>>
    %dma_wait3A_85 = tpu.memref_squeeze %dma_wait3A_84 : memref<1x40x16xf32, #tpu.memory_space<vmem>> -> memref<40x16xf32, #tpu.memory_space<vmem>>
    %dma_wait3A_86 = arith.constant 0 : i32
    %dma_wait3A_87 = tpu.memref_slice %arg3[%dma_wait3A_73, %mul3A_4, %dma_wait3A_86] : memref<2x640x16xf32, #tpu.memory_space<hbm>> -> memref<1x40x16xf32, #tpu.memory_space<hbm>>
    %dma_wait3A_88 = tpu.memref_squeeze %dma_wait3A_87 : memref<1x40x16xf32, #tpu.memory_space<hbm>> -> memref<40x16xf32, #tpu.memory_space<hbm>>
    tpu.wait_dma2 semaphore(%arg19 : memref<!tpu.dma_semaphore, #tpu.memory_space<semaphore_mem>>) src(%dma_wait3A_88 : memref<40x16xf32, #tpu.memory_space<hbm>>) dst(%dma_wait3A_85 : memref<40x16xf32, #tpu.memory_space<vmem>>)
    %dma_wait3A_89 = arith.constant 1 : i32
    %dma_wait3A_90 = arith.constant 1 : i32
    %dma_wait3A_91 = arith.constant 0 : i32
    %dma_wait3A_92 = arith.constant 0 : i32
    %dma_wait3A_93 = tpu.memref_slice %arg13[%dma_wait3A_90, %dma_wait3A_91, %dma_wait3A_92] : memref<2x40x16xf32, #tpu.memory_space<vmem>> -> memref<1x40x16xf32, #tpu.memory_space<vmem>>
    %dma_wait3A_94 = tpu.memref_squeeze %dma_wait3A_93 : memref<1x40x16xf32, #tpu.memory_space<vmem>> -> memref<40x16xf32, #tpu.memory_space<vmem>>
    %dma_wait3A_95 = arith.constant 0 : i32
    %dma_wait3A_96 = tpu.memref_slice %arg3[%dma_wait3A_89, %mul3A_4, %dma_wait3A_95] : memref<2x640x16xf32, #tpu.memory_space<hbm>> -> memref<1x40x16xf32, #tpu.memory_space<hbm>>
    %dma_wait3A_97 = tpu.memref_squeeze %dma_wait3A_96 : memref<1x40x16xf32, #tpu.memory_space<hbm>> -> memref<40x16xf32, #tpu.memory_space<hbm>>
    %dma_wait3A_98 = arith.constant 0 : i32
    %dma_wait3A_99 = arith.constant 0 : i32
    %dma_wait3A_100 = tpu.memref_slice %arg13[%dma_wait3A_90, %dma_wait3A_98, %dma_wait3A_99] : memref<2x40x16xf32, #tpu.memory_space<vmem>> -> memref<1x40x16xf32, #tpu.memory_space<vmem>>
    %dma_wait3A_101 = tpu.memref_squeeze %dma_wait3A_100 : memref<1x40x16xf32, #tpu.memory_space<vmem>> -> memref<40x16xf32, #tpu.memory_space<vmem>>
    %dma_wait3A_102 = arith.constant 0 : i32
    %dma_wait3A_103 = tpu.memref_slice %arg3[%dma_wait3A_89, %mul3A_4, %dma_wait3A_102] : memref<2x640x16xf32, #tpu.memory_space<hbm>> -> memref<1x40x16xf32, #tpu.memory_space<hbm>>
    %dma_wait3A_104 = tpu.memref_squeeze %dma_wait3A_103 : memref<1x40x16xf32, #tpu.memory_space<hbm>> -> memref<40x16xf32, #tpu.memory_space<hbm>>
    tpu.wait_dma2 semaphore(%arg20 : memref<!tpu.dma_semaphore, #tpu.memory_space<semaphore_mem>>) src(%dma_wait3A_104 : memref<40x16xf32, #tpu.memory_space<hbm>>) dst(%dma_wait3A_101 : memref<40x16xf32, #tpu.memory_space<vmem>>)
    %scan3A = arith.constant 0 : i32
    %scan3A_105 = arith.constant 0 : i32
    %scan3A_106 = arith.constant 40 : i32
    %scan3A_107 = arith.addi %scan3A_105, %scan3A_106 : i32
    %scan3A_108 = arith.constant 1 : i32
    scf.for %scan3A_320 = %scan3A_105 to %scan3A_107 step %scan3A_108  : i32 {
      %get3A = arith.constant 0 : i32
      %get3A_321 = arith.index_cast %get3A : i32 to index
      %get3A_322 = arith.index_cast %scan3A_320 : i32 to index
      %get3A_323 = arith.constant 0 : index
      %get3A_324 = tpu.vector_load %arg13[%get3A_321, %get3A_322, %get3A_323] {strides = array<i32>} : memref<2x40x16xf32, #tpu.memory_space<vmem>>, vector<16xf32>,
      %get3A_325 = arith.constant 1 : i32
      %get3A_326 = arith.index_cast %get3A_325 : i32 to index
      %get3A_327 = arith.index_cast %scan3A_320 : i32 to index
      %get3A_328 = arith.constant 0 : index
      %get3A_329 = tpu.vector_load %arg13[%get3A_326, %get3A_327, %get3A_328] {strides = array<i32>} : memref<2x40x16xf32, #tpu.memory_space<vmem>>, vector<16xf32>,
      %add3A_330 = arith.addf %get3A_324, %get3A_329 : vector<16xf32>
      %max3A = arith.constant 1.000000e+00 : f32
      %max3A_331 = vector.broadcast %max3A : f32 to vector<16xf32>
      %max3A_332 = arith.maximumf %add3A_330, %max3A_331 : vector<16xf32>
      %bitcast3A = vector.bitcast %max3A_332 : vector<16xf32> to vector<16xi32>
      %shift_right_logical3A = arith.constant 1 : i32
      %shift_right_logical3A_333 = vector.broadcast %shift_right_logical3A : i32 to vector<16xi32>
      %shift_right_logical3A_334 = arith.shrui %bitcast3A, %shift_right_logical3A_333 : vector<16xi32>
      %sub3A = arith.constant 1597463007 : i32
      %sub3A_335 = vector.broadcast %sub3A : i32 to vector<16xi32>
      %sub3A_336 = arith.subi %sub3A_335, %shift_right_logical3A_334 : vector<16xi32>
      %bitcast3A_337 = vector.bitcast %sub3A_336 : vector<16xi32> to vector<16xf32>
      %mul3A_338 = arith.constant 5.000000e-01 : f32
      %mul3A_339 = vector.broadcast %mul3A_338 : f32 to vector<16xf32>
      %mul3A_340 = arith.mulf %mul3A_339, %max3A_332 : vector<16xf32>
      %mul3A_341 = arith.mulf %mul3A_340, %bitcast3A_337 : vector<16xf32>
      %mul3A_342 = arith.mulf %mul3A_341, %bitcast3A_337 : vector<16xf32>
      %sub3A_343 = arith.constant 1.500000e+00 : f32
      %sub3A_344 = vector.broadcast %sub3A_343 : f32 to vector<16xf32>
      %sub3A_345 = arith.subf %sub3A_344, %mul3A_342 : vector<16xf32>
      %mul3A_346 = arith.mulf %bitcast3A_337, %sub3A_345 : vector<16xf32>
      %mul3A_347 = arith.constant 5.000000e-01 : f32
      %mul3A_348 = vector.broadcast %mul3A_347 : f32 to vector<16xf32>
      %mul3A_349 = arith.mulf %mul3A_348, %max3A_332 : vector<16xf32>
      %mul3A_350 = arith.mulf %mul3A_349, %mul3A_346 : vector<16xf32>
      %mul3A_351 = arith.mulf %mul3A_350, %mul3A_346 : vector<16xf32>
      %sub3A_352 = arith.constant 1.500000e+00 : f32
      %sub3A_353 = vector.broadcast %sub3A_352 : f32 to vector<16xf32>
      %sub3A_354 = arith.subf %sub3A_353, %mul3A_351 : vector<16xf32>
      %mul3A_355 = arith.mulf %mul3A_346, %sub3A_354 : vector<16xf32>
      %mul3A_356 = arith.constant 5.000000e-01 : f32
      %mul3A_357 = vector.broadcast %mul3A_356 : f32 to vector<16xf32>
      %mul3A_358 = arith.mulf %mul3A_357, %max3A_332 : vector<16xf32>
      %mul3A_359 = arith.mulf %mul3A_358, %mul3A_355 : vector<16xf32>
      %mul3A_360 = arith.mulf %mul3A_359, %mul3A_355 : vector<16xf32>
      %sub3A_361 = arith.constant 1.500000e+00 : f32
      %sub3A_362 = vector.broadcast %sub3A_361 : f32 to vector<16xf32>
      %sub3A_363 = arith.subf %sub3A_362, %mul3A_360 : vector<16xf32>
      %mul3A_364 = arith.mulf %mul3A_355, %sub3A_363 : vector<16xf32>
      %swap3A = arith.index_cast %scan3A_320 : i32 to index
      %swap3A_365 = arith.constant 0 : index
      %swap3A_366 = tpu.vector_load %arg14[%swap3A, %swap3A_365] {strides = array<i32>} : memref<40x16xf32, #tpu.memory_space<vmem>>, vector<16xf32>,
      tpu.vector_store %arg14[%swap3A, %swap3A_365], %mul3A_364 {strides = array<i32>} : memref<40x16xf32, #tpu.memory_space<vmem>>, vector<16xf32>,
    }
    %scan3A_109 = arith.constant 40 : i32
    %scan3A_110 = arith.constant 0 : i32
    %scan3A_111 = arith.constant 0 : i32
    %scan3A_112 = arith.constant 40 : i32
    %scan3A_113 = arith.addi %scan3A_111, %scan3A_112 : i32
    %scan3A_114 = arith.constant 1 : i32
    scf.for %scan3A_320 = %scan3A_111 to %scan3A_113 step %scan3A_114  : i32 {
      %get3A = arith.index_cast %scan3A_320 : i32 to index
      %get3A_321 = arith.constant 0 : index
      %get3A_322 = tpu.vector_load %arg14[%get3A, %get3A_321] {strides = array<i32>} : memref<40x16xf32, #tpu.memory_space<vmem>>, vector<16xf32>,
      %slice3A = vector.extract_strided_slice %get3A_322 {offsets = [0], sizes = [1], strides = [1]} : vector<16xf32> to vector<1xf32>
      %squeeze3A = vector.extract %slice3A[0] : f32 from vector<1xf32>
      %mul3A_323 = arith.constant 16 : i32
      %mul3A_324 = arith.muli %scan3A_320, %mul3A_323 : i32
      %add3A_325 = arith.constant 0 : i32
      %add3A_326 = arith.addi %mul3A_324, %add3A_325 : i32
      %get3A_327 = arith.index_cast %add3A_326 : i32 to index
      %get3A_328 = arith.constant 0 : index
      %get3A_329 = tpu.vector_load %arg12[%get3A_327, %get3A_328] {strides = array<i32>} : memref<640x32xf32, #tpu.memory_space<vmem>>, vector<16xf32>,
      %mul3A_330 = vector.broadcast %squeeze3A : f32 to vector<16xf32>
      %mul3A_331 = arith.mulf %get3A_329, %mul3A_330 : vector<16xf32>
      %swap3A = arith.index_cast %add3A_326 : i32 to index
      %swap3A_332 = arith.constant 0 : index
      %swap3A_333 = tpu.vector_load %arg12[%swap3A, %swap3A_332] {strides = array<i32>} : memref<640x32xf32, #tpu.memory_space<vmem>>, vector<16xf32>,
      tpu.vector_store %arg12[%swap3A, %swap3A_332], %mul3A_331 {strides = array<i32>} : memref<640x32xf32, #tpu.memory_space<vmem>>, vector<16xf32>,
      %get3A_334 = arith.index_cast %add3A_326 : i32 to index
      %get3A_335 = arith.constant 16 : index
      %get3A_336 = tpu.vector_load %arg12[%get3A_334, %get3A_335] {strides = array<i32>} : memref<640x32xf32, #tpu.memory_space<vmem>>, vector<16xf32>,
      %mul3A_337 = vector.broadcast %squeeze3A : f32 to vector<16xf32>
      %mul3A_338 = arith.mulf %get3A_336, %mul3A_337 : vector<16xf32>
      %swap3A_339 = arith.index_cast %add3A_326 : i32 to index
      %swap3A_340 = arith.constant 16 : index
      %swap3A_341 = tpu.vector_load %arg12[%swap3A_339, %swap3A_340] {strides = array<i32>} : memref<640x32xf32, #tpu.memory_space<vmem>>, vector<16xf32>,
      tpu.vector_store %arg12[%swap3A_339, %swap3A_340], %mul3A_338 {strides = array<i32>} : memref<640x32xf32, #tpu.memory_space<vmem>>, vector<16xf32>,
      %slice3A_342 = vector.extract_strided_slice %get3A_322 {offsets = [1], sizes = [1], strides = [1]} : vector<16xf32> to vector<1xf32>
      %squeeze3A_343 = vector.extract %slice3A_342[0] : f32 from vector<1xf32>
      %mul3A_344 = arith.constant 16 : i32
      %mul3A_345 = arith.muli %scan3A_320, %mul3A_344 : i32
      %add3A_346 = arith.constant 1 : i32
      %add3A_347 = arith.addi %mul3A_345, %add3A_346 : i32
      %get3A_348 = arith.index_cast %add3A_347 : i32 to index
      %get3A_349 = arith.constant 0 : index
      %get3A_350 = tpu.vector_load %arg12[%get3A_348, %get3A_349] {strides = array<i32>} : memref<640x32xf32, #tpu.memory_space<vmem>>, vector<16xf32>,
      %mul3A_351 = vector.broadcast %squeeze3A_343 : f32 to vector<16xf32>
      %mul3A_352 = arith.mulf %get3A_350, %mul3A_351 : vector<16xf32>
      %swap3A_353 = arith.index_cast %add3A_347 : i32 to index
      %swap3A_354 = arith.constant 0 : index
      %swap3A_355 = tpu.vector_load %arg12[%swap3A_353, %swap3A_354] {strides = array<i32>} : memref<640x32xf32, #tpu.memory_space<vmem>>, vector<16xf32>,
      tpu.vector_store %arg12[%swap3A_353, %swap3A_354], %mul3A_352 {strides = array<i32>} : memref<640x32xf32, #tpu.memory_space<vmem>>, vector<16xf32>,
      %get3A_356 = arith.index_cast %add3A_347 : i32 to index
      %get3A_357 = arith.constant 16 : index
      %get3A_358 = tpu.vector_load %arg12[%get3A_356, %get3A_357] {strides = array<i32>} : memref<640x32xf32, #tpu.memory_space<vmem>>, vector<16xf32>,
      %mul3A_359 = vector.broadcast %squeeze3A_343 : f32 to vector<16xf32>
      %mul3A_360 = arith.mulf %get3A_358, %mul3A_359 : vector<16xf32>
      %swap3A_361 = arith.index_cast %add3A_347 : i32 to index
      %swap3A_362 = arith.constant 16 : index
      %swap3A_363 = tpu.vector_load %arg12[%swap3A_361, %swap3A_362] {strides = array<i32>} : memref<640x32xf32, #tpu.memory_space<vmem>>, vector<16xf32>,
      tpu.vector_store %arg12[%swap3A_361, %swap3A_362], %mul3A_360 {strides = array<i32>} : memref<640x32xf32, #tpu.memory_space<vmem>>, vector<16xf32>,
      %slice3A_364 = vector.extract_strided_slice %get3A_322 {offsets = [2], sizes = [1], strides = [1]} : vector<16xf32> to vector<1xf32>
      %squeeze3A_365 = vector.extract %slice3A_364[0] : f32 from vector<1xf32>
      %mul3A_366 = arith.constant 16 : i32
      %mul3A_367 = arith.muli %scan3A_320, %mul3A_366 : i32
      %add3A_368 = arith.constant 2 : i32
      %add3A_369 = arith.addi %mul3A_367, %add3A_368 : i32
      %get3A_370 = arith.index_cast %add3A_369 : i32 to index
      %get3A_371 = arith.constant 0 : index
      %get3A_372 = tpu.vector_load %arg12[%get3A_370, %get3A_371] {strides = array<i32>} : memref<640x32xf32, #tpu.memory_space<vmem>>, vector<16xf32>,
      %mul3A_373 = vector.broadcast %squeeze3A_365 : f32 to vector<16xf32>
      %mul3A_374 = arith.mulf %get3A_372, %mul3A_373 : vector<16xf32>
      %swap3A_375 = arith.index_cast %add3A_369 : i32 to index
      %swap3A_376 = arith.constant 0 : index
      %swap3A_377 = tpu.vector_load %arg12[%swap3A_375, %swap3A_376] {strides = array<i32>} : memref<640x32xf32, #tpu.memory_space<vmem>>, vector<16xf32>,
      tpu.vector_store %arg12[%swap3A_375, %swap3A_376], %mul3A_374 {strides = array<i32>} : memref<640x32xf32, #tpu.memory_space<vmem>>, vector<16xf32>,
      %get3A_378 = arith.index_cast %add3A_369 : i32 to index
      %get3A_379 = arith.constant 16 : index
      %get3A_380 = tpu.vector_load %arg12[%get3A_378, %get3A_379] {strides = array<i32>} : memref<640x32xf32, #tpu.memory_space<vmem>>, vector<16xf32>,
      %mul3A_381 = vector.broadcast %squeeze3A_365 : f32 to vector<16xf32>
      %mul3A_382 = arith.mulf %get3A_380, %mul3A_381 : vector<16xf32>
      %swap3A_383 = arith.index_cast %add3A_369 : i32 to index
      %swap3A_384 = arith.constant 16 : index
      %swap3A_385 = tpu.vector_load %arg12[%swap3A_383, %swap3A_384] {strides = array<i32>} : memref<640x32xf32, #tpu.memory_space<vmem>>, vector<16xf32>,
      tpu.vector_store %arg12[%swap3A_383, %swap3A_384], %mul3A_382 {strides = array<i32>} : memref<640x32xf32, #tpu.memory_space<vmem>>, vector<16xf32>,
      %slice3A_386 = vector.extract_strided_slice %get3A_322 {offsets = [3], sizes = [1], strides = [1]} : vector<16xf32> to vector<1xf32>
      %squeeze3A_387 = vector.extract %slice3A_386[0] : f32 from vector<1xf32>
      %mul3A_388 = arith.constant 16 : i32
      %mul3A_389 = arith.muli %scan3A_320, %mul3A_388 : i32
      %add3A_390 = arith.constant 3 : i32
      %add3A_391 = arith.addi %mul3A_389, %add3A_390 : i32
      %get3A_392 = arith.index_cast %add3A_391 : i32 to index
      %get3A_393 = arith.constant 0 : index
      %get3A_394 = tpu.vector_load %arg12[%get3A_392, %get3A_393] {strides = array<i32>} : memref<640x32xf32, #tpu.memory_space<vmem>>, vector<16xf32>,
      %mul3A_395 = vector.broadcast %squeeze3A_387 : f32 to vector<16xf32>
      %mul3A_396 = arith.mulf %get3A_394, %mul3A_395 : vector<16xf32>
      %swap3A_397 = arith.index_cast %add3A_391 : i32 to index
      %swap3A_398 = arith.constant 0 : index
      %swap3A_399 = tpu.vector_load %arg12[%swap3A_397, %swap3A_398] {strides = array<i32>} : memref<640x32xf32, #tpu.memory_space<vmem>>, vector<16xf32>,
      tpu.vector_store %arg12[%swap3A_397, %swap3A_398], %mul3A_396 {strides = array<i32>} : memref<640x32xf32, #tpu.memory_space<vmem>>, vector<16xf32>,
      %get3A_400 = arith.index_cast %add3A_391 : i32 to index
      %get3A_401 = arith.constant 16 : index
      %get3A_402 = tpu.vector_load %arg12[%get3A_400, %get3A_401] {strides = array<i32>} : memref<640x32xf32, #tpu.memory_space<vmem>>, vector<16xf32>,
      %mul3A_403 = vector.broadcast %squeeze3A_387 : f32 to vector<16xf32>
      %mul3A_404 = arith.mulf %get3A_402, %mul3A_403 : vector<16xf32>
      %swap3A_405 = arith.index_cast %add3A_391 : i32 to index
      %swap3A_406 = arith.constant 16 : index
      %swap3A_407 = tpu.vector_load %arg12[%swap3A_405, %swap3A_406] {strides = array<i32>} : memref<640x32xf32, #tpu.memory_space<vmem>>, vector<16xf32>,
      tpu.vector_store %arg12[%swap3A_405, %swap3A_406], %mul3A_404 {strides = array<i32>} : memref<640x32xf32, #tpu.memory_space<vmem>>, vector<16xf32>,
      %slice3A_408 = vector.extract_strided_slice %get3A_322 {offsets = [4], sizes = [1], strides = [1]} : vector<16xf32> to vector<1xf32>
      %squeeze3A_409 = vector.extract %slice3A_408[0] : f32 from vector<1xf32>
      %mul3A_410 = arith.constant 16 : i32
      %mul3A_411 = arith.muli %scan3A_320, %mul3A_410 : i32
      %add3A_412 = arith.constant 4 : i32
      %add3A_413 = arith.addi %mul3A_411, %add3A_412 : i32
      %get3A_414 = arith.index_cast %add3A_413 : i32 to index
      %get3A_415 = arith.constant 0 : index
      %get3A_416 = tpu.vector_load %arg12[%get3A_414, %get3A_415] {strides = array<i32>} : memref<640x32xf32, #tpu.memory_space<vmem>>, vector<16xf32>,
      %mul3A_417 = vector.broadcast %squeeze3A_409 : f32 to vector<16xf32>
      %mul3A_418 = arith.mulf %get3A_416, %mul3A_417 : vector<16xf32>
      %swap3A_419 = arith.index_cast %add3A_413 : i32 to index
      %swap3A_420 = arith.constant 0 : index
      %swap3A_421 = tpu.vector_load %arg12[%swap3A_419, %swap3A_420] {strides = array<i32>} : memref<640x32xf32, #tpu.memory_space<vmem>>, vector<16xf32>,
      tpu.vector_store %arg12[%swap3A_419, %swap3A_420], %mul3A_418 {strides = array<i32>} : memref<640x32xf32, #tpu.memory_space<vmem>>, vector<16xf32>,
      %get3A_422 = arith.index_cast %add3A_413 : i32 to index
      %get3A_423 = arith.constant 16 : index
      %get3A_424 = tpu.vector_load %arg12[%get3A_422, %get3A_423] {strides = array<i32>} : memref<640x32xf32, #tpu.memory_space<vmem>>, vector<16xf32>,
      %mul3A_425 = vector.broadcast %squeeze3A_409 : f32 to vector<16xf32>
      %mul3A_426 = arith.mulf %get3A_424, %mul3A_425 : vector<16xf32>
      %swap3A_427 = arith.index_cast %add3A_413 : i32 to index
      %swap3A_428 = arith.constant 16 : index
      %swap3A_429 = tpu.vector_load %arg12[%swap3A_427, %swap3A_428] {strides = array<i32>} : memref<640x32xf32, #tpu.memory_space<vmem>>, vector<16xf32>,
      tpu.vector_store %arg12[%swap3A_427, %swap3A_428], %mul3A_426 {strides = array<i32>} : memref<640x32xf32, #tpu.memory_space<vmem>>, vector<16xf32>,
      %slice3A_430 = vector.extract_strided_slice %get3A_322 {offsets = [5], sizes = [1], strides = [1]} : vector<16xf32> to vector<1xf32>
      %squeeze3A_431 = vector.extract %slice3A_430[0] : f32 from vector<1xf32>
      %mul3A_432 = arith.constant 16 : i32
      %mul3A_433 = arith.muli %scan3A_320, %mul3A_432 : i32
      %add3A_434 = arith.constant 5 : i32
      %add3A_435 = arith.addi %mul3A_433, %add3A_434 : i32
      %get3A_436 = arith.index_cast %add3A_435 : i32 to index
      %get3A_437 = arith.constant 0 : index
      %get3A_438 = tpu.vector_load %arg12[%get3A_436, %get3A_437] {strides = array<i32>} : memref<640x32xf32, #tpu.memory_space<vmem>>, vector<16xf32>,
      %mul3A_439 = vector.broadcast %squeeze3A_431 : f32 to vector<16xf32>
      %mul3A_440 = arith.mulf %get3A_438, %mul3A_439 : vector<16xf32>
      %swap3A_441 = arith.index_cast %add3A_435 : i32 to index
      %swap3A_442 = arith.constant 0 : index
      %swap3A_443 = tpu.vector_load %arg12[%swap3A_441, %swap3A_442] {strides = array<i32>} : memref<640x32xf32, #tpu.memory_space<vmem>>, vector<16xf32>,
      tpu.vector_store %arg12[%swap3A_441, %swap3A_442], %mul3A_440 {strides = array<i32>} : memref<640x32xf32, #tpu.memory_space<vmem>>, vector<16xf32>,
      %get3A_444 = arith.index_cast %add3A_435 : i32 to index
      %get3A_445 = arith.constant 16 : index
      %get3A_446 = tpu.vector_load %arg12[%get3A_444, %get3A_445] {strides = array<i32>} : memref<640x32xf32, #tpu.memory_space<vmem>>, vector<16xf32>,
      %mul3A_447 = vector.broadcast %squeeze3A_431 : f32 to vector<16xf32>
      %mul3A_448 = arith.mulf %get3A_446, %mul3A_447 : vector<16xf32>
      %swap3A_449 = arith.index_cast %add3A_435 : i32 to index
      %swap3A_450 = arith.constant 16 : index
      %swap3A_451 = tpu.vector_load %arg12[%swap3A_449, %swap3A_450] {strides = array<i32>} : memref<640x32xf32, #tpu.memory_space<vmem>>, vector<16xf32>,
      tpu.vector_store %arg12[%swap3A_449, %swap3A_450], %mul3A_448 {strides = array<i32>} : memref<640x32xf32, #tpu.memory_space<vmem>>, vector<16xf32>,
      %slice3A_452 = vector.extract_strided_slice %get3A_322 {offsets = [6], sizes = [1], strides = [1]} : vector<16xf32> to vector<1xf32>
      %squeeze3A_453 = vector.extract %slice3A_452[0] : f32 from vector<1xf32>
      %mul3A_454 = arith.constant 16 : i32
      %mul3A_455 = arith.muli %scan3A_320, %mul3A_454 : i32
      %add3A_456 = arith.constant 6 : i32
      %add3A_457 = arith.addi %mul3A_455, %add3A_456 : i32
      %get3A_458 = arith.index_cast %add3A_457 : i32 to index
      %get3A_459 = arith.constant 0 : index
      %get3A_460 = tpu.vector_load %arg12[%get3A_458, %get3A_459] {strides = array<i32>} : memref<640x32xf32, #tpu.memory_space<vmem>>, vector<16xf32>,
      %mul3A_461 = vector.broadcast %squeeze3A_453 : f32 to vector<16xf32>
      %mul3A_462 = arith.mulf %get3A_460, %mul3A_461 : vector<16xf32>
      %swap3A_463 = arith.index_cast %add3A_457 : i32 to index
      %swap3A_464 = arith.constant 0 : index
      %swap3A_465 = tpu.vector_load %arg12[%swap3A_463, %swap3A_464] {strides = array<i32>} : memref<640x32xf32, #tpu.memory_space<vmem>>, vector<16xf32>,
      tpu.vector_store %arg12[%swap3A_463, %swap3A_464], %mul3A_462 {strides = array<i32>} : memref<640x32xf32, #tpu.memory_space<vmem>>, vector<16xf32>,
      %get3A_466 = arith.index_cast %add3A_457 : i32 to index
      %get3A_467 = arith.constant 16 : index
      %get3A_468 = tpu.vector_load %arg12[%get3A_466, %get3A_467] {strides = array<i32>} : memref<640x32xf32, #tpu.memory_space<vmem>>, vector<16xf32>,
      %mul3A_469 = vector.broadcast %squeeze3A_453 : f32 to vector<16xf32>
      %mul3A_470 = arith.mulf %get3A_468, %mul3A_469 : vector<16xf32>
      %swap3A_471 = arith.index_cast %add3A_457 : i32 to index
      %swap3A_472 = arith.constant 16 : index
      %swap3A_473 = tpu.vector_load %arg12[%swap3A_471, %swap3A_472] {strides = array<i32>} : memref<640x32xf32, #tpu.memory_space<vmem>>, vector<16xf32>,
      tpu.vector_store %arg12[%swap3A_471, %swap3A_472], %mul3A_470 {strides = array<i32>} : memref<640x32xf32, #tpu.memory_space<vmem>>, vector<16xf32>,
      %slice3A_474 = vector.extract_strided_slice %get3A_322 {offsets = [7], sizes = [1], strides = [1]} : vector<16xf32> to vector<1xf32>
      %squeeze3A_475 = vector.extract %slice3A_474[0] : f32 from vector<1xf32>
      %mul3A_476 = arith.constant 16 : i32
      %mul3A_477 = arith.muli %scan3A_320, %mul3A_476 : i32
      %add3A_478 = arith.constant 7 : i32
      %add3A_479 = arith.addi %mul3A_477, %add3A_478 : i32
      %get3A_480 = arith.index_cast %add3A_479 : i32 to index
      %get3A_481 = arith.constant 0 : index
      %get3A_482 = tpu.vector_load %arg12[%get3A_480, %get3A_481] {strides = array<i32>} : memref<640x32xf32, #tpu.memory_space<vmem>>, vector<16xf32>,
      %mul3A_483 = vector.broadcast %squeeze3A_475 : f32 to vector<16xf32>
      %mul3A_484 = arith.mulf %get3A_482, %mul3A_483 : vector<16xf32>
      %swap3A_485 = arith.index_cast %add3A_479 : i32 to index
      %swap3A_486 = arith.constant 0 : index
      %swap3A_487 = tpu.vector_load %arg12[%swap3A_485, %swap3A_486] {strides = array<i32>} : memref<640x32xf32, #tpu.memory_space<vmem>>, vector<16xf32>,
      tpu.vector_store %arg12[%swap3A_485, %swap3A_486], %mul3A_484 {strides = array<i32>} : memref<640x32xf32, #tpu.memory_space<vmem>>, vector<16xf32>,
      %get3A_488 = arith.index_cast %add3A_479 : i32 to index
      %get3A_489 = arith.constant 16 : index
      %get3A_490 = tpu.vector_load %arg12[%get3A_488, %get3A_489] {strides = array<i32>} : memref<640x32xf32, #tpu.memory_space<vmem>>, vector<16xf32>,
      %mul3A_491 = vector.broadcast %squeeze3A_475 : f32 to vector<16xf32>
      %mul3A_492 = arith.mulf %get3A_490, %mul3A_491 : vector<16xf32>
      %swap3A_493 = arith.index_cast %add3A_479 : i32 to index
      %swap3A_494 = arith.constant 16 : index
      %swap3A_495 = tpu.vector_load %arg12[%swap3A_493, %swap3A_494] {strides = array<i32>} : memref<640x32xf32, #tpu.memory_space<vmem>>, vector<16xf32>,
      tpu.vector_store %arg12[%swap3A_493, %swap3A_494], %mul3A_492 {strides = array<i32>} : memref<640x32xf32, #tpu.memory_space<vmem>>, vector<16xf32>,
      %slice3A_496 = vector.extract_strided_slice %get3A_322 {offsets = [8], sizes = [1], strides = [1]} : vector<16xf32> to vector<1xf32>
      %squeeze3A_497 = vector.extract %slice3A_496[0] : f32 from vector<1xf32>
      %mul3A_498 = arith.constant 16 : i32
      %mul3A_499 = arith.muli %scan3A_320, %mul3A_498 : i32
      %add3A_500 = arith.constant 8 : i32
      %add3A_501 = arith.addi %mul3A_499, %add3A_500 : i32
      %get3A_502 = arith.index_cast %add3A_501 : i32 to index
      %get3A_503 = arith.constant 0 : index
      %get3A_504 = tpu.vector_load %arg12[%get3A_502, %get3A_503] {strides = array<i32>} : memref<640x32xf32, #tpu.memory_space<vmem>>, vector<16xf32>,
      %mul3A_505 = vector.broadcast %squeeze3A_497 : f32 to vector<16xf32>
      %mul3A_506 = arith.mulf %get3A_504, %mul3A_505 : vector<16xf32>
      %swap3A_507 = arith.index_cast %add3A_501 : i32 to index
      %swap3A_508 = arith.constant 0 : index
      %swap3A_509 = tpu.vector_load %arg12[%swap3A_507, %swap3A_508] {strides = array<i32>} : memref<640x32xf32, #tpu.memory_space<vmem>>, vector<16xf32>,
      tpu.vector_store %arg12[%swap3A_507, %swap3A_508], %mul3A_506 {strides = array<i32>} : memref<640x32xf32, #tpu.memory_space<vmem>>, vector<16xf32>,
      %get3A_510 = arith.index_cast %add3A_501 : i32 to index
      %get3A_511 = arith.constant 16 : index
      %get3A_512 = tpu.vector_load %arg12[%get3A_510, %get3A_511] {strides = array<i32>} : memref<640x32xf32, #tpu.memory_space<vmem>>, vector<16xf32>,
      %mul3A_513 = vector.broadcast %squeeze3A_497 : f32 to vector<16xf32>
      %mul3A_514 = arith.mulf %get3A_512, %mul3A_513 : vector<16xf32>
      %swap3A_515 = arith.index_cast %add3A_501 : i32 to index
      %swap3A_516 = arith.constant 16 : index
      %swap3A_517 = tpu.vector_load %arg12[%swap3A_515, %swap3A_516] {strides = array<i32>} : memref<640x32xf32, #tpu.memory_space<vmem>>, vector<16xf32>,
      tpu.vector_store %arg12[%swap3A_515, %swap3A_516], %mul3A_514 {strides = array<i32>} : memref<640x32xf32, #tpu.memory_space<vmem>>, vector<16xf32>,
      %slice3A_518 = vector.extract_strided_slice %get3A_322 {offsets = [9], sizes = [1], strides = [1]} : vector<16xf32> to vector<1xf32>
      %squeeze3A_519 = vector.extract %slice3A_518[0] : f32 from vector<1xf32>
      %mul3A_520 = arith.constant 16 : i32
      %mul3A_521 = arith.muli %scan3A_320, %mul3A_520 : i32
      %add3A_522 = arith.constant 9 : i32
      %add3A_523 = arith.addi %mul3A_521, %add3A_522 : i32
      %get3A_524 = arith.index_cast %add3A_523 : i32 to index
      %get3A_525 = arith.constant 0 : index
      %get3A_526 = tpu.vector_load %arg12[%get3A_524, %get3A_525] {strides = array<i32>} : memref<640x32xf32, #tpu.memory_space<vmem>>, vector<16xf32>,
      %mul3A_527 = vector.broadcast %squeeze3A_519 : f32 to vector<16xf32>
      %mul3A_528 = arith.mulf %get3A_526, %mul3A_527 : vector<16xf32>
      %swap3A_529 = arith.index_cast %add3A_523 : i32 to index
      %swap3A_530 = arith.constant 0 : index
      %swap3A_531 = tpu.vector_load %arg12[%swap3A_529, %swap3A_530] {strides = array<i32>} : memref<640x32xf32, #tpu.memory_space<vmem>>, vector<16xf32>,
      tpu.vector_store %arg12[%swap3A_529, %swap3A_530], %mul3A_528 {strides = array<i32>} : memref<640x32xf32, #tpu.memory_space<vmem>>, vector<16xf32>,
      %get3A_532 = arith.index_cast %add3A_523 : i32 to index
      %get3A_533 = arith.constant 16 : index
      %get3A_534 = tpu.vector_load %arg12[%get3A_532, %get3A_533] {strides = array<i32>} : memref<640x32xf32, #tpu.memory_space<vmem>>, vector<16xf32>,
      %mul3A_535 = vector.broadcast %squeeze3A_519 : f32 to vector<16xf32>
      %mul3A_536 = arith.mulf %get3A_534, %mul3A_535 : vector<16xf32>
      %swap3A_537 = arith.index_cast %add3A_523 : i32 to index
      %swap3A_538 = arith.constant 16 : index
      %swap3A_539 = tpu.vector_load %arg12[%swap3A_537, %swap3A_538] {strides = array<i32>} : memref<640x32xf32, #tpu.memory_space<vmem>>, vector<16xf32>,
      tpu.vector_store %arg12[%swap3A_537, %swap3A_538], %mul3A_536 {strides = array<i32>} : memref<640x32xf32, #tpu.memory_space<vmem>>, vector<16xf32>,
      %slice3A_540 = vector.extract_strided_slice %get3A_322 {offsets = [10], sizes = [1], strides = [1]} : vector<16xf32> to vector<1xf32>
      %squeeze3A_541 = vector.extract %slice3A_540[0] : f32 from vector<1xf32>
      %mul3A_542 = arith.constant 16 : i32
      %mul3A_543 = arith.muli %scan3A_320, %mul3A_542 : i32
      %add3A_544 = arith.constant 10 : i32
      %add3A_545 = arith.addi %mul3A_543, %add3A_544 : i32
      %get3A_546 = arith.index_cast %add3A_545 : i32 to index
      %get3A_547 = arith.constant 0 : index
      %get3A_548 = tpu.vector_load %arg12[%get3A_546, %get3A_547] {strides = array<i32>} : memref<640x32xf32, #tpu.memory_space<vmem>>, vector<16xf32>,
      %mul3A_549 = vector.broadcast %squeeze3A_541 : f32 to vector<16xf32>
      %mul3A_550 = arith.mulf %get3A_548, %mul3A_549 : vector<16xf32>
      %swap3A_551 = arith.index_cast %add3A_545 : i32 to index
      %swap3A_552 = arith.constant 0 : index
      %swap3A_553 = tpu.vector_load %arg12[%swap3A_551, %swap3A_552] {strides = array<i32>} : memref<640x32xf32, #tpu.memory_space<vmem>>, vector<16xf32>,
      tpu.vector_store %arg12[%swap3A_551, %swap3A_552], %mul3A_550 {strides = array<i32>} : memref<640x32xf32, #tpu.memory_space<vmem>>, vector<16xf32>,
      %get3A_554 = arith.index_cast %add3A_545 : i32 to index
      %get3A_555 = arith.constant 16 : index
      %get3A_556 = tpu.vector_load %arg12[%get3A_554, %get3A_555] {strides = array<i32>} : memref<640x32xf32, #tpu.memory_space<vmem>>, vector<16xf32>,
      %mul3A_557 = vector.broadcast %squeeze3A_541 : f32 to vector<16xf32>
      %mul3A_558 = arith.mulf %get3A_556, %mul3A_557 : vector<16xf32>
      %swap3A_559 = arith.index_cast %add3A_545 : i32 to index
      %swap3A_560 = arith.constant 16 : index
      %swap3A_561 = tpu.vector_load %arg12[%swap3A_559, %swap3A_560] {strides = array<i32>} : memref<640x32xf32, #tpu.memory_space<vmem>>, vector<16xf32>,
      tpu.vector_store %arg12[%swap3A_559, %swap3A_560], %mul3A_558 {strides = array<i32>} : memref<640x32xf32, #tpu.memory_space<vmem>>, vector<16xf32>,
      %slice3A_562 = vector.extract_strided_slice %get3A_322 {offsets = [11], sizes = [1], strides = [1]} : vector<16xf32> to vector<1xf32>
      %squeeze3A_563 = vector.extract %slice3A_562[0] : f32 from vector<1xf32>
      %mul3A_564 = arith.constant 16 : i32
      %mul3A_565 = arith.muli %scan3A_320, %mul3A_564 : i32
      %add3A_566 = arith.constant 11 : i32
      %add3A_567 = arith.addi %mul3A_565, %add3A_566 : i32
      %get3A_568 = arith.index_cast %add3A_567 : i32 to index
      %get3A_569 = arith.constant 0 : index
      %get3A_570 = tpu.vector_load %arg12[%get3A_568, %get3A_569] {strides = array<i32>} : memref<640x32xf32, #tpu.memory_space<vmem>>, vector<16xf32>,
      %mul3A_571 = vector.broadcast %squeeze3A_563 : f32 to vector<16xf32>
      %mul3A_572 = arith.mulf %get3A_570, %mul3A_571 : vector<16xf32>
      %swap3A_573 = arith.index_cast %add3A_567 : i32 to index
      %swap3A_574 = arith.constant 0 : index
      %swap3A_575 = tpu.vector_load %arg12[%swap3A_573, %swap3A_574] {strides = array<i32>} : memref<640x32xf32, #tpu.memory_space<vmem>>, vector<16xf32>,
      tpu.vector_store %arg12[%swap3A_573, %swap3A_574], %mul3A_572 {strides = array<i32>} : memref<640x32xf32, #tpu.memory_space<vmem>>, vector<16xf32>,
      %get3A_576 = arith.index_cast %add3A_567 : i32 to index
      %get3A_577 = arith.constant 16 : index
      %get3A_578 = tpu.vector_load %arg12[%get3A_576, %get3A_577] {strides = array<i32>} : memref<640x32xf32, #tpu.memory_space<vmem>>, vector<16xf32>,
      %mul3A_579 = vector.broadcast %squeeze3A_563 : f32 to vector<16xf32>
      %mul3A_580 = arith.mulf %get3A_578, %mul3A_579 : vector<16xf32>
      %swap3A_581 = arith.index_cast %add3A_567 : i32 to index
      %swap3A_582 = arith.constant 16 : index
      %swap3A_583 = tpu.vector_load %arg12[%swap3A_581, %swap3A_582] {strides = array<i32>} : memref<640x32xf32, #tpu.memory_space<vmem>>, vector<16xf32>,
      tpu.vector_store %arg12[%swap3A_581, %swap3A_582], %mul3A_580 {strides = array<i32>} : memref<640x32xf32, #tpu.memory_space<vmem>>, vector<16xf32>,
      %slice3A_584 = vector.extract_strided_slice %get3A_322 {offsets = [12], sizes = [1], strides = [1]} : vector<16xf32> to vector<1xf32>
      %squeeze3A_585 = vector.extract %slice3A_584[0] : f32 from vector<1xf32>
      %mul3A_586 = arith.constant 16 : i32
      %mul3A_587 = arith.muli %scan3A_320, %mul3A_586 : i32
      %add3A_588 = arith.constant 12 : i32
      %add3A_589 = arith.addi %mul3A_587, %add3A_588 : i32
      %get3A_590 = arith.index_cast %add3A_589 : i32 to index
      %get3A_591 = arith.constant 0 : index
      %get3A_592 = tpu.vector_load %arg12[%get3A_590, %get3A_591] {strides = array<i32>} : memref<640x32xf32, #tpu.memory_space<vmem>>, vector<16xf32>,
      %mul3A_593 = vector.broadcast %squeeze3A_585 : f32 to vector<16xf32>
      %mul3A_594 = arith.mulf %get3A_592, %mul3A_593 : vector<16xf32>
      %swap3A_595 = arith.index_cast %add3A_589 : i32 to index
      %swap3A_596 = arith.constant 0 : index
      %swap3A_597 = tpu.vector_load %arg12[%swap3A_595, %swap3A_596] {strides = array<i32>} : memref<640x32xf32, #tpu.memory_space<vmem>>, vector<16xf32>,
      tpu.vector_store %arg12[%swap3A_595, %swap3A_596], %mul3A_594 {strides = array<i32>} : memref<640x32xf32, #tpu.memory_space<vmem>>, vector<16xf32>,
      %get3A_598 = arith.index_cast %add3A_589 : i32 to index
      %get3A_599 = arith.constant 16 : index
      %get3A_600 = tpu.vector_load %arg12[%get3A_598, %get3A_599] {strides = array<i32>} : memref<640x32xf32, #tpu.memory_space<vmem>>, vector<16xf32>,
      %mul3A_601 = vector.broadcast %squeeze3A_585 : f32 to vector<16xf32>
      %mul3A_602 = arith.mulf %get3A_600, %mul3A_601 : vector<16xf32>
      %swap3A_603 = arith.index_cast %add3A_589 : i32 to index
      %swap3A_604 = arith.constant 16 : index
      %swap3A_605 = tpu.vector_load %arg12[%swap3A_603, %swap3A_604] {strides = array<i32>} : memref<640x32xf32, #tpu.memory_space<vmem>>, vector<16xf32>,
      tpu.vector_store %arg12[%swap3A_603, %swap3A_604], %mul3A_602 {strides = array<i32>} : memref<640x32xf32, #tpu.memory_space<vmem>>, vector<16xf32>,
      %slice3A_606 = vector.extract_strided_slice %get3A_322 {offsets = [13], sizes = [1], strides = [1]} : vector<16xf32> to vector<1xf32>
      %squeeze3A_607 = vector.extract %slice3A_606[0] : f32 from vector<1xf32>
      %mul3A_608 = arith.constant 16 : i32
      %mul3A_609 = arith.muli %scan3A_320, %mul3A_608 : i32
      %add3A_610 = arith.constant 13 : i32
      %add3A_611 = arith.addi %mul3A_609, %add3A_610 : i32
      %get3A_612 = arith.index_cast %add3A_611 : i32 to index
      %get3A_613 = arith.constant 0 : index
      %get3A_614 = tpu.vector_load %arg12[%get3A_612, %get3A_613] {strides = array<i32>} : memref<640x32xf32, #tpu.memory_space<vmem>>, vector<16xf32>,
      %mul3A_615 = vector.broadcast %squeeze3A_607 : f32 to vector<16xf32>
      %mul3A_616 = arith.mulf %get3A_614, %mul3A_615 : vector<16xf32>
      %swap3A_617 = arith.index_cast %add3A_611 : i32 to index
      %swap3A_618 = arith.constant 0 : index
      %swap3A_619 = tpu.vector_load %arg12[%swap3A_617, %swap3A_618] {strides = array<i32>} : memref<640x32xf32, #tpu.memory_space<vmem>>, vector<16xf32>,
      tpu.vector_store %arg12[%swap3A_617, %swap3A_618], %mul3A_616 {strides = array<i32>} : memref<640x32xf32, #tpu.memory_space<vmem>>, vector<16xf32>,
      %get3A_620 = arith.index_cast %add3A_611 : i32 to index
      %get3A_621 = arith.constant 16 : index
      %get3A_622 = tpu.vector_load %arg12[%get3A_620, %get3A_621] {strides = array<i32>} : memref<640x32xf32, #tpu.memory_space<vmem>>, vector<16xf32>,
      %mul3A_623 = vector.broadcast %squeeze3A_607 : f32 to vector<16xf32>
      %mul3A_624 = arith.mulf %get3A_622, %mul3A_623 : vector<16xf32>
      %swap3A_625 = arith.index_cast %add3A_611 : i32 to index
      %swap3A_626 = arith.constant 16 : index
      %swap3A_627 = tpu.vector_load %arg12[%swap3A_625, %swap3A_626] {strides = array<i32>} : memref<640x32xf32, #tpu.memory_space<vmem>>, vector<16xf32>,
      tpu.vector_store %arg12[%swap3A_625, %swap3A_626], %mul3A_624 {strides = array<i32>} : memref<640x32xf32, #tpu.memory_space<vmem>>, vector<16xf32>,
      %slice3A_628 = vector.extract_strided_slice %get3A_322 {offsets = [14], sizes = [1], strides = [1]} : vector<16xf32> to vector<1xf32>
      %squeeze3A_629 = vector.extract %slice3A_628[0] : f32 from vector<1xf32>
      %mul3A_630 = arith.constant 16 : i32
      %mul3A_631 = arith.muli %scan3A_320, %mul3A_630 : i32
      %add3A_632 = arith.constant 14 : i32
      %add3A_633 = arith.addi %mul3A_631, %add3A_632 : i32
      %get3A_634 = arith.index_cast %add3A_633 : i32 to index
      %get3A_635 = arith.constant 0 : index
      %get3A_636 = tpu.vector_load %arg12[%get3A_634, %get3A_635] {strides = array<i32>} : memref<640x32xf32, #tpu.memory_space<vmem>>, vector<16xf32>,
      %mul3A_637 = vector.broadcast %squeeze3A_629 : f32 to vector<16xf32>
      %mul3A_638 = arith.mulf %get3A_636, %mul3A_637 : vector<16xf32>
      %swap3A_639 = arith.index_cast %add3A_633 : i32 to index
      %swap3A_640 = arith.constant 0 : index
      %swap3A_641 = tpu.vector_load %arg12[%swap3A_639, %swap3A_640] {strides = array<i32>} : memref<640x32xf32, #tpu.memory_space<vmem>>, vector<16xf32>,
      tpu.vector_store %arg12[%swap3A_639, %swap3A_640], %mul3A_638 {strides = array<i32>} : memref<640x32xf32, #tpu.memory_space<vmem>>, vector<16xf32>,
      %get3A_642 = arith.index_cast %add3A_633 : i32 to index
      %get3A_643 = arith.constant 16 : index
      %get3A_644 = tpu.vector_load %arg12[%get3A_642, %get3A_643] {strides = array<i32>} : memref<640x32xf32, #tpu.memory_space<vmem>>, vector<16xf32>,
      %mul3A_645 = vector.broadcast %squeeze3A_629 : f32 to vector<16xf32>
      %mul3A_646 = arith.mulf %get3A_644, %mul3A_645 : vector<16xf32>
      %swap3A_647 = arith.index_cast %add3A_633 : i32 to index
      %swap3A_648 = arith.constant 16 : index
      %swap3A_649 = tpu.vector_load %arg12[%swap3A_647, %swap3A_648] {strides = array<i32>} : memref<640x32xf32, #tpu.memory_space<vmem>>, vector<16xf32>,
      tpu.vector_store %arg12[%swap3A_647, %swap3A_648], %mul3A_646 {strides = array<i32>} : memref<640x32xf32, #tpu.memory_space<vmem>>, vector<16xf32>,
      %slice3A_650 = vector.extract_strided_slice %get3A_322 {offsets = [15], sizes = [1], strides = [1]} : vector<16xf32> to vector<1xf32>
      %squeeze3A_651 = vector.extract %slice3A_650[0] : f32 from vector<1xf32>
      %mul3A_652 = arith.constant 16 : i32
      %mul3A_653 = arith.muli %scan3A_320, %mul3A_652 : i32
      %add3A_654 = arith.constant 15 : i32
      %add3A_655 = arith.addi %mul3A_653, %add3A_654 : i32
      %get3A_656 = arith.index_cast %add3A_655 : i32 to index
      %get3A_657 = arith.constant 0 : index
      %get3A_658 = tpu.vector_load %arg12[%get3A_656, %get3A_657] {strides = array<i32>} : memref<640x32xf32, #tpu.memory_space<vmem>>, vector<16xf32>,
      %mul3A_659 = vector.broadcast %squeeze3A_651 : f32 to vector<16xf32>
      %mul3A_660 = arith.mulf %get3A_658, %mul3A_659 : vector<16xf32>
      %swap3A_661 = arith.index_cast %add3A_655 : i32 to index
      %swap3A_662 = arith.constant 0 : index
      %swap3A_663 = tpu.vector_load %arg12[%swap3A_661, %swap3A_662] {strides = array<i32>} : memref<640x32xf32, #tpu.memory_space<vmem>>, vector<16xf32>,
      tpu.vector_store %arg12[%swap3A_661, %swap3A_662], %mul3A_660 {strides = array<i32>} : memref<640x32xf32, #tpu.memory_space<vmem>>, vector<16xf32>,
      %get3A_664 = arith.index_cast %add3A_655 : i32 to index
      %get3A_665 = arith.constant 16 : index
      %get3A_666 = tpu.vector_load %arg12[%get3A_664, %get3A_665] {strides = array<i32>} : memref<640x32xf32, #tpu.memory_space<vmem>>, vector<16xf32>,
      %mul3A_667 = vector.broadcast %squeeze3A_651 : f32 to vector<16xf32>
      %mul3A_668 = arith.mulf %get3A_666, %mul3A_667 : vector<16xf32>
      %swap3A_669 = arith.index_cast %add3A_655 : i32 to index
      %swap3A_670 = arith.constant 16 : index
      %swap3A_671 = tpu.vector_load %arg12[%swap3A_669, %swap3A_670] {strides = array<i32>} : memref<640x32xf32, #tpu.memory_space<vmem>>, vector<16xf32>,
      tpu.vector_store %arg12[%swap3A_669, %swap3A_670], %mul3A_668 {strides = array<i32>} : memref<640x32xf32, #tpu.memory_space<vmem>>, vector<16xf32>,
    }
    %scan3A_115 = arith.constant 40 : i32
    "tpu.region"() ({
      %run_scoped3A = tpu.sem_alloc : memref<!tpu.dma_semaphore, #tpu.memory_space<semaphore_mem>>
      %dma_start3A_320 = arith.constant 0 : i32
      %dma_start3A_321 = tpu.memref_slice %arg16[%mul3A_2, %dma_start3A_320] : memref<10240x32xf32, #tpu.memory_space<vmem_shared>> -> memref<640x32xf32, #tpu.memory_space<vmem_shared>>
      %dma_start3A_322 = arith.constant 0 : i32
      %dma_start3A_323 = tpu.memref_slice %arg16[%mul3A_2, %dma_start3A_322] : memref<10240x32xf32, #tpu.memory_space<vmem_shared>> -> memref<640x32xf32, #tpu.memory_space<vmem_shared>>
      tpu.enqueue_dma source(%arg12 : memref<640x32xf32, #tpu.memory_space<vmem>>) target(%dma_start3A_323 : memref<640x32xf32, #tpu.memory_space<vmem_shared>>) target_semaphore(%run_scoped3A : memref<!tpu.dma_semaphore, #tpu.memory_space<semaphore_mem>>)
      %dma_wait3A_324 = arith.constant 0 : i32
      %dma_wait3A_325 = tpu.memref_slice %arg16[%mul3A_2, %dma_wait3A_324] : memref<10240x32xf32, #tpu.memory_space<vmem_shared>> -> memref<640x32xf32, #tpu.memory_space<vmem_shared>>
      %dma_wait3A_326 = arith.constant 0 : i32
      %dma_wait3A_327 = tpu.memref_slice %arg16[%mul3A_2, %dma_wait3A_326] : memref<10240x32xf32, #tpu.memory_space<vmem_shared>> -> memref<640x32xf32, #tpu.memory_space<vmem_shared>>
      tpu.wait_dma2 semaphore(%run_scoped3A : memref<!tpu.dma_semaphore, #tpu.memory_space<semaphore_mem>>) src(%arg12 : memref<640x32xf32, #tpu.memory_space<vmem>>) dst(%dma_wait3A_327 : memref<640x32xf32, #tpu.memory_space<vmem_shared>>)
      tpu.yield
    }) : () -> ()
    %eq3A_116 = arith.constant 0 : i32
    %eq3A_117 = arith.cmpi eq, %arg0, %eq3A_116 : i32
    %convert_element_type3A_118 = arith.extui %eq3A_117 : i1 to i32
    %cond3A_119 = arith.constant 0 : i32
    %cond3A_120 = arith.cmpi ne, %convert_element_type3A_118, %cond3A_119 : i32
    scf.if %cond3A_120 {
      "tpu.region"() ({
        %run_scoped3A = tpu.sem_alloc : memref<!tpu.dma_semaphore, #tpu.memory_space<semaphore_mem>>
        %dma_start3A_320 = arith.constant 0 : i32
        %dma_start3A_321 = tpu.memref_slice %arg8[%mul3A_4, %dma_start3A_320] : memref<640x16xf32, #tpu.memory_space<hbm>> -> memref<40x16xf32, #tpu.memory_space<hbm>>
        %dma_start3A_322 = arith.constant 0 : i32
        %dma_start3A_323 = tpu.memref_slice %arg8[%mul3A_4, %dma_start3A_322] : memref<640x16xf32, #tpu.memory_space<hbm>> -> memref<40x16xf32, #tpu.memory_space<hbm>>
        tpu.enqueue_dma source(%arg14 : memref<40x16xf32, #tpu.memory_space<vmem>>) target(%dma_start3A_323 : memref<40x16xf32, #tpu.memory_space<hbm>>) target_semaphore(%run_scoped3A : memref<!tpu.dma_semaphore, #tpu.memory_space<semaphore_mem>>)
        %dma_wait3A_324 = arith.constant 0 : i32
        %dma_wait3A_325 = tpu.memref_slice %arg8[%mul3A_4, %dma_wait3A_324] : memref<640x16xf32, #tpu.memory_space<hbm>> -> memref<40x16xf32, #tpu.memory_space<hbm>>
        %dma_wait3A_326 = arith.constant 0 : i32
        %dma_wait3A_327 = tpu.memref_slice %arg8[%mul3A_4, %dma_wait3A_326] : memref<640x16xf32, #tpu.memory_space<hbm>> -> memref<40x16xf32, #tpu.memory_space<hbm>>
        tpu.wait_dma2 semaphore(%run_scoped3A : memref<!tpu.dma_semaphore, #tpu.memory_space<semaphore_mem>>) src(%arg14 : memref<40x16xf32, #tpu.memory_space<vmem>>) dst(%dma_wait3A_327 : memref<40x16xf32, #tpu.memory_space<hbm>>)
        tpu.yield
      }) : () -> ()
    } else {
    }
    "tpu.region"() ({
      %run_scoped3A = tpu.sem_alloc : memref<!tpu.dma_semaphore, #tpu.memory_space<semaphore_mem>>
      tpu.enqueue_dma source(%arg6 : memref<640x32xf32, #tpu.memory_space<hbm>>) target(%arg12 : memref<640x32xf32, #tpu.memory_space<vmem>>) target_semaphore(%run_scoped3A : memref<!tpu.dma_semaphore, #tpu.memory_space<semaphore_mem>>)
      tpu.wait_dma2 semaphore(%run_scoped3A : memref<!tpu.dma_semaphore, #tpu.memory_space<semaphore_mem>>) src(%arg6 : memref<640x32xf32, #tpu.memory_space<hbm>>) dst(%arg12 : memref<640x32xf32, #tpu.memory_space<vmem>>)
      tpu.yield
    }) : () -> ()
    "tpu.region"() ({
      %run_scoped3A = tpu.sem_alloc : memref<!tpu.dma_semaphore, #tpu.memory_space<semaphore_mem>>
      %dma_start3A_320 = arith.constant 0 : i32
      %dma_start3A_321 = tpu.memref_slice %arg15[%mul3A_2, %dma_start3A_320] : memref<10240x32xf32, #tpu.memory_space<vmem_shared>> -> memref<640x32xf32, #tpu.memory_space<vmem_shared>>
      %dma_start3A_322 = arith.constant 0 : i32
      %dma_start3A_323 = tpu.memref_slice %arg15[%mul3A_2, %dma_start3A_322] : memref<10240x32xf32, #tpu.memory_space<vmem_shared>> -> memref<640x32xf32, #tpu.memory_space<vmem_shared>>
      tpu.enqueue_dma source(%arg12 : memref<640x32xf32, #tpu.memory_space<vmem>>) target(%dma_start3A_323 : memref<640x32xf32, #tpu.memory_space<vmem_shared>>) target_semaphore(%run_scoped3A : memref<!tpu.dma_semaphore, #tpu.memory_space<semaphore_mem>>)
      %dma_wait3A_324 = arith.constant 0 : i32
      %dma_wait3A_325 = tpu.memref_slice %arg15[%mul3A_2, %dma_wait3A_324] : memref<10240x32xf32, #tpu.memory_space<vmem_shared>> -> memref<640x32xf32, #tpu.memory_space<vmem_shared>>
      %dma_wait3A_326 = arith.constant 0 : i32
      %dma_wait3A_327 = tpu.memref_slice %arg15[%mul3A_2, %dma_wait3A_326] : memref<10240x32xf32, #tpu.memory_space<vmem_shared>> -> memref<640x32xf32, #tpu.memory_space<vmem_shared>>
      tpu.wait_dma2 semaphore(%run_scoped3A : memref<!tpu.dma_semaphore, #tpu.memory_space<semaphore_mem>>) src(%arg12 : memref<640x32xf32, #tpu.memory_space<vmem>>) dst(%dma_wait3A_327 : memref<640x32xf32, #tpu.memory_space<vmem_shared>>)
      tpu.yield
    }) : () -> ()
    %barrier3A = arith.constant 0 : index
    tpu.barrier barrier_id(%barrier3A)
    %dma_start3A_121 = arith.constant 0 : i32
    %dma_start3A_122 = arith.constant 0 : i32
    %dma_start3A_123 = arith.constant 0 : i32
    %dma_start3A_124 = arith.constant 0 : i32
    %dma_start3A_125 = tpu.memref_slice %arg11[%dma_start3A_122, %dma_start3A_123, %dma_start3A_124] : memref<4x320x32xf32, #tpu.memory_space<vmem>> -> memref<1x320x32xf32, #tpu.memory_space<vmem>>
    %dma_start3A_126 = tpu.memref_squeeze %dma_start3A_125 : memref<1x320x32xf32, #tpu.memory_space<vmem>> -> memref<320x32xf32, #tpu.memory_space<vmem>>
    %dma_start3A_127 = arith.constant 0 : i32
    %dma_start3A_128 = tpu.memref_slice %arg9[%dma_start3A_121, %dma_start3A_127] : memref<32x320xi32, #tpu.memory_space<vmem>> -> memref<1x320xi32, #tpu.memory_space<vmem>>
    %dma_start3A_129 = tpu.memref_squeeze %dma_start3A_128 : memref<1x320xi32, #tpu.memory_space<vmem>> -> memref<320xi32, #tpu.memory_space<vmem>>
    %dma_start3A_130 = arith.constant 0 : i32
    %dma_start3A_131 = arith.constant 0 : i32
    %dma_start3A_132 = tpu.memref_slice %arg16[%dma_start3A_130, %dma_start3A_131] : memref<10240x32xf32, #tpu.memory_space<vmem_shared>> -> memref<10240x32xf32, #tpu.memory_space<vmem_shared>>
    tpu.enqueue_indirect_dma source(%dma_start3A_132 : memref<10240x32xf32, #tpu.memory_space<vmem_shared>>) target(%dma_start3A_126 : memref<320x32xf32, #tpu.memory_space<vmem>>) offsets(%dma_start3A_129 : memref<320xi32, #tpu.memory_space<vmem>>) semaphore(%arg17 : memref<!tpu.dma_semaphore, #tpu.memory_space<semaphore_mem>>)
    %dma_start3A_133 = arith.constant 1 : i32
    %dma_start3A_134 = arith.constant 1 : i32
    %dma_start3A_135 = arith.constant 0 : i32
    %dma_start3A_136 = arith.constant 0 : i32
    %dma_start3A_137 = tpu.memref_slice %arg11[%dma_start3A_134, %dma_start3A_135, %dma_start3A_136] : memref<4x320x32xf32, #tpu.memory_space<vmem>> -> memref<1x320x32xf32, #tpu.memory_space<vmem>>
    %dma_start3A_138 = tpu.memref_squeeze %dma_start3A_137 : memref<1x320x32xf32, #tpu.memory_space<vmem>> -> memref<320x32xf32, #tpu.memory_space<vmem>>
    %dma_start3A_139 = arith.constant 0 : i32
    %dma_start3A_140 = tpu.memref_slice %arg9[%dma_start3A_133, %dma_start3A_139] : memref<32x320xi32, #tpu.memory_space<vmem>> -> memref<1x320xi32, #tpu.memory_space<vmem>>
    %dma_start3A_141 = tpu.memref_squeeze %dma_start3A_140 : memref<1x320xi32, #tpu.memory_space<vmem>> -> memref<320xi32, #tpu.memory_space<vmem>>
    %dma_start3A_142 = arith.constant 0 : i32
    %dma_start3A_143 = arith.constant 0 : i32
    %dma_start3A_144 = tpu.memref_slice %arg16[%dma_start3A_142, %dma_start3A_143] : memref<10240x32xf32, #tpu.memory_space<vmem_shared>> -> memref<10240x32xf32, #tpu.memory_space<vmem_shared>>
    tpu.enqueue_indirect_dma source(%dma_start3A_144 : memref<10240x32xf32, #tpu.memory_space<vmem_shared>>) target(%dma_start3A_138 : memref<320x32xf32, #tpu.memory_space<vmem>>) offsets(%dma_start3A_141 : memref<320xi32, #tpu.memory_space<vmem>>) semaphore(%arg18 : memref<!tpu.dma_semaphore, #tpu.memory_space<semaphore_mem>>)
    %dma_start3A_145 = arith.constant 2 : i32
    %dma_start3A_146 = arith.constant 2 : i32
    %dma_start3A_147 = arith.constant 0 : i32
    %dma_start3A_148 = arith.constant 0 : i32
    %dma_start3A_149 = tpu.memref_slice %arg11[%dma_start3A_146, %dma_start3A_147, %dma_start3A_148] : memref<4x320x32xf32, #tpu.memory_space<vmem>> -> memref<1x320x32xf32, #tpu.memory_space<vmem>>
    %dma_start3A_150 = tpu.memref_squeeze %dma_start3A_149 : memref<1x320x32xf32, #tpu.memory_space<vmem>> -> memref<320x32xf32, #tpu.memory_space<vmem>>
    %dma_start3A_151 = arith.constant 0 : i32
    %dma_start3A_152 = tpu.memref_slice %arg9[%dma_start3A_145, %dma_start3A_151] : memref<32x320xi32, #tpu.memory_space<vmem>> -> memref<1x320xi32, #tpu.memory_space<vmem>>
    %dma_start3A_153 = tpu.memref_squeeze %dma_start3A_152 : memref<1x320xi32, #tpu.memory_space<vmem>> -> memref<320xi32, #tpu.memory_space<vmem>>
    %dma_start3A_154 = arith.constant 0 : i32
    %dma_start3A_155 = arith.constant 0 : i32
    %dma_start3A_156 = tpu.memref_slice %arg16[%dma_start3A_154, %dma_start3A_155] : memref<10240x32xf32, #tpu.memory_space<vmem_shared>> -> memref<10240x32xf32, #tpu.memory_space<vmem_shared>>
    tpu.enqueue_indirect_dma source(%dma_start3A_156 : memref<10240x32xf32, #tpu.memory_space<vmem_shared>>) target(%dma_start3A_150 : memref<320x32xf32, #tpu.memory_space<vmem>>) offsets(%dma_start3A_153 : memref<320xi32, #tpu.memory_space<vmem>>) semaphore(%arg19 : memref<!tpu.dma_semaphore, #tpu.memory_space<semaphore_mem>>)
    %dma_start3A_157 = arith.constant 3 : i32
    %dma_start3A_158 = arith.constant 3 : i32
    %dma_start3A_159 = arith.constant 0 : i32
    %dma_start3A_160 = arith.constant 0 : i32
    %dma_start3A_161 = tpu.memref_slice %arg11[%dma_start3A_158, %dma_start3A_159, %dma_start3A_160] : memref<4x320x32xf32, #tpu.memory_space<vmem>> -> memref<1x320x32xf32, #tpu.memory_space<vmem>>
    %dma_start3A_162 = tpu.memref_squeeze %dma_start3A_161 : memref<1x320x32xf32, #tpu.memory_space<vmem>> -> memref<320x32xf32, #tpu.memory_space<vmem>>
    %dma_start3A_163 = arith.constant 0 : i32
    %dma_start3A_164 = tpu.memref_slice %arg9[%dma_start3A_157, %dma_start3A_163] : memref<32x320xi32, #tpu.memory_space<vmem>> -> memref<1x320xi32, #tpu.memory_space<vmem>>
    %dma_start3A_165 = tpu.memref_squeeze %dma_start3A_164 : memref<1x320xi32, #tpu.memory_space<vmem>> -> memref<320xi32, #tpu.memory_space<vmem>>
    %dma_start3A_166 = arith.constant 0 : i32
    %dma_start3A_167 = arith.constant 0 : i32
    %dma_start3A_168 = tpu.memref_slice %arg16[%dma_start3A_166, %dma_start3A_167] : memref<10240x32xf32, #tpu.memory_space<vmem_shared>> -> memref<10240x32xf32, #tpu.memory_space<vmem_shared>>
    tpu.enqueue_indirect_dma source(%dma_start3A_168 : memref<10240x32xf32, #tpu.memory_space<vmem_shared>>) target(%dma_start3A_162 : memref<320x32xf32, #tpu.memory_space<vmem>>) offsets(%dma_start3A_165 : memref<320xi32, #tpu.memory_space<vmem>>) semaphore(%arg20 : memref<!tpu.dma_semaphore, #tpu.memory_space<semaphore_mem>>)
    %dma_wait3A_169 = arith.constant 0 : i32
    %dma_wait3A_170 = arith.constant 0 : i32
    %dma_wait3A_171 = arith.constant 0 : i32
    %dma_wait3A_172 = arith.constant 0 : i32
    %dma_wait3A_173 = tpu.memref_slice %arg11[%dma_wait3A_170, %dma_wait3A_171, %dma_wait3A_172] : memref<4x320x32xf32, #tpu.memory_space<vmem>> -> memref<1x320x32xf32, #tpu.memory_space<vmem>>
    %dma_wait3A_174 = tpu.memref_squeeze %dma_wait3A_173 : memref<1x320x32xf32, #tpu.memory_space<vmem>> -> memref<320x32xf32, #tpu.memory_space<vmem>>
    %dma_wait3A_175 = arith.constant 0 : i32
    %dma_wait3A_176 = tpu.memref_slice %arg9[%dma_wait3A_169, %dma_wait3A_175] : memref<32x320xi32, #tpu.memory_space<vmem>> -> memref<1x320xi32, #tpu.memory_space<vmem>>
    %dma_wait3A_177 = tpu.memref_squeeze %dma_wait3A_176 : memref<1x320xi32, #tpu.memory_space<vmem>> -> memref<320xi32, #tpu.memory_space<vmem>>
    %dma_wait3A_178 = arith.constant 0 : i32
    %dma_wait3A_179 = arith.constant 0 : i32
    %dma_wait3A_180 = tpu.memref_slice %arg16[%dma_wait3A_178, %dma_wait3A_179] : memref<10240x32xf32, #tpu.memory_space<vmem_shared>> -> memref<10240x32xf32, #tpu.memory_space<vmem_shared>>
    tpu.wait_indirect_dma semaphore(%arg17 : memref<!tpu.dma_semaphore, #tpu.memory_space<semaphore_mem>>) src(%dma_wait3A_180 : memref<10240x32xf32, #tpu.memory_space<vmem_shared>>) dst(%dma_wait3A_174 : memref<320x32xf32, #tpu.memory_space<vmem>>)
    %dma_start3A_181 = arith.constant 0 : i32
    %dma_start3A_182 = arith.constant 0 : i32
    %dma_start3A_183 = arith.constant 0 : i32
    %dma_start3A_184 = arith.constant 0 : i32
    %dma_start3A_185 = tpu.memref_slice %arg11[%dma_start3A_181, %dma_start3A_183, %dma_start3A_184] : memref<4x320x32xf32, #tpu.memory_space<vmem>> -> memref<1x320x32xf32, #tpu.memory_space<vmem>>
    %dma_start3A_186 = tpu.memref_squeeze %dma_start3A_185 : memref<1x320x32xf32, #tpu.memory_space<vmem>> -> memref<320x32xf32, #tpu.memory_space<vmem>>
    %dma_start3A_187 = arith.constant 0 : i32
    %dma_start3A_188 = tpu.memref_slice %arg10[%dma_start3A_182, %dma_start3A_187] : memref<32x320xi32, #tpu.memory_space<vmem>> -> memref<1x320xi32, #tpu.memory_space<vmem>>
    %dma_start3A_189 = tpu.memref_squeeze %dma_start3A_188 : memref<1x320xi32, #tpu.memory_space<vmem>> -> memref<320xi32, #tpu.memory_space<vmem>>
    %dma_start3A_190 = arith.constant 0 : i32
    %dma_start3A_191 = arith.constant 0 : i32
    %dma_start3A_192 = tpu.memref_slice %arg15[%dma_start3A_190, %dma_start3A_191] : memref<10240x32xf32, #tpu.memory_space<vmem_shared>> -> memref<10240x32xf32, #tpu.memory_space<vmem_shared>>
    tpu.enqueue_indirect_dma source(%dma_start3A_186 : memref<320x32xf32, #tpu.memory_space<vmem>>) target(%dma_start3A_192 : memref<10240x32xf32, #tpu.memory_space<vmem_shared>>) offsets(%dma_start3A_189 : memref<320xi32, #tpu.memory_space<vmem>>) semaphore(%arg21 : memref<!tpu.dma_semaphore, #tpu.memory_space<semaphore_mem>>) {add = true}
    %scan3A_193 = arith.constant 0 : i32
    %scan3A_194 = arith.constant 0 : i32
    %scan3A_195 = arith.constant 7 : i32
    %scan3A_196 = arith.addi %scan3A_194, %scan3A_195 : i32
    %scan3A_197 = arith.constant 1 : i32
    scf.for %scan3A_320 = %scan3A_194 to %scan3A_196 step %scan3A_197  : i32 {
      %mul3A_321 = arith.constant 4 : i32
      %mul3A_322 = arith.muli %mul3A_321, %scan3A_320 : i32
      %add3A_323 = arith.constant 1 : i32
      %add3A_324 = arith.addi %add3A_323, %mul3A_322 : i32
      %add3A_325 = arith.constant 0 : i32
      %add3A_326 = arith.addi %add3A_324, %add3A_325 : i32
      %sub3A = arith.constant 1 : i32
      %sub3A_327 = arith.subi %add3A_326, %sub3A : i32
      %dma_wait3A_328 = arith.constant 0 : i32
      %dma_wait3A_329 = arith.constant 0 : i32
      %dma_wait3A_330 = arith.constant 0 : i32
      %dma_wait3A_331 = tpu.memref_slice %arg11[%dma_wait3A_328, %dma_wait3A_329, %dma_wait3A_330] : memref<4x320x32xf32, #tpu.memory_space<vmem>> -> memref<1x320x32xf32, #tpu.memory_space<vmem>>
      %dma_wait3A_332 = tpu.memref_squeeze %dma_wait3A_331 : memref<1x320x32xf32, #tpu.memory_space<vmem>> -> memref<320x32xf32, #tpu.memory_space<vmem>>
      %dma_wait3A_333 = arith.constant 0 : i32
      %dma_wait3A_334 = tpu.memref_slice %arg10[%sub3A_327, %dma_wait3A_333] : memref<32x320xi32, #tpu.memory_space<vmem>> -> memref<1x320xi32, #tpu.memory_space<vmem>>
      %dma_wait3A_335 = tpu.memref_squeeze %dma_wait3A_334 : memref<1x320xi32, #tpu.memory_space<vmem>> -> memref<320xi32, #tpu.memory_space<vmem>>
      %dma_wait3A_336 = arith.constant 0 : i32
      %dma_wait3A_337 = arith.constant 0 : i32
      %dma_wait3A_338 = tpu.memref_slice %arg15[%dma_wait3A_336, %dma_wait3A_337] : memref<10240x32xf32, #tpu.memory_space<vmem_shared>> -> memref<10240x32xf32, #tpu.memory_space<vmem_shared>>
      tpu.wait_indirect_dma semaphore(%arg21 : memref<!tpu.dma_semaphore, #tpu.memory_space<semaphore_mem>>) src(%dma_wait3A_332 : memref<320x32xf32, #tpu.memory_space<vmem>>) dst(%dma_wait3A_338 : memref<10240x32xf32, #tpu.memory_space<vmem_shared>>)
      %add3A_339 = arith.constant 3 : i32
      %add3A_340 = arith.addi %add3A_326, %add3A_339 : i32
      %dma_start3A_341 = arith.constant 0 : i32
      %dma_start3A_342 = arith.constant 0 : i32
      %dma_start3A_343 = arith.constant 0 : i32
      %dma_start3A_344 = tpu.memref_slice %arg11[%dma_start3A_341, %dma_start3A_342, %dma_start3A_343] : memref<4x320x32xf32, #tpu.memory_space<vmem>> -> memref<1x320x32xf32, #tpu.memory_space<vmem>>
      %dma_start3A_345 = tpu.memref_squeeze %dma_start3A_344 : memref<1x320x32xf32, #tpu.memory_space<vmem>> -> memref<320x32xf32, #tpu.memory_space<vmem>>
      %dma_start3A_346 = arith.constant 0 : i32
      %dma_start3A_347 = tpu.memref_slice %arg9[%add3A_340, %dma_start3A_346] : memref<32x320xi32, #tpu.memory_space<vmem>> -> memref<1x320xi32, #tpu.memory_space<vmem>>
      %dma_start3A_348 = tpu.memref_squeeze %dma_start3A_347 : memref<1x320xi32, #tpu.memory_space<vmem>> -> memref<320xi32, #tpu.memory_space<vmem>>
      %dma_start3A_349 = arith.constant 0 : i32
      %dma_start3A_350 = arith.constant 0 : i32
      %dma_start3A_351 = tpu.memref_slice %arg16[%dma_start3A_349, %dma_start3A_350] : memref<10240x32xf32, #tpu.memory_space<vmem_shared>> -> memref<10240x32xf32, #tpu.memory_space<vmem_shared>>
      tpu.enqueue_indirect_dma source(%dma_start3A_351 : memref<10240x32xf32, #tpu.memory_space<vmem_shared>>) target(%dma_start3A_345 : memref<320x32xf32, #tpu.memory_space<vmem>>) offsets(%dma_start3A_348 : memref<320xi32, #tpu.memory_space<vmem>>) semaphore(%arg17 : memref<!tpu.dma_semaphore, #tpu.memory_space<semaphore_mem>>)
      %dma_wait3A_352 = arith.constant 1 : i32
      %dma_wait3A_353 = arith.constant 0 : i32
      %dma_wait3A_354 = arith.constant 0 : i32
      %dma_wait3A_355 = tpu.memref_slice %arg11[%dma_wait3A_352, %dma_wait3A_353, %dma_wait3A_354] : memref<4x320x32xf32, #tpu.memory_space<vmem>> -> memref<1x320x32xf32, #tpu.memory_space<vmem>>
      %dma_wait3A_356 = tpu.memref_squeeze %dma_wait3A_355 : memref<1x320x32xf32, #tpu.memory_space<vmem>> -> memref<320x32xf32, #tpu.memory_space<vmem>>
      %dma_wait3A_357 = arith.constant 0 : i32
      %dma_wait3A_358 = tpu.memref_slice %arg9[%add3A_326, %dma_wait3A_357] : memref<32x320xi32, #tpu.memory_space<vmem>> -> memref<1x320xi32, #tpu.memory_space<vmem>>
      %dma_wait3A_359 = tpu.memref_squeeze %dma_wait3A_358 : memref<1x320xi32, #tpu.memory_space<vmem>> -> memref<320xi32, #tpu.memory_space<vmem>>
      %dma_wait3A_360 = arith.constant 0 : i32
      %dma_wait3A_361 = arith.constant 0 : i32
      %dma_wait3A_362 = tpu.memref_slice %arg16[%dma_wait3A_360, %dma_wait3A_361] : memref<10240x32xf32, #tpu.memory_space<vmem_shared>> -> memref<10240x32xf32, #tpu.memory_space<vmem_shared>>
      tpu.wait_indirect_dma semaphore(%arg18 : memref<!tpu.dma_semaphore, #tpu.memory_space<semaphore_mem>>) src(%dma_wait3A_362 : memref<10240x32xf32, #tpu.memory_space<vmem_shared>>) dst(%dma_wait3A_356 : memref<320x32xf32, #tpu.memory_space<vmem>>)
      %dma_start3A_363 = arith.constant 1 : i32
      %dma_start3A_364 = arith.constant 0 : i32
      %dma_start3A_365 = arith.constant 0 : i32
      %dma_start3A_366 = tpu.memref_slice %arg11[%dma_start3A_363, %dma_start3A_364, %dma_start3A_365] : memref<4x320x32xf32, #tpu.memory_space<vmem>> -> memref<1x320x32xf32, #tpu.memory_space<vmem>>
      %dma_start3A_367 = tpu.memref_squeeze %dma_start3A_366 : memref<1x320x32xf32, #tpu.memory_space<vmem>> -> memref<320x32xf32, #tpu.memory_space<vmem>>
      %dma_start3A_368 = arith.constant 0 : i32
      %dma_start3A_369 = tpu.memref_slice %arg10[%add3A_326, %dma_start3A_368] : memref<32x320xi32, #tpu.memory_space<vmem>> -> memref<1x320xi32, #tpu.memory_space<vmem>>
      %dma_start3A_370 = tpu.memref_squeeze %dma_start3A_369 : memref<1x320xi32, #tpu.memory_space<vmem>> -> memref<320xi32, #tpu.memory_space<vmem>>
      %dma_start3A_371 = arith.constant 0 : i32
      %dma_start3A_372 = arith.constant 0 : i32
      %dma_start3A_373 = tpu.memref_slice %arg15[%dma_start3A_371, %dma_start3A_372] : memref<10240x32xf32, #tpu.memory_space<vmem_shared>> -> memref<10240x32xf32, #tpu.memory_space<vmem_shared>>
      tpu.enqueue_indirect_dma source(%dma_start3A_367 : memref<320x32xf32, #tpu.memory_space<vmem>>) target(%dma_start3A_373 : memref<10240x32xf32, #tpu.memory_space<vmem_shared>>) offsets(%dma_start3A_370 : memref<320xi32, #tpu.memory_space<vmem>>) semaphore(%arg22 : memref<!tpu.dma_semaphore, #tpu.memory_space<semaphore_mem>>) {add = true}
      %add3A_374 = arith.constant 1 : i32
      %add3A_375 = arith.addi %add3A_324, %add3A_374 : i32
      %sub3A_376 = arith.constant 1 : i32
      %sub3A_377 = arith.subi %add3A_375, %sub3A_376 : i32
      %dma_wait3A_378 = arith.constant 1 : i32
      %dma_wait3A_379 = arith.constant 0 : i32
      %dma_wait3A_380 = arith.constant 0 : i32
      %dma_wait3A_381 = tpu.memref_slice %arg11[%dma_wait3A_378, %dma_wait3A_379, %dma_wait3A_380] : memref<4x320x32xf32, #tpu.memory_space<vmem>> -> memref<1x320x32xf32, #tpu.memory_space<vmem>>
      %dma_wait3A_382 = tpu.memref_squeeze %dma_wait3A_381 : memref<1x320x32xf32, #tpu.memory_space<vmem>> -> memref<320x32xf32, #tpu.memory_space<vmem>>
      %dma_wait3A_383 = arith.constant 0 : i32
      %dma_wait3A_384 = tpu.memref_slice %arg10[%sub3A_377, %dma_wait3A_383] : memref<32x320xi32, #tpu.memory_space<vmem>> -> memref<1x320xi32, #tpu.memory_space<vmem>>
      %dma_wait3A_385 = tpu.memref_squeeze %dma_wait3A_384 : memref<1x320xi32, #tpu.memory_space<vmem>> -> memref<320xi32, #tpu.memory_space<vmem>>
      %dma_wait3A_386 = arith.constant 0 : i32
      %dma_wait3A_387 = arith.constant 0 : i32
      %dma_wait3A_388 = tpu.memref_slice %arg15[%dma_wait3A_386, %dma_wait3A_387] : memref<10240x32xf32, #tpu.memory_space<vmem_shared>> -> memref<10240x32xf32, #tpu.memory_space<vmem_shared>>
      tpu.wait_indirect_dma semaphore(%arg22 : memref<!tpu.dma_semaphore, #tpu.memory_space<semaphore_mem>>) src(%dma_wait3A_382 : memref<320x32xf32, #tpu.memory_space<vmem>>) dst(%dma_wait3A_388 : memref<10240x32xf32, #tpu.memory_space<vmem_shared>>)
      %add3A_389 = arith.constant 3 : i32
      %add3A_390 = arith.addi %add3A_375, %add3A_389 : i32
      %dma_start3A_391 = arith.constant 1 : i32
      %dma_start3A_392 = arith.constant 0 : i32
      %dma_start3A_393 = arith.constant 0 : i32
      %dma_start3A_394 = tpu.memref_slice %arg11[%dma_start3A_391, %dma_start3A_392, %dma_start3A_393] : memref<4x320x32xf32, #tpu.memory_space<vmem>> -> memref<1x320x32xf32, #tpu.memory_space<vmem>>
      %dma_start3A_395 = tpu.memref_squeeze %dma_start3A_394 : memref<1x320x32xf32, #tpu.memory_space<vmem>> -> memref<320x32xf32, #tpu.memory_space<vmem>>
      %dma_start3A_396 = arith.constant 0 : i32
      %dma_start3A_397 = tpu.memref_slice %arg9[%add3A_390, %dma_start3A_396] : memref<32x320xi32, #tpu.memory_space<vmem>> -> memref<1x320xi32, #tpu.memory_space<vmem>>
      %dma_start3A_398 = tpu.memref_squeeze %dma_start3A_397 : memref<1x320xi32, #tpu.memory_space<vmem>> -> memref<320xi32, #tpu.memory_space<vmem>>
      %dma_start3A_399 = arith.constant 0 : i32
      %dma_start3A_400 = arith.constant 0 : i32
      %dma_start3A_401 = tpu.memref_slice %arg16[%dma_start3A_399, %dma_start3A_400] : memref<10240x32xf32, #tpu.memory_space<vmem_shared>> -> memref<10240x32xf32, #tpu.memory_space<vmem_shared>>
      tpu.enqueue_indirect_dma source(%dma_start3A_401 : memref<10240x32xf32, #tpu.memory_space<vmem_shared>>) target(%dma_start3A_395 : memref<320x32xf32, #tpu.memory_space<vmem>>) offsets(%dma_start3A_398 : memref<320xi32, #tpu.memory_space<vmem>>) semaphore(%arg18 : memref<!tpu.dma_semaphore, #tpu.memory_space<semaphore_mem>>)
      %dma_wait3A_402 = arith.constant 2 : i32
      %dma_wait3A_403 = arith.constant 0 : i32
      %dma_wait3A_404 = arith.constant 0 : i32
      %dma_wait3A_405 = tpu.memref_slice %arg11[%dma_wait3A_402, %dma_wait3A_403, %dma_wait3A_404] : memref<4x320x32xf32, #tpu.memory_space<vmem>> -> memref<1x320x32xf32, #tpu.memory_space<vmem>>
      %dma_wait3A_406 = tpu.memref_squeeze %dma_wait3A_405 : memref<1x320x32xf32, #tpu.memory_space<vmem>> -> memref<320x32xf32, #tpu.memory_space<vmem>>
      %dma_wait3A_407 = arith.constant 0 : i32
      %dma_wait3A_408 = tpu.memref_slice %arg9[%add3A_375, %dma_wait3A_407] : memref<32x320xi32, #tpu.memory_space<vmem>> -> memref<1x320xi32, #tpu.memory_space<vmem>>
      %dma_wait3A_409 = tpu.memref_squeeze %dma_wait3A_408 : memref<1x320xi32, #tpu.memory_space<vmem>> -> memref<320xi32, #tpu.memory_space<vmem>>
      %dma_wait3A_410 = arith.constant 0 : i32
      %dma_wait3A_411 = arith.constant 0 : i32
      %dma_wait3A_412 = tpu.memref_slice %arg16[%dma_wait3A_410, %dma_wait3A_411] : memref<10240x32xf32, #tpu.memory_space<vmem_shared>> -> memref<10240x32xf32, #tpu.memory_space<vmem_shared>>
      tpu.wait_indirect_dma semaphore(%arg19 : memref<!tpu.dma_semaphore, #tpu.memory_space<semaphore_mem>>) src(%dma_wait3A_412 : memref<10240x32xf32, #tpu.memory_space<vmem_shared>>) dst(%dma_wait3A_406 : memref<320x32xf32, #tpu.memory_space<vmem>>)
      %dma_start3A_413 = arith.constant 2 : i32
      %dma_start3A_414 = arith.constant 0 : i32
      %dma_start3A_415 = arith.constant 0 : i32
      %dma_start3A_416 = tpu.memref_slice %arg11[%dma_start3A_413, %dma_start3A_414, %dma_start3A_415] : memref<4x320x32xf32, #tpu.memory_space<vmem>> -> memref<1x320x32xf32, #tpu.memory_space<vmem>>
      %dma_start3A_417 = tpu.memref_squeeze %dma_start3A_416 : memref<1x320x32xf32, #tpu.memory_space<vmem>> -> memref<320x32xf32, #tpu.memory_space<vmem>>
      %dma_start3A_418 = arith.constant 0 : i32
      %dma_start3A_419 = tpu.memref_slice %arg10[%add3A_375, %dma_start3A_418] : memref<32x320xi32, #tpu.memory_space<vmem>> -> memref<1x320xi32, #tpu.memory_space<vmem>>
      %dma_start3A_420 = tpu.memref_squeeze %dma_start3A_419 : memref<1x320xi32, #tpu.memory_space<vmem>> -> memref<320xi32, #tpu.memory_space<vmem>>
      %dma_start3A_421 = arith.constant 0 : i32
      %dma_start3A_422 = arith.constant 0 : i32
      %dma_start3A_423 = tpu.memref_slice %arg15[%dma_start3A_421, %dma_start3A_422] : memref<10240x32xf32, #tpu.memory_space<vmem_shared>> -> memref<10240x32xf32, #tpu.memory_space<vmem_shared>>
      tpu.enqueue_indirect_dma source(%dma_start3A_417 : memref<320x32xf32, #tpu.memory_space<vmem>>) target(%dma_start3A_423 : memref<10240x32xf32, #tpu.memory_space<vmem_shared>>) offsets(%dma_start3A_420 : memref<320xi32, #tpu.memory_space<vmem>>) semaphore(%arg23 : memref<!tpu.dma_semaphore, #tpu.memory_space<semaphore_mem>>) {add = true}
      %add3A_424 = arith.constant 2 : i32
      %add3A_425 = arith.addi %add3A_324, %add3A_424 : i32
      %sub3A_426 = arith.constant 1 : i32
      %sub3A_427 = arith.subi %add3A_425, %sub3A_426 : i32
      %dma_wait3A_428 = arith.constant 2 : i32
      %dma_wait3A_429 = arith.constant 0 : i32
      %dma_wait3A_430 = arith.constant 0 : i32
      %dma_wait3A_431 = tpu.memref_slice %arg11[%dma_wait3A_428, %dma_wait3A_429, %dma_wait3A_430] : memref<4x320x32xf32, #tpu.memory_space<vmem>> -> memref<1x320x32xf32, #tpu.memory_space<vmem>>
      %dma_wait3A_432 = tpu.memref_squeeze %dma_wait3A_431 : memref<1x320x32xf32, #tpu.memory_space<vmem>> -> memref<320x32xf32, #tpu.memory_space<vmem>>
      %dma_wait3A_433 = arith.constant 0 : i32
      %dma_wait3A_434 = tpu.memref_slice %arg10[%sub3A_427, %dma_wait3A_433] : memref<32x320xi32, #tpu.memory_space<vmem>> -> memref<1x320xi32, #tpu.memory_space<vmem>>
      %dma_wait3A_435 = tpu.memref_squeeze %dma_wait3A_434 : memref<1x320xi32, #tpu.memory_space<vmem>> -> memref<320xi32, #tpu.memory_space<vmem>>
      %dma_wait3A_436 = arith.constant 0 : i32
      %dma_wait3A_437 = arith.constant 0 : i32
      %dma_wait3A_438 = tpu.memref_slice %arg15[%dma_wait3A_436, %dma_wait3A_437] : memref<10240x32xf32, #tpu.memory_space<vmem_shared>> -> memref<10240x32xf32, #tpu.memory_space<vmem_shared>>
      tpu.wait_indirect_dma semaphore(%arg23 : memref<!tpu.dma_semaphore, #tpu.memory_space<semaphore_mem>>) src(%dma_wait3A_432 : memref<320x32xf32, #tpu.memory_space<vmem>>) dst(%dma_wait3A_438 : memref<10240x32xf32, #tpu.memory_space<vmem_shared>>)
      %add3A_439 = arith.constant 3 : i32
      %add3A_440 = arith.addi %add3A_425, %add3A_439 : i32
      %dma_start3A_441 = arith.constant 2 : i32
      %dma_start3A_442 = arith.constant 0 : i32
      %dma_start3A_443 = arith.constant 0 : i32
      %dma_start3A_444 = tpu.memref_slice %arg11[%dma_start3A_441, %dma_start3A_442, %dma_start3A_443] : memref<4x320x32xf32, #tpu.memory_space<vmem>> -> memref<1x320x32xf32, #tpu.memory_space<vmem>>
      %dma_start3A_445 = tpu.memref_squeeze %dma_start3A_444 : memref<1x320x32xf32, #tpu.memory_space<vmem>> -> memref<320x32xf32, #tpu.memory_space<vmem>>
      %dma_start3A_446 = arith.constant 0 : i32
      %dma_start3A_447 = tpu.memref_slice %arg9[%add3A_440, %dma_start3A_446] : memref<32x320xi32, #tpu.memory_space<vmem>> -> memref<1x320xi32, #tpu.memory_space<vmem>>
      %dma_start3A_448 = tpu.memref_squeeze %dma_start3A_447 : memref<1x320xi32, #tpu.memory_space<vmem>> -> memref<320xi32, #tpu.memory_space<vmem>>
      %dma_start3A_449 = arith.constant 0 : i32
      %dma_start3A_450 = arith.constant 0 : i32
      %dma_start3A_451 = tpu.memref_slice %arg16[%dma_start3A_449, %dma_start3A_450] : memref<10240x32xf32, #tpu.memory_space<vmem_shared>> -> memref<10240x32xf32, #tpu.memory_space<vmem_shared>>
      tpu.enqueue_indirect_dma source(%dma_start3A_451 : memref<10240x32xf32, #tpu.memory_space<vmem_shared>>) target(%dma_start3A_445 : memref<320x32xf32, #tpu.memory_space<vmem>>) offsets(%dma_start3A_448 : memref<320xi32, #tpu.memory_space<vmem>>) semaphore(%arg19 : memref<!tpu.dma_semaphore, #tpu.memory_space<semaphore_mem>>)
      %dma_wait3A_452 = arith.constant 3 : i32
      %dma_wait3A_453 = arith.constant 0 : i32
      %dma_wait3A_454 = arith.constant 0 : i32
      %dma_wait3A_455 = tpu.memref_slice %arg11[%dma_wait3A_452, %dma_wait3A_453, %dma_wait3A_454] : memref<4x320x32xf32, #tpu.memory_space<vmem>> -> memref<1x320x32xf32, #tpu.memory_space<vmem>>
      %dma_wait3A_456 = tpu.memref_squeeze %dma_wait3A_455 : memref<1x320x32xf32, #tpu.memory_space<vmem>> -> memref<320x32xf32, #tpu.memory_space<vmem>>
      %dma_wait3A_457 = arith.constant 0 : i32
      %dma_wait3A_458 = tpu.memref_slice %arg9[%add3A_425, %dma_wait3A_457] : memref<32x320xi32, #tpu.memory_space<vmem>> -> memref<1x320xi32, #tpu.memory_space<vmem>>
      %dma_wait3A_459 = tpu.memref_squeeze %dma_wait3A_458 : memref<1x320xi32, #tpu.memory_space<vmem>> -> memref<320xi32, #tpu.memory_space<vmem>>
      %dma_wait3A_460 = arith.constant 0 : i32
      %dma_wait3A_461 = arith.constant 0 : i32
      %dma_wait3A_462 = tpu.memref_slice %arg16[%dma_wait3A_460, %dma_wait3A_461] : memref<10240x32xf32, #tpu.memory_space<vmem_shared>> -> memref<10240x32xf32, #tpu.memory_space<vmem_shared>>
      tpu.wait_indirect_dma semaphore(%arg20 : memref<!tpu.dma_semaphore, #tpu.memory_space<semaphore_mem>>) src(%dma_wait3A_462 : memref<10240x32xf32, #tpu.memory_space<vmem_shared>>) dst(%dma_wait3A_456 : memref<320x32xf32, #tpu.memory_space<vmem>>)
      %dma_start3A_463 = arith.constant 3 : i32
      %dma_start3A_464 = arith.constant 0 : i32
      %dma_start3A_465 = arith.constant 0 : i32
      %dma_start3A_466 = tpu.memref_slice %arg11[%dma_start3A_463, %dma_start3A_464, %dma_start3A_465] : memref<4x320x32xf32, #tpu.memory_space<vmem>> -> memref<1x320x32xf32, #tpu.memory_space<vmem>>
      %dma_start3A_467 = tpu.memref_squeeze %dma_start3A_466 : memref<1x320x32xf32, #tpu.memory_space<vmem>> -> memref<320x32xf32, #tpu.memory_space<vmem>>
      %dma_start3A_468 = arith.constant 0 : i32
      %dma_start3A_469 = tpu.memref_slice %arg10[%add3A_425, %dma_start3A_468] : memref<32x320xi32, #tpu.memory_space<vmem>> -> memref<1x320xi32, #tpu.memory_space<vmem>>
      %dma_start3A_470 = tpu.memref_squeeze %dma_start3A_469 : memref<1x320xi32, #tpu.memory_space<vmem>> -> memref<320xi32, #tpu.memory_space<vmem>>
      %dma_start3A_471 = arith.constant 0 : i32
      %dma_start3A_472 = arith.constant 0 : i32
      %dma_start3A_473 = tpu.memref_slice %arg15[%dma_start3A_471, %dma_start3A_472] : memref<10240x32xf32, #tpu.memory_space<vmem_shared>> -> memref<10240x32xf32, #tpu.memory_space<vmem_shared>>
      tpu.enqueue_indirect_dma source(%dma_start3A_467 : memref<320x32xf32, #tpu.memory_space<vmem>>) target(%dma_start3A_473 : memref<10240x32xf32, #tpu.memory_space<vmem_shared>>) offsets(%dma_start3A_470 : memref<320xi32, #tpu.memory_space<vmem>>) semaphore(%arg24 : memref<!tpu.dma_semaphore, #tpu.memory_space<semaphore_mem>>) {add = true}
      %add3A_474 = arith.constant 3 : i32
      %add3A_475 = arith.addi %add3A_324, %add3A_474 : i32
      %sub3A_476 = arith.constant 1 : i32
      %sub3A_477 = arith.subi %add3A_475, %sub3A_476 : i32
      %dma_wait3A_478 = arith.constant 3 : i32
      %dma_wait3A_479 = arith.constant 0 : i32
      %dma_wait3A_480 = arith.constant 0 : i32
      %dma_wait3A_481 = tpu.memref_slice %arg11[%dma_wait3A_478, %dma_wait3A_479, %dma_wait3A_480] : memref<4x320x32xf32, #tpu.memory_space<vmem>> -> memref<1x320x32xf32, #tpu.memory_space<vmem>>
      %dma_wait3A_482 = tpu.memref_squeeze %dma_wait3A_481 : memref<1x320x32xf32, #tpu.memory_space<vmem>> -> memref<320x32xf32, #tpu.memory_space<vmem>>
      %dma_wait3A_483 = arith.constant 0 : i32
      %dma_wait3A_484 = tpu.memref_slice %arg10[%sub3A_477, %dma_wait3A_483] : memref<32x320xi32, #tpu.memory_space<vmem>> -> memref<1x320xi32, #tpu.memory_space<vmem>>
      %dma_wait3A_485 = tpu.memref_squeeze %dma_wait3A_484 : memref<1x320xi32, #tpu.memory_space<vmem>> -> memref<320xi32, #tpu.memory_space<vmem>>
      %dma_wait3A_486 = arith.constant 0 : i32
      %dma_wait3A_487 = arith.constant 0 : i32
      %dma_wait3A_488 = tpu.memref_slice %arg15[%dma_wait3A_486, %dma_wait3A_487] : memref<10240x32xf32, #tpu.memory_space<vmem_shared>> -> memref<10240x32xf32, #tpu.memory_space<vmem_shared>>
      tpu.wait_indirect_dma semaphore(%arg24 : memref<!tpu.dma_semaphore, #tpu.memory_space<semaphore_mem>>) src(%dma_wait3A_482 : memref<320x32xf32, #tpu.memory_space<vmem>>) dst(%dma_wait3A_488 : memref<10240x32xf32, #tpu.memory_space<vmem_shared>>)
      %add3A_489 = arith.constant 3 : i32
      %add3A_490 = arith.addi %add3A_475, %add3A_489 : i32
      %dma_start3A_491 = arith.constant 3 : i32
      %dma_start3A_492 = arith.constant 0 : i32
      %dma_start3A_493 = arith.constant 0 : i32
      %dma_start3A_494 = tpu.memref_slice %arg11[%dma_start3A_491, %dma_start3A_492, %dma_start3A_493] : memref<4x320x32xf32, #tpu.memory_space<vmem>> -> memref<1x320x32xf32, #tpu.memory_space<vmem>>
      %dma_start3A_495 = tpu.memref_squeeze %dma_start3A_494 : memref<1x320x32xf32, #tpu.memory_space<vmem>> -> memref<320x32xf32, #tpu.memory_space<vmem>>
      %dma_start3A_496 = arith.constant 0 : i32
      %dma_start3A_497 = tpu.memref_slice %arg9[%add3A_490, %dma_start3A_496] : memref<32x320xi32, #tpu.memory_space<vmem>> -> memref<1x320xi32, #tpu.memory_space<vmem>>
      %dma_start3A_498 = tpu.memref_squeeze %dma_start3A_497 : memref<1x320xi32, #tpu.memory_space<vmem>> -> memref<320xi32, #tpu.memory_space<vmem>>
      %dma_start3A_499 = arith.constant 0 : i32
      %dma_start3A_500 = arith.constant 0 : i32
      %dma_start3A_501 = tpu.memref_slice %arg16[%dma_start3A_499, %dma_start3A_500] : memref<10240x32xf32, #tpu.memory_space<vmem_shared>> -> memref<10240x32xf32, #tpu.memory_space<vmem_shared>>
      tpu.enqueue_indirect_dma source(%dma_start3A_501 : memref<10240x32xf32, #tpu.memory_space<vmem_shared>>) target(%dma_start3A_495 : memref<320x32xf32, #tpu.memory_space<vmem>>) offsets(%dma_start3A_498 : memref<320xi32, #tpu.memory_space<vmem>>) semaphore(%arg20 : memref<!tpu.dma_semaphore, #tpu.memory_space<semaphore_mem>>)
      %dma_wait3A_502 = arith.constant 0 : i32
      %dma_wait3A_503 = arith.constant 0 : i32
      %dma_wait3A_504 = arith.constant 0 : i32
      %dma_wait3A_505 = tpu.memref_slice %arg11[%dma_wait3A_502, %dma_wait3A_503, %dma_wait3A_504] : memref<4x320x32xf32, #tpu.memory_space<vmem>> -> memref<1x320x32xf32, #tpu.memory_space<vmem>>
      %dma_wait3A_506 = tpu.memref_squeeze %dma_wait3A_505 : memref<1x320x32xf32, #tpu.memory_space<vmem>> -> memref<320x32xf32, #tpu.memory_space<vmem>>
      %dma_wait3A_507 = arith.constant 0 : i32
      %dma_wait3A_508 = tpu.memref_slice %arg9[%add3A_475, %dma_wait3A_507] : memref<32x320xi32, #tpu.memory_space<vmem>> -> memref<1x320xi32, #tpu.memory_space<vmem>>
      %dma_wait3A_509 = tpu.memref_squeeze %dma_wait3A_508 : memref<1x320xi32, #tpu.memory_space<vmem>> -> memref<320xi32, #tpu.memory_space<vmem>>
      %dma_wait3A_510 = arith.constant 0 : i32
      %dma_wait3A_511 = arith.constant 0 : i32
      %dma_wait3A_512 = tpu.memref_slice %arg16[%dma_wait3A_510, %dma_wait3A_511] : memref<10240x32xf32, #tpu.memory_space<vmem_shared>> -> memref<10240x32xf32, #tpu.memory_space<vmem_shared>>
      tpu.wait_indirect_dma semaphore(%arg17 : memref<!tpu.dma_semaphore, #tpu.memory_space<semaphore_mem>>) src(%dma_wait3A_512 : memref<10240x32xf32, #tpu.memory_space<vmem_shared>>) dst(%dma_wait3A_506 : memref<320x32xf32, #tpu.memory_space<vmem>>)
      %dma_start3A_513 = arith.constant 0 : i32
      %dma_start3A_514 = arith.constant 0 : i32
      %dma_start3A_515 = arith.constant 0 : i32
      %dma_start3A_516 = tpu.memref_slice %arg11[%dma_start3A_513, %dma_start3A_514, %dma_start3A_515] : memref<4x320x32xf32, #tpu.memory_space<vmem>> -> memref<1x320x32xf32, #tpu.memory_space<vmem>>
      %dma_start3A_517 = tpu.memref_squeeze %dma_start3A_516 : memref<1x320x32xf32, #tpu.memory_space<vmem>> -> memref<320x32xf32, #tpu.memory_space<vmem>>
      %dma_start3A_518 = arith.constant 0 : i32
      %dma_start3A_519 = tpu.memref_slice %arg10[%add3A_475, %dma_start3A_518] : memref<32x320xi32, #tpu.memory_space<vmem>> -> memref<1x320xi32, #tpu.memory_space<vmem>>
      %dma_start3A_520 = tpu.memref_squeeze %dma_start3A_519 : memref<1x320xi32, #tpu.memory_space<vmem>> -> memref<320xi32, #tpu.memory_space<vmem>>
      %dma_start3A_521 = arith.constant 0 : i32
      %dma_start3A_522 = arith.constant 0 : i32
      %dma_start3A_523 = tpu.memref_slice %arg15[%dma_start3A_521, %dma_start3A_522] : memref<10240x32xf32, #tpu.memory_space<vmem_shared>> -> memref<10240x32xf32, #tpu.memory_space<vmem_shared>>
      tpu.enqueue_indirect_dma source(%dma_start3A_517 : memref<320x32xf32, #tpu.memory_space<vmem>>) target(%dma_start3A_523 : memref<10240x32xf32, #tpu.memory_space<vmem_shared>>) offsets(%dma_start3A_520 : memref<320xi32, #tpu.memory_space<vmem>>) semaphore(%arg21 : memref<!tpu.dma_semaphore, #tpu.memory_space<semaphore_mem>>) {add = true}
    }
    %scan3A_198 = arith.constant 7 : i32
    %dma_wait3A_199 = arith.constant 29 : i32
    %dma_wait3A_200 = arith.constant 1 : i32
    %dma_wait3A_201 = arith.constant 0 : i32
    %dma_wait3A_202 = arith.constant 0 : i32
    %dma_wait3A_203 = tpu.memref_slice %arg11[%dma_wait3A_200, %dma_wait3A_201, %dma_wait3A_202] : memref<4x320x32xf32, #tpu.memory_space<vmem>> -> memref<1x320x32xf32, #tpu.memory_space<vmem>>
    %dma_wait3A_204 = tpu.memref_squeeze %dma_wait3A_203 : memref<1x320x32xf32, #tpu.memory_space<vmem>> -> memref<320x32xf32, #tpu.memory_space<vmem>>
    %dma_wait3A_205 = arith.constant 0 : i32
    %dma_wait3A_206 = tpu.memref_slice %arg9[%dma_wait3A_199, %dma_wait3A_205] : memref<32x320xi32, #tpu.memory_space<vmem>> -> memref<1x320xi32, #tpu.memory_space<vmem>>
    %dma_wait3A_207 = tpu.memref_squeeze %dma_wait3A_206 : memref<1x320xi32, #tpu.memory_space<vmem>> -> memref<320xi32, #tpu.memory_space<vmem>>
    %dma_wait3A_208 = arith.constant 0 : i32
    %dma_wait3A_209 = arith.constant 0 : i32
    %dma_wait3A_210 = tpu.memref_slice %arg16[%dma_wait3A_208, %dma_wait3A_209] : memref<10240x32xf32, #tpu.memory_space<vmem_shared>> -> memref<10240x32xf32, #tpu.memory_space<vmem_shared>>
    tpu.wait_indirect_dma semaphore(%arg18 : memref<!tpu.dma_semaphore, #tpu.memory_space<semaphore_mem>>) src(%dma_wait3A_210 : memref<10240x32xf32, #tpu.memory_space<vmem_shared>>) dst(%dma_wait3A_204 : memref<320x32xf32, #tpu.memory_space<vmem>>)
    %dma_start3A_211 = arith.constant 1 : i32
    %dma_start3A_212 = arith.constant 29 : i32
    %dma_start3A_213 = arith.constant 0 : i32
    %dma_start3A_214 = arith.constant 0 : i32
    %dma_start3A_215 = tpu.memref_slice %arg11[%dma_start3A_211, %dma_start3A_213, %dma_start3A_214] : memref<4x320x32xf32, #tpu.memory_space<vmem>> -> memref<1x320x32xf32, #tpu.memory_space<vmem>>
    %dma_start3A_216 = tpu.memref_squeeze %dma_start3A_215 : memref<1x320x32xf32, #tpu.memory_space<vmem>> -> memref<320x32xf32, #tpu.memory_space<vmem>>
    %dma_start3A_217 = arith.constant 0 : i32
    %dma_start3A_218 = tpu.memref_slice %arg10[%dma_start3A_212, %dma_start3A_217] : memref<32x320xi32, #tpu.memory_space<vmem>> -> memref<1x320xi32, #tpu.memory_space<vmem>>
    %dma_start3A_219 = tpu.memref_squeeze %dma_start3A_218 : memref<1x320xi32, #tpu.memory_space<vmem>> -> memref<320xi32, #tpu.memory_space<vmem>>
    %dma_start3A_220 = arith.constant 0 : i32
    %dma_start3A_221 = arith.constant 0 : i32
    %dma_start3A_222 = tpu.memref_slice %arg15[%dma_start3A_220, %dma_start3A_221] : memref<10240x32xf32, #tpu.memory_space<vmem_shared>> -> memref<10240x32xf32, #tpu.memory_space<vmem_shared>>
    tpu.enqueue_indirect_dma source(%dma_start3A_216 : memref<320x32xf32, #tpu.memory_space<vmem>>) target(%dma_start3A_222 : memref<10240x32xf32, #tpu.memory_space<vmem_shared>>) offsets(%dma_start3A_219 : memref<320xi32, #tpu.memory_space<vmem>>) semaphore(%arg22 : memref<!tpu.dma_semaphore, #tpu.memory_space<semaphore_mem>>) {add = true}
    %dma_wait3A_223 = arith.constant 30 : i32
    %dma_wait3A_224 = arith.constant 2 : i32
    %dma_wait3A_225 = arith.constant 0 : i32
    %dma_wait3A_226 = arith.constant 0 : i32
    %dma_wait3A_227 = tpu.memref_slice %arg11[%dma_wait3A_224, %dma_wait3A_225, %dma_wait3A_226] : memref<4x320x32xf32, #tpu.memory_space<vmem>> -> memref<1x320x32xf32, #tpu.memory_space<vmem>>
    %dma_wait3A_228 = tpu.memref_squeeze %dma_wait3A_227 : memref<1x320x32xf32, #tpu.memory_space<vmem>> -> memref<320x32xf32, #tpu.memory_space<vmem>>
    %dma_wait3A_229 = arith.constant 0 : i32
    %dma_wait3A_230 = tpu.memref_slice %arg9[%dma_wait3A_223, %dma_wait3A_229] : memref<32x320xi32, #tpu.memory_space<vmem>> -> memref<1x320xi32, #tpu.memory_space<vmem>>
    %dma_wait3A_231 = tpu.memref_squeeze %dma_wait3A_230 : memref<1x320xi32, #tpu.memory_space<vmem>> -> memref<320xi32, #tpu.memory_space<vmem>>
    %dma_wait3A_232 = arith.constant 0 : i32
    %dma_wait3A_233 = arith.constant 0 : i32
    %dma_wait3A_234 = tpu.memref_slice %arg16[%dma_wait3A_232, %dma_wait3A_233] : memref<10240x32xf32, #tpu.memory_space<vmem_shared>> -> memref<10240x32xf32, #tpu.memory_space<vmem_shared>>
    tpu.wait_indirect_dma semaphore(%arg19 : memref<!tpu.dma_semaphore, #tpu.memory_space<semaphore_mem>>) src(%dma_wait3A_234 : memref<10240x32xf32, #tpu.memory_space<vmem_shared>>) dst(%dma_wait3A_228 : memref<320x32xf32, #tpu.memory_space<vmem>>)
    %dma_start3A_235 = arith.constant 2 : i32
    %dma_start3A_236 = arith.constant 30 : i32
    %dma_start3A_237 = arith.constant 0 : i32
    %dma_start3A_238 = arith.constant 0 : i32
    %dma_start3A_239 = tpu.memref_slice %arg11[%dma_start3A_235, %dma_start3A_237, %dma_start3A_238] : memref<4x320x32xf32, #tpu.memory_space<vmem>> -> memref<1x320x32xf32, #tpu.memory_space<vmem>>
    %dma_start3A_240 = tpu.memref_squeeze %dma_start3A_239 : memref<1x320x32xf32, #tpu.memory_space<vmem>> -> memref<320x32xf32, #tpu.memory_space<vmem>>
    %dma_start3A_241 = arith.constant 0 : i32
    %dma_start3A_242 = tpu.memref_slice %arg10[%dma_start3A_236, %dma_start3A_241] : memref<32x320xi32, #tpu.memory_space<vmem>> -> memref<1x320xi32, #tpu.memory_space<vmem>>
    %dma_start3A_243 = tpu.memref_squeeze %dma_start3A_242 : memref<1x320xi32, #tpu.memory_space<vmem>> -> memref<320xi32, #tpu.memory_space<vmem>>
    %dma_start3A_244 = arith.constant 0 : i32
    %dma_start3A_245 = arith.constant 0 : i32
    %dma_start3A_246 = tpu.memref_slice %arg15[%dma_start3A_244, %dma_start3A_245] : memref<10240x32xf32, #tpu.memory_space<vmem_shared>> -> memref<10240x32xf32, #tpu.memory_space<vmem_shared>>
    tpu.enqueue_indirect_dma source(%dma_start3A_240 : memref<320x32xf32, #tpu.memory_space<vmem>>) target(%dma_start3A_246 : memref<10240x32xf32, #tpu.memory_space<vmem_shared>>) offsets(%dma_start3A_243 : memref<320xi32, #tpu.memory_space<vmem>>) semaphore(%arg23 : memref<!tpu.dma_semaphore, #tpu.memory_space<semaphore_mem>>) {add = true}
    %dma_wait3A_247 = arith.constant 31 : i32
    %dma_wait3A_248 = arith.constant 3 : i32
    %dma_wait3A_249 = arith.constant 0 : i32
    %dma_wait3A_250 = arith.constant 0 : i32
    %dma_wait3A_251 = tpu.memref_slice %arg11[%dma_wait3A_248, %dma_wait3A_249, %dma_wait3A_250] : memref<4x320x32xf32, #tpu.memory_space<vmem>> -> memref<1x320x32xf32, #tpu.memory_space<vmem>>
    %dma_wait3A_252 = tpu.memref_squeeze %dma_wait3A_251 : memref<1x320x32xf32, #tpu.memory_space<vmem>> -> memref<320x32xf32, #tpu.memory_space<vmem>>
    %dma_wait3A_253 = arith.constant 0 : i32
    %dma_wait3A_254 = tpu.memref_slice %arg9[%dma_wait3A_247, %dma_wait3A_253] : memref<32x320xi32, #tpu.memory_space<vmem>> -> memref<1x320xi32, #tpu.memory_space<vmem>>
    %dma_wait3A_255 = tpu.memref_squeeze %dma_wait3A_254 : memref<1x320xi32, #tpu.memory_space<vmem>> -> memref<320xi32, #tpu.memory_space<vmem>>
    %dma_wait3A_256 = arith.constant 0 : i32
    %dma_wait3A_257 = arith.constant 0 : i32
    %dma_wait3A_258 = tpu.memref_slice %arg16[%dma_wait3A_256, %dma_wait3A_257] : memref<10240x32xf32, #tpu.memory_space<vmem_shared>> -> memref<10240x32xf32, #tpu.memory_space<vmem_shared>>
    tpu.wait_indirect_dma semaphore(%arg20 : memref<!tpu.dma_semaphore, #tpu.memory_space<semaphore_mem>>) src(%dma_wait3A_258 : memref<10240x32xf32, #tpu.memory_space<vmem_shared>>) dst(%dma_wait3A_252 : memref<320x32xf32, #tpu.memory_space<vmem>>)
    %dma_start3A_259 = arith.constant 3 : i32
    %dma_start3A_260 = arith.constant 31 : i32
    %dma_start3A_261 = arith.constant 0 : i32
    %dma_start3A_262 = arith.constant 0 : i32
    %dma_start3A_263 = tpu.memref_slice %arg11[%dma_start3A_259, %dma_start3A_261, %dma_start3A_262] : memref<4x320x32xf32, #tpu.memory_space<vmem>> -> memref<1x320x32xf32, #tpu.memory_space<vmem>>
    %dma_start3A_264 = tpu.memref_squeeze %dma_start3A_263 : memref<1x320x32xf32, #tpu.memory_space<vmem>> -> memref<320x32xf32, #tpu.memory_space<vmem>>
    %dma_start3A_265 = arith.constant 0 : i32
    %dma_start3A_266 = tpu.memref_slice %arg10[%dma_start3A_260, %dma_start3A_265] : memref<32x320xi32, #tpu.memory_space<vmem>> -> memref<1x320xi32, #tpu.memory_space<vmem>>
    %dma_start3A_267 = tpu.memref_squeeze %dma_start3A_266 : memref<1x320xi32, #tpu.memory_space<vmem>> -> memref<320xi32, #tpu.memory_space<vmem>>
    %dma_start3A_268 = arith.constant 0 : i32
    %dma_start3A_269 = arith.constant 0 : i32
    %dma_start3A_270 = tpu.memref_slice %arg15[%dma_start3A_268, %dma_start3A_269] : memref<10240x32xf32, #tpu.memory_space<vmem_shared>> -> memref<10240x32xf32, #tpu.memory_space<vmem_shared>>
    tpu.enqueue_indirect_dma source(%dma_start3A_264 : memref<320x32xf32, #tpu.memory_space<vmem>>) target(%dma_start3A_270 : memref<10240x32xf32, #tpu.memory_space<vmem_shared>>) offsets(%dma_start3A_267 : memref<320xi32, #tpu.memory_space<vmem>>) semaphore(%arg24 : memref<!tpu.dma_semaphore, #tpu.memory_space<semaphore_mem>>) {add = true}
    %dma_wait3A_271 = arith.constant 0 : i32
    %dma_wait3A_272 = arith.constant 28 : i32
    %dma_wait3A_273 = arith.constant 0 : i32
    %dma_wait3A_274 = arith.constant 0 : i32
    %dma_wait3A_275 = tpu.memref_slice %arg11[%dma_wait3A_271, %dma_wait3A_273, %dma_wait3A_274] : memref<4x320x32xf32, #tpu.memory_space<vmem>> -> memref<1x320x32xf32, #tpu.memory_space<vmem>>
    %dma_wait3A_276 = tpu.memref_squeeze %dma_wait3A_275 : memref<1x320x32xf32, #tpu.memory_space<vmem>> -> memref<320x32xf32, #tpu.memory_space<vmem>>
    %dma_wait3A_277 = arith.constant 0 : i32
    %dma_wait3A_278 = tpu.memref_slice %arg10[%dma_wait3A_272, %dma_wait3A_277] : memref<32x320xi32, #tpu.memory_space<vmem>> -> memref<1x320xi32, #tpu.memory_space<vmem>>
    %dma_wait3A_279 = tpu.memref_squeeze %dma_wait3A_278 : memref<1x320xi32, #tpu.memory_space<vmem>> -> memref<320xi32, #tpu.memory_space<vmem>>
    %dma_wait3A_280 = arith.constant 0 : i32
    %dma_wait3A_281 = arith.constant 0 : i32
    %dma_wait3A_282 = tpu.memref_slice %arg15[%dma_wait3A_280, %dma_wait3A_281] : memref<10240x32xf32, #tpu.memory_space<vmem_shared>> -> memref<10240x32xf32, #tpu.memory_space<vmem_shared>>
    tpu.wait_indirect_dma semaphore(%arg21 : memref<!tpu.dma_semaphore, #tpu.memory_space<semaphore_mem>>) src(%dma_wait3A_276 : memref<320x32xf32, #tpu.memory_space<vmem>>) dst(%dma_wait3A_282 : memref<10240x32xf32, #tpu.memory_space<vmem_shared>>)
    %dma_wait3A_283 = arith.constant 1 : i32
    %dma_wait3A_284 = arith.constant 29 : i32
    %dma_wait3A_285 = arith.constant 0 : i32
    %dma_wait3A_286 = arith.constant 0 : i32
    %dma_wait3A_287 = tpu.memref_slice %arg11[%dma_wait3A_283, %dma_wait3A_285, %dma_wait3A_286] : memref<4x320x32xf32, #tpu.memory_space<vmem>> -> memref<1x320x32xf32, #tpu.memory_space<vmem>>
    %dma_wait3A_288 = tpu.memref_squeeze %dma_wait3A_287 : memref<1x320x32xf32, #tpu.memory_space<vmem>> -> memref<320x32xf32, #tpu.memory_space<vmem>>
    %dma_wait3A_289 = arith.constant 0 : i32
    %dma_wait3A_290 = tpu.memref_slice %arg10[%dma_wait3A_284, %dma_wait3A_289] : memref<32x320xi32, #tpu.memory_space<vmem>> -> memref<1x320xi32, #tpu.memory_space<vmem>>
    %dma_wait3A_291 = tpu.memref_squeeze %dma_wait3A_290 : memref<1x320xi32, #tpu.memory_space<vmem>> -> memref<320xi32, #tpu.memory_space<vmem>>
    %dma_wait3A_292 = arith.constant 0 : i32
    %dma_wait3A_293 = arith.constant 0 : i32
    %dma_wait3A_294 = tpu.memref_slice %arg15[%dma_wait3A_292, %dma_wait3A_293] : memref<10240x32xf32, #tpu.memory_space<vmem_shared>> -> memref<10240x32xf32, #tpu.memory_space<vmem_shared>>
    tpu.wait_indirect_dma semaphore(%arg22 : memref<!tpu.dma_semaphore, #tpu.memory_space<semaphore_mem>>) src(%dma_wait3A_288 : memref<320x32xf32, #tpu.memory_space<vmem>>) dst(%dma_wait3A_294 : memref<10240x32xf32, #tpu.memory_space<vmem_shared>>)
    %dma_wait3A_295 = arith.constant 2 : i32
    %dma_wait3A_296 = arith.constant 30 : i32
    %dma_wait3A_297 = arith.constant 0 : i32
    %dma_wait3A_298 = arith.constant 0 : i32
    %dma_wait3A_299 = tpu.memref_slice %arg11[%dma_wait3A_295, %dma_wait3A_297, %dma_wait3A_298] : memref<4x320x32xf32, #tpu.memory_space<vmem>> -> memref<1x320x32xf32, #tpu.memory_space<vmem>>
    %dma_wait3A_300 = tpu.memref_squeeze %dma_wait3A_299 : memref<1x320x32xf32, #tpu.memory_space<vmem>> -> memref<320x32xf32, #tpu.memory_space<vmem>>
    %dma_wait3A_301 = arith.constant 0 : i32
    %dma_wait3A_302 = tpu.memref_slice %arg10[%dma_wait3A_296, %dma_wait3A_301] : memref<32x320xi32, #tpu.memory_space<vmem>> -> memref<1x320xi32, #tpu.memory_space<vmem>>
    %dma_wait3A_303 = tpu.memref_squeeze %dma_wait3A_302 : memref<1x320xi32, #tpu.memory_space<vmem>> -> memref<320xi32, #tpu.memory_space<vmem>>
    %dma_wait3A_304 = arith.constant 0 : i32
    %dma_wait3A_305 = arith.constant 0 : i32
    %dma_wait3A_306 = tpu.memref_slice %arg15[%dma_wait3A_304, %dma_wait3A_305] : memref<10240x32xf32, #tpu.memory_space<vmem_shared>> -> memref<10240x32xf32, #tpu.memory_space<vmem_shared>>
    tpu.wait_indirect_dma semaphore(%arg23 : memref<!tpu.dma_semaphore, #tpu.memory_space<semaphore_mem>>) src(%dma_wait3A_300 : memref<320x32xf32, #tpu.memory_space<vmem>>) dst(%dma_wait3A_306 : memref<10240x32xf32, #tpu.memory_space<vmem_shared>>)
    %dma_wait3A_307 = arith.constant 3 : i32
    %dma_wait3A_308 = arith.constant 31 : i32
    %dma_wait3A_309 = arith.constant 0 : i32
    %dma_wait3A_310 = arith.constant 0 : i32
    %dma_wait3A_311 = tpu.memref_slice %arg11[%dma_wait3A_307, %dma_wait3A_309, %dma_wait3A_310] : memref<4x320x32xf32, #tpu.memory_space<vmem>> -> memref<1x320x32xf32, #tpu.memory_space<vmem>>
    %dma_wait3A_312 = tpu.memref_squeeze %dma_wait3A_311 : memref<1x320x32xf32, #tpu.memory_space<vmem>> -> memref<320x32xf32, #tpu.memory_space<vmem>>
    %dma_wait3A_313 = arith.constant 0 : i32
    %dma_wait3A_314 = tpu.memref_slice %arg10[%dma_wait3A_308, %dma_wait3A_313] : memref<32x320xi32, #tpu.memory_space<vmem>> -> memref<1x320xi32, #tpu.memory_space<vmem>>
    %dma_wait3A_315 = tpu.memref_squeeze %dma_wait3A_314 : memref<1x320xi32, #tpu.memory_space<vmem>> -> memref<320xi32, #tpu.memory_space<vmem>>
    %dma_wait3A_316 = arith.constant 0 : i32
    %dma_wait3A_317 = arith.constant 0 : i32
    %dma_wait3A_318 = tpu.memref_slice %arg15[%dma_wait3A_316, %dma_wait3A_317] : memref<10240x32xf32, #tpu.memory_space<vmem_shared>> -> memref<10240x32xf32, #tpu.memory_space<vmem_shared>>
    tpu.wait_indirect_dma semaphore(%arg24 : memref<!tpu.dma_semaphore, #tpu.memory_space<semaphore_mem>>) src(%dma_wait3A_312 : memref<320x32xf32, #tpu.memory_space<vmem>>) dst(%dma_wait3A_318 : memref<10240x32xf32, #tpu.memory_space<vmem_shared>>)
    %barrier3A_319 = arith.constant 0 : index
    tpu.barrier barrier_id(%barrier3A_319)
    "tpu.region"() ({
      %run_scoped3A = tpu.sem_alloc : memref<!tpu.dma_semaphore, #tpu.memory_space<semaphore_mem>>
      %dma_start3A_320 = arith.constant 0 : i32
      %dma_start3A_321 = tpu.memref_slice %arg15[%mul3A_2, %dma_start3A_320] : memref<10240x32xf32, #tpu.memory_space<vmem_shared>> -> memref<640x32xf32, #tpu.memory_space<vmem_shared>>
      %dma_start3A_322 = arith.constant 0 : i32
      %dma_start3A_323 = tpu.memref_slice %arg15[%mul3A_2, %dma_start3A_322] : memref<10240x32xf32, #tpu.memory_space<vmem_shared>> -> memref<640x32xf32, #tpu.memory_space<vmem_shared>>
      tpu.enqueue_dma source(%dma_start3A_323 : memref<640x32xf32, #tpu.memory_space<vmem_shared>>) target(%arg12 : memref<640x32xf32, #tpu.memory_space<vmem>>) target_semaphore(%run_scoped3A : memref<!tpu.dma_semaphore, #tpu.memory_space<semaphore_mem>>)
      %dma_wait3A_324 = arith.constant 0 : i32
      %dma_wait3A_325 = tpu.memref_slice %arg15[%mul3A_2, %dma_wait3A_324] : memref<10240x32xf32, #tpu.memory_space<vmem_shared>> -> memref<640x32xf32, #tpu.memory_space<vmem_shared>>
      %dma_wait3A_326 = arith.constant 0 : i32
      %dma_wait3A_327 = tpu.memref_slice %arg15[%mul3A_2, %dma_wait3A_326] : memref<10240x32xf32, #tpu.memory_space<vmem_shared>> -> memref<640x32xf32, #tpu.memory_space<vmem_shared>>
      tpu.wait_dma2 semaphore(%run_scoped3A : memref<!tpu.dma_semaphore, #tpu.memory_space<semaphore_mem>>) src(%dma_wait3A_327 : memref<640x32xf32, #tpu.memory_space<vmem_shared>>) dst(%arg12 : memref<640x32xf32, #tpu.memory_space<vmem>>)
      tpu.yield
    }) : () -> ()
    "tpu.region"() ({
      %run_scoped3A = tpu.sem_alloc : memref<!tpu.dma_semaphore, #tpu.memory_space<semaphore_mem>>
      %dma_start3A_320 = arith.constant 0 : i32
      %dma_start3A_321 = tpu.memref_slice %arg7[%arg0, %mul3A_2, %dma_start3A_320] : memref<2x10240x32xf32, #tpu.memory_space<hbm>> -> memref<1x640x32xf32, #tpu.memory_space<hbm>>
      %dma_start3A_322 = tpu.memref_squeeze %dma_start3A_321 : memref<1x640x32xf32, #tpu.memory_space<hbm>> -> memref<640x32xf32, #tpu.memory_space<hbm>>
      %dma_start3A_323 = arith.constant 0 : i32
      %dma_start3A_324 = tpu.memref_slice %arg7[%arg0, %mul3A_2, %dma_start3A_323] : memref<2x10240x32xf32, #tpu.memory_space<hbm>> -> memref<1x640x32xf32, #tpu.memory_space<hbm>>
      %dma_start3A_325 = tpu.memref_squeeze %dma_start3A_324 : memref<1x640x32xf32, #tpu.memory_space<hbm>> -> memref<640x32xf32, #tpu.memory_space<hbm>>
      tpu.enqueue_dma source(%arg12 : memref<640x32xf32, #tpu.memory_space<vmem>>) target(%dma_start3A_325 : memref<640x32xf32, #tpu.memory_space<hbm>>) target_semaphore(%run_scoped3A : memref<!tpu.dma_semaphore, #tpu.memory_space<semaphore_mem>>)
      %dma_wait3A_326 = arith.constant 0 : i32
      %dma_wait3A_327 = tpu.memref_slice %arg7[%arg0, %mul3A_2, %dma_wait3A_326] : memref<2x10240x32xf32, #tpu.memory_space<hbm>> -> memref<1x640x32xf32, #tpu.memory_space<hbm>>
      %dma_wait3A_328 = tpu.memref_squeeze %dma_wait3A_327 : memref<1x640x32xf32, #tpu.memory_space<hbm>> -> memref<640x32xf32, #tpu.memory_space<hbm>>
      %dma_wait3A_329 = arith.constant 0 : i32
      %dma_wait3A_330 = tpu.memref_slice %arg7[%arg0, %mul3A_2, %dma_wait3A_329] : memref<2x10240x32xf32, #tpu.memory_space<hbm>> -> memref<1x640x32xf32, #tpu.memory_space<hbm>>
      %dma_wait3A_331 = tpu.memref_squeeze %dma_wait3A_330 : memref<1x640x32xf32, #tpu.memory_space<hbm>> -> memref<640x32xf32, #tpu.memory_space<hbm>>
      tpu.wait_dma2 semaphore(%run_scoped3A : memref<!tpu.dma_semaphore, #tpu.memory_space<semaphore_mem>>) src(%arg12 : memref<640x32xf32, #tpu.memory_space<vmem>>) dst(%dma_wait3A_331 : memref<640x32xf32, #tpu.memory_space<hbm>>)
      tpu.yield
    }) : () -> ()
    return
  }
}

module attributes {stable_mosaic.version = 14 : i64} {
  func.func @body(%arg0: memref<10000x128xf32, #tpu.memory_space<vmem>>, %arg1: memref<256x128xf32, #tpu.memory_space<vmem>>, %arg2: memref<1x128xf32, #tpu.memory_space<vmem>>, %arg3: memref<256x16xf32, #tpu.memory_space<vmem>>, %arg4: memref<1x16xf32, #tpu.memory_space<vmem>>, %arg5: memref<10000x32xf32, #tpu.memory_space<vmem>>, %arg6: memref<10000x16xf32, #tpu.memory_space<vmem>>) attributes {dimension_semantics = [], scalar_prefetch = 0 : i64, scratch_operands = 0 : i64, tpu.core_type = #tpu.core_type<tc>} {
    %get3A = arith.constant 0 : index
    %get3A_0 = arith.constant 0 : index
    %get3A_1 = vector.load %arg0[%get3A, %get3A_0] : memref<10000x128xf32, #tpu.memory_space<vmem>>, vector<10000x128xf32>
    %convert_element_type3A = arith.truncf %get3A_1 : vector<10000x128xf32> to vector<10000x128xbf16>
    %get3A_2 = arith.constant 0 : index
    %get3A_3 = arith.constant 0 : index
    %get3A_4 = vector.load %arg1[%get3A_2, %get3A_3] : memref<256x128xf32, #tpu.memory_space<vmem>>, vector<256x128xf32>
    %convert_element_type3A_5 = arith.truncf %get3A_4 : vector<256x128xf32> to vector<256x128xbf16>
    %get3A_6 = arith.constant 0 : index
    %get3A_7 = arith.constant 0 : index
    %get3A_8 = vector.load %arg3[%get3A_6, %get3A_7] : memref<256x16xf32, #tpu.memory_space<vmem>>, vector<256x16xf32>
    %slice3A = vector.extract_strided_slice %convert_element_type3A_5 {offsets = [0, 0], sizes = [128, 128], strides = [1, 1]} : vector<256x128xbf16> to vector<128x128xbf16>
    %dot_general3A = arith.constant dense<0.000000e+00> : vector<10000x128xf32>
    %dot_general3A_9 = tpu.matmul %convert_element_type3A, %slice3A, %dot_general3A {dimension_numbers = #tpu.dot_dimension_numbers<[1], [0], [0], [1], [0, 0, 1, 1], [], []>, transpose_lhs_hint = false} : vector<10000x128xbf16>, vector<128x128xbf16>, vector<10000x128xf32> -> vector<10000x128xf32>
    %get3A_10 = arith.constant 0 : index
    %get3A_11 = arith.constant 0 : index
    %get3A_12 = vector.load %arg2[%get3A_10, %get3A_11] : memref<1x128xf32, #tpu.memory_space<vmem>>, vector<1x128xf32>
    %add3A = vector.broadcast %get3A_12 : vector<1x128xf32> to vector<10000x128xf32>
    %add3A_13 = arith.addf %dot_general3A_9, %add3A : vector<10000x128xf32>
    %slice3A_14 = vector.extract_strided_slice %convert_element_type3A_5 {offsets = [128, 0], sizes = [128, 128], strides = [1, 1]} : vector<256x128xbf16> to vector<128x128xbf16>
    %dot_general3A_15 = arith.constant dense<0.000000e+00> : vector<10000x128xf32>
    %dot_general3A_16 = tpu.matmul %convert_element_type3A, %slice3A_14, %dot_general3A_15 {dimension_numbers = #tpu.dot_dimension_numbers<[1], [0], [0], [1], [0, 0, 1, 1], [], []>, transpose_lhs_hint = false} : vector<10000x128xbf16>, vector<128x128xbf16>, vector<10000x128xf32> -> vector<10000x128xf32>
    %slice3A_17 = vector.extract_strided_slice %get3A_8 {offsets = [0, 0], sizes = [128, 16], strides = [1, 1]} : vector<256x16xf32> to vector<128x16xf32>
    %slice3A_18 = vector.extract_strided_slice %get3A_8 {offsets = [128, 0], sizes = [128, 16], strides = [1, 1]} : vector<256x16xf32> to vector<128x16xf32>
    %dot_general3A_19 = arith.constant dense<0.000000e+00> : vector<10000x16xf32>
    %dot_general3A_20 = tpu.matmul %add3A_13, %slice3A_17, %dot_general3A_19 {dimension_numbers = #tpu.dot_dimension_numbers<[1], [0], [0], [1], [0, 0, 1, 1], [], []>, transpose_lhs_hint = false} : vector<10000x128xf32>, vector<128x16xf32>, vector<10000x16xf32> -> vector<10000x16xf32>
    %get3A_21 = arith.constant 0 : index
    %get3A_22 = arith.constant 0 : index
    %get3A_23 = vector.load %arg4[%get3A_21, %get3A_22] : memref<1x16xf32, #tpu.memory_space<vmem>>, vector<1x16xf32>
    %add3A_24 = vector.broadcast %get3A_23 : vector<1x16xf32> to vector<10000x16xf32>
    %add3A_25 = arith.addf %dot_general3A_20, %add3A_24 : vector<10000x16xf32>
    %swap3A = arith.constant 0 : index
    %swap3A_26 = arith.constant 0 : index
    %swap3A_27 = vector.load %arg6[%swap3A, %swap3A_26] : memref<10000x16xf32, #tpu.memory_space<vmem>>, vector<10000x16xf32>
    tpu.vector_store %arg6[%swap3A, %swap3A_26], %add3A_25 {strides = array<i32>} : memref<10000x16xf32, #tpu.memory_space<vmem>>, vector<10000x16xf32>,
    %dot_general3A_28 = arith.constant dense<0.000000e+00> : vector<10000x16xf32>
    %dot_general3A_29 = tpu.matmul %dot_general3A_16, %slice3A_17, %dot_general3A_28 {dimension_numbers = #tpu.dot_dimension_numbers<[1], [0], [0], [1], [0, 0, 1, 1], [], []>, transpose_lhs_hint = false} : vector<10000x128xf32>, vector<128x16xf32>, vector<10000x16xf32> -> vector<10000x16xf32>
    %dot_general3A_30 = arith.constant dense<0.000000e+00> : vector<10000x16xf32>
    %dot_general3A_31 = tpu.matmul %add3A_13, %slice3A_18, %dot_general3A_30 {dimension_numbers = #tpu.dot_dimension_numbers<[1], [0], [0], [1], [0, 0, 1, 1], [], []>, transpose_lhs_hint = false} : vector<10000x128xf32>, vector<128x16xf32>, vector<10000x16xf32> -> vector<10000x16xf32>
    %add3A_32 = arith.addf %dot_general3A_29, %dot_general3A_31 : vector<10000x16xf32>
    %dot_general3A_33 = arith.constant dense<0.000000e+00> : vector<10000x16xf32>
    %dot_general3A_34 = tpu.matmul %dot_general3A_16, %slice3A_18, %dot_general3A_33 {dimension_numbers = #tpu.dot_dimension_numbers<[1], [0], [0], [1], [0, 0, 1, 1], [], []>, transpose_lhs_hint = false} : vector<10000x128xf32>, vector<128x16xf32>, vector<10000x16xf32> -> vector<10000x16xf32>
    %concatenate3A = tpu.concatenate %add3A_32, %dot_general3A_34 in 1 : vector<10000x16xf32>, vector<10000x16xf32> -> vector<10000x32xf32>
    %swap3A_35 = arith.constant 0 : index
    %swap3A_36 = arith.constant 0 : index
    %swap3A_37 = vector.load %arg5[%swap3A_35, %swap3A_36] : memref<10000x32xf32, #tpu.memory_space<vmem>>, vector<10000x32xf32>
    tpu.vector_store %arg5[%swap3A_35, %swap3A_36], %concatenate3A {strides = array<i32>} : memref<10000x32xf32, #tpu.memory_space<vmem>>, vector<10000x32xf32>,
    return
  }
}

module attributes {stable_mosaic.version = 14 : i64} {
  func.func @body(%arg0: memref<10000x16xf32, #tpu.memory_space<vmem>>, %arg1: memref<2x10240x16xf32, #tpu.memory_space<vmem>>, %arg2: memref<10000x16xf32, #tpu.memory_space<vmem>>) attributes {dimension_semantics = [], scalar_prefetch = 0 : i64, scratch_operands = 0 : i64, tpu.core_type = #tpu.core_type<tc>} {
    %get3A = arith.constant 0 : index
    %get3A_0 = arith.constant 0 : index
    %get3A_1 = arith.constant 0 : index
    %get3A_2 = vector.load %arg1[%get3A, %get3A_0, %get3A_1] : memref<2x10240x16xf32, #tpu.memory_space<vmem>>, vector<2x10240x16xf32>
    %get3A_3 = arith.constant 0 : index
    %get3A_4 = arith.constant 0 : index
    %get3A_5 = vector.load %arg0[%get3A_3, %get3A_4] : memref<10000x16xf32, #tpu.memory_space<vmem>>, vector<10000x16xf32>
    %slice3A = vector.extract_strided_slice %get3A_2 {offsets = [0, 0, 0], sizes = [1, 10000, 16], strides = [1, 1, 1]} : vector<2x10240x16xf32> to vector<1x10000x16xf32>
    %squeeze3A = vector.shape_cast %slice3A : vector<1x10000x16xf32> to vector<10000x16xf32>
    %add3A = arith.addf %get3A_5, %squeeze3A : vector<10000x16xf32>
    %slice3A_6 = vector.extract_strided_slice %get3A_2 {offsets = [1, 0, 0], sizes = [1, 10000, 16], strides = [1, 1, 1]} : vector<2x10240x16xf32> to vector<1x10000x16xf32>
    %squeeze3A_7 = vector.shape_cast %slice3A_6 : vector<1x10000x16xf32> to vector<10000x16xf32>
    %add3A_8 = arith.addf %add3A, %squeeze3A_7 : vector<10000x16xf32>
    %swap3A = arith.constant 0 : index
    %swap3A_9 = arith.constant 0 : index
    %swap3A_10 = vector.load %arg2[%swap3A, %swap3A_9] : memref<10000x16xf32, #tpu.memory_space<vmem>>, vector<10000x16xf32>
    tpu.vector_store %arg2[%swap3A, %swap3A_9], %add3A_8 {strides = array<i32>} : memref<10000x16xf32, #tpu.memory_space<vmem>>, vector<10000x16xf32>,
    return
  }
}

</mosaic_0001>

<sc_bundles>
// kernel: kernel.10.cloned.1.call-start
scs
__scs_entry_jumppad:
0x0: {  	(pc) =	sbr.rel $0x88, $3  }
0x1: {  	(tag) =	ssettag $0x0;
	lr =	simm.s32 $0x1  }
0x2: {  	[smem:$0x3F9B] =	sst lr;
	_ =	strace $0xD0000000  }
0x3: {  	_ = 	snop  }
0x4: {  	_ = 	snop  }
0x5: {  	_ = 	snop  }
0x6: {  	_ = 	snop  }
0x7: {  	_ = 	snop  }
__scs_overlays_trampoline_lowered:
0x8: {  	[smem:$0x3FAA] =	sst s0  }
0x9: {  	[smem:$0x3FAB] =	sst s1  }
0xa: {  	[smem:$0x3FAC] =	sst s2  }
0xb: {  	[smem:$0x3FAD] =	sst s3  }
0xc: {  	[smem:$0x3FAE] =	sst s4  }
0xd: {  	[smem:$0x3FAF] =	sst s5  }
0xe: {  	[smem:$0x3FB0] =	sst s6  }
0xf: {  	[smem:$0x3FB1] =	sst s7  }
0x10: {  	[smem:$0x3FB2] =	sst s8  }
0x11: {  	[smem:$0x3FB3] =	sst s9;
	s0 =	simm.s32 @!p0 $0x0  }
0x12: {  	s1 =	sld [smem:$0x3F99];
	s0 =	simm.s32 @p0 $0x1  }
0x13: {  	[smem:$0x3FB4] =	sst s0;
	s0 =	simm.s32 @!p1 $0x0  }
0x14: {  	s2 =	sld [smem:$0x3F98];
	s0 =	simm.s32 @p1 $0x1  }
0x15: {  	[smem:$0x3FB5] =	sst s0;
	s0 =	simm.s32 @!p2 $0x0  }
0x16: {  	s3 =	sld [smem:$0x3FDB];
	s0 =	simm.s32 @p2 $0x1  }
0x17: {  	s4 =	simm.s32 $0x1BF5;
	[smem:$0x3FB7] =	sst s0  }
0x18: {  	s0 =	sld [smem:$0x3F9A];
	_ =	swait.ge [sflag:s4], $0x0  }
0x19: {  	s7 =	sld [smem:$0x3F9B]  }
0x1a: {  	s8 =	sadd.s32 $0xFFFFE003, lr  }
0x1b: {  	s9 =	sadd.s32 $0xFFFFFEF7, lr;
	s5 =	simm.s32 $0xFFFFFFFF;
	p2 =	slt.u32 s8, $0xFFFFF086  }
0x1c: {  	p1 =	slt.u32 s9, $0xF7A;
	s5 =	simm.s32 @!p2 $0x0  }
0x1d: {  	s5 =	simm.s32 @p1 $0x1;
	p0 =	seq.s32 s7, s2  }
0x1e: {  	s7 =	smul.u32 @!p0 $0xF7A, s2;
	p2 =	seq.s32 @!p0 s5, $0x0  }
0x1f: {  	s9 =	smul.u32 $0xF7A, s1;
	s8 =	simm.s32 @!p0 $0x1BF5;
	p2 =	por !p2, p0  }
0x20: {  	[sflag:s8] =	ssyncset.s32 @!p0 $0xFFFFF086;
	s6 =	sadd.s32 @!p0 s3, s7;
	s7 =	simm.s32 @!p0 $0x108  }
0x21: {  	s3 =	sadd.s32 s3, s9;
	s6 =	sadd.s32 @!p0 $0x88, s6;
	s7 =	simm.s32 @p2 $0x1082  }
0x22: {  	[simem:s7], [sflag:s8] =	dma.local @!p0 [hbm:s6], $0xF7A  }
0x23: {  	s9 =	sor.u32 $0xD0000000, s2;
	s6 =	simm.s32 $0x108;
	_ =	swait.ge @!p0 [sflag:s8], $0x0  }
0x24: {  	s3 =	sadd.s32 $0x88, s3;
	s6 =	simm.s32 @!p1 $0x1082;
	[sflag:s4] =	ssyncset.s32 $0xFFFFF086  }
0x25: {  	[simem:s6], [sflag:s4] =	dma.local [hbm:s3], $0xF7A  }
0x26: {  	[smem:$0x3F9B] =	sst s1;
	(tag) =	ssettag s2;
	_ =	strace s9  }
0x27: {  	s1 =	sld [smem:$0x3FAB]  }
0x28: {  	s2 =	sld [smem:$0x3FAC]  }
0x29: {  	s4 =	sld [smem:$0x3FAE]  }
0x2a: {  	p0 =	seq.s32 s5, $0x0;
	s5 =	sld [smem:$0x3FAF]  }
0x2b: {  	s6 =	sld [smem:$0x3FB0]  }
0x2c: {  	s7 =	sld [smem:$0x3FB1]  }
0x2d: {  	s3 =	simm.s32 $0x108;
	s8 =	sld [smem:$0x3FB2]  }
0x2e: {  	s3 =	simm.s32 @!p0 $0x1082;
	s9 =	sld [smem:$0x3FB3]  }
0x2f: {  	lr =	sadd.s32 s0, s3;
	s0 =	sld [smem:$0x3FAA]  }
0x30: {  	s3 =	sld [smem:$0x3FAD]  }
0x31: {  	[smem:$0x3FB6] =	sst s10  }
0x32: {  	s10 =	sld [smem:$0x3FB4];
	_ =	sdelay $0x3  }
0x33: {  	p0 =	seq.s32 s10, $0x1;
	s10 =	sld [smem:$0x3FB6];
	_ =	sdelay $0x3  }
0x34: {  	[smem:$0x3FB6] =	sst s10  }
0x35: {  	s10 =	sld [smem:$0x3FB5];
	_ =	sdelay $0x3  }
0x36: {  	p1 =	seq.s32 s10, $0x1;
	s10 =	sld [smem:$0x3FB6];
	_ =	sdelay $0x3  }
0x37: {  	[smem:$0x3FB6] =	sst s10  }
0x38: {  	s10 =	sld [smem:$0x3FB7]  }
0x39: {  	_ = 	snop;
	(pc) =	sbr.ind lr, $3  }
0x3a: {  	_ = 	snop  }
0x3b: {  	_ = 	snop  }
0x3c: {  	p2 =	seq.s32 s10, $0x1;
	s10 =	sld [smem:$0x3FB6]  }
0x3d: {  	_ =	shalt  }
0x3e: {  	_ =	shalt  }
0x3f: {  	_ =	shalt  }
0x40: {  	_ =	shalt  }
0x41: {  	_ =	shalt  }
0x42: {  	_ =	shalt  }
0x43: {  	_ =	shalt  }
0x44: {  	_ =	shalt  }
0x45: {  	_ =	shalt  }
0x46: {  	_ =	shalt  }
0x47: {  	_ =	shalt  }
0x48: {  	_ =	shalt  }
0x49: {  	_ =	shalt  }
0x4a: {  	_ =	shalt  }
0x4b: {  	_ =	shalt  }
0x4c: {  	_ =	shalt  }
0x4d: {  	_ =	shalt  }
0x4e: {  	_ =	shalt  }
0x4f: {  	_ =	shalt  }
0x50: {  	_ =	shalt  }
0x51: {  	_ =	shalt  }
0x52: {  	_ =	shalt  }
0x53: {  	_ =	shalt  }
0x54: {  	_ =	shalt  }
0x55: {  	_ =	shalt  }
0x56: {  	_ =	shalt  }
0x57: {  	_ =	shalt  }
0x58: {  	_ =	shalt  }
0x59: {  	_ =	shalt  }
0x5a: {  	_ =	shalt  }
0x5b: {  	_ =	shalt  }
0x5c: {  	_ =	shalt  }
0x5d: {  	_ =	shalt  }
0x5e: {  	_ =	shalt  }
0x5f: {  	_ =	shalt  }
0x60: {  	_ =	shalt  }
0x61: {  	_ =	shalt  }
0x62: {  	_ =	shalt  }
0x63: {  	_ =	shalt  }
0x64: {  	_ =	shalt  }
0x65: {  	_ =	shalt  }
0x66: {  	_ =	shalt  }
0x67: {  	_ =	shalt  }
0x68: {  	_ =	shalt  }
0x69: {  	_ =	shalt  }
0x6a: {  	_ =	shalt  }
0x6b: {  	_ =	shalt  }
0x6c: {  	_ =	shalt  }
0x6d: {  	_ =	shalt  }
0x6e: {  	_ =	shalt  }
0x6f: {  	_ =	shalt  }
0x70: {  	_ =	shalt  }
0x71: {  	_ =	shalt  }
0x72: {  	_ =	shalt  }
0x73: {  	_ =	shalt  }
0x74: {  	_ =	shalt  }
0x75: {  	_ =	shalt  }
0x76: {  	_ =	shalt  }
0x77: {  	_ =	shalt  }
0x78: {  	_ =	shalt  }
0x79: {  	_ =	shalt  }
0x7a: {  	_ =	shalt  }
0x7b: {  	_ =	shalt  }
0x7c: {  	_ =	shalt  }
0x7d: {  	_ =	shalt  }
0x7e: {  	_ =	shalt  }
0x7f: {  	_ =	shalt  }
0x80: {  	_ =	shalt  }
0x81: {  	_ =	shalt  }
0x82: {  	_ =	shalt  }
0x83: {  	_ =	shalt  }
0x84: {  	_ =	shalt  }
0x85: {  	_ =	shalt  }
0x86: {  	_ =	shalt  }
0x87: {  	_ =	shalt  }
.Lfunc_end0:
.L_simem_size_0:
called_computation.1_lowered:
.L_overlay_start_0:
0x88: {  	s2 =	sld [smem:$0x3FD9]  }
0x89: {  	s3 =	sld [smem:$0x3FFE];
	_ =	sdelay $0x1  }
0x8a: {  	s1 =	srdreg.scid  }
0x8b: {  	s0 =	sand.u32 $0x1, s1  }
0x8c: {  	s17 =	sshll.u32 s0, $0xA;
	s2 =	sadd.s32 s3, s2  }
0x8d: {  	s2 =	sadd.s32 s2, s17  }
0x8e: {  	[smem:$0x3FC2] =	sst s2  }
0x8f: {  	_ = 	snop  }
0x90: {  	s2 =	sld [smem:$0x3FD0];
	(tm) =	ssettm $0x1  }
0x91: {  	s18 =	sld [smem:$0x3FFB];
	_ =	sdelay $0x3  }
0x92: {  	_ =	strace s18  }
0x93: {  	s3 =	sld [smem:$0x3FFC];
	_ =	sdelay $0x3  }
0x94: {  	_ =	strace s3  }
0x95: {  	s3 =	sld [smem:$0x3FFD];
	_ =	sdelay $0x3  }
0x96: {  	_ =	strace s3  }
0x97: {  	_ =	strace $0x8FFFFFFF  }
0x98: {  	s19 =	sld [smem:$0x3FDB];
	_ =	sdelay $0x1  }
0x99: {  	s4 =	simm.s32 $_scs_section_size  }
0x9a: {  	s5 =	simm.s32 $_size__tile_overlayer_lowered;
	s6 =	simm.s32 $_tile_overlayer_lowered  }
0x9b: {  	s22 =	simm.s32 $0x1BFF;
	s21 =	sshll.u32 s6, $0x1;
	s3 =	sadd.s32 s4, s19  }
0x9c: {  	s7 =	simm.s32 $0x0;
	s20 =	sshll.u32 s5, $0x1;
	s5 =	sadd.s32 s21, s3  }
0x9d: {  	[timem:s7], [sflag:s22] =	dma.local [hbm:s5], s20  }
0x9e: {  	_ =	swait.ge [sflag:s22], s20  }
0x9f: {  	s4 =	ssub.s32 $0x0, s20;
	[sflag:s22] =	ssyncset.done $0x0  }
0xa0: {  	[sflag:s22] =	ssyncadd.s32 s4;
	_ =	sdelay $0x1  }
0xa1: {  	s23 =	simm.s32 $0x1B8B  }
0xa2: {  	_ =	swait.ge [sflag:s23], $0x1  }
0xa3: {  	[sflag:s23] =	ssyncset.done $0x0  }
0xa4: {  	s25 =	simm.s32 $0x1B8E;
	s24 =	sld [smem:$0x3FFE];
	[sflag:s23] =	ssyncadd.s32 $0xFFFFFFFF  }
0xa5: {  	s26 =	simm.s32 $execute0_lowered;
	[smem:$0x3FD2] =	sst s25  }
0xa6: {  	s5 =	sshll.u32 s26, $0x1;
	_ =	strace $0x80000049;
	[dreg:$0x1] =	wrdreg $0xFFFFFFFF  }
0xa7: {  	s28 =	simm.s32 $_size_execute0_lowered;
	s3 =	sadd.s32 s3, s5;
	[dreg:$0x0] =	wrdreg $0x0  }
0xa8: {  	s5 =	sshll.u32 s28, $0x1;
	[dreg:$0x2] =	wrdreg s3  }
0xa9: {  	[dreg:$0x3] =	wrdreg s5  }
0xaa: {  	[dreg:$0x4] =	wrdreg $0xC0  }
0xab: {  	_ =	task [dreg:s7], $0x5FFFF  }
0xac: {  	[dreg:$0x1] =	wrdreg $0xFFFFFFFF  }
0xad: {  	[dreg:$0x0] =	wrdreg $0x60  }
0xae: {  	[dreg:$0x2] =	wrdreg s24  }
0xaf: {  	[dreg:$0x3] =	wrdreg s2  }
0xb0: {  	[dreg:$0x4] =	wrdreg $0x197800  }
0xb1: {  	[dreg:$0x5] =	wrdreg $0x147800  }
0xb2: {  	[dreg:$0x6] =	wrdreg $0x9  }
0xb3: {  	_ =	task.clear_ibuf [dreg:s7], $0x7FFFF;
	_ =	strace $0x90000049  }
0xb4: {  	s29 =	simm.s32 $0x9;
	_ =	strace $0x8000004B  }
0xb5: {  	_ =	swait.ge [sflag:s29], $0x1  }
0xb6: {  	[sflag:s29] =	ssyncadd.s32 $0xFFFFFFFF  }
0xb7: {  	_ =	strace $0x9000004B  }
0xb8: {  	_ =	sfence  }
0xb9: {  	s30 =	sld [smem:$0x0];
	_ =	sdelay $0x2  }
0xba: {  	s31 =	sshll.u32 s1, $0xD;
	s1 =	sshrl.u32 s1, $0x2  }
0xbb: {  	s3 =	sand.u32 $0x4000, s31;
	s1 =	sadd.s32 s1, s30  }
0xbc: {  	s0 =	sor.u32 s3, s0;
	s1 =	sshll.u32 s1, $0x11  }
0xbd: {  	s0 =	sor.u32 s1, s0  }
0xbe: {  	s0 =	sadd.s32 $0x8F2B, s0  }
0xbf: {  	[sflag:s0] =	ssyncadd.remote.s32 $0x1  }
0xc0: {  	_ =	sfence.sel $0xFFFF  }
0xc1: {  	[dreg:$0x0] =	wrdreg $0xFFFFFFFF;
	(pc) =	sbr.abs _section_cstart, $3  }
0xc2: {  	[dreg:$0x1] =	wrdreg $0xFFFFFFFF  }
0xc3: {  	_ =	task.clear_ibuf [dreg:s7], $0x2FFFF;
	_ =	strace $0x9FFFFFFF  }
0xc4: {  	(tm) =	ssettm $0x7FFFFFFF  }
0xc5: {  	_ =	shalt  }
tec
execute0_lowered:
.L_overlay_start_1:
0x0: {  	(tag) =	ssettag $0x1  }
0x1: {  	s0 =	rddreg [dreg:$0x0]  }
0x2: {  	s3 =	rddreg [dreg:$0x2]  }
0x3: {  	s4 =	rddreg [dreg:$0x3]  }
0x4: {  	s12 =	stileid.u32;
	s5 =	simm.s32 $0x0;
	s2 =	srdreg.scid  }
0x5: {  	s20 =	simm.s32 $0x1;
	s21 =	simm.s32 $0x2;
	s22 =	simm.s32 $0x3  }
0x6: {  	s28 =	simm.s32 $0x5000;
	s29 =	simm.s32 $0x7800;
	s31 =	simm.s32 $0xA000  }
0x7: {  	s18 =	simm.s32 $0x6;
	s19 =	simm.s32 $0x7;
	s1 =	smul.u32 $0xA00, s12  }
0x8: {  	s30 =	simm.s32 $0x8;
	s2 =	sand.u32 $0x1, s2;
	s7 =	smul.u32 $0x5000, s12  }
0x9: {  	s6 =	sshll.u32 s12, $0x1;
	[smem:$0x7FF] =	sst s5;
	s9 =	smul.u32 $0x280, s12  }
0xa: {  	p0 =	seq.s32 s12, $0xF;
	s6 =	sor.u32 s2, s6;
	s8 =	smul.u32 $0x50000, s2  }
0xb: {  	_ =	strace $0x8000004A;
	s10 =	ssub.s32 $0x2, s2;
	p1 =	sne.s32 s2, $0x0  }
0xc: {  	s2 =	simm.s32 $0x5;
	s6 =	smul.u32 $0x500, s6;
	s1 =	sadd.s32 s1, s0  }
0xd: {  	s9 =	sshrl.u32 s9, $0x3;
	s11 =	sshrl.u32 s10, $0x1;
	s26 =	sadd.s32 s7, s3  }
0xe: {  	s14 =	sadd.s32 s7, s4;
	s8 =	sadd.s32 s7, s8;
	s9 =	sadd.s32 s9, s0  }
0xf: {  	s10 =	ssub.s32 s10, s11;
	s1 =	sadd.s32 $0x16C00, s1;
	[dreg:$0xb] =	wrdreg s26  }
0x10: {  	s26 =	simm.s32 $0x140;
	s6 =	sadd.s32 s6, s0;
	s8 =	sshrl.u32 s8, $0x3  }
0x11: {  	s24 =	sadd.s32 $0x16200, s9;
	s25 =	sadd.s32 $0x16700, s9;
	[dreg:$0x9] =	wrdreg s1  }
0x12: {  	s13 =	sadd.s32 $0x34A00, s9;
	s16 =	smax.u32 s10, $0x1;
	[dreg:$0x7] =	wrdreg s24  }
0x13: {  	s9 =	simm.s32 $0x2800;
	s23 =	sadd.s32 $0xBC00, s6;
	[dreg:$0x8] =	wrdreg s25  }
0x14: {  	s1 =	simm.s32 $0xC800;
	s6 =	sadd.s32 $0x1C00, s6;
	[dreg:$0x5] =	wrdreg s23  }
0x15: {  	s8 =	sadd.s32 s8, s0;
	s0 =	sadd.s32 $0x20200, s0;
	[dreg:$0x6] =	wrdreg s6  }
0x16: {  	s24 =	simm.s32 $0xF000;
	s25 =	simm.s32 $0x9;
	[dreg:$0xa] =	wrdreg s0  }
0x17: {  	s15 =	sadd.s32 $0x20A00, s8;
	s23 =	simm.s32 $0x4;
	s0 =	simm.s32 $0x0  }
.LBB2_1:
0x18: {  	s6 =	rddreg [dreg:$0x5]  }
0x19: {  	[tilespmem:s5], [sflag:$0x1] =	stream.linear.gather [hbm4b:s6+s5], $0x2800, $0x38;
	[tilespmem:$0x1E780] =	vst v63  }
0x1a: {  	s10 =	rddreg [dreg:$0x6]  }
0x1b: {  	[tilespmem:s9], [sflag:$0x2] =	stream.linear.gather [hbm4b:s10+s5], $0x2800, $0x38;
	[tilespmem:$0x1E780] =	vst v63  }
0x1c: {  	s11 =	rddreg [dreg:$0x7];
	s7 =	simm.s32 $0x14000  }
0x1d: {  	[tilespmem:s7], [sflag:$0x3] =	stream.linear.gather [hbm4b:s11+s5], $0x280, $0x38;
	[tilespmem:$0x1E780] =	vst v63  }
0x1e: {  	s12 =	rddreg [dreg:$0x8];
	s17 =	simm.s32 $0x14280  }
0x1f: {  	[tilespmem:s17], [sflag:$0x4] =	stream.linear.gather [hbm4b:s12+s5], $0x280, $0x38;
	[tilespmem:$0x1E780] =	vst v63  }
0x20: {  	s8 =	rddreg [dreg:$0xa];
	s6 =	simm.s32 @p0 $0x0;
	s7 =	simm.s32 @p0 $0xF000  }
0x21: {  	[tilespmem:s7], [sflag:$0x5] =	stream.linear.gather @p0 [hbm4b:s8+s6], $0x3200, $0x38;
	[tilespmem:$0x1E780] =	vst v63  }
0x22: {  	s6 =	simm.s32 @p0 $0x5  }
0x23: {  	_ =	swait.ge @p0 [sflag:s6], $0x3200  }
0x24: {  	s7 =	simm.s32 @!p0 $0xF000;
	[sflag:s6] =	ssyncset.done @p0 $0x0  }
0x25: {  	s8 =	rddreg [dreg:$0x9];
	[sflag:s6] =	ssyncadd.s32 @p0 $0xFFFFCE00;
	s6 =	simm.s32 @!p0 $0x0  }
0x26: {  	[tilespmem:s7], [sflag:$0x5] =	stream.linear.gather @!p0 [hbm4b:s8+s6], $0x5000, $0x38;
	[tilespmem:$0x1E780] =	vst v63  }
0x27: {  	s6 =	simm.s32 @!p0 $0x5  }
0x28: {  	_ =	swait.ge @!p0 [sflag:s6], $0x5000  }
0x29: {  	[sflag:s6] =	ssyncset.done @!p0 $0x0  }
0x2a: {  	[sflag:s6] =	ssyncadd.s32 @!p0 $0xFFFFB000  }
0x2b: {  	_ =	swait.ge [sflag:s20], $0x2800  }
0x2c: {  	[sflag:s20] =	ssyncset.done $0x0  }
0x2d: {  	[sflag:s20] =	ssyncadd.s32 $0xFFFFD800  }
0x2e: {  	_ =	swait.ge [sflag:s21], $0x2800  }
0x2f: {  	[sflag:s21] =	ssyncset.done $0x0  }
0x30: {  	[sflag:s21] =	ssyncadd.s32 $0xFFFFD800  }
0x31: {  	_ =	swait.ge [sflag:s22], $0x280  }
0x32: {  	[sflag:s22] =	ssyncset.done $0x0  }
0x33: {  	[sflag:s22] =	ssyncadd.s32 $0xFFFFFD80  }
0x34: {  	_ =	swait.ge [sflag:s23], $0x280  }
0x35: {  	[sflag:s23] =	ssyncset.done $0x0  }
0x36: {  	s7 =	simm.s32 $0x0;
	[sflag:s23] =	ssyncadd.s32 $0xFFFFFD80  }
0x37: {  	v0 =	vld [tilespmem:s7+$0x14000]  }
0x38: {  	v1 =	vld [tilespmem:s7+$0x14280];
	_ =	sdelay $0x3  }
0x39: {  	s6 =	simm.s32 $0x10  }
0x3a: {  	v2 =	vld [tilespmem:s6+$0x14000];
	v0 =	vadd.f32 v1, v0  }
0x3b: {  	v1 =	vld [tilespmem:s6+$0x14280]  }
0x3c: {  	v0 =	vmax.f32 v0, $1.000000000e+00  }
0x3d: {  	v3 =	vshrl.u32 v0, $0x1;
	v4 =	vmul.f32 $5.000000000e-01, v0  }
0x3e: {  	s17 =	simm.s32 $0x20;
	v3 =	vsub.s32 $0x5F3759DF, v3  }
0x3f: {  	v5 =	vld [tilespmem:s17+$0x14000];
	v0 =	vmul.f32 v3, v4  }
0x40: {  	v1 =	vadd.f32 v1, v2;
	v2 =	vld [tilespmem:s17+$0x14280]  }
0x41: {  	v6 =	vmul.f32 v3, v0  }
0x42: {  	v0 =	vmax.f32 v1, $1.000000000e+00  }
0x43: {  	s8 =	simm.s32 $0x30;
	v1 =	vshrl.u32 v0, $0x1;
	v0 =	vmul.f32 $5.000000000e-01, v0;
	v6 =	vsub.f32 $1.500000000e+00, v6  }
0x44: {  	s9 =	simm.s32 $0x40;
	v7 =	vld [tilespmem:s8+$0x14000];
	v1 =	vsub.s32 $0x5F3759DF, v1  }
0x45: {  	v10 =	vld [tilespmem:s9+$0x14000];
	v2 =	vadd.f32 v2, v5;
	v5 =	vmul.f32 v1, v0;
	v3 =	vmul.f32 v3, v6  }
0x46: {  	v6 =	vld [tilespmem:s8+$0x14280]  }
0x47: {  	v12 =	vld [tilespmem:s9+$0x14280];
	v2 =	vmax.f32 v2, $1.000000000e+00;
	v5 =	vmul.f32 v1, v5;
	v8 =	vmul.f32 v3, v4  }
0x48: {  	v9 =	vshrl.u32 v2, $0x1;
	v2 =	vmul.f32 $5.000000000e-01, v2  }
0x49: {  	v5 =	vsub.f32 $1.500000000e+00, v5;
	v9 =	vsub.s32 $0x5F3759DF, v9;
	v8 =	vmul.f32 v8, v3  }
0x4a: {  	v11 =	vmul.f32 v9, v2  }
0x4b: {  	v6 =	vadd.f32 v6, v7;
	v7 =	vmul.f32 v1, v5;
	v1 =	vsub.f32 $1.500000000e+00, v8  }
0x4c: {  	v10 =	vadd.f32 v12, v10;
	v5 =	vmul.f32 v9, v11  }
0x4d: {  	v6 =	vmax.f32 v6, $1.000000000e+00;
	v8 =	vmul.f32 v7, v0;
	v1 =	vmul.f32 v1, v3  }
0x4e: {  	v11 =	vshrl.u32 v6, $0x1;
	v3 =	vmul.f32 $5.000000000e-01, v6;
	v6 =	vsub.f32 $1.500000000e+00, v5  }
0x4f: {  	s10 =	simm.s32 $0x50;
	v8 =	vmul.f32 v8, v7;
	v5 =	vsub.s32 $0x5F3759DF, v11;
	v11 =	vmul.f32 v1, v4  }
0x50: {  	v12 =	vmul.f32 v5, v3;
	v4 =	vmul.f32 v9, v6;
	v9 =	vld [tilespmem:s10+$0x14000]  }
0x51: {  	v6 =	vsub.f32 $1.500000000e+00, v8;
	v8 =	vmul.f32 v11, v1;
	v11 =	vmax.f32 v10, $1.000000000e+00;
	v10 =	vld [tilespmem:s10+$0x14280]  }
0x52: {  	v12 =	vmul.f32 v5, v12;
	v14 =	vmul.f32 v4, v2  }
0x53: {  	v13 =	vshrl.u32 v11, $0x1;
	v6 =	vmul.f32 v6, v7;
	v8 =	vsub.f32 $1.500000000e+00, v8  }
0x54: {  	s11 =	simm.s32 $0x180;
	v7 =	vmul.f32 $5.000000000e-01, v11;
	v12 =	vsub.f32 $1.500000000e+00, v12;
	v11 =	vmul.f32 v14, v4  }
.LBB2_2:
0x55: {  	s12 =	sshra.s32 s11, $0x2;
	v13 =	vsub.s32 $0x5F3759DF, v13;
	v14 =	vmul.f32 v6, v0;
	v8 =	vmul.f32 v8, v1;
	v1 =	vmovc v6;
	v0 =	vmovc v2;
	p2 =	sne.s32 s11, $0x9C0  }
.Ltmp0:
0x56: {  	v6 =	vadd.f32 v10, v9;
	v9 =	vld [tilespmem:s12+$0x14000];
	v15 =	vmul.f32 v13, v7;
	v12 =	vmul.f32 v5, v12;
	v5 =	vmovc v13;
	(pc) =	sbr.rel @p2 .LBB2_2-.Ltmp0, $4  }
0x57: {  	v2 =	vmovc v3;
	v11 =	vsub.f32 $1.500000000e+00, v11;
	v3 =	vmov v7;
	v10 =	vld [tilespmem:s12+$0x14280];
	v14 =	vmul.f32 v14, v1;
	[tilespmem:s7+$0x14500] =	vst v8;
	s7 =	smov.u32 s6;
	s6 =	smov.u32 s17;
	s17 =	smov.u32 s8  }
0x58: {  	s11 =	sadd.s32 $0x40, s11;
	s8 =	smov.u32 s9;
	v7 =	vmax.f32 v6, $1.000000000e+00;
	v15 =	vmul.f32 v5, v15;
	v16 =	vmul.f32 v12, v2  }
0x59: {  	s9 =	smov.u32 s10;
	s10 =	smov.u32 s12;
	v6 =	vmul.f32 v11, v4;
	v4 =	vmovc v12;
	v13 =	vshrl.u32 v7, $0x1;
	v8 =	vsub.f32 $1.500000000e+00, v14  }
0x5a: {  	v7 =	vmul.f32 $5.000000000e-01, v7;
	v12 =	vsub.f32 $1.500000000e+00, v15;
	v11 =	vmul.f32 v16, v4  }
0x5b: {  	_ = 	snop  }
0x5c: {  	v9 =	vadd.f32 v10, v9;
	_ =	sdelay $0x1  }
0x5d: {  	v9 =	vmax.f32 v9, $1.000000000e+00  }
0x5e: {  	v10 =	vsub.s32 $0x5F3759DF, v13;
	v13 =	vshrl.u32 v9, $0x1;
	v9 =	vmul.f32 $5.000000000e-01, v9  }
0x5f: {  	v14 =	vmul.f32 v10, v7;
	v13 =	vsub.s32 $0x5F3759DF, v13  }
0x60: {  	v15 =	vmul.f32 v13, v9  }
0x61: {  	v14 =	vmul.f32 v10, v14  }
0x62: {  	v15 =	vmul.f32 v13, v15  }
0x63: {  	v14 =	vsub.f32 $1.500000000e+00, v14  }
0x64: {  	v5 =	vmul.f32 v5, v12;
	v12 =	vsub.f32 $1.500000000e+00, v15  }
0x65: {  	v10 =	vmul.f32 v10, v14  }
0x66: {  	v14 =	vmul.f32 v5, v3;
	v12 =	vmul.f32 v13, v12  }
0x67: {  	v13 =	vmul.f32 v10, v7  }
0x68: {  	v14 =	vmul.f32 v14, v5;
	v15 =	vmul.f32 v12, v9  }
0x69: {  	v11 =	vsub.f32 $1.500000000e+00, v11;
	v13 =	vmul.f32 v13, v10  }
0x6a: {  	v0 =	vmul.f32 v6, v0;
	v14 =	vsub.f32 $1.500000000e+00, v14;
	v15 =	vmul.f32 v15, v12  }
0x6b: {  	v4 =	vmul.f32 v11, v4;
	v11 =	vsub.f32 $1.500000000e+00, v13  }
0x6c: {  	v0 =	vmul.f32 v0, v6;
	v5 =	vmul.f32 v14, v5;
	v13 =	vsub.f32 $1.500000000e+00, v15  }
0x6d: {  	v2 =	vmul.f32 v4, v2;
	v10 =	vmul.f32 v11, v10  }
0x6e: {  	v3 =	vmul.f32 v5, v3;
	v11 =	vmul.f32 v13, v12  }
0x6f: {  	v2 =	vmul.f32 v2, v4;
	v7 =	vmul.f32 v10, v7  }
0x70: {  	v0 =	vsub.f32 $1.500000000e+00, v0;
	v3 =	vmul.f32 v3, v5;
	v9 =	vmul.f32 v11, v9  }
0x71: {  	v1 =	vmul.f32 v8, v1;
	v2 =	vsub.f32 $1.500000000e+00, v2;
	v7 =	vmul.f32 v7, v10  }
0x72: {  	v0 =	vmul.f32 v0, v6;
	v3 =	vsub.f32 $1.500000000e+00, v3;
	v6 =	vmul.f32 v9, v11  }
0x73: {  	[tilespmem:s7+$0x14500] =	vst v1;
	v1 =	vmul.f32 v2, v4;
	v2 =	vsub.f32 $1.500000000e+00, v7  }
0x74: {  	[tilespmem:s6+$0x14500] =	vst v0;
	v0 =	vmul.f32 v3, v5;
	v3 =	vsub.f32 $1.500000000e+00, v6  }
0x75: {  	[tilespmem:s17+$0x14500] =	vst v1;
	v1 =	vmul.f32 v2, v10  }
0x76: {  	[tilespmem:s8+$0x14500] =	vst v0;
	v0 =	vmul.f32 v3, v11  }
0x77: {  	[tilespmem:s9+$0x14500] =	vst v1  }
0x78: {  	s6 =	simm.s32 $0xF100;
	[tilespmem:s10+$0x14500] =	vst v0  }
0x79: {  	v5 =	vld [tilespmem:s6+$0xFFFFFFA0]  }
0x7a: {  	v3 =	vld [tilespmem:s6+$0xFFFFFFF0]  }
0x7b: {  	v0 =	vld [tilespmem:s6+$0xFFFFFF60]  }
0x7c: {  	v6 =	vld [tilespmem:s6+$0xFFFFFFD0]  }
0x7d: {  	v7 =	vld [tilespmem:s6+$0x80]  }
0x7e: {  	v10 =	vld [tilespmem:s6+$0xFFFFFF10]  }
0x7f: {  	v14 =	vld [tilespmem:s6+$0xE0]  }
0x80: {  	v9 =	vld [tilespmem:s6+$0xFFFFFF40]  }
0x81: {  	s17 =	simm.s32 $0x0;
	v1 =	vld [tilespmem:s6+$0xFFFFFF90]  }
0x82: {  	v2 =	vld [tilespmem:s17+$0x14500]  }
0x83: {  	v8 =	vld [tilespmem:s6+$0xFFFFFFC0]  }
0x84: {  	v11 =	vld [tilespmem:s6+$0xFFFFFF00]  }
0x85: {  	v12 =	vld [tilespmem:s6+$0xD0]  }
0x86: {  	v21 =	vld [tilespmem:s6+$0xC0]  }
0x87: {  	v19 =	vld [tilespmem:s6+$0x90];
	v17 =	vbroadcast v2, $0x0;
	v4 =	vbroadcast v2, $0xF  }
0x88: {  	v20 =	vld [tilespmem:s6+$0xFFFFFF50];
	v18 =	vbroadcast v2, $0x2;
	v16 =	vbroadcast v2, $0xE  }
0x89: {  	v15 =	vld [tilespmem:s6+$0xB0];
	v13 =	vbroadcast v2, $0xC;
	v23 =	vmul.f32 v17, v11  }
0x8a: {  	s7 =	simm.s32 $0xF100;
	s17 =	simm.s32 $0x40;
	v11 =	vbroadcast v2, $0xD;
	v22 =	vmul.f32 v9, v18;
	v9 =	vld [tilespmem:s6+$0x60]  }
.LBB2_4:
0x8b: {  	p2 =	sne.s32 s17, $0x9C0  }
0x8c: {  	[tilespmem:s6+$0xFFFFFF00] =	vst v23;
	v23 =	vld [tilespmem:s6+$0xFFFFFFB0];
	v21 =	vmul.f32 v21, v16;
	v14 =	vmul.f32 v14, v4;
	s7 =	sadd.s32 $0x200, s7;
	s8 =	smov.u32 s17;
	s17 =	sadd.s32 $0x40, s17  }
0x8d: {  	[tilespmem:s6+$0xFFFFFF40] =	vst v22;
	v22 =	vbroadcast v2, $0xA;
	v19 =	vmul.f32 v19, v13;
	v24 =	vld [tilespmem:s6+$0xA0]  }
0x8e: {  	v10 =	vmul.f32 v10, v17;
	v17 =	vmul.f32 v20, v18;
	v18 =	vld [tilespmem:s6+$0x70];
	[tilespmem:s6+$0xE0] =	vst v14  }
0x8f: {  	v14 =	vbroadcast v2, $0x5;
	v20 =	vld [tilespmem:s6+$0xFFFFFFE0];
	v15 =	vmul.f32 v15, v11;
	[tilespmem:s6+$0xC0] =	vst v21  }
0x90: {  	v12 =	vmul.f32 v12, v16;
	[tilespmem:s6+$0xFFFFFF10] =	vst v10;
	v10 =	vbroadcast v2, $0x6;
	v21 =	vld [tilespmem:s6+$0x40]  }
0x91: {  	v25 =	vbroadcast v2, $0xB;
	v5 =	vmul.f32 v5, v14;
	v16 =	vld [tilespmem:s6+$0xFFFFFF20];
	[tilespmem:s6+$0x90] =	vst v19  }
0x92: {  	v19 =	vbroadcast v2, $0x9;
	[tilespmem:s6+$0xFFFFFF50] =	vst v17;
	v17 =	vld [tilespmem:s6+$0x20];
	v11 =	vmul.f32 v24, v11  }
0x93: {  	v14 =	vmul.f32 v23, v14;
	v23 =	vld [tilespmem:s6+$0x50];
	v18 =	vmul.f32 v18, v25;
	[tilespmem:s6+$0xD0] =	vst v12  }
0x94: {  	v7 =	vmul.f32 v7, v13;
	v12 =	vbroadcast v2, $0x7;
	v24 =	vld [tilespmem:s6+$0x30];
	[tilespmem:s6+$0xA0] =	vst v11  }
0x95: {  	v8 =	vmul.f32 v8, v10;
	v11 =	vbroadcast v2, $0x3;
	v13 =	vld [tilespmem:s6+$0x0];
	[tilespmem:s6+$0x70] =	vst v18  }
0x96: {  	v9 =	vmul.f32 v9, v25;
	v6 =	vmul.f32 v6, v10;
	v10 =	vld [tilespmem:s6+$0x10];
	[tilespmem:s6+$0x80] =	vst v7  }
0x97: {  	v18 =	vbroadcast v2, $0x8;
	v21 =	vmul.f32 v21, v22;
	v7 =	vld [tilespmem:s6+$0xFFFFFF30];
	[tilespmem:s6+$0xB0] =	vst v15  }
0x98: {  	v15 =	vbroadcast v2, $0x1;
	v25 =	vld [tilespmem:s6+$0xFFFFFF70];
	[tilespmem:s6+$0xFFFFFFD0] =	vst v6;
	v22 =	vmul.f32 v23, v22  }
0x99: {  	v3 =	vmul.f32 v3, v12;
	v6 =	vmul.f32 v20, v12;
	[tilespmem:s6+$0xFFFFFFC0] =	vst v8;
	v8 =	vld [tilespmem:s6+$0xF0]  }
0x9a: {  	v20 =	vmul.f32 v24, v19;
	v12 =	vld [tilespmem:s6+$0xFFFFFF80];
	[tilespmem:s6+$0xFFFFFFA0] =	vst v5;
	v13 =	vmul.f32 v13, v18  }
0x9b: {  	v5 =	vld [tilespmem:s7+$0xFFFFFFA0];
	[tilespmem:s6+$0xFFFFFFF0] =	vst v3;
	v18 =	vmul.f32 v10, v18;
	v10 =	vmul.f32 v17, v19  }
0x9c: {  	v3 =	vmul.f32 v16, v15;
	v15 =	vmul.f32 v7, v15;
	[tilespmem:s6+$0x60] =	vst v9  }
0x9d: {  	v0 =	vmul.f32 v0, v11;
	v7 =	vmul.f32 v25, v11;
	[tilespmem:s6+$0xFFFFFFB0] =	vst v14  }
0x9e: {  	v2 =	vbroadcast v2, $0x4;
	[tilespmem:s6+$0xFFFFFF20] =	vst v3;
	v3 =	vmul.f32 v8, v4  }
0x9f: {  	[tilespmem:s6+$0xFFFFFF60] =	vst v0  }
0xa0: {  	v4 =	vmul.f32 v12, v2;
	v0 =	vmul.f32 v1, v2;
	[tilespmem:s6+$0x40] =	vst v21  }
0xa1: {  	[tilespmem:s6+$0xFFFFFFE0] =	vst v6  }
0xa2: {  	[tilespmem:s6+$0xF0] =	vst v3  }
0xa3: {  	[tilespmem:s6+$0xFFFFFF90] =	vst v0  }
0xa4: {  	v3 =	vld [tilespmem:s7+$0xFFFFFFF0];
	[tilespmem:s6+$0xFFFFFF70] =	vst v7  }
0xa5: {  	v0 =	vld [tilespmem:s7+$0xFFFFFF60];
	[tilespmem:s6+$0x20] =	vst v10  }
0xa6: {  	v6 =	vld [tilespmem:s7+$0xFFFFFFD0];
	[tilespmem:s6+$0x30] =	vst v20  }
0xa7: {  	v7 =	vld [tilespmem:s7+$0x80];
	[tilespmem:s6+$0xFFFFFF80] =	vst v4  }
0xa8: {  	v10 =	vld [tilespmem:s7+$0xFFFFFF10];
	[tilespmem:s6+$0x50] =	vst v22  }
0xa9: {  	v14 =	vld [tilespmem:s7+$0xE0];
	[tilespmem:s6+$0x0] =	vst v13  }
0xaa: {  	v9 =	vld [tilespmem:s7+$0xFFFFFF40];
	[tilespmem:s6+$0xFFFFFF30] =	vst v15  }
0xab: {  	s8 =	sshra.s32 s8, $0x2;
	v1 =	vld [tilespmem:s7+$0xFFFFFF90];
	[tilespmem:s6+$0x10] =	vst v18;
	s6 =	smov.u32 s7  }
0xac: {  	v2 =	vld [tilespmem:s8+$0x14500]  }
0xad: {  	v8 =	vld [tilespmem:s7+$0xFFFFFFC0]  }
0xae: {  	v11 =	vld [tilespmem:s7+$0xFFFFFF00]  }
0xaf: {  	v12 =	vld [tilespmem:s7+$0xD0]  }
.Ltmp1:
0xb0: {  	v21 =	vld [tilespmem:s7+$0xC0];
	(pc) =	sbr.rel @p2 .LBB2_4-.Ltmp1, $4  }
0xb1: {  	v17 =	vbroadcast v2, $0x0;
	v19 =	vld [tilespmem:s7+$0x90];
	v4 =	vbroadcast v2, $0xF  }
0xb2: {  	v18 =	vbroadcast v2, $0x2;
	v16 =	vbroadcast v2, $0xE;
	v20 =	vld [tilespmem:s7+$0xFFFFFF50]  }
0xb3: {  	v23 =	vmul.f32 v17, v11;
	v11 =	vbroadcast v2, $0xD;
	v15 =	vld [tilespmem:s7+$0xB0]  }
0xb4: {  	v13 =	vbroadcast v2, $0xC;
	v22 =	vmul.f32 v9, v18;
	v9 =	vld [tilespmem:s7+$0x60]  }
0xb5: {  	[tilespmem:s6+$0xFFFFFF00] =	vst v23;
	v14 =	vmul.f32 v14, v4  }
0xb6: {  	v21 =	vmul.f32 v21, v16;
	[tilespmem:s6+$0xFFFFFF40] =	vst v22  }
0xb7: {  	v10 =	vmul.f32 v10, v17;
	[tilespmem:s6+$0xE0] =	vst v14  }
0xb8: {  	v28 =	vmul.f32 v12, v16;
	[tilespmem:s6+$0xC0] =	vst v21  }
0xb9: {  	v26 =	vmul.f32 v19, v13;
	[tilespmem:s6+$0xFFFFFF10] =	vst v10  }
0xba: {  	v34 =	vbroadcast v2, $0x6;
	v7 =	vmul.f32 v7, v13;
	[tilespmem:s6+$0xD0] =	vst v28  }
0xbb: {  	v18 =	vmul.f32 v20, v18;
	[tilespmem:s6+$0x90] =	vst v26  }
0xbc: {  	v38 =	vbroadcast v2, $0x5;
	v6 =	vmul.f32 v6, v34;
	[tilespmem:s6+$0x80] =	vst v7  }
0xbd: {  	v40 =	vbroadcast v2, $0x7;
	v8 =	vmul.f32 v8, v34;
	[tilespmem:s6+$0xFFFFFF50] =	vst v18  }
0xbe: {  	v47 =	vbroadcast v2, $0x3;
	v5 =	vmul.f32 v5, v38;
	[tilespmem:s6+$0xFFFFFFD0] =	vst v6  }
0xbf: {  	v24 =	vld [tilespmem:s6+$0xA0];
	v52 =	vbroadcast v2, $0x4;
	v3 =	vmul.f32 v3, v40;
	[tilespmem:s6+$0xFFFFFFC0] =	vst v8  }
0xc0: {  	v25 =	vld [tilespmem:s6+$0x70];
	v0 =	vmul.f32 v0, v47;
	[tilespmem:s6+$0xFFFFFFA0] =	vst v5  }
0xc1: {  	v27 =	vld [tilespmem:s6+$0xFFFFFFB0];
	v30 =	vbroadcast v2, $0xB;
	v1 =	vmul.f32 v1, v52;
	[tilespmem:s6+$0xFFFFFFF0] =	vst v3  }
0xc2: {  	v29 =	vld [tilespmem:s6+$0xFFFFFF20];
	v36 =	vmul.f32 v15, v11;
	[tilespmem:s6+$0xFFFFFF60] =	vst v0  }
0xc3: {  	v33 =	vld [tilespmem:s6+$0x40];
	v9 =	vmul.f32 v9, v30;
	[tilespmem:s6+$0xFFFFFF90] =	vst v1  }
0xc4: {  	v31 =	vld [tilespmem:s6+$0xFFFFFFE0];
	v32 =	vmul.f32 v24, v11;
	[tilespmem:s6+$0xB0] =	vst v36  }
0xc5: {  	v45 =	vbroadcast v2, $0x1;
	v48 =	vld [tilespmem:s6+$0xF0];
	v17 =	vmul.f32 v25, v30;
	[tilespmem:s6+$0x60] =	vst v9  }
0xc6: {  	v42 =	vld [tilespmem:s6+$0xFFFFFF70];
	v49 =	vbroadcast v2, $0xA;
	v46 =	vmul.f32 v27, v38;
	[tilespmem:s6+$0xA0] =	vst v32  }
0xc7: {  	v37 =	vld [tilespmem:s6+$0x20];
	v12 =	vmul.f32 v29, v45;
	[tilespmem:s6+$0x70] =	vst v17  }
0xc8: {  	v39 =	vld [tilespmem:s6+$0x30];
	v51 =	vmul.f32 v33, v49;
	[tilespmem:s6+$0xFFFFFFB0] =	vst v46  }
0xc9: {  	v43 =	vld [tilespmem:s6+$0xFFFFFF80];
	v7 =	vmul.f32 v31, v40;
	[tilespmem:s6+$0xFFFFFF20] =	vst v12  }
0xca: {  	v35 =	vld [tilespmem:s6+$0x50];
	v54 =	vbroadcast v2, $0x9;
	v53 =	vmul.f32 v48, v4;
	[tilespmem:s6+$0x40] =	vst v51  }
0xcb: {  	v41 =	vld [tilespmem:s6+$0x0];
	v55 =	vmul.f32 v42, v47;
	[tilespmem:s6+$0xFFFFFFE0] =	vst v7  }
0xcc: {  	v50 =	vld [tilespmem:s6+$0xFFFFFF30];
	v56 =	vmul.f32 v37, v54;
	[tilespmem:s6+$0xF0] =	vst v53  }
0xcd: {  	v44 =	vld [tilespmem:s6+$0x10];
	v57 =	vmul.f32 v39, v54;
	[tilespmem:s6+$0xFFFFFF70] =	vst v55  }
0xce: {  	v58 =	vbroadcast v2, $0x8;
	v59 =	vmul.f32 v43, v52;
	[tilespmem:s6+$0x20] =	vst v56  }
0xcf: {  	v60 =	vmul.f32 v35, v49;
	[tilespmem:s6+$0x30] =	vst v57  }
0xd0: {  	v61 =	vmul.f32 v41, v58;
	[tilespmem:s6+$0xFFFFFF80] =	vst v59  }
0xd1: {  	v62 =	vmul.f32 v50, v45;
	[tilespmem:s6+$0x50] =	vst v60  }
0xd2: {  	v63 =	vmul.f32 v44, v58;
	[tilespmem:s6+$0x0] =	vst v61  }
0xd3: {  	[tilespmem:s6+$0xFFFFFF30] =	vst v62  }
0xd4: {  	s8 =	rddreg [dreg:$0xb];
	[tilespmem:s6+$0x10] =	vst v63  }
0xd5: {  	[spmem:s8] =	stream.linear.scatter [tilespmem:s24], [sflag:$0x9], $0x5000, $0x38;
	[tilespmem:$0x1E780] =	vst v63  }
0xd6: {  	_ =	swait.ge [sflag:s25], $0x5000  }
0xd7: {  	[sflag:s25] =	ssyncset.done $0x0  }
0xd8: {  	s7 =	simm.s32 @!p1 $0x14500;
	s6 =	simm.s32 @!p1 $0x0;
	[sflag:s25] =	ssyncadd.s32 $0xFFFFB000  }
0xd9: {  	[hbm4b:s13+s6] =	stream.linear.scatter @!p1 [tilespmem:s7], [sflag:$0x9], $0x280, $0x38;
	[tilespmem:$0x1E780] =	vst v63  }
0xda: {  	s6 =	simm.s32 @!p1 $0x9  }
0xdb: {  	_ =	swait.ge @!p1 [sflag:s6], $0x280  }
0xdc: {  	[sflag:s6] =	ssyncset.done @!p1 $0x0  }
0xdd: {  	[sflag:s6] =	ssyncadd.s32 @!p1 $0xFFFFFD80  }
0xde: {  	s9 =	simm.s32 $0x0;
	s10 =	rddreg [dreg:$0x1]  }
0xdf: {  	[tilespmem:s24], [sflag:$0x9] =	stream.linear.gather [hbm4b:s10+s9], $0x5000, $0x38;
	[tilespmem:$0x1E780] =	vst v63  }
0xe0: {  	_ =	swait.ge [sflag:s25], $0x5000  }
0xe1: {  	[sflag:s25] =	ssyncset.done $0x0  }
0xe2: {  	[sflag:s25] =	ssyncadd.s32 $0xFFFFB000  }
0xe3: {  	[spmem:s14] =	stream.linear.scatter [tilespmem:s24], [sflag:$0x9], $0x5000, $0x38;
	[tilespmem:$0x1E780] =	vst v63  }
0xe4: {  	_ =	swait.ge [sflag:s25], $0x5000  }
0xe5: {  	[sflag:s25] =	ssyncset.done $0x0  }
0xe6: {  	[sflag:s25] =	ssyncadd.s32 $0xFFFFB000  }
0xe7: {  	[bflag:$0x0] =	sbarrier.arrive $0xFFFF  }
0xe8: {  	[tilespmem:s28], [sflag:$0x1] =	stream.indirect.gather [spmem:s3], $0x20, s9, s26, $0xb8;
	[tilespmem:$0x1E780] =	vst v63  }
0xe9: {  	_ = 	snop  }
0xea: {  	[tilespmem:s29], [sflag:$0x2] =	stream.indirect.gather [spmem:s3], $0x20, s26, s26, $0xb8;
	[tilespmem:$0x1E780] =	vst v63  }
0xeb: {  	s11 =	simm.s32 $0x280  }
0xec: {  	[tilespmem:s31], [sflag:$0x3] =	stream.indirect.gather [spmem:s3], $0x20, s11, s26, $0xb8;
	[tilespmem:$0x1E780] =	vst v63  }
0xed: {  	s12 =	simm.s32 $0x3C0  }
0xee: {  	[tilespmem:s1], [sflag:$0x4] =	stream.indirect.gather [spmem:s3], $0x20, s12, s26, $0xb8;
	[tilespmem:$0x1E780] =	vst v63  }
0xef: {  	_ =	swait.ge [sflag:s20], $0x2800  }
0xf0: {  	[sflag:s20] =	ssyncset.done $0x0  }
0xf1: {  	s9 =	simm.s32 $0x2800;
	[sflag:s20] =	ssyncadd.s32 $0xFFFFD800  }
0xf2: {  	[spmem:s4] =	stream.indirect.scatter.add.f32 [tilespmem:s28], [sflag:$0x5], $0x20, s9, s26, $0xb8;
	[tilespmem:$0x1E780] =	vst v63  }
0xf3: {  	_ =	swait.ge [sflag:s2], $0x2800  }
0xf4: {  	[sflag:s2] =	ssyncset.done $0x0  }
0xf5: {  	s17 =	simm.s32 $0x500;
	[sflag:s2] =	ssyncadd.s32 $0xFFFFD800  }
0xf6: {  	[tilespmem:s28], [sflag:$0x1] =	stream.indirect.gather [spmem:s3], $0x20, s17, s26, $0xb8;
	[tilespmem:$0x1E780] =	vst v63  }
0xf7: {  	_ =	swait.ge [sflag:s21], $0x2800  }
0xf8: {  	[sflag:s21] =	ssyncset.done $0x0  }
0xf9: {  	s7 =	simm.s32 $0x2940;
	[sflag:s21] =	ssyncadd.s32 $0xFFFFD800  }
0xfa: {  	[spmem:s4] =	stream.indirect.scatter.add.f32 [tilespmem:s29], [sflag:$0x6], $0x20, s7, s26, $0xb8;
	[tilespmem:$0x1E780] =	vst v63  }
0xfb: {  	_ =	swait.ge [sflag:s18], $0x2800  }
0xfc: {  	[sflag:s18] =	ssyncset.done $0x0  }
0xfd: {  	s8 =	simm.s32 $0x640;
	[sflag:s18] =	ssyncadd.s32 $0xFFFFD800  }
0xfe: {  	[tilespmem:s29], [sflag:$0x2] =	stream.indirect.gather [spmem:s3], $0x20, s8, s26, $0xb8;
	[tilespmem:$0x1E780] =	vst v63  }
0xff: {  	_ =	swait.ge [sflag:s22], $0x2800  }
0x100: {  	[sflag:s22] =	ssyncset.done $0x0  }
0x101: {  	s10 =	simm.s32 $0x2A80;
	[sflag:s22] =	ssyncadd.s32 $0xFFFFD800  }
0x102: {  	[spmem:s4] =	stream.indirect.scatter.add.f32 [tilespmem:s31], [sflag:$0x7], $0x20, s10, s26, $0xb8;
	[tilespmem:$0x1E780] =	vst v63  }
0x103: {  	_ =	swait.ge [sflag:s19], $0x2800  }
0x104: {  	[sflag:s19] =	ssyncset.done $0x0  }
0x105: {  	s11 =	simm.s32 $0x780;
	[sflag:s19] =	ssyncadd.s32 $0xFFFFD800  }
0x106: {  	[tilespmem:s31], [sflag:$0x3] =	stream.indirect.gather [spmem:s3], $0x20, s11, s26, $0xb8;
	[tilespmem:$0x1E780] =	vst v63  }
0x107: {  	_ =	swait.ge [sflag:s23], $0x2800  }
0x108: {  	[sflag:s23] =	ssyncset.done $0x0  }
0x109: {  	s12 =	simm.s32 $0x2BC0;
	[sflag:s23] =	ssyncadd.s32 $0xFFFFD800  }
0x10a: {  	[spmem:s4] =	stream.indirect.scatter.add.f32 [tilespmem:s1], [sflag:$0x8], $0x20, s12, s26, $0xb8;
	[tilespmem:$0x1E780] =	vst v63  }
0x10b: {  	_ =	swait.ge [sflag:s30], $0x2800  }
0x10c: {  	[sflag:s30] =	ssyncset.done $0x0  }
0x10d: {  	s17 =	simm.s32 $0x8C0;
	[sflag:s30] =	ssyncadd.s32 $0xFFFFD800  }
0x10e: {  	[tilespmem:s1], [sflag:$0x4] =	stream.indirect.gather [spmem:s3], $0x20, s17, s26, $0xb8;
	[tilespmem:$0x1E780] =	vst v63  }
0x10f: {  	_ =	swait.ge [sflag:s20], $0x2800  }
0x110: {  	[sflag:s20] =	ssyncset.done $0x0  }
0x111: {  	s6 =	simm.s32 $0x1400;
	s7 =	simm.s32 $0x2D00;
	[sflag:s20] =	ssyncadd.s32 $0xFFFFD800  }
.LBB2_6:
0x112: {  	[spmem:s4] =	stream.indirect.scatter.add.f32 [tilespmem:s28], [sflag:$0x5], $0x20, s7, s26, $0xb8;
	[tilespmem:$0x1E780] =	vst v63  }
0x113: {  	s7 =	smov.u32 s6  }
0x114: {  	p2 =	sne.s32 s6, $0x7800;
	s6 =	sadd.s32 $0x1400, s6;
	_ =	swait.ge [sflag:s2], $0x2800  }
0x115: {  	s7 =	sshra.s32 s7, $0x2;
	[sflag:s2] =	ssyncset.done $0x0  }
0x116: {  	s8 =	sadd.s32 $0x500, s7;
	[sflag:s2] =	ssyncadd.s32 $0xFFFFD800  }
0x117: {  	[tilespmem:s28], [sflag:$0x1] =	stream.indirect.gather [spmem:s3], $0x20, s8, s26, $0xb8;
	[tilespmem:$0x1E780] =	vst v63  }
0x118: {  	_ =	swait.ge [sflag:s21], $0x2800  }
0x119: {  	[sflag:s21] =	ssyncset.done $0x0  }
0x11a: {  	s8 =	sadd.s32 $0x2940, s7;
	[sflag:s21] =	ssyncadd.s32 $0xFFFFD800  }
0x11b: {  	[spmem:s4] =	stream.indirect.scatter.add.f32 [tilespmem:s29], [sflag:$0x6], $0x20, s8, s26, $0xb8;
	[tilespmem:$0x1E780] =	vst v63  }
0x11c: {  	_ =	swait.ge [sflag:s18], $0x2800  }
0x11d: {  	[sflag:s18] =	ssyncset.done $0x0  }
0x11e: {  	s8 =	sadd.s32 $0x640, s7;
	[sflag:s18] =	ssyncadd.s32 $0xFFFFD800  }
0x11f: {  	[tilespmem:s29], [sflag:$0x2] =	stream.indirect.gather [spmem:s3], $0x20, s8, s26, $0xb8;
	[tilespmem:$0x1E780] =	vst v63  }
0x120: {  	_ =	swait.ge [sflag:s22], $0x2800  }
0x121: {  	[sflag:s22] =	ssyncset.done $0x0  }
0x122: {  	s8 =	sadd.s32 $0x2A80, s7;
	[sflag:s22] =	ssyncadd.s32 $0xFFFFD800  }
0x123: {  	[spmem:s4] =	stream.indirect.scatter.add.f32 [tilespmem:s31], [sflag:$0x7], $0x20, s8, s26, $0xb8;
	[tilespmem:$0x1E780] =	vst v63  }
0x124: {  	_ =	swait.ge [sflag:s19], $0x2800  }
0x125: {  	[sflag:s19] =	ssyncset.done $0x0  }
0x126: {  	s8 =	sadd.s32 $0x780, s7;
	[sflag:s19] =	ssyncadd.s32 $0xFFFFD800  }
0x127: {  	[tilespmem:s31], [sflag:$0x3] =	stream.indirect.gather [spmem:s3], $0x20, s8, s26, $0xb8;
	[tilespmem:$0x1E780] =	vst v63  }
0x128: {  	_ =	swait.ge [sflag:s23], $0x2800  }
0x129: {  	[sflag:s23] =	ssyncset.done $0x0  }
0x12a: {  	s8 =	sadd.s32 $0x2BC0, s7;
	[sflag:s23] =	ssyncadd.s32 $0xFFFFD800  }
0x12b: {  	[spmem:s4] =	stream.indirect.scatter.add.f32 [tilespmem:s1], [sflag:$0x8], $0x20, s8, s26, $0xb8;
	[tilespmem:$0x1E780] =	vst v63  }
0x12c: {  	_ =	swait.ge [sflag:s30], $0x2800  }
0x12d: {  	[sflag:s30] =	ssyncset.done $0x0  }
.Ltmp2:
0x12e: {  	s8 =	sadd.s32 $0x8C0, s7;
	[sflag:s30] =	ssyncadd.s32 $0xFFFFD800;
	(pc) =	sbr.rel @p2 .LBB2_6-.Ltmp2, $4  }
0x12f: {  	[tilespmem:s1], [sflag:$0x4] =	stream.indirect.gather [spmem:s3], $0x20, s8, s26, $0xb8;
	[tilespmem:$0x1E780] =	vst v63  }
0x130: {  	_ =	swait.ge [sflag:s20], $0x2800  }
0x131: {  	[sflag:s20] =	ssyncset.done $0x0  }
0x132: {  	s7 =	sadd.s32 $0x2D00, s7;
	[sflag:s20] =	ssyncadd.s32 $0xFFFFD800  }
0x133: {  	[spmem:s4] =	stream.indirect.scatter.add.f32 [tilespmem:s28], [sflag:$0x5], $0x20, s7, s26, $0xb8;
	[tilespmem:$0x1E780] =	vst v63  }
0x134: {  	_ =	swait.ge [sflag:s21], $0x2800  }
0x135: {  	[sflag:s21] =	ssyncset.done $0x0  }
0x136: {  	s6 =	simm.s32 $0x4C40;
	[sflag:s21] =	ssyncadd.s32 $0xFFFFD800  }
0x137: {  	[spmem:s4] =	stream.indirect.scatter.add.f32 [tilespmem:s29], [sflag:$0x6], $0x20, s6, s26, $0xb8;
	[tilespmem:$0x1E780] =	vst v63  }
0x138: {  	_ =	swait.ge [sflag:s22], $0x2800  }
0x139: {  	[sflag:s22] =	ssyncset.done $0x0  }
0x13a: {  	s12 =	simm.s32 $0x4D80;
	[sflag:s22] =	ssyncadd.s32 $0xFFFFD800  }
0x13b: {  	[spmem:s4] =	stream.indirect.scatter.add.f32 [tilespmem:s31], [sflag:$0x7], $0x20, s12, s26, $0xb8;
	[tilespmem:$0x1E780] =	vst v63  }
0x13c: {  	_ =	swait.ge [sflag:s23], $0x2800  }
0x13d: {  	[sflag:s23] =	ssyncset.done $0x0  }
0x13e: {  	s17 =	simm.s32 $0x4EC0;
	[sflag:s23] =	ssyncadd.s32 $0xFFFFD800  }
0x13f: {  	[spmem:s4] =	stream.indirect.scatter.add.f32 [tilespmem:s1], [sflag:$0x8], $0x20, s17, s26, $0xb8;
	[tilespmem:$0x1E780] =	vst v63  }
0x140: {  	_ =	swait.ge [sflag:s2], $0x2800  }
0x141: {  	[sflag:s2] =	ssyncset.done $0x0  }
0x142: {  	[sflag:s2] =	ssyncadd.s32 $0xFFFFD800  }
0x143: {  	_ =	swait.ge [sflag:s18], $0x2800  }
0x144: {  	[sflag:s18] =	ssyncset.done $0x0  }
0x145: {  	[sflag:s18] =	ssyncadd.s32 $0xFFFFD800  }
0x146: {  	_ =	swait.ge [sflag:s19], $0x2800  }
0x147: {  	[sflag:s19] =	ssyncset.done $0x0  }
0x148: {  	[sflag:s19] =	ssyncadd.s32 $0xFFFFD800  }
0x149: {  	_ =	swait.ge [sflag:s30], $0x2800  }
0x14a: {  	[sflag:s30] =	ssyncset.done $0x0  }
0x14b: {  	[sflag:s30] =	ssyncadd.s32 $0xFFFFD800  }
0x14c: {  	[bflag:$0x0] =	sbarrier.arrive $0xFFFF  }
0x14d: {  	[tilespmem:s24], [sflag:$0x9] =	stream.linear.gather [spmem:s14], $0x5000, $0x38;
	[tilespmem:$0x1E780] =	vst v63  }
0x14e: {  	s0 =	sadd.s32 $0x1, s0;
	_ =	swait.ge [sflag:s25], $0x5000  }
0x14f: {  	p2 =	sne.s32 s0, s16;
	[sflag:s25] =	ssyncset.done $0x0  }
.Ltmp3:
0x150: {  	[sflag:s25] =	ssyncadd.s32 $0xFFFFB000;
	(pc) =	sbr.rel @p2 .LBB2_1-.Ltmp3, $4  }
0x151: {  	[hbm4b:s15+s5] =	stream.linear.scatter [tilespmem:s24], [sflag:$0x9], $0x5000, $0x38;
	[tilespmem:$0x1E780] =	vst v63  }
0x152: {  	_ =	swait.ge [sflag:s25], $0x5000  }
0x153: {  	[sflag:s25] =	ssyncset.done $0x0  }
0x154: {  	[sflag:s25] =	ssyncadd.s32 $0xFFFFB000  }
0x155: {  	_ =	sfence.sel $0x180000  }
0x156: {  	[bflag:$0x0] =	sbarrier.arrive $0xFFFF  }
0x157: {  	_ =	strace $0x9000004A  }
0x158: {  	s0 =	stileid.u32;
	[bflag:$0x2] =	sbarrier.arrive $0xFFFF  }
0x159: {  	p0 =	sne.s32 s0, $0x0;
	s0 =	rddreg [dreg:$0x4]  }
0x15a: {  	s0 =	sadd.s32 @!p0 $0x100000, s0  }
0x15b: {  	[sflag:s0] =	ssyncadd.tile.s32 @!p0 $0x1;
	_ =	shalt  }
.Lfunc_end2:
_tile_overlayer_lowered:
.L_overlay_start_2:
0x15c: {  	(tag) =	ssettag $0x2  }
0x15d: {  	s0 =	rddreg [dreg:$0x0];
	s2 =	stileid.u32  }
0x15e: {  	s1 =	rddreg [dreg:$0x1];
	p0 =	sne.s32 s2, $0x0  }
0x15f: {  	s3 =	rddreg [dreg:$0x2];
	[bflag:$0x3] =	sbarrier.arrive $0xFFFF;
	s2 =	simm.s32 @!p0 $0x1C09  }
0x160: {  	[timem:s3], [sflag:s2] =	dma.local @!p0 [hbm:s0], s1  }
0x161: {  	s0 =	simm.s32 @!p0 $0x9  }
0x162: {  	_ =	swait.ge @!p0 [sflag:s0], s1  }
0x163: {  	s1 =	ssub.s32 @!p0 $0x0, s1;
	[sflag:s0] =	ssyncset.done @!p0 $0x0  }
0x164: {  	[sflag:s0] =	ssyncadd.s32 @!p0 s1  }
0x165: {  	[bflag:$0x3] =	sbarrier.arrive $0xFFFF  }
0x166: {  	_ =	shalt  }

// kernel: kernel.13.cloned.1.call-start
scs
__scs_entry_jumppad:
0x0: {  	(pc) =	sbr.rel $0x88, $3  }
0x1: {  	(tag) =	ssettag $0x0;
	lr =	simm.s32 $0x1  }
0x2: {  	[smem:$0x3F9B] =	sst lr;
	_ =	strace $0xD0000000  }
0x3: {  	_ = 	snop  }
0x4: {  	_ = 	snop  }
0x5: {  	_ = 	snop  }
0x6: {  	_ = 	snop  }
0x7: {  	_ = 	snop  }
__scs_overlays_trampoline_lowered:
0x8: {  	[smem:$0x3FAA] =	sst s0  }
0x9: {  	[smem:$0x3FAB] =	sst s1  }
0xa: {  	[smem:$0x3FAC] =	sst s2  }
0xb: {  	[smem:$0x3FAD] =	sst s3  }
0xc: {  	[smem:$0x3FAE] =	sst s4  }
0xd: {  	[smem:$0x3FAF] =	sst s5  }
0xe: {  	[smem:$0x3FB0] =	sst s6  }
0xf: {  	[smem:$0x3FB1] =	sst s7  }
0x10: {  	[smem:$0x3FB2] =	sst s8  }
0x11: {  	[smem:$0x3FB3] =	sst s9;
	s0 =	simm.s32 @!p0 $0x0  }
0x12: {  	s1 =	sld [smem:$0x3F99];
	s0 =	simm.s32 @p0 $0x1  }
0x13: {  	[smem:$0x3FB4] =	sst s0;
	s0 =	simm.s32 @!p1 $0x0  }
0x14: {  	s2 =	sld [smem:$0x3F98];
	s0 =	simm.s32 @p1 $0x1  }
0x15: {  	[smem:$0x3FB5] =	sst s0;
	s0 =	simm.s32 @!p2 $0x0  }
0x16: {  	s3 =	sld [smem:$0x3FDB];
	s0 =	simm.s32 @p2 $0x1  }
0x17: {  	s4 =	simm.s32 $0x1BF5;
	[smem:$0x3FB7] =	sst s0  }
0x18: {  	s0 =	sld [smem:$0x3F9A];
	_ =	swait.ge [sflag:s4], $0x0  }
0x19: {  	s7 =	sld [smem:$0x3F9B]  }
0x1a: {  	s8 =	sadd.s32 $0xFFFFE003, lr  }
0x1b: {  	s9 =	sadd.s32 $0xFFFFFEF7, lr;
	s5 =	simm.s32 $0xFFFFFFFF;
	p2 =	slt.u32 s8, $0xFFFFF086  }
0x1c: {  	p1 =	slt.u32 s9, $0xF7A;
	s5 =	simm.s32 @!p2 $0x0  }
0x1d: {  	s5 =	simm.s32 @p1 $0x1;
	p0 =	seq.s32 s7, s2  }
0x1e: {  	s7 =	smul.u32 @!p0 $0xF7A, s2;
	p2 =	seq.s32 @!p0 s5, $0x0  }
0x1f: {  	s9 =	smul.u32 $0xF7A, s1;
	s8 =	simm.s32 @!p0 $0x1BF5;
	p2 =	por !p2, p0  }
0x20: {  	[sflag:s8] =	ssyncset.s32 @!p0 $0xFFFFF086;
	s6 =	sadd.s32 @!p0 s3, s7;
	s7 =	simm.s32 @!p0 $0x108  }
0x21: {  	s3 =	sadd.s32 s3, s9;
	s6 =	sadd.s32 @!p0 $0x88, s6;
	s7 =	simm.s32 @p2 $0x1082  }
0x22: {  	[simem:s7], [sflag:s8] =	dma.local @!p0 [hbm:s6], $0xF7A  }
0x23: {  	s9 =	sor.u32 $0xD0000000, s2;
	s6 =	simm.s32 $0x108;
	_ =	swait.ge @!p0 [sflag:s8], $0x0  }
0x24: {  	s3 =	sadd.s32 $0x88, s3;
	s6 =	simm.s32 @!p1 $0x1082;
	[sflag:s4] =	ssyncset.s32 $0xFFFFF086  }
0x25: {  	[simem:s6], [sflag:s4] =	dma.local [hbm:s3], $0xF7A  }
0x26: {  	[smem:$0x3F9B] =	sst s1;
	(tag) =	ssettag s2;
	_ =	strace s9  }
0x27: {  	s1 =	sld [smem:$0x3FAB]  }
0x28: {  	s2 =	sld [smem:$0x3FAC]  }
0x29: {  	s4 =	sld [smem:$0x3FAE]  }
0x2a: {  	p0 =	seq.s32 s5, $0x0;
	s5 =	sld [smem:$0x3FAF]  }
0x2b: {  	s6 =	sld [smem:$0x3FB0]  }
0x2c: {  	s7 =	sld [smem:$0x3FB1]  }
0x2d: {  	s3 =	simm.s32 $0x108;
	s8 =	sld [smem:$0x3FB2]  }
0x2e: {  	s3 =	simm.s32 @!p0 $0x1082;
	s9 =	sld [smem:$0x3FB3]  }
0x2f: {  	lr =	sadd.s32 s0, s3;
	s0 =	sld [smem:$0x3FAA]  }
0x30: {  	s3 =	sld [smem:$0x3FAD]  }
0x31: {  	[smem:$0x3FB6] =	sst s10  }
0x32: {  	s10 =	sld [smem:$0x3FB4];
	_ =	sdelay $0x3  }
0x33: {  	p0 =	seq.s32 s10, $0x1;
	s10 =	sld [smem:$0x3FB6];
	_ =	sdelay $0x3  }
0x34: {  	[smem:$0x3FB6] =	sst s10  }
0x35: {  	s10 =	sld [smem:$0x3FB5];
	_ =	sdelay $0x3  }
0x36: {  	p1 =	seq.s32 s10, $0x1;
	s10 =	sld [smem:$0x3FB6];
	_ =	sdelay $0x3  }
0x37: {  	[smem:$0x3FB6] =	sst s10  }
0x38: {  	s10 =	sld [smem:$0x3FB7]  }
0x39: {  	_ = 	snop;
	(pc) =	sbr.ind lr, $3  }
0x3a: {  	_ = 	snop  }
0x3b: {  	_ = 	snop  }
0x3c: {  	p2 =	seq.s32 s10, $0x1;
	s10 =	sld [smem:$0x3FB6]  }
0x3d: {  	_ =	shalt  }
0x3e: {  	_ =	shalt  }
0x3f: {  	_ =	shalt  }
0x40: {  	_ =	shalt  }
0x41: {  	_ =	shalt  }
0x42: {  	_ =	shalt  }
0x43: {  	_ =	shalt  }
0x44: {  	_ =	shalt  }
0x45: {  	_ =	shalt  }
0x46: {  	_ =	shalt  }
0x47: {  	_ =	shalt  }
0x48: {  	_ =	shalt  }
0x49: {  	_ =	shalt  }
0x4a: {  	_ =	shalt  }
0x4b: {  	_ =	shalt  }
0x4c: {  	_ =	shalt  }
0x4d: {  	_ =	shalt  }
0x4e: {  	_ =	shalt  }
0x4f: {  	_ =	shalt  }
0x50: {  	_ =	shalt  }
0x51: {  	_ =	shalt  }
0x52: {  	_ =	shalt  }
0x53: {  	_ =	shalt  }
0x54: {  	_ =	shalt  }
0x55: {  	_ =	shalt  }
0x56: {  	_ =	shalt  }
0x57: {  	_ =	shalt  }
0x58: {  	_ =	shalt  }
0x59: {  	_ =	shalt  }
0x5a: {  	_ =	shalt  }
0x5b: {  	_ =	shalt  }
0x5c: {  	_ =	shalt  }
0x5d: {  	_ =	shalt  }
0x5e: {  	_ =	shalt  }
0x5f: {  	_ =	shalt  }
0x60: {  	_ =	shalt  }
0x61: {  	_ =	shalt  }
0x62: {  	_ =	shalt  }
0x63: {  	_ =	shalt  }
0x64: {  	_ =	shalt  }
0x65: {  	_ =	shalt  }
0x66: {  	_ =	shalt  }
0x67: {  	_ =	shalt  }
0x68: {  	_ =	shalt  }
0x69: {  	_ =	shalt  }
0x6a: {  	_ =	shalt  }
0x6b: {  	_ =	shalt  }
0x6c: {  	_ =	shalt  }
0x6d: {  	_ =	shalt  }
0x6e: {  	_ =	shalt  }
0x6f: {  	_ =	shalt  }
0x70: {  	_ =	shalt  }
0x71: {  	_ =	shalt  }
0x72: {  	_ =	shalt  }
0x73: {  	_ =	shalt  }
0x74: {  	_ =	shalt  }
0x75: {  	_ =	shalt  }
0x76: {  	_ =	shalt  }
0x77: {  	_ =	shalt  }
0x78: {  	_ =	shalt  }
0x79: {  	_ =	shalt  }
0x7a: {  	_ =	shalt  }
0x7b: {  	_ =	shalt  }
0x7c: {  	_ =	shalt  }
0x7d: {  	_ =	shalt  }
0x7e: {  	_ =	shalt  }
0x7f: {  	_ =	shalt  }
0x80: {  	_ =	shalt  }
0x81: {  	_ =	shalt  }
0x82: {  	_ =	shalt  }
0x83: {  	_ =	shalt  }
0x84: {  	_ =	shalt  }
0x85: {  	_ =	shalt  }
0x86: {  	_ =	shalt  }
0x87: {  	_ =	shalt  }
.Lfunc_end0:
.L_simem_size_0:
called_computation.2_lowered:
.L_overlay_start_0:
0x88: {  	s2 =	sld [smem:$0x3FD9]  }
0x89: {  	s3 =	sld [smem:$0x3FFE];
	_ =	sdelay $0x1  }
0x8a: {  	s1 =	srdreg.scid  }
0x8b: {  	s0 =	sand.u32 $0x1, s1  }
0x8c: {  	s16 =	sshll.u32 s0, $0xA;
	s2 =	sadd.s32 s3, s2  }
0x8d: {  	s2 =	sadd.s32 s2, s16  }
0x8e: {  	[smem:$0x3FC2] =	sst s2  }
0x8f: {  	_ = 	snop  }
0x90: {  	(tm) =	ssettm $0x1  }
0x91: {  	s17 =	sld [smem:$0x3FFB];
	_ =	sdelay $0x3  }
0x92: {  	_ =	strace s17  }
0x93: {  	s2 =	sld [smem:$0x3FFC];
	_ =	sdelay $0x3  }
0x94: {  	_ =	strace s2  }
0x95: {  	s2 =	sld [smem:$0x3FFD];
	_ =	sdelay $0x3  }
0x96: {  	_ =	strace s2  }
0x97: {  	_ =	strace $0x8FFFFFFF  }
0x98: {  	s18 =	sld [smem:$0x3FDB];
	_ =	sdelay $0x1  }
0x99: {  	s19 =	simm.s32 $_scs_section_size  }
0x9a: {  	s4 =	simm.s32 $_size__tile_overlayer_lowered;
	s5 =	simm.s32 $_tile_overlayer_lowered  }
0x9b: {  	s22 =	simm.s32 $0x1BFF;
	s21 =	sshll.u32 s5, $0x1;
	s2 =	sadd.s32 s19, s18  }
0x9c: {  	s6 =	simm.s32 $0x0;
	s20 =	sshll.u32 s4, $0x1;
	s4 =	sadd.s32 s21, s2  }
0x9d: {  	[timem:s6], [sflag:s22] =	dma.local [hbm:s4], s20  }
0x9e: {  	_ =	swait.ge [sflag:s22], s20  }
0x9f: {  	s3 =	ssub.s32 $0x0, s20;
	[sflag:s22] =	ssyncset.done $0x0  }
0xa0: {  	[sflag:s22] =	ssyncadd.s32 s3;
	_ =	sdelay $0x1  }
0xa1: {  	s23 =	simm.s32 $0x1B8B  }
0xa2: {  	_ =	swait.ge [sflag:s23], $0x1  }
0xa3: {  	[sflag:s23] =	ssyncset.done $0x0  }
0xa4: {  	s25 =	simm.s32 $0x1B8E;
	s24 =	sld [smem:$0x3FFE];
	[sflag:s23] =	ssyncadd.s32 $0xFFFFFFFF  }
0xa5: {  	s26 =	simm.s32 $execute0_lowered;
	[smem:$0x3FD2] =	sst s25  }
0xa6: {  	s4 =	sshll.u32 s26, $0x1;
	_ =	strace $0x8000004C;
	[dreg:$0x1] =	wrdreg $0xFFFFFFFF  }
0xa7: {  	s28 =	simm.s32 $_size_execute0_lowered;
	s2 =	sadd.s32 s2, s4;
	[dreg:$0x0] =	wrdreg $0x0  }
0xa8: {  	s4 =	sshll.u32 s28, $0x1;
	[dreg:$0x2] =	wrdreg s2  }
0xa9: {  	[dreg:$0x3] =	wrdreg s4  }
0xaa: {  	[dreg:$0x4] =	wrdreg $0xC0  }
0xab: {  	_ =	task [dreg:s6], $0x5FFFF  }
0xac: {  	[dreg:$0x1] =	wrdreg $0xFFFFFFFF  }
0xad: {  	[dreg:$0x0] =	wrdreg $0x60  }
0xae: {  	[dreg:$0x2] =	wrdreg s24  }
0xaf: {  	[dreg:$0x3] =	wrdreg $0x1BA800  }
0xb0: {  	[dreg:$0x4] =	wrdreg $0x192800  }
0xb1: {  	[dreg:$0x5] =	wrdreg $0x9  }
0xb2: {  	_ =	task.clear_ibuf [dreg:s6], $0x6FFFF;
	_ =	strace $0x9000004C  }
0xb3: {  	s29 =	simm.s32 $0x9;
	_ =	strace $0x8000004E  }
0xb4: {  	_ =	swait.ge [sflag:s29], $0x1  }
0xb5: {  	[sflag:s29] =	ssyncadd.s32 $0xFFFFFFFF  }
0xb6: {  	_ =	strace $0x9000004E  }
0xb7: {  	_ =	sfence  }
0xb8: {  	s30 =	sld [smem:$0x0];
	_ =	sdelay $0x2  }
0xb9: {  	s31 =	sshll.u32 s1, $0xD;
	s1 =	sshrl.u32 s1, $0x2  }
0xba: {  	s3 =	sand.u32 $0x4000, s31;
	s1 =	sadd.s32 s1, s30  }
0xbb: {  	s0 =	sor.u32 s3, s0;
	s1 =	sshll.u32 s1, $0x11  }
0xbc: {  	s0 =	sor.u32 s1, s0  }
0xbd: {  	s0 =	sadd.s32 $0x8F2B, s0  }
0xbe: {  	[sflag:s0] =	ssyncadd.remote.s32 $0x1  }
0xbf: {  	_ =	sfence.sel $0xFFFF  }
0xc0: {  	[dreg:$0x0] =	wrdreg $0xFFFFFFFF;
	(pc) =	sbr.abs _section_cstart, $3  }
0xc1: {  	[dreg:$0x1] =	wrdreg $0xFFFFFFFF  }
0xc2: {  	_ =	task.clear_ibuf [dreg:s6], $0x2FFFF;
	_ =	strace $0x9FFFFFFF  }
0xc3: {  	(tm) =	ssettm $0x7FFFFFFF  }
tec
execute0_lowered:
.L_overlay_start_1:
0x0: {  	(tag) =	ssettag $0x1  }
0x1: {  	s0 =	rddreg [dreg:$0x0]  }
0x2: {  	s2 =	rddreg [dreg:$0x1]  }
0x3: {  	s3 =	rddreg [dreg:$0x2]  }
0x4: {  	s10 =	stileid.u32;
	s11 =	simm.s32 $0x0;
	s5 =	srdreg.scid  }
0x5: {  	s20 =	simm.s32 $0x3;
	s21 =	simm.s32 $0x4;
	s22 =	simm.s32 $0x5  }
0x6: {  	s16 =	simm.s32 $0x7;
	s17 =	simm.s32 $0x8;
	s1 =	smul.u32 $0x5000, s10  }
0x7: {  	s4 =	smul.u32 $0x50, s10;
	s5 =	sand.u32 $0x1, s5;
	s6 =	sshll.u32 s10, $0x1  }
0x8: {  	s7 =	smul.u32 $0x2800, s10;
	[smem:$0x7FF] =	sst s11;
	s12 =	sadd.s32 $0x15C00, s0  }
0x9: {  	s30 =	sshrl.u32 s10, $0x3;
	s10 =	simm.s32 $0x2;
	s6 =	sor.u32 s5, s6  }
0xa: {  	s8 =	smul.u32 $0x28000, s5;
	_ =	strace $0x8000004D;
	s9 =	ssub.s32 $0x2, s5  }
0xb: {  	[dreg:$0x4] =	wrdreg s12;
	p0 =	sne.s32 s30, s5;
	s1 =	sshrl.u32 s1, $0x3  }
0xc: {  	s6 =	smul.u32 $0x500, s6;
	s4 =	sadd.s32 s4, s0;
	s24 =	sshrl.u32 s9, $0x1  }
0xd: {  	s29 =	sadd.s32 s7, s2;
	s1 =	sadd.s32 s1, s0;
	s8 =	sadd.s32 s7, s8  }
0xe: {  	s28 =	sadd.s32 $0x34A00, s4;
	[dreg:$0xa] =	wrdreg s29;
	s7 =	sadd.s32 s7, s3  }
0xf: {  	s4 =	simm.s32 $0x0;
	s6 =	sadd.s32 s6, s0;
	[dreg:$0x9] =	wrdreg s28  }
0x10: {  	s8 =	sshrl.u32 s8, $0x3;
	s26 =	sadd.s32 $0x20A00, s1;
	[dreg:$0xb] =	wrdreg s7  }
0x11: {  	s1 =	sadd.s32 $0x2AA00, s1;
	s0 =	sadd.s32 s8, s0;
	[dreg:$0x7] =	wrdreg s26  }
.Ltmp0:
0x12: {  	s25 =	sadd.s32 $0xBC00, s6;
	[dreg:$0x8] =	wrdreg s1;
	(pc) =	sbr.rel .LBB2_1-.Ltmp0, $4  }
0x13: {  	s8 =	ssub.s32 s9, s24;
	s6 =	sadd.s32 $0x1C00, s6;
	[dreg:$0x5] =	wrdreg s25  }
0x14: {  	s9 =	simm.s32 $0x1;
	[dreg:$0x6] =	wrdreg s6;
	s0 =	sadd.s32 $0x16200, s0  }
0x15: {  	s1 =	simm.s32 $0x6;
	s31 =	smax.u32 s8, $0x1;
	[dreg:$0xc] =	wrdreg s0  }
0x16: {  	s8 =	simm.s32 $0x2800;
	s25 =	simm.s32 $0x140;
	[dreg:$0xd] =	wrdreg s31  }
.LBB2_11:
0x17: {  	v1 =	vld [tilespmem:s0+$0x14000];
	_ =	sdelay $0x1  }
0x18: {  	v2 =	vld [tilespmem:s4+$0xFFFFFF80]  }
0x19: {  	v3 =	vld [tilespmem:s4+$0xFFFFFF90]  }
0x1a: {  	v4 =	vld [tilespmem:s4+$0xFFFFFFA0]  }
0x1b: {  	v5 =	vbroadcast v1, $0x0  }
0x1c: {  	v8 =	vld [tilespmem:s4+$0xFFFFFFD0];
	v6 =	vbroadcast v1, $0x1  }
0x1d: {  	v43 =	vld [tilespmem:s4+$0xFFFFFFE0];
	v9 =	vbroadcast v1, $0x2;
	v2 =	vmul.f32 v5, v2  }
0x1e: {  	v47 =	vld [tilespmem:s4+$0x10];
	v42 =	vbroadcast v1, $0x3;
	v3 =	vmul.f32 v3, v6  }
0x1f: {  	v7 =	vld [tilespmem:s4+$0xFFFFFFC0];
	v45 =	vbroadcast v1, $0x5;
	v4 =	vmul.f32 v4, v9;
	[tilespmem:s4+$0xFFFFFF80] =	vst v2  }
0x20: {  	v10 =	vld [tilespmem:s4+$0xFFFFFFF0];
	v11 =	vbroadcast v1, $0x6;
	v0 =	vmul.f32 v0, v42;
	[tilespmem:s4+$0xFFFFFF90] =	vst v3  }
0x21: {  	v49 =	vld [tilespmem:s4+$0x20];
	v52 =	vbroadcast v1, $0x9;
	v5 =	vmul.f32 v8, v45;
	[tilespmem:s4+$0xFFFFFFA0] =	vst v4  }
0x22: {  	v50 =	vld [tilespmem:s4+$0x30];
	v44 =	vbroadcast v1, $0x4;
	v6 =	vmul.f32 v43, v11;
	[tilespmem:s4+$0xFFFFFFB0] =	vst v0  }
0x23: {  	v46 =	vld [tilespmem:s4+$0x0];
	v48 =	vbroadcast v1, $0x7;
	v57 =	vmul.f32 v47, v52;
	[tilespmem:s4+$0xFFFFFFD0] =	vst v5  }
0x24: {  	v54 =	vld [tilespmem:s4+$0x50];
	v55 =	vbroadcast v1, $0xA;
	v2 =	vmul.f32 v7, v44;
	[tilespmem:s4+$0xFFFFFFE0] =	vst v6  }
0x25: {  	v53 =	vld [tilespmem:s4+$0x40];
	v56 =	vbroadcast v1, $0xB;
	v4 =	vmul.f32 v10, v48;
	[tilespmem:s4+$0x10] =	vst v57  }
0x26: {  	v58 =	vld [tilespmem:s4+$0x60];
	v51 =	vbroadcast v1, $0x8;
	v7 =	vmul.f32 v49, v55;
	[tilespmem:s4+$0xFFFFFFC0] =	vst v2  }
0x27: {  	v59 =	vld [tilespmem:s4+$0x70];
	v61 =	vbroadcast v1, $0xD;
	v0 =	vmul.f32 v50, v56;
	[tilespmem:s4+$0xFFFFFFF0] =	vst v4  }
0x28: {  	v60 =	vbroadcast v1, $0xC;
	v2 =	vmul.f32 v46, v51;
	[tilespmem:s4+$0x20] =	vst v7  }
0x29: {  	v62 =	vbroadcast v1, $0xE;
	v3 =	vmul.f32 v54, v61;
	[tilespmem:s4+$0x30] =	vst v0  }
0x2a: {  	v1 =	vbroadcast v1, $0xF;
	[tilespmem:s4+$0x0] =	vst v2;
	v2 =	vmul.f32 v53, v60  }
0x2b: {  	v63 =	vmul.f32 v58, v62;
	[tilespmem:s4+$0x50] =	vst v3  }
0x2c: {  	v1 =	vmul.f32 v59, v1;
	[tilespmem:s4+$0x40] =	vst v2  }
0x2d: {  	[tilespmem:s5+$0x60] =	vst v63  }
0x2e: {  	s4 =	rddreg [dreg:$0xe];
	[tilespmem:s5+$0x70] =	vst v1  }
.LBB2_12:
0x2f: {  	s0 =	rddreg [dreg:$0xc]  }
0x30: {  	[hbm4b:s0+s11] =	stream.linear.scatter [tilespmem:s12], [sflag:$0x9], $0x2800, $0x38;
	[tilespmem:$0x1E280] =	vst v63  }
0x31: {  	_ =	swait.ge [sflag:s13], $0x2800  }
0x32: {  	s4 =	sadd.s32 $0x1, s4;
	s31 =	rddreg [dreg:$0xd]  }
0x33: {  	p1 =	sne.s32 s4, s31  }
.Ltmp1:
0x34: {  	_ = 	snop;
	(pc) =	sbr.rel @!p1 .LBB2_13-.Ltmp1, $3  }
0x35: {  	_ =	sdelay $0x1  }
0x36: {  	[sflag:s13] =	ssyncset.done $0x0  }
0x37: {  	[sflag:s13] =	ssyncadd.s32 $0xFFFFD800  }
.LBB2_1:
0x38: {  	[dreg:$0xe] =	wrdreg s4  }
0x39: {  	s0 =	rddreg [dreg:$0x5]  }
0x3a: {  	[tilespmem:s11], [sflag:$0x1] =	stream.linear.gather [hbm4b:s0+s11], $0x2800, $0x38;
	[tilespmem:$0x1E280] =	vst v63  }
0x3b: {  	s31 =	rddreg [dreg:$0x6]  }
0x3c: {  	[tilespmem:s8], [sflag:$0x2] =	stream.linear.gather [hbm4b:s31+s11], $0x2800, $0x38;
	[tilespmem:$0x1E280] =	vst v63  }
0x3d: {  	s4 =	rddreg [dreg:$0x7];
	s5 =	simm.s32 $0xA000  }
0x3e: {  	[tilespmem:s5], [sflag:$0x3] =	stream.linear.gather [hbm4b:s4+s11], $0x5000, $0x38;
	[tilespmem:$0x1E280] =	vst v63  }
0x3f: {  	s6 =	rddreg [dreg:$0x8];
	s7 =	simm.s32 $0xF000  }
0x40: {  	[tilespmem:s7], [sflag:$0x4] =	stream.linear.gather [hbm4b:s6+s11], $0x5000, $0x38;
	[tilespmem:$0x1E280] =	vst v63  }
0x41: {  	s29 =	simm.s32 $0x14000;
	s8 =	rddreg [dreg:$0x9]  }
0x42: {  	[tilespmem:s29], [sflag:$0x5] =	stream.linear.gather [hbm4b:s8+s11], $0x280, $0x38;
	[tilespmem:$0x1E280] =	vst v63  }
0x43: {  	_ =	swait.ge [sflag:s9], $0x2800  }
0x44: {  	[sflag:s9] =	ssyncset.done $0x0  }
0x45: {  	[sflag:s9] =	ssyncadd.s32 $0xFFFFD800  }
0x46: {  	_ =	swait.ge [sflag:s10], $0x2800  }
0x47: {  	[sflag:s10] =	ssyncset.done $0x0  }
0x48: {  	[sflag:s10] =	ssyncadd.s32 $0xFFFFD800  }
0x49: {  	_ =	swait.ge [sflag:s20], $0x5000  }
0x4a: {  	[sflag:s20] =	ssyncset.done $0x0  }
0x4b: {  	[sflag:s20] =	ssyncadd.s32 $0xFFFFB000  }
0x4c: {  	_ =	swait.ge [sflag:s21], $0x5000  }
0x4d: {  	[sflag:s21] =	ssyncset.done $0x0  }
0x4e: {  	[sflag:s21] =	ssyncadd.s32 $0xFFFFB000  }
0x4f: {  	_ =	swait.ge [sflag:s22], $0x280  }
0x50: {  	[sflag:s22] =	ssyncset.done $0x0  }
0x51: {  	[sflag:s22] =	ssyncadd.s32 $0xFFFFFD80  }
0x52: {  	v0 =	vld [tilespmem:s29+$0x0];
	_ =	sdelay $0x4  }
0x53: {  	(v2sf) =	vpush v0, $0x0;
	_ =	sdelay $0x5  }
0x54: {  	s6 =	simm.s32 $0x0  }
0x55: {  	v1 =	vld [tilespmem:s6+$0xF000]  }
0x56: {  	v2 =	vld [tilespmem:s6+$0xA000];
	_ =	sdelay $0x1  }
0x57: {  	v3 =	vld [tilespmem:s6+$0xF010]  }
0x58: {  	v4 =	vld [tilespmem:s6+$0xA010];
	_ =	sdelay $0x1  }
0x59: {  	v5 =	vbroadcast v0, $0x0;
	v1 =	vadd.f32 v1, v2  }
0x5a: {  	(v2sf) =	vpush v0, $0x1  }
0x5b: {  	v1 =	vmul.f32 v1, v5;
	s10 =	spop (v2sf)  }
0x5c: {  	v2 =	vadd.f32 v3, v4;
	s0 =	smul.f32 s10, s10  }
0x5d: {  	v1 =	vsub.f32 $0.0e+00, v1  }
0x5e: {  	s15 =	simm.s32 $0x14300;
	v2 =	vmul.f32 s0, v2  }
0x5f: {  	s5 =	simm.s32 $0x16B00;
	[tilespmem:s15+$0xFFFFFF80] =	vst v1  }
0x60: {  	[tilespmem:s5+$0xFFFFFF80] =	vst v2  }
0x61: {  	v1 =	vld [tilespmem:s6+$0xA020]  }
0x62: {  	v2 =	vld [tilespmem:s6+$0xF020];
	_ =	sdelay $0x1  }
0x63: {  	v3 =	vld [tilespmem:s6+$0xF030]  }
0x64: {  	v4 =	vld [tilespmem:s6+$0xA030];
	_ =	sdelay $0x1  }
0x65: {  	v1 =	vadd.f32 v2, v1;
	v2 =	vbroadcast v0, $0x1  }
0x66: {  	(v2sf) =	vpush v0, $0x2  }
0x67: {  	s11 =	spop (v2sf);
	v1 =	vmul.f32 v1, v2  }
0x68: {  	s0 =	smul.f32 s11, s11;
	v2 =	vadd.f32 v3, v4  }
0x69: {  	v1 =	vsub.f32 $0.0e+00, v1  }
0x6a: {  	v2 =	vmul.f32 s0, v2  }
0x6b: {  	[tilespmem:s15+$0xFFFFFF90] =	vst v1  }
0x6c: {  	[tilespmem:s5+$0xFFFFFF90] =	vst v2  }
0x6d: {  	v1 =	vld [tilespmem:s6+$0xA040]  }
0x6e: {  	v2 =	vld [tilespmem:s6+$0xF040];
	_ =	sdelay $0x1  }
0x6f: {  	v3 =	vld [tilespmem:s6+$0xA050]  }
0x70: {  	v4 =	vld [tilespmem:s6+$0xF050];
	_ =	sdelay $0x1  }
0x71: {  	v1 =	vadd.f32 v2, v1;
	v2 =	vbroadcast v0, $0x2  }
0x72: {  	(v2sf) =	vpush v0, $0x3  }
0x73: {  	s12 =	spop (v2sf);
	v1 =	vmul.f32 v1, v2  }
0x74: {  	s0 =	smul.f32 s12, s12;
	v2 =	vadd.f32 v4, v3  }
0x75: {  	v1 =	vsub.f32 $0.0e+00, v1  }
0x76: {  	v2 =	vmul.f32 s0, v2  }
0x77: {  	[tilespmem:s15+$0xFFFFFFA0] =	vst v1  }
0x78: {  	[tilespmem:s5+$0xFFFFFFA0] =	vst v2  }
0x79: {  	v1 =	vld [tilespmem:s6+$0xA060]  }
0x7a: {  	v2 =	vld [tilespmem:s6+$0xF060];
	_ =	sdelay $0x1  }
0x7b: {  	v3 =	vld [tilespmem:s6+$0xF070]  }
0x7c: {  	v4 =	vld [tilespmem:s6+$0xA070];
	_ =	sdelay $0x1  }
0x7d: {  	v1 =	vadd.f32 v2, v1;
	v2 =	vbroadcast v0, $0x3  }
0x7e: {  	(v2sf) =	vpush v0, $0x4  }
0x7f: {  	s13 =	spop (v2sf);
	v1 =	vmul.f32 v1, v2  }
0x80: {  	s0 =	smul.f32 s13, s13;
	v2 =	vadd.f32 v3, v4  }
0x81: {  	v1 =	vsub.f32 $0.0e+00, v1  }
0x82: {  	v2 =	vmul.f32 s0, v2  }
0x83: {  	[tilespmem:s15+$0xFFFFFFB0] =	vst v1  }
0x84: {  	[tilespmem:s5+$0xFFFFFFB0] =	vst v2  }
0x85: {  	v1 =	vld [tilespmem:s6+$0xA080]  }
0x86: {  	v2 =	vld [tilespmem:s6+$0xF080];
	_ =	sdelay $0x1  }
0x87: {  	v3 =	vld [tilespmem:s6+$0xF090]  }
0x88: {  	v4 =	vld [tilespmem:s6+$0xA090];
	_ =	sdelay $0x1  }
0x89: {  	v1 =	vadd.f32 v2, v1;
	v2 =	vbroadcast v0, $0x4  }
0x8a: {  	(v2sf) =	vpush v0, $0x5  }
0x8b: {  	s14 =	spop (v2sf);
	v1 =	vmul.f32 v1, v2  }
0x8c: {  	s0 =	smul.f32 s14, s14;
	v2 =	vadd.f32 v3, v4  }
0x8d: {  	v1 =	vsub.f32 $0.0e+00, v1  }
0x8e: {  	v2 =	vmul.f32 s0, v2  }
0x8f: {  	[tilespmem:s15+$0xFFFFFFC0] =	vst v1  }
0x90: {  	[tilespmem:s5+$0xFFFFFFC0] =	vst v2  }
0x91: {  	v1 =	vld [tilespmem:s6+$0xA0A0]  }
0x92: {  	v2 =	vld [tilespmem:s6+$0xF0A0];
	_ =	sdelay $0x1  }
0x93: {  	v3 =	vld [tilespmem:s6+$0xA0B0]  }
0x94: {  	v4 =	vld [tilespmem:s6+$0xF0B0];
	_ =	sdelay $0x1  }
0x95: {  	v1 =	vadd.f32 v2, v1;
	v2 =	vbroadcast v0, $0x5  }
0x96: {  	(v2sf) =	vpush v0, $0x6  }
0x97: {  	s18 =	spop (v2sf);
	v1 =	vmul.f32 v1, v2  }
0x98: {  	s0 =	smul.f32 s18, s18;
	v2 =	vadd.f32 v4, v3  }
0x99: {  	v1 =	vsub.f32 $0.0e+00, v1  }
0x9a: {  	v2 =	vmul.f32 s0, v2  }
0x9b: {  	[tilespmem:s15+$0xFFFFFFD0] =	vst v1  }
0x9c: {  	[tilespmem:s5+$0xFFFFFFD0] =	vst v2  }
0x9d: {  	v1 =	vld [tilespmem:s6+$0xA0C0]  }
0x9e: {  	v2 =	vld [tilespmem:s6+$0xF0C0];
	_ =	sdelay $0x1  }
0x9f: {  	v3 =	vld [tilespmem:s6+$0xA0D0]  }
0xa0: {  	v4 =	vld [tilespmem:s6+$0xF0D0];
	_ =	sdelay $0x1  }
0xa1: {  	v1 =	vadd.f32 v2, v1;
	v2 =	vbroadcast v0, $0x6  }
0xa2: {  	(v2sf) =	vpush v0, $0x7  }
0xa3: {  	s19 =	spop (v2sf);
	v1 =	vmul.f32 v1, v2  }
0xa4: {  	s0 =	smul.f32 s19, s19;
	v2 =	vadd.f32 v4, v3  }
0xa5: {  	v1 =	vsub.f32 $0.0e+00, v1  }
0xa6: {  	v2 =	vmul.f32 s0, v2  }
0xa7: {  	[tilespmem:s15+$0xFFFFFFE0] =	vst v1  }
0xa8: {  	[tilespmem:s5+$0xFFFFFFE0] =	vst v2  }
0xa9: {  	v1 =	vld [tilespmem:s6+$0xF0E0]  }
0xaa: {  	v2 =	vld [tilespmem:s6+$0xA0E0];
	_ =	sdelay $0x1  }
0xab: {  	v3 =	vld [tilespmem:s6+$0xF0F0]  }
0xac: {  	v4 =	vld [tilespmem:s6+$0xA0F0];
	_ =	sdelay $0x1  }
0xad: {  	v1 =	vadd.f32 v1, v2;
	v2 =	vbroadcast v0, $0x7  }
0xae: {  	(v2sf) =	vpush v0, $0x8  }
0xaf: {  	s23 =	spop (v2sf);
	v1 =	vmul.f32 v1, v2  }
0xb0: {  	s0 =	smul.f32 s23, s23;
	v2 =	vadd.f32 v3, v4  }
0xb1: {  	v1 =	vsub.f32 $0.0e+00, v1  }
0xb2: {  	v2 =	vmul.f32 s0, v2  }
0xb3: {  	[tilespmem:s15+$0xFFFFFFF0] =	vst v1  }
0xb4: {  	[tilespmem:s5+$0xFFFFFFF0] =	vst v2  }
0xb5: {  	v1 =	vld [tilespmem:s6+$0xA100]  }
0xb6: {  	v2 =	vld [tilespmem:s6+$0xF100];
	_ =	sdelay $0x1  }
0xb7: {  	v3 =	vld [tilespmem:s6+$0xA110]  }
0xb8: {  	v4 =	vld [tilespmem:s6+$0xF110];
	_ =	sdelay $0x1  }
0xb9: {  	v1 =	vadd.f32 v2, v1;
	v2 =	vbroadcast v0, $0x8  }
0xba: {  	(v2sf) =	vpush v0, $0x9  }
0xbb: {  	s24 =	spop (v2sf);
	v1 =	vmul.f32 v1, v2  }
0xbc: {  	s0 =	smul.f32 s24, s24;
	v2 =	vadd.f32 v4, v3  }
0xbd: {  	v1 =	vsub.f32 $0.0e+00, v1  }
0xbe: {  	v2 =	vmul.f32 s0, v2  }
0xbf: {  	[tilespmem:s15+$0x0] =	vst v1  }
0xc0: {  	[tilespmem:s5+$0x0] =	vst v2  }
0xc1: {  	v1 =	vld [tilespmem:s6+$0xA120]  }
0xc2: {  	v2 =	vld [tilespmem:s6+$0xF120];
	_ =	sdelay $0x1  }
0xc3: {  	v3 =	vld [tilespmem:s6+$0xA130]  }
0xc4: {  	v4 =	vld [tilespmem:s6+$0xF130];
	_ =	sdelay $0x1  }
0xc5: {  	v1 =	vadd.f32 v2, v1;
	v2 =	vbroadcast v0, $0x9  }
0xc6: {  	(v2sf) =	vpush v0, $0xA  }
0xc7: {  	s26 =	spop (v2sf);
	v1 =	vmul.f32 v1, v2  }
0xc8: {  	s0 =	smul.f32 s26, s26;
	v2 =	vadd.f32 v4, v3  }
0xc9: {  	v1 =	vsub.f32 $0.0e+00, v1  }
0xca: {  	v2 =	vmul.f32 s0, v2  }
0xcb: {  	[tilespmem:s15+$0x10] =	vst v1  }
0xcc: {  	[tilespmem:s5+$0x10] =	vst v2  }
0xcd: {  	v1 =	vld [tilespmem:s6+$0xF140]  }
0xce: {  	v2 =	vld [tilespmem:s6+$0xA140];
	_ =	sdelay $0x1  }
0xcf: {  	v3 =	vld [tilespmem:s6+$0xA150]  }
0xd0: {  	v4 =	vld [tilespmem:s6+$0xF150];
	_ =	sdelay $0x1  }
0xd1: {  	v1 =	vadd.f32 v1, v2;
	v2 =	vbroadcast v0, $0xA  }
0xd2: {  	(v2sf) =	vpush v0, $0xB  }
0xd3: {  	s28 =	spop (v2sf);
	v1 =	vmul.f32 v1, v2  }
0xd4: {  	s0 =	smul.f32 s28, s28;
	v2 =	vadd.f32 v4, v3  }
0xd5: {  	v1 =	vsub.f32 $0.0e+00, v1  }
0xd6: {  	v2 =	vmul.f32 s0, v2  }
0xd7: {  	[tilespmem:s15+$0x20] =	vst v1  }
0xd8: {  	[tilespmem:s5+$0x20] =	vst v2  }
0xd9: {  	v1 =	vld [tilespmem:s6+$0xA160]  }
0xda: {  	v2 =	vld [tilespmem:s6+$0xF160];
	_ =	sdelay $0x1  }
0xdb: {  	v3 =	vld [tilespmem:s6+$0xA170]  }
0xdc: {  	v4 =	vld [tilespmem:s6+$0xF170];
	_ =	sdelay $0x1  }
0xdd: {  	v1 =	vadd.f32 v2, v1;
	v2 =	vbroadcast v0, $0xB  }
0xde: {  	(v2sf) =	vpush v0, $0xC  }
0xdf: {  	s30 =	spop (v2sf);
	v1 =	vmul.f32 v1, v2  }
0xe0: {  	s0 =	smul.f32 s30, s30;
	v2 =	vadd.f32 v4, v3  }
0xe1: {  	v1 =	vsub.f32 $0.0e+00, v1  }
0xe2: {  	v2 =	vmul.f32 s0, v2  }
0xe3: {  	[tilespmem:s15+$0x30] =	vst v1  }
0xe4: {  	[tilespmem:s5+$0x30] =	vst v2  }
0xe5: {  	v1 =	vld [tilespmem:s6+$0xA180]  }
0xe6: {  	v2 =	vld [tilespmem:s6+$0xF180];
	_ =	sdelay $0x1  }
0xe7: {  	(v2sf) =	vpush v0, $0xD;
	v3 =	vld [tilespmem:s6+$0xA190]  }
0xe8: {  	(v2sf) =	vpush v0, $0xE;
	v4 =	vld [tilespmem:s6+$0xF190]  }
0xe9: {  	(v2sf) =	vpush v0, $0xF  }
0xea: {  	v1 =	vadd.f32 v2, v1;
	v2 =	vbroadcast v0, $0xC;
	_ =	sdelay $0x1  }
0xeb: {  	s31 =	spop (v2sf);
	v1 =	vmul.f32 v1, v2  }
0xec: {  	s0 =	smul.f32 s31, s31;
	v2 =	vadd.f32 v4, v3  }
0xed: {  	v1 =	vsub.f32 $0.0e+00, v1  }
0xee: {  	v2 =	vmul.f32 s0, v2  }
0xef: {  	[tilespmem:s15+$0x40] =	vst v1  }
0xf0: {  	[tilespmem:s5+$0x40] =	vst v2  }
0xf1: {  	v3 =	vld [tilespmem:s6+$0xA1A0]  }
0xf2: {  	v4 =	vld [tilespmem:s6+$0xF1A0]  }
0xf3: {  	v1 =	vld [tilespmem:s6+$0xA1B0]  }
0xf4: {  	v2 =	vld [tilespmem:s6+$0xF1B0]  }
0xf5: {  	s13 =	spop (v2sf)  }
0xf6: {  	s7 =	simm.s32 $0x14300;
	s11 =	spop (v2sf)  }
0xf7: {  	s8 =	simm.s32 $0x16B00;
	s9 =	simm.s32 $0x800;
	s10 =	spop (v2sf);
	v3 =	vadd.f32 v4, v3;
	v4 =	vbroadcast v0, $0xD  }
.LBB2_2:
0xf8: {  	s29 =	sadd.s32 $0x10, s29;
	s15 =	sadd.s32 $0x100, s15;
	s5 =	sadd.s32 $0x100, s5  }
0xf9: {  	p1 =	sne.s32 s9, $0x13800;
	s0 =	smov.u32 s9;
	s9 =	sadd.s32 $0x800, s9;
	v1 =	vadd.f32 v2, v1;
	v2 =	vmul.f32 v3, v4  }
0xfa: {  	s4 =	smul.f32 s13, s13  }
0xfb: {  	v2 =	vsub.f32 $0.0e+00, v2  }
0xfc: {  	v1 =	vmul.f32 s4, v1  }
0xfd: {  	[tilespmem:s7+$0x50] =	vst v2  }
0xfe: {  	[tilespmem:s8+$0x50] =	vst v1  }
0xff: {  	v1 =	vld [tilespmem:s6+$0xA1C0]  }
0x100: {  	v2 =	vld [tilespmem:s6+$0xF1C0]  }
0x101: {  	v3 =	vld [tilespmem:s6+$0xA1D0]  }
0x102: {  	v4 =	vld [tilespmem:s6+$0xF1D0];
	_ =	sdelay $0x2  }
0x103: {  	v1 =	vadd.f32 v2, v1;
	v2 =	vbroadcast v0, $0xE;
	_ =	sdelay $0x1  }
0x104: {  	v3 =	vadd.f32 v4, v3;
	v1 =	vmul.f32 v1, v2  }
0x105: {  	s4 =	smul.f32 s11, s11  }
0x106: {  	v1 =	vsub.f32 $0.0e+00, v1  }
0x107: {  	v2 =	vmul.f32 s4, v3  }
0x108: {  	[tilespmem:s7+$0x60] =	vst v1  }
0x109: {  	[tilespmem:s8+$0x60] =	vst v2  }
0x10a: {  	v1 =	vld [tilespmem:s6+$0xA1E0]  }
0x10b: {  	v2 =	vld [tilespmem:s6+$0xF1E0]  }
0x10c: {  	v3 =	vld [tilespmem:s6+$0xA1F0]  }
0x10d: {  	v4 =	vld [tilespmem:s6+$0xF1F0];
	_ =	sdelay $0x2  }
0x10e: {  	v0 =	vbroadcast v0, $0xF;
	v1 =	vadd.f32 v2, v1;
	_ =	sdelay $0x1  }
0x10f: {  	v2 =	vadd.f32 v4, v3;
	v0 =	vmul.f32 v1, v0  }
0x110: {  	s4 =	smul.f32 s10, s10  }
0x111: {  	v0 =	vsub.f32 $0.0e+00, v0  }
0x112: {  	v1 =	vmul.f32 s4, v2  }
0x113: {  	[tilespmem:s7+$0x70] =	vst v0;
	s7 =	smov.u32 s15  }
0x114: {  	[tilespmem:s8+$0x70] =	vst v1;
	s8 =	smov.u32 s5  }
0x115: {  	v0 =	vld [tilespmem:s29+$0x0];
	_ =	sdelay $0x4  }
0x116: {  	v1 =	vbroadcast v0, $0x0;
	(v2sf) =	vpush v0, $0x0  }
0x117: {  	(v2sf) =	vpush v0, $0x1  }
0x118: {  	(v2sf) =	vpush v0, $0x2  }
0x119: {  	(v2sf) =	vpush v0, $0x3  }
0x11a: {  	(v2sf) =	vpush v0, $0x4  }
0x11b: {  	(v2sf) =	vpush v0, $0x5  }
0x11c: {  	s6 =	sshra.s32 s0, $0x2;
	(v2sf) =	vpush v0, $0x6  }
0x11d: {  	v2 =	vld [tilespmem:s6+$0xF000];
	(v2sf) =	vpush v0, $0x7  }
0x11e: {  	v3 =	vld [tilespmem:s6+$0xA000];
	(v2sf) =	vpush v0, $0x8  }
0x11f: {  	(v2sf) =	vpush v0, $0x9  }
0x120: {  	v4 =	vld [tilespmem:s6+$0xF010];
	(v2sf) =	vpush v0, $0xA  }
0x121: {  	v5 =	vld [tilespmem:s6+$0xA010];
	(v2sf) =	vpush v0, $0xB  }
0x122: {  	(v2sf) =	vpush v0, $0xC  }
0x123: {  	v2 =	vadd.f32 v2, v3;
	(v2sf) =	vpush v0, $0xD  }
0x124: {  	(v2sf) =	vpush v0, $0xE  }
0x125: {  	v1 =	vmul.f32 v2, v1;
	s0 =	spop (v2sf);
	(v2sf) =	vpush v0, $0xF  }
0x126: {  	v2 =	vadd.f32 v4, v5;
	s0 =	smul.f32 s0, s0;
	s10 =	spop (v2sf)  }
0x127: {  	v1 =	vsub.f32 $0.0e+00, v1;
	s18 =	spop (v2sf)  }
0x128: {  	v2 =	vmul.f32 s0, v2;
	s0 =	spop (v2sf)  }
0x129: {  	[tilespmem:s15+$0xFFFFFF80] =	vst v1;
	s30 =	spop (v2sf)  }
0x12a: {  	[tilespmem:s5+$0xFFFFFF80] =	vst v2;
	s28 =	spop (v2sf)  }
0x12b: {  	v1 =	vld [tilespmem:s6+$0xA020];
	s26 =	spop (v2sf)  }
0x12c: {  	v2 =	vld [tilespmem:s6+$0xF020];
	s24 =	spop (v2sf)  }
0x12d: {  	v3 =	vld [tilespmem:s6+$0xF030];
	s31 =	spop (v2sf)  }
0x12e: {  	v4 =	vld [tilespmem:s6+$0xA030];
	s4 =	spop (v2sf)  }
0x12f: {  	s23 =	spop (v2sf)  }
0x130: {  	s12 =	spop (v2sf)  }
0x131: {  	v1 =	vadd.f32 v2, v1;
	v2 =	vbroadcast v0, $0x1;
	s14 =	spop (v2sf)  }
0x132: {  	s13 =	spop (v2sf)  }
0x133: {  	s19 =	smul.f32 s10, s10;
	v3 =	vadd.f32 v3, v4;
	v1 =	vmul.f32 v1, v2;
	s11 =	spop (v2sf)  }
0x134: {  	s10 =	spop (v2sf)  }
0x135: {  	v1 =	vsub.f32 $0.0e+00, v1;
	v2 =	vmul.f32 s19, v3;
	_ =	sdelay $0x1  }
0x136: {  	[tilespmem:s15+$0xFFFFFF90] =	vst v1  }
0x137: {  	[tilespmem:s5+$0xFFFFFF90] =	vst v2  }
0x138: {  	v1 =	vld [tilespmem:s6+$0xA050]  }
0x139: {  	v2 =	vld [tilespmem:s6+$0xA040]  }
0x13a: {  	v3 =	vld [tilespmem:s6+$0xF040]  }
0x13b: {  	v4 =	vld [tilespmem:s6+$0xF050];
	_ =	sdelay $0x3  }
0x13c: {  	v2 =	vadd.f32 v3, v2;
	v3 =	vbroadcast v0, $0x2  }
0x13d: {  	v1 =	vadd.f32 v4, v1  }
0x13e: {  	v2 =	vmul.f32 v2, v3  }
0x13f: {  	s18 =	smul.f32 s18, s18  }
0x140: {  	v2 =	vsub.f32 $0.0e+00, v2  }
0x141: {  	v1 =	vmul.f32 s18, v1  }
0x142: {  	[tilespmem:s15+$0xFFFFFFA0] =	vst v2  }
0x143: {  	[tilespmem:s5+$0xFFFFFFA0] =	vst v1  }
0x144: {  	v1 =	vld [tilespmem:s6+$0xA060]  }
0x145: {  	v2 =	vld [tilespmem:s6+$0xF060];
	_ =	sdelay $0x1  }
0x146: {  	v3 =	vld [tilespmem:s6+$0xF070]  }
0x147: {  	v4 =	vld [tilespmem:s6+$0xA070];
	_ =	sdelay $0x1  }
0x148: {  	v1 =	vadd.f32 v2, v1;
	v2 =	vbroadcast v0, $0x3;
	_ =	sdelay $0x1  }
0x149: {  	v1 =	vmul.f32 v1, v2  }
0x14a: {  	s0 =	smul.f32 s0, s0;
	v2 =	vadd.f32 v3, v4  }
0x14b: {  	v1 =	vsub.f32 $0.0e+00, v1  }
0x14c: {  	v2 =	vmul.f32 s0, v2  }
0x14d: {  	[tilespmem:s15+$0xFFFFFFB0] =	vst v1  }
0x14e: {  	[tilespmem:s5+$0xFFFFFFB0] =	vst v2  }
0x14f: {  	v1 =	vld [tilespmem:s6+$0xA080]  }
0x150: {  	v2 =	vld [tilespmem:s6+$0xF080];
	_ =	sdelay $0x1  }
0x151: {  	v3 =	vld [tilespmem:s6+$0xF090]  }
0x152: {  	v4 =	vld [tilespmem:s6+$0xA090];
	_ =	sdelay $0x1  }
0x153: {  	v1 =	vadd.f32 v2, v1;
	v2 =	vbroadcast v0, $0x4;
	_ =	sdelay $0x1  }
0x154: {  	v1 =	vmul.f32 v1, v2  }
0x155: {  	s0 =	smul.f32 s30, s30;
	v2 =	vadd.f32 v3, v4  }
0x156: {  	v1 =	vsub.f32 $0.0e+00, v1  }
0x157: {  	v2 =	vmul.f32 s0, v2  }
0x158: {  	[tilespmem:s15+$0xFFFFFFC0] =	vst v1  }
0x159: {  	[tilespmem:s5+$0xFFFFFFC0] =	vst v2  }
0x15a: {  	v1 =	vld [tilespmem:s6+$0xA0A0]  }
0x15b: {  	v2 =	vld [tilespmem:s6+$0xF0A0];
	_ =	sdelay $0x1  }
0x15c: {  	v3 =	vld [tilespmem:s6+$0xA0B0]  }
0x15d: {  	v4 =	vld [tilespmem:s6+$0xF0B0];
	_ =	sdelay $0x1  }
0x15e: {  	v1 =	vadd.f32 v2, v1;
	v2 =	vbroadcast v0, $0x5;
	_ =	sdelay $0x1  }
0x15f: {  	v1 =	vmul.f32 v1, v2  }
0x160: {  	s0 =	smul.f32 s28, s28;
	v2 =	vadd.f32 v4, v3  }
0x161: {  	v1 =	vsub.f32 $0.0e+00, v1  }
0x162: {  	v2 =	vmul.f32 s0, v2  }
0x163: {  	[tilespmem:s15+$0xFFFFFFD0] =	vst v1  }
0x164: {  	[tilespmem:s5+$0xFFFFFFD0] =	vst v2  }
0x165: {  	v1 =	vld [tilespmem:s6+$0xA0C0]  }
0x166: {  	v2 =	vld [tilespmem:s6+$0xF0C0]  }
0x167: {  	v3 =	vld [tilespmem:s6+$0xA0D0]  }
0x168: {  	v4 =	vld [tilespmem:s6+$0xF0D0];
	_ =	sdelay $0x2  }
0x169: {  	v1 =	vadd.f32 v2, v1;
	v2 =	vbroadcast v0, $0x6;
	_ =	sdelay $0x1  }
0x16a: {  	v3 =	vadd.f32 v4, v3;
	v1 =	vmul.f32 v1, v2  }
0x16b: {  	s0 =	smul.f32 s26, s26  }
0x16c: {  	v1 =	vsub.f32 $0.0e+00, v1  }
0x16d: {  	v2 =	vmul.f32 s0, v3  }
0x16e: {  	[tilespmem:s15+$0xFFFFFFE0] =	vst v1  }
0x16f: {  	[tilespmem:s5+$0xFFFFFFE0] =	vst v2  }
0x170: {  	v1 =	vld [tilespmem:s6+$0xF0F0]  }
0x171: {  	v2 =	vld [tilespmem:s6+$0xF0E0]  }
0x172: {  	v3 =	vld [tilespmem:s6+$0xA0E0]  }
0x173: {  	v4 =	vld [tilespmem:s6+$0xA0F0];
	_ =	sdelay $0x3  }
0x174: {  	v2 =	vadd.f32 v2, v3;
	v3 =	vbroadcast v0, $0x7  }
0x175: {  	v1 =	vadd.f32 v1, v4  }
0x176: {  	v2 =	vmul.f32 v2, v3  }
0x177: {  	s0 =	smul.f32 s24, s24  }
0x178: {  	v2 =	vsub.f32 $0.0e+00, v2  }
0x179: {  	v1 =	vmul.f32 s0, v1  }
0x17a: {  	[tilespmem:s15+$0xFFFFFFF0] =	vst v2  }
0x17b: {  	[tilespmem:s5+$0xFFFFFFF0] =	vst v1  }
0x17c: {  	v1 =	vld [tilespmem:s6+$0xA100]  }
0x17d: {  	v2 =	vld [tilespmem:s6+$0xF100]  }
0x17e: {  	v3 =	vld [tilespmem:s6+$0xA110]  }
0x17f: {  	v4 =	vld [tilespmem:s6+$0xF110];
	_ =	sdelay $0x2  }
0x180: {  	v1 =	vadd.f32 v2, v1;
	v2 =	vbroadcast v0, $0x8;
	_ =	sdelay $0x1  }
0x181: {  	v3 =	vadd.f32 v4, v3;
	v1 =	vmul.f32 v1, v2  }
0x182: {  	s0 =	smul.f32 s31, s31  }
0x183: {  	v1 =	vsub.f32 $0.0e+00, v1  }
0x184: {  	v2 =	vmul.f32 s0, v3  }
0x185: {  	[tilespmem:s15+$0x0] =	vst v1  }
0x186: {  	[tilespmem:s5+$0x0] =	vst v2  }
0x187: {  	v1 =	vld [tilespmem:s6+$0xA120]  }
0x188: {  	v2 =	vld [tilespmem:s6+$0xF120]  }
0x189: {  	v3 =	vld [tilespmem:s6+$0xA130]  }
0x18a: {  	v4 =	vld [tilespmem:s6+$0xF130];
	_ =	sdelay $0x2  }
0x18b: {  	v1 =	vadd.f32 v2, v1;
	v2 =	vbroadcast v0, $0x9;
	_ =	sdelay $0x1  }
0x18c: {  	v3 =	vadd.f32 v4, v3;
	v1 =	vmul.f32 v1, v2  }
0x18d: {  	s0 =	smul.f32 s4, s4  }
0x18e: {  	v1 =	vsub.f32 $0.0e+00, v1  }
0x18f: {  	v2 =	vmul.f32 s0, v3  }
0x190: {  	[tilespmem:s15+$0x10] =	vst v1  }
0x191: {  	[tilespmem:s5+$0x10] =	vst v2  }
0x192: {  	v1 =	vld [tilespmem:s6+$0xA150]  }
0x193: {  	v2 =	vld [tilespmem:s6+$0xF140]  }
0x194: {  	v3 =	vld [tilespmem:s6+$0xA140]  }
0x195: {  	v4 =	vld [tilespmem:s6+$0xF150];
	_ =	sdelay $0x3  }
0x196: {  	v2 =	vadd.f32 v2, v3;
	v3 =	vbroadcast v0, $0xA  }
0x197: {  	v1 =	vadd.f32 v4, v1  }
0x198: {  	v2 =	vmul.f32 v2, v3  }
0x199: {  	s0 =	smul.f32 s23, s23  }
0x19a: {  	v2 =	vsub.f32 $0.0e+00, v2  }
0x19b: {  	v1 =	vmul.f32 s0, v1  }
0x19c: {  	[tilespmem:s15+$0x20] =	vst v2  }
0x19d: {  	[tilespmem:s5+$0x20] =	vst v1  }
0x19e: {  	v1 =	vld [tilespmem:s6+$0xA160]  }
0x19f: {  	v2 =	vld [tilespmem:s6+$0xF160]  }
0x1a0: {  	v3 =	vld [tilespmem:s6+$0xA170]  }
0x1a1: {  	v4 =	vld [tilespmem:s6+$0xF170];
	_ =	sdelay $0x2  }
0x1a2: {  	v1 =	vadd.f32 v2, v1;
	v2 =	vbroadcast v0, $0xB;
	_ =	sdelay $0x1  }
0x1a3: {  	v3 =	vadd.f32 v4, v3;
	v1 =	vmul.f32 v1, v2  }
0x1a4: {  	s0 =	smul.f32 s12, s12  }
0x1a5: {  	v1 =	vsub.f32 $0.0e+00, v1  }
0x1a6: {  	v2 =	vmul.f32 s0, v3  }
0x1a7: {  	[tilespmem:s15+$0x30] =	vst v1  }
0x1a8: {  	[tilespmem:s5+$0x30] =	vst v2  }
0x1a9: {  	v1 =	vld [tilespmem:s6+$0xA180]  }
0x1aa: {  	v2 =	vld [tilespmem:s6+$0xF180]  }
0x1ab: {  	v3 =	vld [tilespmem:s6+$0xA190]  }
0x1ac: {  	v4 =	vld [tilespmem:s6+$0xF190];
	_ =	sdelay $0x2  }
0x1ad: {  	v1 =	vadd.f32 v2, v1;
	v2 =	vbroadcast v0, $0xC;
	_ =	sdelay $0x1  }
0x1ae: {  	v3 =	vadd.f32 v4, v3;
	v1 =	vmul.f32 v1, v2  }
0x1af: {  	s0 =	smul.f32 s14, s14  }
0x1b0: {  	v1 =	vsub.f32 $0.0e+00, v1  }
0x1b1: {  	v2 =	vmul.f32 s0, v3  }
0x1b2: {  	[tilespmem:s15+$0x40] =	vst v1  }
0x1b3: {  	[tilespmem:s5+$0x40] =	vst v2  }
0x1b4: {  	v3 =	vld [tilespmem:s6+$0xA1A0]  }
0x1b5: {  	v4 =	vld [tilespmem:s6+$0xF1A0]  }
.Ltmp2:
0x1b6: {  	v1 =	vld [tilespmem:s6+$0xA1B0];
	(pc) =	sbr.rel @p1 .LBB2_2-.Ltmp2, $2  }
0x1b7: {  	v2 =	vld [tilespmem:s6+$0xF1B0];
	_ =	sdelay $0x2  }
0x1b8: {  	v3 =	vadd.f32 v4, v3;
	v4 =	vbroadcast v0, $0xD  }
0x1b9: {  	_ = 	snop  }
0x1ba: {  	v3 =	vmul.f32 v3, v4  }
0x1bb: {  	s0 =	smul.f32 s13, s13;
	v1 =	vadd.f32 v2, v1  }
0x1bc: {  	v55 =	vsub.f32 $0.0e+00, v3  }
0x1bd: {  	v1 =	vmul.f32 s0, v1  }
0x1be: {  	[tilespmem:s7+$0x50] =	vst v55  }
0x1bf: {  	[tilespmem:s8+$0x50] =	vst v1  }
0x1c0: {  	v1 =	vld [tilespmem:s6+$0xA1C0]  }
0x1c1: {  	v2 =	vld [tilespmem:s6+$0xF1C0];
	_ =	sdelay $0x1  }
0x1c2: {  	v56 =	vld [tilespmem:s6+$0xA1D0]  }
0x1c3: {  	v57 =	vld [tilespmem:s6+$0xF1D0];
	_ =	sdelay $0x1  }
0x1c4: {  	v58 =	vbroadcast v0, $0xE;
	v1 =	vadd.f32 v2, v1;
	_ =	sdelay $0x1  }
0x1c5: {  	v1 =	vmul.f32 v1, v58  }
0x1c6: {  	s12 =	smul.f32 s11, s11;
	v59 =	vadd.f32 v57, v56  }
0x1c7: {  	v1 =	vsub.f32 $0.0e+00, v1  }
0x1c8: {  	v2 =	vmul.f32 s12, v59  }
0x1c9: {  	[tilespmem:s7+$0x60] =	vst v1  }
0x1ca: {  	[tilespmem:s8+$0x60] =	vst v2  }
0x1cb: {  	v1 =	vld [tilespmem:s6+$0xA1E0]  }
0x1cc: {  	v2 =	vld [tilespmem:s6+$0xF1E0];
	_ =	sdelay $0x1  }
0x1cd: {  	v60 =	vld [tilespmem:s6+$0xA1F0]  }
0x1ce: {  	v61 =	vld [tilespmem:s6+$0xF1F0];
	_ =	sdelay $0x1  }
0x1cf: {  	v62 =	vbroadcast v0, $0xF;
	v1 =	vadd.f32 v2, v1;
	_ =	sdelay $0x1  }
0x1d0: {  	v0 =	vmul.f32 v1, v62  }
0x1d1: {  	s13 =	smul.f32 s10, s10;
	v63 =	vadd.f32 v61, v60  }
0x1d2: {  	v0 =	vsub.f32 $0.0e+00, v0  }
0x1d3: {  	v1 =	vmul.f32 s13, v63  }
0x1d4: {  	[tilespmem:s7+$0x70] =	vst v0  }
0x1d5: {  	s14 =	rddreg [dreg:$0xa];
	s12 =	simm.s32 $0x16A80;
	s13 =	simm.s32 $0x9;
	[tilespmem:s8+$0x70] =	vst v1  }
0x1d6: {  	[spmem:s14] =	stream.linear.scatter [tilespmem:s12], [sflag:$0x9], $0x2800, $0x38;
	[tilespmem:$0x1E280] =	vst v63  }
0x1d7: {  	_ =	swait.ge [sflag:s13], $0x2800  }
0x1d8: {  	[sflag:s13] =	ssyncset.done $0x0  }
0x1d9: {  	s15 =	simm.s32 $0x0;
	s4 =	rddreg [dreg:$0x4];
	[sflag:s13] =	ssyncadd.s32 $0xFFFFD800  }
0x1da: {  	[tilespmem:s12], [sflag:$0x9] =	stream.linear.gather [hbm4b:s4+s15], $0x2800, $0x38;
	[tilespmem:$0x1E280] =	vst v63  }
0x1db: {  	_ =	swait.ge [sflag:s13], $0x2800  }
0x1dc: {  	[sflag:s13] =	ssyncset.done $0x0  }
0x1dd: {  	s7 =	rddreg [dreg:$0xb];
	[sflag:s13] =	ssyncadd.s32 $0xFFFFD800  }
0x1de: {  	[spmem:s7] =	stream.linear.scatter [tilespmem:s12], [sflag:$0x9], $0x2800, $0x38;
	[tilespmem:$0x1E280] =	vst v63  }
0x1df: {  	_ =	swait.ge [sflag:s13], $0x2800  }
0x1e0: {  	[sflag:s13] =	ssyncset.done $0x0  }
0x1e1: {  	[sflag:s13] =	ssyncadd.s32 $0xFFFFD800  }
0x1e2: {  	s6 =	simm.s32 $0x5000;
	[bflag:$0x0] =	sbarrier.arrive $0xFFFF  }
0x1e3: {  	[tilespmem:s6], [sflag:$0x1] =	stream.indirect.gather [spmem:s2], $0x10, s15, s25, $0xb8;
	[tilespmem:$0x1E280] =	vst v63  }
0x1e4: {  	s11 =	simm.s32 $0x6400  }
0x1e5: {  	[tilespmem:s11], [sflag:$0x2] =	stream.indirect.gather [spmem:s2], $0x10, s25, s25, $0xb8;
	[tilespmem:$0x1E280] =	vst v63  }
0x1e6: {  	s18 =	simm.s32 $0x280;
	s14 =	simm.s32 $0x7800  }
0x1e7: {  	[tilespmem:s14], [sflag:$0x3] =	stream.indirect.gather [spmem:s2], $0x10, s18, s25, $0xb8;
	[tilespmem:$0x1E280] =	vst v63  }
0x1e8: {  	s19 =	simm.s32 $0x3C0;
	s9 =	simm.s32 $0x1;
	s15 =	simm.s32 $0x8C00  }
0x1e9: {  	[tilespmem:s15], [sflag:$0x4] =	stream.indirect.gather [spmem:s2], $0x10, s19, s25, $0xb8;
	[tilespmem:$0x1E280] =	vst v63  }
0x1ea: {  	_ =	swait.ge [sflag:s9], $0x1400  }
0x1eb: {  	[sflag:s9] =	ssyncset.done $0x0  }
0x1ec: {  	s8 =	simm.s32 $0x2800;
	[sflag:s9] =	ssyncadd.s32 $0xFFFFEC00  }
0x1ed: {  	[spmem:s3] =	stream.indirect.scatter.add.f32 [tilespmem:s6], [sflag:$0x5], $0x10, s8, s25, $0xb8;
	[tilespmem:$0x1E280] =	vst v63  }
0x1ee: {  	_ =	swait.ge [sflag:s22], $0x1400  }
0x1ef: {  	[sflag:s22] =	ssyncset.done $0x0  }
0x1f0: {  	s23 =	simm.s32 $0x500;
	s10 =	simm.s32 $0x2;
	[sflag:s22] =	ssyncadd.s32 $0xFFFFEC00  }
0x1f1: {  	[tilespmem:s6], [sflag:$0x1] =	stream.indirect.gather [spmem:s2], $0x10, s23, s25, $0xb8;
	[tilespmem:$0x1E280] =	vst v63  }
0x1f2: {  	_ =	swait.ge [sflag:s10], $0x1400  }
0x1f3: {  	[sflag:s10] =	ssyncset.done $0x0  }
0x1f4: {  	s24 =	simm.s32 $0x2940;
	[sflag:s10] =	ssyncadd.s32 $0xFFFFEC00  }
0x1f5: {  	[spmem:s3] =	stream.indirect.scatter.add.f32 [tilespmem:s11], [sflag:$0x6], $0x10, s24, s25, $0xb8;
	[tilespmem:$0x1E280] =	vst v63  }
0x1f6: {  	_ =	swait.ge [sflag:s1], $0x1400  }
0x1f7: {  	[sflag:s1] =	ssyncset.done $0x0  }
0x1f8: {  	s26 =	simm.s32 $0x640;
	[sflag:s1] =	ssyncadd.s32 $0xFFFFEC00  }
0x1f9: {  	[tilespmem:s11], [sflag:$0x2] =	stream.indirect.gather [spmem:s2], $0x10, s26, s25, $0xb8;
	[tilespmem:$0x1E280] =	vst v63  }
0x1fa: {  	_ =	swait.ge [sflag:s20], $0x1400  }
0x1fb: {  	[sflag:s20] =	ssyncset.done $0x0  }
0x1fc: {  	s28 =	simm.s32 $0x2A80;
	[sflag:s20] =	ssyncadd.s32 $0xFFFFEC00  }
0x1fd: {  	[spmem:s3] =	stream.indirect.scatter.add.f32 [tilespmem:s14], [sflag:$0x7], $0x10, s28, s25, $0xb8;
	[tilespmem:$0x1E280] =	vst v63  }
0x1fe: {  	_ =	swait.ge [sflag:s16], $0x1400  }
0x1ff: {  	[sflag:s16] =	ssyncset.done $0x0  }
0x200: {  	s29 =	simm.s32 $0x780;
	[sflag:s16] =	ssyncadd.s32 $0xFFFFEC00  }
0x201: {  	[tilespmem:s14], [sflag:$0x3] =	stream.indirect.gather [spmem:s2], $0x10, s29, s25, $0xb8;
	[tilespmem:$0x1E280] =	vst v63  }
0x202: {  	_ =	swait.ge [sflag:s21], $0x1400  }
0x203: {  	[sflag:s21] =	ssyncset.done $0x0  }
0x204: {  	s30 =	simm.s32 $0x2BC0;
	[sflag:s21] =	ssyncadd.s32 $0xFFFFEC00  }
0x205: {  	[spmem:s3] =	stream.indirect.scatter.add.f32 [tilespmem:s15], [sflag:$0x8], $0x10, s30, s25, $0xb8;
	[tilespmem:$0x1E280] =	vst v63  }
0x206: {  	_ =	swait.ge [sflag:s17], $0x1400  }
0x207: {  	[sflag:s17] =	ssyncset.done $0x0  }
0x208: {  	s31 =	simm.s32 $0x8C0;
	[sflag:s17] =	ssyncadd.s32 $0xFFFFEC00  }
0x209: {  	[tilespmem:s15], [sflag:$0x4] =	stream.indirect.gather [spmem:s2], $0x10, s31, s25, $0xb8;
	[tilespmem:$0x1E280] =	vst v63  }
0x20a: {  	_ =	swait.ge [sflag:s9], $0x1400  }
0x20b: {  	[sflag:s9] =	ssyncset.done $0x0  }
0x20c: {  	s0 =	simm.s32 $0x1400;
	s4 =	simm.s32 $0x2D00;
	[sflag:s9] =	ssyncadd.s32 $0xFFFFEC00  }
.LBB2_4:
0x20d: {  	[spmem:s3] =	stream.indirect.scatter.add.f32 [tilespmem:s6], [sflag:$0x5], $0x10, s4, s25, $0xb8;
	[tilespmem:$0x1E280] =	vst v63  }
0x20e: {  	s4 =	smov.u32 s0  }
0x20f: {  	p1 =	sne.s32 s0, $0x7800;
	s0 =	sadd.s32 $0x1400, s0;
	_ =	swait.ge [sflag:s22], $0x1400  }
0x210: {  	s4 =	sshra.s32 s4, $0x2;
	[sflag:s22] =	ssyncset.done $0x0  }
0x211: {  	s5 =	sadd.s32 $0x500, s4;
	[sflag:s22] =	ssyncadd.s32 $0xFFFFEC00  }
0x212: {  	[tilespmem:s6], [sflag:$0x1] =	stream.indirect.gather [spmem:s2], $0x10, s5, s25, $0xb8;
	[tilespmem:$0x1E280] =	vst v63  }
0x213: {  	_ =	swait.ge [sflag:s10], $0x1400  }
0x214: {  	[sflag:s10] =	ssyncset.done $0x0  }
0x215: {  	s5 =	sadd.s32 $0x2940, s4;
	[sflag:s10] =	ssyncadd.s32 $0xFFFFEC00  }
0x216: {  	[spmem:s3] =	stream.indirect.scatter.add.f32 [tilespmem:s11], [sflag:$0x6], $0x10, s5, s25, $0xb8;
	[tilespmem:$0x1E280] =	vst v63  }
0x217: {  	_ =	swait.ge [sflag:s1], $0x1400  }
0x218: {  	[sflag:s1] =	ssyncset.done $0x0  }
0x219: {  	s5 =	sadd.s32 $0x640, s4;
	[sflag:s1] =	ssyncadd.s32 $0xFFFFEC00  }
0x21a: {  	[tilespmem:s11], [sflag:$0x2] =	stream.indirect.gather [spmem:s2], $0x10, s5, s25, $0xb8;
	[tilespmem:$0x1E280] =	vst v63  }
0x21b: {  	_ =	swait.ge [sflag:s20], $0x1400  }
0x21c: {  	[sflag:s20] =	ssyncset.done $0x0  }
0x21d: {  	s5 =	sadd.s32 $0x2A80, s4;
	[sflag:s20] =	ssyncadd.s32 $0xFFFFEC00  }
0x21e: {  	[spmem:s3] =	stream.indirect.scatter.add.f32 [tilespmem:s14], [sflag:$0x7], $0x10, s5, s25, $0xb8;
	[tilespmem:$0x1E280] =	vst v63  }
0x21f: {  	_ =	swait.ge [sflag:s16], $0x1400  }
0x220: {  	[sflag:s16] =	ssyncset.done $0x0  }
0x221: {  	s5 =	sadd.s32 $0x780, s4;
	[sflag:s16] =	ssyncadd.s32 $0xFFFFEC00  }
0x222: {  	[tilespmem:s14], [sflag:$0x3] =	stream.indirect.gather [spmem:s2], $0x10, s5, s25, $0xb8;
	[tilespmem:$0x1E280] =	vst v63  }
0x223: {  	_ =	swait.ge [sflag:s21], $0x1400  }
0x224: {  	[sflag:s21] =	ssyncset.done $0x0  }
0x225: {  	s5 =	sadd.s32 $0x2BC0, s4;
	[sflag:s21] =	ssyncadd.s32 $0xFFFFEC00  }
0x226: {  	[spmem:s3] =	stream.indirect.scatter.add.f32 [tilespmem:s15], [sflag:$0x8], $0x10, s5, s25, $0xb8;
	[tilespmem:$0x1E280] =	vst v63  }
0x227: {  	_ =	swait.ge [sflag:s17], $0x1400  }
0x228: {  	[sflag:s17] =	ssyncset.done $0x0  }
.Ltmp3:
0x229: {  	s5 =	sadd.s32 $0x8C0, s4;
	[sflag:s17] =	ssyncadd.s32 $0xFFFFEC00;
	(pc) =	sbr.rel @p1 .LBB2_4-.Ltmp3, $4  }
0x22a: {  	[tilespmem:s15], [sflag:$0x4] =	stream.indirect.gather [spmem:s2], $0x10, s5, s25, $0xb8;
	[tilespmem:$0x1E280] =	vst v63  }
0x22b: {  	_ =	swait.ge [sflag:s9], $0x1400  }
0x22c: {  	[sflag:s9] =	ssyncset.done $0x0  }
0x22d: {  	s4 =	sadd.s32 $0x2D00, s4;
	[sflag:s9] =	ssyncadd.s32 $0xFFFFEC00  }
0x22e: {  	[spmem:s3] =	stream.indirect.scatter.add.f32 [tilespmem:s6], [sflag:$0x5], $0x10, s4, s25, $0xb8;
	[tilespmem:$0x1E280] =	vst v63  }
0x22f: {  	_ =	swait.ge [sflag:s10], $0x1400  }
0x230: {  	[sflag:s10] =	ssyncset.done $0x0  }
0x231: {  	s0 =	simm.s32 $0x4C40;
	[sflag:s10] =	ssyncadd.s32 $0xFFFFEC00  }
0x232: {  	[spmem:s3] =	stream.indirect.scatter.add.f32 [tilespmem:s11], [sflag:$0x6], $0x10, s0, s25, $0xb8;
	[tilespmem:$0x1E280] =	vst v63  }
0x233: {  	_ =	swait.ge [sflag:s20], $0x1400  }
0x234: {  	[sflag:s20] =	ssyncset.done $0x0  }
0x235: {  	s30 =	simm.s32 $0x4D80;
	[sflag:s20] =	ssyncadd.s32 $0xFFFFEC00  }
0x236: {  	[spmem:s3] =	stream.indirect.scatter.add.f32 [tilespmem:s14], [sflag:$0x7], $0x10, s30, s25, $0xb8;
	[tilespmem:$0x1E280] =	vst v63  }
0x237: {  	_ =	swait.ge [sflag:s21], $0x1400  }
0x238: {  	[sflag:s21] =	ssyncset.done $0x0  }
0x239: {  	s31 =	simm.s32 $0x4EC0;
	[sflag:s21] =	ssyncadd.s32 $0xFFFFEC00  }
0x23a: {  	[spmem:s3] =	stream.indirect.scatter.add.f32 [tilespmem:s15], [sflag:$0x8], $0x10, s31, s25, $0xb8;
	[tilespmem:$0x1E280] =	vst v63  }
0x23b: {  	_ =	swait.ge [sflag:s22], $0x1400  }
0x23c: {  	[sflag:s22] =	ssyncset.done $0x0  }
0x23d: {  	[sflag:s22] =	ssyncadd.s32 $0xFFFFEC00  }
0x23e: {  	_ =	swait.ge [sflag:s1], $0x1400  }
0x23f: {  	[sflag:s1] =	ssyncset.done $0x0  }
0x240: {  	[sflag:s1] =	ssyncadd.s32 $0xFFFFEC00  }
0x241: {  	_ =	swait.ge [sflag:s16], $0x1400  }
0x242: {  	[sflag:s16] =	ssyncset.done $0x0  }
0x243: {  	[sflag:s16] =	ssyncadd.s32 $0xFFFFEC00  }
0x244: {  	_ =	swait.ge [sflag:s17], $0x1400  }
0x245: {  	[sflag:s17] =	ssyncset.done $0x0  }
0x246: {  	[sflag:s17] =	ssyncadd.s32 $0xFFFFEC00  }
.Ltmp4:
0x247: {  	[bflag:$0x0] =	sbarrier.arrive $0xFFFF;
	(pc) =	sbr.rel @p0 .LBB2_9-.Ltmp4, $4  }
0x248: {  	[tilespmem:s12], [sflag:$0x9] =	stream.linear.gather [spmem:s7], $0x2800, $0x38;
	[tilespmem:$0x1E280] =	vst v63  }
0x249: {  	_ =	swait.ge [sflag:s13], $0x2800  }
0x24a: {  	s4 =	simm.s32 $0x16B00;
	[sflag:s13] =	ssyncset.done $0x0  }
0x24b: {  	s6 =	simm.s32 $0x14000;
	s11 =	simm.s32 $0x0;
	[sflag:s13] =	ssyncadd.s32 $0xFFFFD800  }
0x24c: {  	s5 =	simm.s32 $0x0;
	v1 =	vld [tilespmem:s6+$0x0]  }
0x24d: {  	v10 =	vld [tilespmem:s5+$0x14280]  }
0x24e: {  	v12 =	vld [tilespmem:s5+$0x14290]  }
0x24f: {  	v9 =	vld [tilespmem:s5+$0x142A0]  }
0x250: {  	v11 =	vld [tilespmem:s5+$0x142B0]  }
0x251: {  	v8 =	vld [tilespmem:s5+$0x142C0]  }
0x252: {  	v7 =	vld [tilespmem:s5+$0x142D0]  }
0x253: {  	v6 =	vld [tilespmem:s5+$0x142E0]  }
0x254: {  	v5 =	vld [tilespmem:s5+$0x142F0]  }
0x255: {  	v4 =	vld [tilespmem:s5+$0x14300]  }
0x256: {  	v3 =	vld [tilespmem:s5+$0x14310]  }
0x257: {  	v2 =	vld [tilespmem:s5+$0x14320]  }
0x258: {  	v0 =	vld [tilespmem:s5+$0x14330]  }
0x259: {  	s4 =	simm.s32 $0x400;
	v13 =	vld [tilespmem:s5+$0x16AB0]  }
.LBB2_7:
0x25a: {  	p1 =	seq.s32 s4, $0x9C00;
	v14 =	vld [tilespmem:s5+$0x16A90]  }
0x25b: {  	v15 =	vld [tilespmem:s5+$0x16A80]  }
0x25c: {  	v16 =	vld [tilespmem:s5+$0x16AA0]  }
0x25d: {  	v17 =	vld [tilespmem:s5+$0x14340]  }
0x25e: {  	v18 =	vbroadcast v1, $0x0;
	v19 =	vbroadcast v1, $0x1;
	v20 =	vld [tilespmem:s5+$0x14350]  }
0x25f: {  	v21 =	vbroadcast v1, $0x2;
	v22 =	vbroadcast v1, $0x3;
	v23 =	vld [tilespmem:s5+$0x16AC0]  }
0x260: {  	v15 =	vmul.f32 v18, v15;
	v14 =	vmul.f32 v14, v19;
	v18 =	vld [tilespmem:s5+$0x16AD0]  }
0x261: {  	v13 =	vmul.f32 v13, v22;
	v16 =	vmul.f32 v16, v21;
	v19 =	vld [tilespmem:s5+$0x16AE0]  }
0x262: {  	v10 =	vadd.f32 v10, v15;
	v12 =	vadd.f32 v12, v14;
	v14 =	vbroadcast v1, $0x4;
	v15 =	vld [tilespmem:s5+$0x16AF0]  }
0x263: {  	v11 =	vadd.f32 v11, v13;
	v13 =	vbroadcast v1, $0x5;
	v9 =	vadd.f32 v9, v16;
	v16 =	vld [tilespmem:s5+$0x16B00]  }
0x264: {  	[tilespmem:s5+$0x16A80] =	vst v10;
	v10 =	vmul.f32 v23, v14;
	v14 =	vbroadcast v1, $0x6;
	v21 =	vld [tilespmem:s5+$0x16B10]  }
0x265: {  	[tilespmem:s5+$0x16A90] =	vst v12;
	v12 =	vmul.f32 v18, v13;
	v13 =	vbroadcast v1, $0x7;
	v18 =	vld [tilespmem:s5+$0x16B20]  }
0x266: {  	[tilespmem:s5+$0x16AA0] =	vst v9;
	v8 =	vadd.f32 v8, v10;
	v9 =	vmul.f32 v19, v14;
	v10 =	vbroadcast v1, $0x8;
	v14 =	vld [tilespmem:s5+$0x16B30]  }
0x267: {  	[tilespmem:s5+$0x16AB0] =	vst v11;
	v7 =	vadd.f32 v7, v12;
	v11 =	vmul.f32 v15, v13;
	v12 =	vbroadcast v1, $0x9;
	v13 =	vld [tilespmem:s5+$0x16B40]  }
0x268: {  	[tilespmem:s5+$0x16AC0] =	vst v8;
	v6 =	vadd.f32 v6, v9;
	v8 =	vmul.f32 v16, v10;
	v9 =	vbroadcast v1, $0xA;
	v15 =	vld [tilespmem:s5+$0x16B50]  }
0x269: {  	v10 =	vbroadcast v1, $0xB;
	[tilespmem:s5+$0x16AD0] =	vst v7;
	v5 =	vadd.f32 v5, v11;
	v7 =	vmul.f32 v21, v12;
	v11 =	vld [tilespmem:s5+$0x16B60]  }
0x26a: {  	[tilespmem:s5+$0x16AE0] =	vst v6;
	v4 =	vadd.f32 v4, v8;
	v6 =	vmul.f32 v18, v9;
	v8 =	vbroadcast v1, $0xC;
	v16 =	vld [tilespmem:s5+$0x16B70]  }
0x26b: {  	[tilespmem:s5+$0x16AF0] =	vst v5;
	v3 =	vadd.f32 v3, v7;
	v5 =	vmul.f32 v14, v10;
	v7 =	vbroadcast v1, $0xD;
	v14 =	vld [tilespmem:s5+$0x14360]  }
0x26c: {  	s0 =	sshra.s32 s4, $0x2;
	[tilespmem:s5+$0x16B00] =	vst v4;
	v2 =	vadd.f32 v2, v6;
	v4 =	vmul.f32 v13, v8;
	v6 =	vbroadcast v1, $0xE;
	v13 =	vld [tilespmem:s5+$0x14370]  }
0x26d: {  	v1 =	vbroadcast v1, $0xF;
	v10 =	vld [tilespmem:s0+$0x14280];
	[tilespmem:s5+$0x16B10] =	vst v3;
	v0 =	vadd.f32 v0, v5;
	v3 =	vmul.f32 v15, v7  }
0x26e: {  	v12 =	vld [tilespmem:s0+$0x14290];
	[tilespmem:s5+$0x16B20] =	vst v2;
	v2 =	vadd.f32 v17, v4;
	v4 =	vmul.f32 v11, v6  }
0x26f: {  	v9 =	vld [tilespmem:s0+$0x142A0];
	[tilespmem:s5+$0x16B30] =	vst v0;
	v0 =	vadd.f32 v20, v3;
	v1 =	vmul.f32 v16, v1  }
0x270: {  	v11 =	vld [tilespmem:s0+$0x142B0];
	[tilespmem:s5+$0x16B40] =	vst v2;
	v2 =	vadd.f32 v14, v4  }
0x271: {  	v8 =	vld [tilespmem:s0+$0x142C0];
	[tilespmem:s5+$0x16B50] =	vst v0;
	v0 =	vadd.f32 v13, v1  }
0x272: {  	v7 =	vld [tilespmem:s0+$0x142D0];
	[tilespmem:s5+$0x16B60] =	vst v2  }
0x273: {  	v6 =	vld [tilespmem:s0+$0x142E0];
	[tilespmem:s5+$0x16B70] =	vst v0;
	s5 =	smov.u32 s0  }
0x274: {  	v5 =	vld [tilespmem:s5+$0x142F0]  }
0x275: {  	v4 =	vld [tilespmem:s5+$0x14300]  }
.Ltmp5:
0x276: {  	v3 =	vld [tilespmem:s5+$0x14310];
	(pc) =	sbr.rel @!p1 .LBB2_7-.Ltmp5, $4  }
0x277: {  	v2 =	vld [tilespmem:s5+$0x14320]  }
0x278: {  	v0 =	vld [tilespmem:s5+$0x14330]  }
0x279: {  	s6 =	sadd.s32 $0x10, s6;
	v13 =	vld [tilespmem:s5+$0x16AB0]  }
0x27a: {  	s4 =	sadd.s32 $0x400, s4;
	v1 =	vld [tilespmem:s6+$0x0]  }
0x27b: {  	v14 =	vld [tilespmem:s5+$0x16A90]  }
0x27c: {  	v15 =	vld [tilespmem:s5+$0x16A80]  }
0x27d: {  	v16 =	vld [tilespmem:s5+$0x16AA0]  }
0x27e: {  	v17 =	vld [tilespmem:s5+$0x14340]  }
0x27f: {  	v19 =	vld [tilespmem:s5+$0x14350];
	v18 =	vbroadcast v1, $0x0  }
0x280: {  	v20 =	vld [tilespmem:s5+$0x16AC0];
	v21 =	vbroadcast v1, $0x1;
	v23 =	vbroadcast v1, $0x2  }
0x281: {  	v31 =	vld [tilespmem:s5+$0x16AD0];
	v34 =	vbroadcast v1, $0x3;
	v36 =	vbroadcast v1, $0x4  }
0x282: {  	v37 =	vld [tilespmem:s5+$0x16B20];
	v38 =	vbroadcast v1, $0x5;
	v40 =	vbroadcast v1, $0x6  }
0x283: {  	v41 =	vld [tilespmem:s5+$0x16B40];
	v42 =	vbroadcast v1, $0x7;
	v15 =	vmul.f32 v18, v15  }
0x284: {  	v43 =	vld [tilespmem:s5+$0x16B50];
	v44 =	vbroadcast v1, $0x8;
	v14 =	vmul.f32 v14, v21  }
0x285: {  	v45 =	vld [tilespmem:s5+$0x16B60];
	v47 =	vbroadcast v1, $0xA;
	v16 =	vmul.f32 v16, v23;
	v10 =	vadd.f32 v10, v15  }
0x286: {  	v48 =	vld [tilespmem:s5+$0x16B70];
	v51 =	vbroadcast v1, $0xC;
	v13 =	vmul.f32 v13, v34;
	v12 =	vadd.f32 v12, v14  }
0x287: {  	v52 =	vld [tilespmem:s5+$0x14360];
	v53 =	vbroadcast v1, $0xD;
	v50 =	vmul.f32 v37, v47;
	v9 =	vadd.f32 v9, v16;
	[tilespmem:s5+$0x16A80] =	vst v10  }
0x288: {  	v56 =	vld [tilespmem:s5+$0x14370];
	v55 =	vbroadcast v1, $0xE;
	v54 =	vmul.f32 v41, v51;
	v11 =	vadd.f32 v11, v13;
	[tilespmem:s5+$0x16A90] =	vst v12  }
0x289: {  	v22 =	vld [tilespmem:s5+$0x16AE0];
	v58 =	vbroadcast v1, $0xF;
	v57 =	vmul.f32 v43, v53;
	v2 =	vadd.f32 v2, v50;
	[tilespmem:s5+$0x16AA0] =	vst v9  }
0x28a: {  	v32 =	vld [tilespmem:s5+$0x16AF0];
	v46 =	vbroadcast v1, $0x9;
	v60 =	vmul.f32 v45, v55;
	v59 =	vadd.f32 v17, v54;
	[tilespmem:s5+$0x16AB0] =	vst v11  }
0x28b: {  	v33 =	vld [tilespmem:s5+$0x16B00];
	v49 =	vbroadcast v1, $0xB;
	v1 =	vmul.f32 v48, v58;
	v61 =	vadd.f32 v19, v57;
	[tilespmem:s5+$0x16B20] =	vst v2  }
0x28c: {  	v35 =	vld [tilespmem:s5+$0x16B10];
	v14 =	vmul.f32 v20, v36;
	v62 =	vadd.f32 v52, v60;
	[tilespmem:s5+$0x16B40] =	vst v59  }
0x28d: {  	v39 =	vld [tilespmem:s5+$0x16B30];
	v13 =	vmul.f32 v31, v38;
	v63 =	vadd.f32 v56, v1;
	[tilespmem:s5+$0x16B50] =	vst v61  }
0x28e: {  	v16 =	vmul.f32 v22, v40;
	v8 =	vadd.f32 v8, v14;
	[tilespmem:s5+$0x16B60] =	vst v62  }
0x28f: {  	v7 =	vadd.f32 v7, v13;
	v14 =	vmul.f32 v32, v42;
	[tilespmem:s5+$0x16B70] =	vst v63  }
0x290: {  	v6 =	vadd.f32 v6, v16;
	v13 =	vmul.f32 v33, v44;
	[tilespmem:s5+$0x16AC0] =	vst v8  }
0x291: {  	v10 =	vmul.f32 v35, v46;
	[tilespmem:s5+$0x16AD0] =	vst v7;
	v5 =	vadd.f32 v5, v14  }
.Ltmp6:
0x292: {  	v9 =	vmul.f32 v39, v49;
	[tilespmem:s5+$0x16AE0] =	vst v6;
	v4 =	vadd.f32 v4, v13;
	(pc) =	sbr.rel .LBB2_12-.Ltmp6, $4  }
0x293: {  	v3 =	vadd.f32 v3, v10;
	[tilespmem:s5+$0x16AF0] =	vst v5  }
0x294: {  	v0 =	vadd.f32 v0, v9;
	[tilespmem:s5+$0x16B00] =	vst v4  }
0x295: {  	[tilespmem:s5+$0x16B10] =	vst v3  }
0x296: {  	s4 =	rddreg [dreg:$0xe];
	[tilespmem:s5+$0x16B30] =	vst v0  }
.LBB2_9:
0x297: {  	s0 =	simm.s32 $0x0;
	v0 =	vld [tilespmem:s4+$0xFFFFFFB0];
	s6 =	simm.s32 $0x40;
	s5 =	simm.s32 $0x16B00  }
.LBB2_10:
0x298: {  	p1 =	sne.s32 s6, $0x9C0;
	v1 =	vld [tilespmem:s0+$0x14000]  }
0x299: {  	v2 =	vld [tilespmem:s4+$0xFFFFFF90]  }
0x29a: {  	v3 =	vld [tilespmem:s4+$0xFFFFFF80]  }
0x29b: {  	v4 =	vld [tilespmem:s4+$0xFFFFFFA0]  }
0x29c: {  	v5 =	vld [tilespmem:s4+$0xFFFFFFF0]  }
0x29d: {  	v6 =	vbroadcast v1, $0x0;
	v7 =	vbroadcast v1, $0x1;
	v8 =	vld [tilespmem:s4+$0xFFFFFFD0]  }
0x29e: {  	v9 =	vbroadcast v1, $0x2;
	v10 =	vbroadcast v1, $0x3;
	v11 =	vld [tilespmem:s4+$0xFFFFFFC0]  }
0x29f: {  	v3 =	vmul.f32 v6, v3;
	v2 =	vmul.f32 v2, v7;
	v6 =	vld [tilespmem:s4+$0xFFFFFFE0]  }
0x2a0: {  	v0 =	vmul.f32 v0, v10;
	v4 =	vmul.f32 v4, v9;
	v7 =	vld [tilespmem:s4+$0x30]  }
0x2a1: {  	v9 =	vbroadcast v1, $0x5;
	[tilespmem:s4+$0xFFFFFF80] =	vst v3;
	v3 =	vbroadcast v1, $0x4;
	v10 =	vld [tilespmem:s4+$0x10]  }
0x2a2: {  	v12 =	vbroadcast v1, $0x7;
	[tilespmem:s4+$0xFFFFFF90] =	vst v2;
	v2 =	vbroadcast v1, $0x6;
	v13 =	vld [tilespmem:s4+$0x0]  }
0x2a3: {  	[tilespmem:s4+$0xFFFFFFA0] =	vst v4;
	v3 =	vmul.f32 v11, v3;
	v4 =	vmul.f32 v8, v9;
	v8 =	vld [tilespmem:s4+$0x20]  }
0x2a4: {  	[tilespmem:s4+$0xFFFFFFB0] =	vst v0;
	v0 =	vmul.f32 v6, v2;
	v2 =	vmul.f32 v5, v12;
	v5 =	vld [tilespmem:s4+$0x70]  }
0x2a5: {  	v6 =	vbroadcast v1, $0x9;
	[tilespmem:s4+$0xFFFFFFC0] =	vst v3;
	v3 =	vbroadcast v1, $0x8;
	v9 =	vld [tilespmem:s4+$0x50]  }
0x2a6: {  	v11 =	vbroadcast v1, $0xB;
	[tilespmem:s4+$0xFFFFFFD0] =	vst v4;
	v4 =	vbroadcast v1, $0xA;
	v12 =	vld [tilespmem:s4+$0x40]  }
0x2a7: {  	[tilespmem:s4+$0xFFFFFFE0] =	vst v0;
	v0 =	vmul.f32 v13, v3;
	v3 =	vmul.f32 v10, v6;
	v6 =	vld [tilespmem:s4+$0x60]  }
0x2a8: {  	[tilespmem:s4+$0xFFFFFFF0] =	vst v2;
	v2 =	vmul.f32 v8, v4;
	v4 =	vmul.f32 v7, v11  }
0x2a9: {  	v7 =	vbroadcast v1, $0xD;
	[tilespmem:s4+$0x0] =	vst v0;
	v0 =	vbroadcast v1, $0xC  }
0x2aa: {  	[tilespmem:s4+$0x10] =	vst v3;
	v3 =	vbroadcast v1, $0xE;
	v1 =	vbroadcast v1, $0xF  }
0x2ab: {  	[tilespmem:s4+$0x20] =	vst v2;
	v0 =	vmul.f32 v12, v0;
	v2 =	vmul.f32 v9, v7  }
.Ltmp7:
0x2ac: {  	[tilespmem:s4+$0x30] =	vst v4;
	v3 =	vmul.f32 v6, v3;
	v1 =	vmul.f32 v5, v1;
	(pc) =	sbr.rel @p1 .LBB2_10-.Ltmp7, $4  }
0x2ad: {  	[tilespmem:s4+$0x40] =	vst v0  }
0x2ae: {  	[tilespmem:s4+$0x50] =	vst v2  }
0x2af: {  	s4 =	sadd.s32 $0x100, s4;
	[tilespmem:s5+$0x60] =	vst v3  }
0x2b0: {  	s0 =	sshra.s32 s6, $0x2;
	s6 =	sadd.s32 $0x40, s6;
	v0 =	vld [tilespmem:s4+$0xFFFFFFB0];
	[tilespmem:s5+$0x70] =	vst v1;
	s5 =	smov.u32 s4  }
.Ltmp8:
0x2b1: {  	_ = 	snop;
	(pc) =	sbr.rel .LBB2_11-.Ltmp8, $1  }
0x2b2: {  	_ =	sdelay $0x3  }
.LBB2_13:
0x2b3: {  	_ =	sfence.sel $0x180000  }
0x2b4: {  	[bflag:$0x0] =	sbarrier.arrive $0xFFFF  }
0x2b5: {  	_ =	strace $0x9000004D  }
0x2b6: {  	s0 =	stileid.u32;
	[bflag:$0x2] =	sbarrier.arrive $0xFFFF  }
0x2b7: {  	p0 =	sne.s32 s0, $0x0;
	s0 =	rddreg [dreg:$0x3]  }
0x2b8: {  	s0 =	sadd.s32 @!p0 $0x100000, s0  }
0x2b9: {  	[sflag:s0] =	ssyncadd.tile.s32 @!p0 $0x1;
	_ =	shalt  }
.Lfunc_end2:
_tile_overlayer_lowered:
.L_overlay_start_2:
0x2ba: {  	(tag) =	ssettag $0x2  }
0x2bb: {  	s0 =	rddreg [dreg:$0x0];
	s2 =	stileid.u32  }
0x2bc: {  	s1 =	rddreg [dreg:$0x1];
	p0 =	sne.s32 s2, $0x0  }
0x2bd: {  	s3 =	rddreg [dreg:$0x2];
	[bflag:$0x3] =	sbarrier.arrive $0xFFFF;
	s2 =	simm.s32 @!p0 $0x1C09  }
0x2be: {  	[timem:s3], [sflag:s2] =	dma.local @!p0 [hbm:s0], s1  }
0x2bf: {  	s0 =	simm.s32 @!p0 $0x9  }
0x2c0: {  	_ =	swait.ge @!p0 [sflag:s0], s1  }
0x2c1: {  	s1 =	ssub.s32 @!p0 $0x0, s1;
	[sflag:s0] =	ssyncset.done @!p0 $0x0  }
0x2c2: {  	[sflag:s0] =	ssyncadd.s32 @!p0 s1  }
0x2c3: {  	[bflag:$0x3] =	sbarrier.arrive $0xFFFF  }
0x2c4: {  	_ =	shalt  }

// kernel: kernel.7.cloned.1.call-start
scs
__scs_entry_jumppad:
0x0: {  	(pc) =	sbr.rel $0x88, $3  }
0x1: {  	(tag) =	ssettag $0x0;
	lr =	simm.s32 $0x1  }
0x2: {  	[smem:$0x3F9B] =	sst lr;
	_ =	strace $0xD0000000  }
0x3: {  	_ = 	snop  }
0x4: {  	_ = 	snop  }
0x5: {  	_ = 	snop  }
0x6: {  	_ = 	snop  }
0x7: {  	_ = 	snop  }
__scs_overlays_trampoline_lowered:
0x8: {  	[smem:$0x3FAA] =	sst s0  }
0x9: {  	[smem:$0x3FAB] =	sst s1  }
0xa: {  	[smem:$0x3FAC] =	sst s2  }
0xb: {  	[smem:$0x3FAD] =	sst s3  }
0xc: {  	[smem:$0x3FAE] =	sst s4  }
0xd: {  	[smem:$0x3FAF] =	sst s5  }
0xe: {  	[smem:$0x3FB0] =	sst s6  }
0xf: {  	[smem:$0x3FB1] =	sst s7  }
0x10: {  	[smem:$0x3FB2] =	sst s8  }
0x11: {  	[smem:$0x3FB3] =	sst s9;
	s0 =	simm.s32 @!p0 $0x0  }
0x12: {  	s1 =	sld [smem:$0x3F99];
	s0 =	simm.s32 @p0 $0x1  }
0x13: {  	[smem:$0x3FB4] =	sst s0;
	s0 =	simm.s32 @!p1 $0x0  }
0x14: {  	s2 =	sld [smem:$0x3F98];
	s0 =	simm.s32 @p1 $0x1  }
0x15: {  	[smem:$0x3FB5] =	sst s0;
	s0 =	simm.s32 @!p2 $0x0  }
0x16: {  	s3 =	sld [smem:$0x3FDB];
	s0 =	simm.s32 @p2 $0x1  }
0x17: {  	s4 =	simm.s32 $0x1BF5;
	[smem:$0x3FB7] =	sst s0  }
0x18: {  	s0 =	sld [smem:$0x3F9A];
	_ =	swait.ge [sflag:s4], $0x0  }
0x19: {  	s7 =	sld [smem:$0x3F9B]  }
0x1a: {  	s8 =	sadd.s32 $0xFFFFE003, lr  }
0x1b: {  	s9 =	sadd.s32 $0xFFFFFEF7, lr;
	s5 =	simm.s32 $0xFFFFFFFF;
	p2 =	slt.u32 s8, $0xFFFFF086  }
0x1c: {  	p1 =	slt.u32 s9, $0xF7A;
	s5 =	simm.s32 @!p2 $0x0  }
0x1d: {  	s5 =	simm.s32 @p1 $0x1;
	p0 =	seq.s32 s7, s2  }
0x1e: {  	s7 =	smul.u32 @!p0 $0xF7A, s2;
	p2 =	seq.s32 @!p0 s5, $0x0  }
0x1f: {  	s9 =	smul.u32 $0xF7A, s1;
	s8 =	simm.s32 @!p0 $0x1BF5;
	p2 =	por !p2, p0  }
0x20: {  	[sflag:s8] =	ssyncset.s32 @!p0 $0xFFFFF086;
	s6 =	sadd.s32 @!p0 s3, s7;
	s7 =	simm.s32 @!p0 $0x108  }
0x21: {  	s3 =	sadd.s32 s3, s9;
	s6 =	sadd.s32 @!p0 $0x88, s6;
	s7 =	simm.s32 @p2 $0x1082  }
0x22: {  	[simem:s7], [sflag:s8] =	dma.local @!p0 [hbm:s6], $0xF7A  }
0x23: {  	s9 =	sor.u32 $0xD0000000, s2;
	s6 =	simm.s32 $0x108;
	_ =	swait.ge @!p0 [sflag:s8], $0x0  }
0x24: {  	s3 =	sadd.s32 $0x88, s3;
	s6 =	simm.s32 @!p1 $0x1082;
	[sflag:s4] =	ssyncset.s32 $0xFFFFF086  }
0x25: {  	[simem:s6], [sflag:s4] =	dma.local [hbm:s3], $0xF7A  }
0x26: {  	[smem:$0x3F9B] =	sst s1;
	(tag) =	ssettag s2;
	_ =	strace s9  }
0x27: {  	s1 =	sld [smem:$0x3FAB]  }
0x28: {  	s2 =	sld [smem:$0x3FAC]  }
0x29: {  	s4 =	sld [smem:$0x3FAE]  }
0x2a: {  	p0 =	seq.s32 s5, $0x0;
	s5 =	sld [smem:$0x3FAF]  }
0x2b: {  	s6 =	sld [smem:$0x3FB0]  }
0x2c: {  	s7 =	sld [smem:$0x3FB1]  }
0x2d: {  	s3 =	simm.s32 $0x108;
	s8 =	sld [smem:$0x3FB2]  }
0x2e: {  	s3 =	simm.s32 @!p0 $0x1082;
	s9 =	sld [smem:$0x3FB3]  }
0x2f: {  	lr =	sadd.s32 s0, s3;
	s0 =	sld [smem:$0x3FAA]  }
0x30: {  	s3 =	sld [smem:$0x3FAD]  }
0x31: {  	[smem:$0x3FB6] =	sst s10  }
0x32: {  	s10 =	sld [smem:$0x3FB4];
	_ =	sdelay $0x3  }
0x33: {  	p0 =	seq.s32 s10, $0x1;
	s10 =	sld [smem:$0x3FB6];
	_ =	sdelay $0x3  }
0x34: {  	[smem:$0x3FB6] =	sst s10  }
0x35: {  	s10 =	sld [smem:$0x3FB5];
	_ =	sdelay $0x3  }
0x36: {  	p1 =	seq.s32 s10, $0x1;
	s10 =	sld [smem:$0x3FB6];
	_ =	sdelay $0x3  }
0x37: {  	[smem:$0x3FB6] =	sst s10  }
0x38: {  	s10 =	sld [smem:$0x3FB7]  }
0x39: {  	_ = 	snop;
	(pc) =	sbr.ind lr, $3  }
0x3a: {  	_ = 	snop  }
0x3b: {  	_ = 	snop  }
0x3c: {  	p2 =	seq.s32 s10, $0x1;
	s10 =	sld [smem:$0x3FB6]  }
0x3d: {  	_ =	shalt  }
0x3e: {  	_ =	shalt  }
0x3f: {  	_ =	shalt  }
0x40: {  	_ =	shalt  }
0x41: {  	_ =	shalt  }
0x42: {  	_ =	shalt  }
0x43: {  	_ =	shalt  }
0x44: {  	_ =	shalt  }
0x45: {  	_ =	shalt  }
0x46: {  	_ =	shalt  }
0x47: {  	_ =	shalt  }
0x48: {  	_ =	shalt  }
0x49: {  	_ =	shalt  }
0x4a: {  	_ =	shalt  }
0x4b: {  	_ =	shalt  }
0x4c: {  	_ =	shalt  }
0x4d: {  	_ =	shalt  }
0x4e: {  	_ =	shalt  }
0x4f: {  	_ =	shalt  }
0x50: {  	_ =	shalt  }
0x51: {  	_ =	shalt  }
0x52: {  	_ =	shalt  }
0x53: {  	_ =	shalt  }
0x54: {  	_ =	shalt  }
0x55: {  	_ =	shalt  }
0x56: {  	_ =	shalt  }
0x57: {  	_ =	shalt  }
0x58: {  	_ =	shalt  }
0x59: {  	_ =	shalt  }
0x5a: {  	_ =	shalt  }
0x5b: {  	_ =	shalt  }
0x5c: {  	_ =	shalt  }
0x5d: {  	_ =	shalt  }
0x5e: {  	_ =	shalt  }
0x5f: {  	_ =	shalt  }
0x60: {  	_ =	shalt  }
0x61: {  	_ =	shalt  }
0x62: {  	_ =	shalt  }
0x63: {  	_ =	shalt  }
0x64: {  	_ =	shalt  }
0x65: {  	_ =	shalt  }
0x66: {  	_ =	shalt  }
0x67: {  	_ =	shalt  }
0x68: {  	_ =	shalt  }
0x69: {  	_ =	shalt  }
0x6a: {  	_ =	shalt  }
0x6b: {  	_ =	shalt  }
0x6c: {  	_ =	shalt  }
0x6d: {  	_ =	shalt  }
0x6e: {  	_ =	shalt  }
0x6f: {  	_ =	shalt  }
0x70: {  	_ =	shalt  }
0x71: {  	_ =	shalt  }
0x72: {  	_ =	shalt  }
0x73: {  	_ =	shalt  }
0x74: {  	_ =	shalt  }
0x75: {  	_ =	shalt  }
0x76: {  	_ =	shalt  }
0x77: {  	_ =	shalt  }
0x78: {  	_ =	shalt  }
0x79: {  	_ =	shalt  }
0x7a: {  	_ =	shalt  }
0x7b: {  	_ =	shalt  }
0x7c: {  	_ =	shalt  }
0x7d: {  	_ =	shalt  }
0x7e: {  	_ =	shalt  }
0x7f: {  	_ =	shalt  }
0x80: {  	_ =	shalt  }
0x81: {  	_ =	shalt  }
0x82: {  	_ =	shalt  }
0x83: {  	_ =	shalt  }
0x84: {  	_ =	shalt  }
0x85: {  	_ =	shalt  }
0x86: {  	_ =	shalt  }
0x87: {  	_ =	shalt  }
.Lfunc_end0:
.L_simem_size_0:
called_computation_lowered:
.L_overlay_start_0:
0x88: {  	s2 =	sld [smem:$0x3FD9]  }
0x89: {  	s3 =	sld [smem:$0x3FFE];
	_ =	sdelay $0x1  }
0x8a: {  	s1 =	srdreg.scid  }
0x8b: {  	s0 =	sand.u32 $0x1, s1  }
0x8c: {  	s17 =	sshll.u32 s0, $0xA;
	s2 =	sadd.s32 s3, s2  }
0x8d: {  	s2 =	sadd.s32 s2, s17  }
0x8e: {  	[smem:$0x3FC2] =	sst s2  }
0x8f: {  	_ = 	snop  }
0x90: {  	s2 =	sld [smem:$0x3FD0];
	(tm) =	ssettm $0x1  }
0x91: {  	s18 =	sld [smem:$0x3FFB];
	_ =	sdelay $0x3  }
0x92: {  	_ =	strace s18  }
0x93: {  	s3 =	sld [smem:$0x3FFC];
	_ =	sdelay $0x3  }
0x94: {  	_ =	strace s3  }
0x95: {  	s3 =	sld [smem:$0x3FFD];
	_ =	sdelay $0x3  }
0x96: {  	_ =	strace s3  }
0x97: {  	_ =	strace $0x8FFFFFFF  }
0x98: {  	s19 =	sld [smem:$0x3FDB];
	_ =	sdelay $0x1  }
0x99: {  	s4 =	simm.s32 $_scs_section_size  }
0x9a: {  	s5 =	simm.s32 $_size__tile_overlayer_lowered;
	s6 =	simm.s32 $_tile_overlayer_lowered  }
0x9b: {  	s22 =	simm.s32 $0x1BFF;
	s21 =	sshll.u32 s6, $0x1;
	s3 =	sadd.s32 s4, s19  }
0x9c: {  	s7 =	simm.s32 $0x0;
	s20 =	sshll.u32 s5, $0x1;
	s5 =	sadd.s32 s21, s3  }
0x9d: {  	[timem:s7], [sflag:s22] =	dma.local [hbm:s5], s20  }
0x9e: {  	_ =	swait.ge [sflag:s22], s20  }
0x9f: {  	s4 =	ssub.s32 $0x0, s20;
	[sflag:s22] =	ssyncset.done $0x0  }
0xa0: {  	[sflag:s22] =	ssyncadd.s32 s4;
	_ =	sdelay $0x1  }
0xa1: {  	s23 =	simm.s32 $0x1B8B  }
0xa2: {  	_ =	swait.ge [sflag:s23], $0x1  }
0xa3: {  	[sflag:s23] =	ssyncset.done $0x0  }
0xa4: {  	s25 =	simm.s32 $0x1B8E;
	s24 =	sld [smem:$0x3FFE];
	[sflag:s23] =	ssyncadd.s32 $0xFFFFFFFF  }
0xa5: {  	s26 =	simm.s32 $execute0_lowered;
	[smem:$0x3FD2] =	sst s25  }
0xa6: {  	s5 =	sshll.u32 s26, $0x1;
	_ =	strace $0x80000046;
	[dreg:$0x1] =	wrdreg $0xFFFFFFFF  }
0xa7: {  	s28 =	simm.s32 $_size_execute0_lowered;
	s3 =	sadd.s32 s3, s5;
	[dreg:$0x0] =	wrdreg $0x0  }
0xa8: {  	s5 =	sshll.u32 s28, $0x1;
	[dreg:$0x2] =	wrdreg s3  }
0xa9: {  	[dreg:$0x3] =	wrdreg s5  }
0xaa: {  	[dreg:$0x4] =	wrdreg $0xC0  }
0xab: {  	_ =	task [dreg:s7], $0x5FFFF  }
0xac: {  	[dreg:$0x1] =	wrdreg $0xFFFFFFFF  }
0xad: {  	[dreg:$0x0] =	wrdreg $0x60  }
0xae: {  	[dreg:$0x2] =	wrdreg s24  }
0xaf: {  	[dreg:$0x3] =	wrdreg s2  }
0xb0: {  	[dreg:$0x4] =	wrdreg $0x66800  }
0xb1: {  	[dreg:$0x5] =	wrdreg $0x9  }
0xb2: {  	_ =	task.clear_ibuf [dreg:s7], $0x6FFFF;
	_ =	strace $0x90000046  }
0xb3: {  	s29 =	simm.s32 $0x9;
	_ =	strace $0x80000048  }
0xb4: {  	_ =	swait.ge [sflag:s29], $0x1  }
0xb5: {  	[sflag:s29] =	ssyncadd.s32 $0xFFFFFFFF  }
0xb6: {  	_ =	strace $0x90000048  }
0xb7: {  	_ =	sfence  }
0xb8: {  	s30 =	sld [smem:$0x0];
	_ =	sdelay $0x2  }
0xb9: {  	s31 =	sshll.u32 s1, $0xD;
	s1 =	sshrl.u32 s1, $0x2  }
0xba: {  	s3 =	sand.u32 $0x4000, s31;
	s1 =	sadd.s32 s1, s30  }
0xbb: {  	s0 =	sor.u32 s3, s0;
	s1 =	sshll.u32 s1, $0x11  }
0xbc: {  	s0 =	sor.u32 s1, s0  }
0xbd: {  	s0 =	sadd.s32 $0x8F2B, s0  }
0xbe: {  	[sflag:s0] =	ssyncadd.remote.s32 $0x1  }
0xbf: {  	_ =	sfence.sel $0xFFFF  }
0xc0: {  	[dreg:$0x0] =	wrdreg $0xFFFFFFFF;
	(pc) =	sbr.abs _section_cstart, $3  }
0xc1: {  	[dreg:$0x1] =	wrdreg $0xFFFFFFFF  }
0xc2: {  	_ =	task.clear_ibuf [dreg:s7], $0x2FFFF;
	_ =	strace $0x9FFFFFFF  }
0xc3: {  	(tm) =	ssettm $0x7FFFFFFF  }
tec
execute0_lowered:
.L_overlay_start_1:
0x0: {  	(tag) =	ssettag $0x1  }
0x1: {  	s6 =	rddreg [dreg:$0x0]  }
0x2: {  	s1 =	srdreg.scid;
	s2 =	rddreg [dreg:$0x1]  }
0x3: {  	s0 =	stileid.u32;
	s3 =	rddreg [dreg:$0x2]  }
0x4: {  	s4 =	simm.s32 $0x0;
	s11 =	simm.s32 $0x2800;
	s12 =	simm.s32 $0x3C00  }
0x5: {  	s13 =	simm.s32 $0x140;
	s14 =	simm.s32 $0x6400;
	s15 =	simm.s32 $0x0  }
0x6: {  	s5 =	sand.u32 $0x1, s1;
	s28 =	sshll.u32 s0, $0x1;
	s9 =	smul.u32 $0x280, s0  }
0x7: {  	[smem:$0x7FF] =	sst s4;
	s10 =	smul.u32 $0xA000, s0;
	s1 =	sor.u32 s5, s28  }
0x8: {  	s8 =	smul.u32 $0x2800, s5;
	s29 =	ssub.s32 $0x2, s5;
	s5 =	sadd.s32 $0x15C00, s6  }
0x9: {  	s7 =	smul.u32 $0x500, s1;
	s1 =	rddreg [dreg:$0x3];
	_ =	strace $0x80000047  }
0xa: {  	s30 =	sshrl.u32 s29, $0x1;
	s31 =	sshrl.u32 s10, $0x2;
	s8 =	sadd.s32 s9, s8  }
0xb: {  	s10 =	simm.s32 $0x1;
	s9 =	ssub.s32 s29, s30;
	s8 =	sshrl.u32 s8, $0x3  }
0xc: {  	v0 =	vlaneseq.u32;
	s7 =	sadd.s32 s7, s6;
	s9 =	smax.u32 s9, $0x1;
	s8 =	sadd.s32 s8, s6  }
0xd: {  	v0 =	vmul.u32 $0x10, v0;
	s6 =	sadd.s32 $0x1C00, s7;
	s7 =	sadd.s32 s31, s3;
	s8 =	sadd.s32 $0x16200, s8  }
.LBB2_1:
0xe: {  	[tilespmem:s4], [sflag:$0x1] =	stream.linear.gather [hbm4b:s6+s4], $0x2800, $0x38;
	[tilespmem:$0x8E80] =	vst v63  }
0xf: {  	_ =	swait.ge [sflag:s10], $0x2800  }
0x10: {  	[sflag:s10] =	ssyncset.done $0x0  }
0x11: {  	[sflag:s10] =	ssyncadd.s32 $0xFFFFD800  }
0x12: {  	[tilespmem:s11], [sflag:$0x1] =	stream.linear.gather [hbm4b:s2+s4], $0x1400, $0x38;
	[tilespmem:$0x8E80] =	vst v63  }
0x13: {  	_ =	swait.ge [sflag:s10], $0x1400  }
0x14: {  	[sflag:s10] =	ssyncset.done $0x0  }
0x15: {  	[sflag:s10] =	ssyncadd.s32 $0xFFFFEC00  }
0x16: {  	[tilespmem:s12], [sflag:$0x1] =	stream.linear.gather [hbm4b:s5+s4], $0x2800, $0x38;
	[tilespmem:$0x8E80] =	vst v63  }
0x17: {  	_ =	swait.ge [sflag:s10], $0x2800  }
0x18: {  	[sflag:s10] =	ssyncset.done $0x0  }
0x19: {  	[sflag:s10] =	ssyncadd.s32 $0xFFFFD800  }
0x1a: {  	[spmem:s7] =	stream.linear.scatter [tilespmem:s12], [sflag:$0x1], $0x2800, $0x38;
	[tilespmem:$0x8E80] =	vst v63  }
0x1b: {  	_ =	swait.ge [sflag:s10], $0x2800  }
0x1c: {  	[sflag:s10] =	ssyncset.done $0x0  }
0x1d: {  	[sflag:s10] =	ssyncadd.s32 $0xFFFFD800  }
0x1e: {  	s16 =	simm.s32 $0x0;
	[bflag:$0x0] =	sbarrier.arrive $0xFFFF  }
0x1f: {  	[spmem:s3] =	stream.indirect.scatter.add.f32 [tilespmem:s11], [sflag:$0x1], $0x10, s16, s13, $0xb8;
	[tilespmem:$0x8E80] =	vst v63  }
0x20: {  	_ =	swait.ge [sflag:s10], $0x1400  }
0x21: {  	s16 =	simm.s32 $0x500;
	[sflag:s10] =	ssyncset.done $0x0  }
.LBB2_2:
0x22: {  	s17 =	sshra.s32 s16, $0x2;
	[sflag:s10] =	ssyncadd.s32 $0xFFFFEC00;
	p0 =	sne.s32 s16, $0x9B00  }
0x23: {  	[spmem:s3] =	stream.indirect.scatter.add.f32 [tilespmem:s11], [sflag:$0x1], $0x10, s17, s13, $0xb8;
	[tilespmem:$0x8E80] =	vst v63  }
.Ltmp0:
0x24: {  	_ = 	snop;
	(pc) =	sbr.rel @p0 .LBB2_2-.Ltmp0, $4  }
0x25: {  	_ = 	snop  }
0x26: {  	s16 =	sadd.s32 $0x500, s16  }
0x27: {  	_ =	swait.ge [sflag:s10], $0x1400  }
0x28: {  	[sflag:s10] =	ssyncset.done $0x0  }
0x29: {  	s16 =	simm.s32 $0x0  }
0x2a: {  	v1 =	vmov s16  }
0x2b: {  	[sflag:s10] =	ssyncadd.s32 $0xFFFFEC00;
	v1 =	vshll.u32 v1, $0x4  }
0x2c: {  	[bflag:$0x0] =	sbarrier.arrive $0xFFFF;
	v1 =	vor.u32 v0, v1  }
0x2d: {  	[tilespmem:s12], [sflag:$0x1] =	stream.linear.gather [spmem:s7], $0x2800, $0x38;
	[tilespmem:$0x8E80] =	vst v63  }
0x2e: {  	_ =	swait.ge [sflag:s10], $0x2800  }
0x2f: {  	s31 =	simm.s32 $0x10;
	[sflag:s10] =	ssyncset.done $0x0  }
0x30: {  	v2 =	vmov s31;
	[sflag:s10] =	ssyncadd.s32 $0xFFFFD800  }
0x31: {  	v2 =	vshll.u32 v2, $0x4;
	v1 =	vld.idx.msk [tilespmem:v1+s12+$0x0], $0xffff  }
0x32: {  	v3 =	vor.u32 v0, v2;
	_ =	sdelay $0x2  }
0x33: {  	s16 =	simm.s32 $0x6400  }
0x34: {  	s17 =	simm.s32 $0x20;
	[tilespmem:s16+$0x0] =	vst v1  }
0x35: {  	v2 =	vmov s17;
	s17 =	simm.s32 $0x30;
	v1 =	vld.idx.msk [tilespmem:v3+s12+$0x0], $0xffff  }
.LBB2_4:
0x36: {  	p0 =	sne.s32 s17, $0x270;
	v2 =	vshll.u32 v2, $0x4  }
0x37: {  	v3 =	vor.u32 v0, v2  }
.Ltmp1:
0x38: {  	(pc) =	sbr.rel @p0 .LBB2_4-.Ltmp1, $4  }
0x39: {  	_ = 	snop  }
0x3a: {  	s16 =	sadd.s32 $0x10, s16  }
0x3b: {  	[tilespmem:s16+$0x0] =	vst v1  }
0x3c: {  	v2 =	vmov s17;
	s17 =	sadd.s32 $0x10, s17;
	v1 =	vld.idx.msk [tilespmem:v3+s12+$0x0], $0xffff  }
0x3d: {  	v2 =	vshll.u32 v2, $0x4  }
0x3e: {  	v2 =	vor.u32 v0, v2;
	_ =	sdelay $0x2  }
0x3f: {  	s16 =	sadd.s32 $0x10, s16  }
0x40: {  	[tilespmem:s16+$0x0] =	vst v1  }
0x41: {  	v1 =	vld.idx.msk [tilespmem:v2+s12+$0x0], $0xffff;
	_ =	sdelay $0x2  }
0x42: {  	s15 =	sadd.s32 $0x1, s15  }
0x43: {  	p0 =	sne.s32 s15, s9;
	s16 =	sadd.s32 $0x10, s16  }
.Ltmp2:
0x44: {  	[tilespmem:s16+$0x0] =	vst v1;
	(pc) =	sbr.rel @p0 .LBB2_1-.Ltmp2, $4  }
0x45: {  	[hbm4b:s8+s4] =	stream.linear.scatter [tilespmem:s14], [sflag:$0x1], $0x280, $0x38;
	[tilespmem:$0x8E80] =	vst v63  }
0x46: {  	_ =	swait.ge [sflag:s10], $0x280  }
0x47: {  	[sflag:s10] =	ssyncset.done $0x0  }
0x48: {  	[sflag:s10] =	ssyncadd.s32 $0xFFFFFD80  }
0x49: {  	_ =	sfence.sel $0x180000  }
0x4a: {  	[bflag:$0x0] =	sbarrier.arrive $0xFFFF  }
0x4b: {  	p0 =	sne.s32 s0, $0x0;
	_ =	strace $0x90000047  }
0x4c: {  	s0 =	sadd.s32 @!p0 $0x100000, s1;
	[bflag:$0x2] =	sbarrier.arrive $0xFFFF  }
0x4d: {  	[sflag:s0] =	ssyncadd.tile.s32 @!p0 $0x1;
	_ =	shalt  }
.Lfunc_end2:
_tile_overlayer_lowered:
.L_overlay_start_2:
0x4e: {  	(tag) =	ssettag $0x2  }
0x4f: {  	s0 =	rddreg [dreg:$0x0];
	s2 =	stileid.u32  }
0x50: {  	s1 =	rddreg [dreg:$0x1];
	p0 =	sne.s32 s2, $0x0  }
0x51: {  	s3 =	rddreg [dreg:$0x2];
	[bflag:$0x3] =	sbarrier.arrive $0xFFFF;
	s2 =	simm.s32 @!p0 $0x1C01  }
0x52: {  	[timem:s3], [sflag:s2] =	dma.local @!p0 [hbm:s0], s1  }
0x53: {  	s0 =	simm.s32 @!p0 $0x1  }
0x54: {  	_ =	swait.ge @!p0 [sflag:s0], s1  }
0x55: {  	s1 =	ssub.s32 @!p0 $0x0, s1;
	[sflag:s0] =	ssyncset.done @!p0 $0x0  }
0x56: {  	[sflag:s0] =	ssyncadd.s32 @!p0 s1  }
0x57: {  	[bflag:$0x3] =	sbarrier.arrive $0xFFFF  }
0x58: {  	_ =	shalt  }

</sc_bundles>
